<compile_context>
chip_gen: v7x
topology: tpu7x:2x2x1
jax: 0.10.2.dev20260603
libtpu: 0.0.44.dev20260713+nightly
codegen_flags: <defaults>
</compile_context>

<pallas_src>
import jax
import jax.numpy as jnp
from jax import lax
from jax.experimental import pallas as pl
from jax.experimental.pallas import tpu as pltpu
from jax.experimental.pallas import tpu_sc as plsc

SEQ = 4096
EMB = 128
BATCH = 4
NUM_INPUTS = 2
NUM_CORES = 2
NUM_SUBCORES = 16
NW = NUM_CORES * NUM_SUBCORES
WROWS = SEQ // NW
CH = 32
SUBS = WROWS // CH
NCHUNK = NUM_INPUTS * SUBS
LANES = 16
GROUPS = EMB // LANES


def _body(x0, x1, upw, lpw, rtw, out,
          pb, xb0, xb1, ob0, ob1, rv, lp_v, rot_v,
          s_in0, s_in1, s_out0, s_out1, s_small):
    cid = lax.axis_index("c")
    sid = lax.axis_index("s")
    w = sid * NUM_CORES + cid
    s0 = pl.multiple_of(w * WROWS, WROWS)

    d_lp = pltpu.async_copy(lpw, lp_v, s_small)
    d_rt = pltpu.async_copy(rtw, rot_v, s_small)
    d_pb = pltpu.async_copy(upw.at[pl.ds(s0, WROWS)], pb, s_small)

    def start_in(k, xb, sem):
        @pl.when(k <= SUBS - 1)
        def _():
            ib = pl.multiple_of(s0 + k * CH, CH)
            pltpu.async_copy(x0.at[:, pl.ds(ib, CH)], xb, sem)

        @pl.when(k >= SUBS)
        def _():
            ib = pl.multiple_of(s0 + (k - SUBS) * CH, CH)
            pltpu.async_copy(x1.at[:, pl.ds(ib, CH)], xb, sem)

    def wait_in(xb, sem):
        pltpu.make_async_copy(x0.at[:, pl.ds(0, CH)], xb, sem).wait()

    def wait_out(ob, sem):
        pltpu.make_async_copy(ob, out.at[pl.ds(0, CH)], sem).wait()

    start_in(jnp.int32(0), xb0, s_in0)
    start_in(jnp.int32(1), xb1, s_in1)

    d_lp.wait()
    d_rt.wait()
    d_pb.wait()

    lp0 = [lp_v[0, pl.ds(g * LANES, LANES)] for g in range(GROUPS)]
    lp1 = [lp_v[1, pl.ds(g * LANES, LANES)] for g in range(GROUPS)]

    def compute(k, xb, ob):
        m = jnp.where(k <= SUBS - 1, jnp.float32(1.0), jnp.float32(0.0))
        lpk = [lp1[g] + (lp0[g] - lp1[g]) * m for g in range(GROUPS)]
        poff = (k - SUBS * jnp.where(k >= SUBS, 1, 0)) * CH

        @plsc.parallel_loop(0, CH, unroll=1)
        def _(r):
            pi = poff + r
            for g in range(GROUPS):
                col = pl.ds(g * LANES, LANES)
                pv = pb[pi, col] + lpk[g]
                for b in range(BATCH):
                    ob[r, b, col] = xb[b, r, col] + pv

    def start_out(k, ob, sem):
        obase = 1 + s0 + k * CH + jnp.where(k >= SUBS, SEQ - SUBS * CH, 0)
        pltpu.async_copy(ob, out.at[pl.ds(obase, CH)], sem)

    @pl.when(w == 0)
    def _():
        for b in range(BATCH):
            for g in range(GROUPS):
                col = pl.ds(g * LANES, LANES)
                rv[0, b, col] = rot_v[0, col]
        pltpu.async_copy(rv, out.at[pl.ds(0, 1)], s_small)
        pltpu.make_async_copy(rv, out.at[pl.ds(0, 1)], s_small).wait()

    wait_in(xb0, s_in0)
    compute(jnp.int32(0), xb0, ob0)
    start_out(jnp.int32(0), ob0, s_out0)

    start_in(jnp.int32(2), xb0, s_in0)
    wait_in(xb1, s_in1)
    compute(jnp.int32(1), xb1, ob1)
    start_out(jnp.int32(1), ob1, s_out1)

    def round_body(t, acc):
        k1 = 2 * t + 2

        start_in(k1 + 1, xb1, s_in1)
        wait_in(xb0, s_in0)
        wait_out(ob0, s_out0)
        compute(k1, xb0, ob0)
        start_out(k1, ob0, s_out0)

        @pl.when(k1 + 2 < NCHUNK)
        def _():
            start_in(k1 + 2, xb0, s_in0)

        wait_in(xb1, s_in1)
        wait_out(ob1, s_out1)
        compute(k1 + 1, xb1, ob1)
        start_out(k1 + 1, ob1, s_out1)
        return acc

    lax.fori_loop(0, NCHUNK // 2 - 1, round_body, 0)

    wait_out(ob0, s_out0)
    wait_out(ob1, s_out1)


def kernel(x0, x1, unique_pos_w, layer_pos_w, rot_token_w):
    mesh = plsc.VectorSubcoreMesh(core_axis_name="c", subcore_axis_name="s")
    f32 = jnp.float32
    run = pl.kernel(
        _body,
        out_type=jax.ShapeDtypeStruct((NUM_INPUTS * SEQ + 1, BATCH, EMB), f32),
        mesh=mesh,
        scratch_types=[
            pltpu.VMEM((WROWS, EMB), f32),
            pltpu.VMEM((BATCH, CH, EMB), f32),
            pltpu.VMEM((BATCH, CH, EMB), f32),
            pltpu.VMEM((CH, BATCH, EMB), f32),
            pltpu.VMEM((CH, BATCH, EMB), f32),
            pltpu.VMEM((1, BATCH, EMB), f32),
            pltpu.VMEM((NUM_INPUTS, EMB), f32),
            pltpu.VMEM((1, EMB), f32),
            pltpu.SemaphoreType.DMA,
            pltpu.SemaphoreType.DMA,
            pltpu.SemaphoreType.DMA,
            pltpu.SemaphoreType.DMA,
            pltpu.SemaphoreType.DMA,
        ],
    )
    p = run(x0, x1, unique_pos_w, layer_pos_w, rot_token_w)
    return jnp.transpose(p, (1, 0, 2))

# --- scband reference (transcript-rebuilt; emitter-appended) ---
"""Pipeline reference for scband-concat-inputs-with-position-60404420051030 (READ-ONLY COPY).

The authoritative reference and input builder live on the scoring server;
editing this copy changes nothing except your own understanding.
"""

import jax, jax.numpy as jnp
import numpy as np

DIM = 1
SEQ = 4096
EMB = 128
NUM_INPUTS = 2
BATCH = 4

def setup_inputs(seed: int = 0) -> dict:
    key = jax.random.key(seed)
    k0, k1, k2, k3, k4 = jax.random.split(key, 5)
    x0 = jax.random.normal(k0, (BATCH, SEQ, EMB), dtype=jnp.float32)
    x1 = jax.random.normal(k1, (BATCH, SEQ, EMB), dtype=jnp.float32)
    unique_pos_w = jax.random.normal(k2, (SEQ, EMB), dtype=jnp.float32) * 0.02
    layer_pos_w = jax.random.normal(k3, (NUM_INPUTS, EMB), dtype=jnp.float32) * 0.02
    rot_token_w = jax.random.normal(k4, (1, EMB), dtype=jnp.float32) * 0.02
    return {"x0": x0, "x1": x1, "unique_pos_w": unique_pos_w, "layer_pos_w": layer_pos_w, "rot_token_w": rot_token_w}

def reference(x0, x1, unique_pos_w, layer_pos_w, rot_token_w):
    # buffers (constant index patterns)
    unique_pos_indices = jnp.tile(jnp.arange(SEQ), NUM_INPUTS)          # [NUM_INPUTS*SEQ]
    layer_pos_indices = jnp.repeat(jnp.arange(NUM_INPUTS), SEQ)        # [NUM_INPUTS*SEQ]
    # embedding lookups (gather)
    p1 = jnp.take(unique_pos_w, unique_pos_indices, axis=0)            # [NUM_INPUTS*SEQ, EMB]
    p2 = jnp.take(layer_pos_w, layer_pos_indices, axis=0)              # [NUM_INPUTS*SEQ, EMB]
    X = jnp.concatenate([x0, x1], axis=DIM)                            # [B, NUM_INPUTS*SEQ, EMB]
    X = X + p1 + p2                                                    # broadcast over batch
    batch_shape = X.shape[:-2]
    rot_emb = jnp.broadcast_to(rot_token_w, batch_shape + (1, EMB))    # [B, 1, EMB]
    output = jnp.concatenate([rot_emb, X], axis=-2)                    # [B, NUM_INPUTS*SEQ+1, EMB]
    return output

if False:  # reference __main__ guard neutralized (emitter)
    out = reference(**setup_inputs())
    print(out.shape)

if __name__ == "__main__":
    import jax
    _d = setup_inputs()
    print(jax.jit(kernel)(*tuple(_d.values())))

</pallas_src>

<mosaic_0001>
#map = affine_map<(d0, d1) -> (0, 0, 0)>
#map1 = affine_map<(d0, d1) -> (0, 0)>
module attributes {stable_mosaic.version = 14 : i64} {
  func.func @_body(%arg0: i32, %arg1: i32, %arg2: memref<4x4096x128xf32, #tpu.memory_space<hbm>>, %arg3: memref<4x4096x128xf32, #tpu.memory_space<hbm>>, %arg4: memref<4096x128xf32, #tpu.memory_space<hbm>>, %arg5: memref<2x128xf32, #tpu.memory_space<hbm>>, %arg6: memref<1x128xf32, #tpu.memory_space<hbm>>, %arg7: memref<8193x4x128xf32, #tpu.memory_space<hbm>>, %arg8: memref<128x128xf32, #tpu.memory_space<vmem>>, %arg9: memref<4x32x128xf32, #tpu.memory_space<vmem>>, %arg10: memref<4x32x128xf32, #tpu.memory_space<vmem>>, %arg11: memref<32x4x128xf32, #tpu.memory_space<vmem>>, %arg12: memref<32x4x128xf32, #tpu.memory_space<vmem>>, %arg13: memref<1x4x128xf32, #tpu.memory_space<vmem>>, %arg14: memref<2x128xf32, #tpu.memory_space<vmem>>, %arg15: memref<1x128xf32, #tpu.memory_space<vmem>>, %arg16: memref<!tpu.dma_semaphore, #tpu.memory_space<semaphore_mem>>, %arg17: memref<!tpu.dma_semaphore, #tpu.memory_space<semaphore_mem>>, %arg18: memref<!tpu.dma_semaphore, #tpu.memory_space<semaphore_mem>>, %arg19: memref<!tpu.dma_semaphore, #tpu.memory_space<semaphore_mem>>, %arg20: memref<!tpu.dma_semaphore, #tpu.memory_space<semaphore_mem>>) attributes {dimension_semantics = [#tpu.dimension_semantics<core_parallel>, #tpu.dimension_semantics<subcore_parallel>], iteration_bounds = array<i64: 2, 16>, scalar_prefetch = 0 : i64, scratch_operands = 13 : i64, tpu.core_type = #tpu.core_type<sc_vector_subcore>, window_params = [{transform_indices = #map}, {transform_indices = #map}, {transform_indices = #map1}, {transform_indices = #map1}, {transform_indices = #map1}, {transform_indices = #map}]} {
    %mul3A = arith.constant 2 : i32
    %mul3A_0 = arith.muli %arg1, %mul3A : i32
    %add3A = arith.addi %mul3A_0, %arg0 : i32
    %mul3A_1 = arith.constant 128 : i32
    %mul3A_2 = arith.muli %add3A, %mul3A_1 : i32
    %multiple_of3A = tpu.assume_multiple %mul3A_2, 128 : i32
    tpu.enqueue_dma source(%arg5 : memref<2x128xf32, #tpu.memory_space<hbm>>) target(%arg14 : memref<2x128xf32, #tpu.memory_space<vmem>>) target_semaphore(%arg20 : memref<!tpu.dma_semaphore, #tpu.memory_space<semaphore_mem>>)
    tpu.enqueue_dma source(%arg6 : memref<1x128xf32, #tpu.memory_space<hbm>>) target(%arg15 : memref<1x128xf32, #tpu.memory_space<vmem>>) target_semaphore(%arg20 : memref<!tpu.dma_semaphore, #tpu.memory_space<semaphore_mem>>)
    %dma_start3A = arith.constant 0 : i32
    %dma_start3A_3 = tpu.memref_slice %arg4[%multiple_of3A, %dma_start3A] : memref<4096x128xf32, #tpu.memory_space<hbm>> -> memref<128x128xf32, #tpu.memory_space<hbm>>
    %dma_start3A_4 = arith.constant 0 : i32
    %dma_start3A_5 = tpu.memref_slice %arg4[%multiple_of3A, %dma_start3A_4] : memref<4096x128xf32, #tpu.memory_space<hbm>> -> memref<128x128xf32, #tpu.memory_space<hbm>>
    tpu.enqueue_dma source(%dma_start3A_5 : memref<128x128xf32, #tpu.memory_space<hbm>>) target(%arg8 : memref<128x128xf32, #tpu.memory_space<vmem>>) target_semaphore(%arg20 : memref<!tpu.dma_semaphore, #tpu.memory_space<semaphore_mem>>)
    %le3A = arith.constant 0 : i32
    %le3A_6 = arith.constant 3 : i32
    %le3A_7 = arith.cmpi sle, %le3A, %le3A_6 : i32
    %convert_element_type3A = arith.extui %le3A_7 : i1 to i32
    %cond3A = arith.constant 0 : i32
    %cond3A_8 = arith.constant 0 : i32
    %cond3A_9 = arith.cmpi ne, %convert_element_type3A, %cond3A_8 : i32
    scf.if %cond3A_9 {
      %mul3A_307 = arith.constant 32 : i32
      %mul3A_308 = arith.muli %cond3A, %mul3A_307 : i32
      %add3A_309 = arith.addi %multiple_of3A, %mul3A_308 : i32
      %multiple_of3A_310 = tpu.assume_multiple %add3A_309, 32 : i32
      %dma_start3A_311 = arith.constant 0 : i32
      %dma_start3A_312 = arith.constant 0 : i32
      %dma_start3A_313 = tpu.memref_slice %arg2[%dma_start3A_311, %multiple_of3A_310, %dma_start3A_312] : memref<4x4096x128xf32, #tpu.memory_space<hbm>> -> memref<4x32x128xf32, #tpu.memory_space<hbm>>
      %dma_start3A_314 = arith.constant 0 : i32
      %dma_start3A_315 = arith.constant 0 : i32
      %dma_start3A_316 = tpu.memref_slice %arg2[%dma_start3A_314, %multiple_of3A_310, %dma_start3A_315] : memref<4x4096x128xf32, #tpu.memory_space<hbm>> -> memref<4x32x128xf32, #tpu.memory_space<hbm>>
      tpu.enqueue_dma source(%dma_start3A_316 : memref<4x32x128xf32, #tpu.memory_space<hbm>>) target(%arg9 : memref<4x32x128xf32, #tpu.memory_space<vmem>>) target_semaphore(%arg16 : memref<!tpu.dma_semaphore, #tpu.memory_space<semaphore_mem>>)
    } else {
    }
    %ge3A = arith.constant 0 : i32
    %ge3A_10 = arith.constant 4 : i32
    %ge3A_11 = arith.cmpi sge, %ge3A, %ge3A_10 : i32
    %convert_element_type3A_12 = arith.extui %ge3A_11 : i1 to i32
    %cond3A_13 = arith.constant 0 : i32
    %cond3A_14 = arith.constant 0 : i32
    %cond3A_15 = arith.cmpi ne, %convert_element_type3A_12, %cond3A_14 : i32
    scf.if %cond3A_15 {
      %sub3A_307 = arith.constant 4 : i32
      %sub3A_308 = arith.subi %cond3A_13, %sub3A_307 : i32
      %mul3A_309 = arith.constant 32 : i32
      %mul3A_310 = arith.muli %sub3A_308, %mul3A_309 : i32
      %add3A_311 = arith.addi %multiple_of3A, %mul3A_310 : i32
      %multiple_of3A_312 = tpu.assume_multiple %add3A_311, 32 : i32
      %dma_start3A_313 = arith.constant 0 : i32
      %dma_start3A_314 = arith.constant 0 : i32
      %dma_start3A_315 = tpu.memref_slice %arg3[%dma_start3A_313, %multiple_of3A_312, %dma_start3A_314] : memref<4x4096x128xf32, #tpu.memory_space<hbm>> -> memref<4x32x128xf32, #tpu.memory_space<hbm>>
      %dma_start3A_316 = arith.constant 0 : i32
      %dma_start3A_317 = arith.constant 0 : i32
      %dma_start3A_318 = tpu.memref_slice %arg3[%dma_start3A_316, %multiple_of3A_312, %dma_start3A_317] : memref<4x4096x128xf32, #tpu.memory_space<hbm>> -> memref<4x32x128xf32, #tpu.memory_space<hbm>>
      tpu.enqueue_dma source(%dma_start3A_318 : memref<4x32x128xf32, #tpu.memory_space<hbm>>) target(%arg9 : memref<4x32x128xf32, #tpu.memory_space<vmem>>) target_semaphore(%arg16 : memref<!tpu.dma_semaphore, #tpu.memory_space<semaphore_mem>>)
    } else {
    }
    %le3A_16 = arith.constant 1 : i32
    %le3A_17 = arith.constant 3 : i32
    %le3A_18 = arith.cmpi sle, %le3A_16, %le3A_17 : i32
    %convert_element_type3A_19 = arith.extui %le3A_18 : i1 to i32
    %cond3A_20 = arith.constant 1 : i32
    %cond3A_21 = arith.constant 0 : i32
    %cond3A_22 = arith.cmpi ne, %convert_element_type3A_19, %cond3A_21 : i32
    scf.if %cond3A_22 {
      %mul3A_307 = arith.constant 32 : i32
      %mul3A_308 = arith.muli %cond3A_20, %mul3A_307 : i32
      %add3A_309 = arith.addi %multiple_of3A, %mul3A_308 : i32
      %multiple_of3A_310 = tpu.assume_multiple %add3A_309, 32 : i32
      %dma_start3A_311 = arith.constant 0 : i32
      %dma_start3A_312 = arith.constant 0 : i32
      %dma_start3A_313 = tpu.memref_slice %arg2[%dma_start3A_311, %multiple_of3A_310, %dma_start3A_312] : memref<4x4096x128xf32, #tpu.memory_space<hbm>> -> memref<4x32x128xf32, #tpu.memory_space<hbm>>
      %dma_start3A_314 = arith.constant 0 : i32
      %dma_start3A_315 = arith.constant 0 : i32
      %dma_start3A_316 = tpu.memref_slice %arg2[%dma_start3A_314, %multiple_of3A_310, %dma_start3A_315] : memref<4x4096x128xf32, #tpu.memory_space<hbm>> -> memref<4x32x128xf32, #tpu.memory_space<hbm>>
      tpu.enqueue_dma source(%dma_start3A_316 : memref<4x32x128xf32, #tpu.memory_space<hbm>>) target(%arg10 : memref<4x32x128xf32, #tpu.memory_space<vmem>>) target_semaphore(%arg17 : memref<!tpu.dma_semaphore, #tpu.memory_space<semaphore_mem>>)
    } else {
    }
    %ge3A_23 = arith.constant 1 : i32
    %ge3A_24 = arith.constant 4 : i32
    %ge3A_25 = arith.cmpi sge, %ge3A_23, %ge3A_24 : i32
    %convert_element_type3A_26 = arith.extui %ge3A_25 : i1 to i32
    %cond3A_27 = arith.constant 1 : i32
    %cond3A_28 = arith.constant 0 : i32
    %cond3A_29 = arith.cmpi ne, %convert_element_type3A_26, %cond3A_28 : i32
    scf.if %cond3A_29 {
      %sub3A_307 = arith.constant 4 : i32
      %sub3A_308 = arith.subi %cond3A_27, %sub3A_307 : i32
      %mul3A_309 = arith.constant 32 : i32
      %mul3A_310 = arith.muli %sub3A_308, %mul3A_309 : i32
      %add3A_311 = arith.addi %multiple_of3A, %mul3A_310 : i32
      %multiple_of3A_312 = tpu.assume_multiple %add3A_311, 32 : i32
      %dma_start3A_313 = arith.constant 0 : i32
      %dma_start3A_314 = arith.constant 0 : i32
      %dma_start3A_315 = tpu.memref_slice %arg3[%dma_start3A_313, %multiple_of3A_312, %dma_start3A_314] : memref<4x4096x128xf32, #tpu.memory_space<hbm>> -> memref<4x32x128xf32, #tpu.memory_space<hbm>>
      %dma_start3A_316 = arith.constant 0 : i32
      %dma_start3A_317 = arith.constant 0 : i32
      %dma_start3A_318 = tpu.memref_slice %arg3[%dma_start3A_316, %multiple_of3A_312, %dma_start3A_317] : memref<4x4096x128xf32, #tpu.memory_space<hbm>> -> memref<4x32x128xf32, #tpu.memory_space<hbm>>
      tpu.enqueue_dma source(%dma_start3A_318 : memref<4x32x128xf32, #tpu.memory_space<hbm>>) target(%arg10 : memref<4x32x128xf32, #tpu.memory_space<vmem>>) target_semaphore(%arg17 : memref<!tpu.dma_semaphore, #tpu.memory_space<semaphore_mem>>)
    } else {
    }
    tpu.wait_dma2 semaphore(%arg20 : memref<!tpu.dma_semaphore, #tpu.memory_space<semaphore_mem>>) src(%arg5 : memref<2x128xf32, #tpu.memory_space<hbm>>) dst(%arg14 : memref<2x128xf32, #tpu.memory_space<vmem>>)
    tpu.wait_dma2 semaphore(%arg20 : memref<!tpu.dma_semaphore, #tpu.memory_space<semaphore_mem>>) src(%arg6 : memref<1x128xf32, #tpu.memory_space<hbm>>) dst(%arg15 : memref<1x128xf32, #tpu.memory_space<vmem>>)
    %dma_wait3A = arith.constant 0 : i32
    %dma_wait3A_30 = tpu.memref_slice %arg4[%multiple_of3A, %dma_wait3A] : memref<4096x128xf32, #tpu.memory_space<hbm>> -> memref<128x128xf32, #tpu.memory_space<hbm>>
    %dma_wait3A_31 = arith.constant 0 : i32
    %dma_wait3A_32 = tpu.memref_slice %arg4[%multiple_of3A, %dma_wait3A_31] : memref<4096x128xf32, #tpu.memory_space<hbm>> -> memref<128x128xf32, #tpu.memory_space<hbm>>
    tpu.wait_dma2 semaphore(%arg20 : memref<!tpu.dma_semaphore, #tpu.memory_space<semaphore_mem>>) src(%dma_wait3A_32 : memref<128x128xf32, #tpu.memory_space<hbm>>) dst(%arg8 : memref<128x128xf32, #tpu.memory_space<vmem>>)
    %get3A = arith.constant 0 : i32
    %get3A_33 = arith.index_cast %get3A : i32 to index
    %get3A_34 = arith.constant 0 : index
    %get3A_35 = tpu.vector_load %arg14[%get3A_33, %get3A_34] {strides = array<i32>} : memref<2x128xf32, #tpu.memory_space<vmem>>, vector<1x16xf32>,
    %get3A_36 = vector.shape_cast %get3A_35 : vector<1x16xf32> to vector<16xf32>
    %get3A_37 = arith.constant 0 : i32
    %get3A_38 = arith.index_cast %get3A_37 : i32 to index
    %get3A_39 = arith.constant 16 : index
    %get3A_40 = tpu.vector_load %arg14[%get3A_38, %get3A_39] {strides = array<i32>} : memref<2x128xf32, #tpu.memory_space<vmem>>, vector<1x16xf32>,
    %get3A_41 = vector.shape_cast %get3A_40 : vector<1x16xf32> to vector<16xf32>
    %get3A_42 = arith.constant 0 : i32
    %get3A_43 = arith.index_cast %get3A_42 : i32 to index
    %get3A_44 = arith.constant 32 : index
    %get3A_45 = tpu.vector_load %arg14[%get3A_43, %get3A_44] {strides = array<i32>} : memref<2x128xf32, #tpu.memory_space<vmem>>, vector<1x16xf32>,
    %get3A_46 = vector.shape_cast %get3A_45 : vector<1x16xf32> to vector<16xf32>
    %get3A_47 = arith.constant 0 : i32
    %get3A_48 = arith.index_cast %get3A_47 : i32 to index
    %get3A_49 = arith.constant 48 : index
    %get3A_50 = tpu.vector_load %arg14[%get3A_48, %get3A_49] {strides = array<i32>} : memref<2x128xf32, #tpu.memory_space<vmem>>, vector<1x16xf32>,
    %get3A_51 = vector.shape_cast %get3A_50 : vector<1x16xf32> to vector<16xf32>
    %get3A_52 = arith.constant 0 : i32
    %get3A_53 = arith.index_cast %get3A_52 : i32 to index
    %get3A_54 = arith.constant 64 : index
    %get3A_55 = tpu.vector_load %arg14[%get3A_53, %get3A_54] {strides = array<i32>} : memref<2x128xf32, #tpu.memory_space<vmem>>, vector<1x16xf32>,
    %get3A_56 = vector.shape_cast %get3A_55 : vector<1x16xf32> to vector<16xf32>
    %get3A_57 = arith.constant 0 : i32
    %get3A_58 = arith.index_cast %get3A_57 : i32 to index
    %get3A_59 = arith.constant 80 : index
    %get3A_60 = tpu.vector_load %arg14[%get3A_58, %get3A_59] {strides = array<i32>} : memref<2x128xf32, #tpu.memory_space<vmem>>, vector<1x16xf32>,
    %get3A_61 = vector.shape_cast %get3A_60 : vector<1x16xf32> to vector<16xf32>
    %get3A_62 = arith.constant 0 : i32
    %get3A_63 = arith.index_cast %get3A_62 : i32 to index
    %get3A_64 = arith.constant 96 : index
    %get3A_65 = tpu.vector_load %arg14[%get3A_63, %get3A_64] {strides = array<i32>} : memref<2x128xf32, #tpu.memory_space<vmem>>, vector<1x16xf32>,
    %get3A_66 = vector.shape_cast %get3A_65 : vector<1x16xf32> to vector<16xf32>
    %get3A_67 = arith.constant 0 : i32
    %get3A_68 = arith.index_cast %get3A_67 : i32 to index
    %get3A_69 = arith.constant 112 : index
    %get3A_70 = tpu.vector_load %arg14[%get3A_68, %get3A_69] {strides = array<i32>} : memref<2x128xf32, #tpu.memory_space<vmem>>, vector<1x16xf32>,
    %get3A_71 = vector.shape_cast %get3A_70 : vector<1x16xf32> to vector<16xf32>
    %get3A_72 = arith.constant 1 : i32
    %get3A_73 = arith.index_cast %get3A_72 : i32 to index
    %get3A_74 = arith.constant 0 : index
    %get3A_75 = tpu.vector_load %arg14[%get3A_73, %get3A_74] {strides = array<i32>} : memref<2x128xf32, #tpu.memory_space<vmem>>, vector<1x16xf32>,
    %get3A_76 = vector.shape_cast %get3A_75 : vector<1x16xf32> to vector<16xf32>
    %get3A_77 = arith.constant 1 : i32
    %get3A_78 = arith.index_cast %get3A_77 : i32 to index
    %get3A_79 = arith.constant 16 : index
    %get3A_80 = tpu.vector_load %arg14[%get3A_78, %get3A_79] {strides = array<i32>} : memref<2x128xf32, #tpu.memory_space<vmem>>, vector<1x16xf32>,
    %get3A_81 = vector.shape_cast %get3A_80 : vector<1x16xf32> to vector<16xf32>
    %get3A_82 = arith.constant 1 : i32
    %get3A_83 = arith.index_cast %get3A_82 : i32 to index
    %get3A_84 = arith.constant 32 : index
    %get3A_85 = tpu.vector_load %arg14[%get3A_83, %get3A_84] {strides = array<i32>} : memref<2x128xf32, #tpu.memory_space<vmem>>, vector<1x16xf32>,
    %get3A_86 = vector.shape_cast %get3A_85 : vector<1x16xf32> to vector<16xf32>
    %get3A_87 = arith.constant 1 : i32
    %get3A_88 = arith.index_cast %get3A_87 : i32 to index
    %get3A_89 = arith.constant 48 : index
    %get3A_90 = tpu.vector_load %arg14[%get3A_88, %get3A_89] {strides = array<i32>} : memref<2x128xf32, #tpu.memory_space<vmem>>, vector<1x16xf32>,
    %get3A_91 = vector.shape_cast %get3A_90 : vector<1x16xf32> to vector<16xf32>
    %get3A_92 = arith.constant 1 : i32
    %get3A_93 = arith.index_cast %get3A_92 : i32 to index
    %get3A_94 = arith.constant 64 : index
    %get3A_95 = tpu.vector_load %arg14[%get3A_93, %get3A_94] {strides = array<i32>} : memref<2x128xf32, #tpu.memory_space<vmem>>, vector<1x16xf32>,
    %get3A_96 = vector.shape_cast %get3A_95 : vector<1x16xf32> to vector<16xf32>
    %get3A_97 = arith.constant 1 : i32
    %get3A_98 = arith.index_cast %get3A_97 : i32 to index
    %get3A_99 = arith.constant 80 : index
    %get3A_100 = tpu.vector_load %arg14[%get3A_98, %get3A_99] {strides = array<i32>} : memref<2x128xf32, #tpu.memory_space<vmem>>, vector<1x16xf32>,
    %get3A_101 = vector.shape_cast %get3A_100 : vector<1x16xf32> to vector<16xf32>
    %get3A_102 = arith.constant 1 : i32
    %get3A_103 = arith.index_cast %get3A_102 : i32 to index
    %get3A_104 = arith.constant 96 : index
    %get3A_105 = tpu.vector_load %arg14[%get3A_103, %get3A_104] {strides = array<i32>} : memref<2x128xf32, #tpu.memory_space<vmem>>, vector<1x16xf32>,
    %get3A_106 = vector.shape_cast %get3A_105 : vector<1x16xf32> to vector<16xf32>
    %get3A_107 = arith.constant 1 : i32
    %get3A_108 = arith.index_cast %get3A_107 : i32 to index
    %get3A_109 = arith.constant 112 : index
    %get3A_110 = tpu.vector_load %arg14[%get3A_108, %get3A_109] {strides = array<i32>} : memref<2x128xf32, #tpu.memory_space<vmem>>, vector<1x16xf32>,
    %get3A_111 = vector.shape_cast %get3A_110 : vector<1x16xf32> to vector<16xf32>
    %eq3A = arith.constant 0 : i32
    %eq3A_112 = arith.cmpi eq, %add3A, %eq3A : i32
    %convert_element_type3A_113 = arith.extui %eq3A_112 : i1 to i32
    %cond3A_114 = arith.constant 0 : i32
    %cond3A_115 = arith.cmpi ne, %convert_element_type3A_113, %cond3A_114 : i32
    scf.if %cond3A_115 {
      %get3A_307 = arith.constant 0 : i32
      %get3A_308 = arith.index_cast %get3A_307 : i32 to index
      %get3A_309 = arith.constant 0 : index
      %get3A_310 = tpu.vector_load %arg15[%get3A_308, %get3A_309] {strides = array<i32>} : memref<1x128xf32, #tpu.memory_space<vmem>>, vector<1x16xf32>,
      %get3A_311 = vector.shape_cast %get3A_310 : vector<1x16xf32> to vector<16xf32>
      %swap3A = arith.constant 0 : i32
      %swap3A_312 = arith.constant 0 : i32
      %swap3A_313 = arith.index_cast %swap3A : i32 to index
      %swap3A_314 = arith.index_cast %swap3A_312 : i32 to index
      %swap3A_315 = arith.constant 0 : index
      %swap3A_316 = tpu.vector_load %arg13[%swap3A_313, %swap3A_314, %swap3A_315] {strides = array<i32>} : memref<1x4x128xf32, #tpu.memory_space<vmem>>, vector<1x1x16xf32>,
      %swap3A_317 = vector.shape_cast %swap3A_316 : vector<1x1x16xf32> to vector<16xf32>
      %swap3A_318 = vector.shape_cast %get3A_311 : vector<16xf32> to vector<1x1x16xf32>
      tpu.vector_store %arg13[%swap3A_313, %swap3A_314, %swap3A_315], %swap3A_318 {strides = array<i32>} : memref<1x4x128xf32, #tpu.memory_space<vmem>>, vector<1x1x16xf32>,
      %get3A_319 = arith.constant 0 : i32
      %get3A_320 = arith.index_cast %get3A_319 : i32 to index
      %get3A_321 = arith.constant 16 : index
      %get3A_322 = tpu.vector_load %arg15[%get3A_320, %get3A_321] {strides = array<i32>} : memref<1x128xf32, #tpu.memory_space<vmem>>, vector<1x16xf32>,
      %get3A_323 = vector.shape_cast %get3A_322 : vector<1x16xf32> to vector<16xf32>
      %swap3A_324 = arith.constant 0 : i32
      %swap3A_325 = arith.constant 0 : i32
      %swap3A_326 = arith.index_cast %swap3A_324 : i32 to index
      %swap3A_327 = arith.index_cast %swap3A_325 : i32 to index
      %swap3A_328 = arith.constant 16 : index
      %swap3A_329 = tpu.vector_load %arg13[%swap3A_326, %swap3A_327, %swap3A_328] {strides = array<i32>} : memref<1x4x128xf32, #tpu.memory_space<vmem>>, vector<1x1x16xf32>,
      %swap3A_330 = vector.shape_cast %swap3A_329 : vector<1x1x16xf32> to vector<16xf32>
      %swap3A_331 = vector.shape_cast %get3A_323 : vector<16xf32> to vector<1x1x16xf32>
      tpu.vector_store %arg13[%swap3A_326, %swap3A_327, %swap3A_328], %swap3A_331 {strides = array<i32>} : memref<1x4x128xf32, #tpu.memory_space<vmem>>, vector<1x1x16xf32>,
      %get3A_332 = arith.constant 0 : i32
      %get3A_333 = arith.index_cast %get3A_332 : i32 to index
      %get3A_334 = arith.constant 32 : index
      %get3A_335 = tpu.vector_load %arg15[%get3A_333, %get3A_334] {strides = array<i32>} : memref<1x128xf32, #tpu.memory_space<vmem>>, vector<1x16xf32>,
      %get3A_336 = vector.shape_cast %get3A_335 : vector<1x16xf32> to vector<16xf32>
      %swap3A_337 = arith.constant 0 : i32
      %swap3A_338 = arith.constant 0 : i32
      %swap3A_339 = arith.index_cast %swap3A_337 : i32 to index
      %swap3A_340 = arith.index_cast %swap3A_338 : i32 to index
      %swap3A_341 = arith.constant 32 : index
      %swap3A_342 = tpu.vector_load %arg13[%swap3A_339, %swap3A_340, %swap3A_341] {strides = array<i32>} : memref<1x4x128xf32, #tpu.memory_space<vmem>>, vector<1x1x16xf32>,
      %swap3A_343 = vector.shape_cast %swap3A_342 : vector<1x1x16xf32> to vector<16xf32>
      %swap3A_344 = vector.shape_cast %get3A_336 : vector<16xf32> to vector<1x1x16xf32>
      tpu.vector_store %arg13[%swap3A_339, %swap3A_340, %swap3A_341], %swap3A_344 {strides = array<i32>} : memref<1x4x128xf32, #tpu.memory_space<vmem>>, vector<1x1x16xf32>,
      %get3A_345 = arith.constant 0 : i32
      %get3A_346 = arith.index_cast %get3A_345 : i32 to index
      %get3A_347 = arith.constant 48 : index
      %get3A_348 = tpu.vector_load %arg15[%get3A_346, %get3A_347] {strides = array<i32>} : memref<1x128xf32, #tpu.memory_space<vmem>>, vector<1x16xf32>,
      %get3A_349 = vector.shape_cast %get3A_348 : vector<1x16xf32> to vector<16xf32>
      %swap3A_350 = arith.constant 0 : i32
      %swap3A_351 = arith.constant 0 : i32
      %swap3A_352 = arith.index_cast %swap3A_350 : i32 to index
      %swap3A_353 = arith.index_cast %swap3A_351 : i32 to index
      %swap3A_354 = arith.constant 48 : index
      %swap3A_355 = tpu.vector_load %arg13[%swap3A_352, %swap3A_353, %swap3A_354] {strides = array<i32>} : memref<1x4x128xf32, #tpu.memory_space<vmem>>, vector<1x1x16xf32>,
      %swap3A_356 = vector.shape_cast %swap3A_355 : vector<1x1x16xf32> to vector<16xf32>
      %swap3A_357 = vector.shape_cast %get3A_349 : vector<16xf32> to vector<1x1x16xf32>
      tpu.vector_store %arg13[%swap3A_352, %swap3A_353, %swap3A_354], %swap3A_357 {strides = array<i32>} : memref<1x4x128xf32, #tpu.memory_space<vmem>>, vector<1x1x16xf32>,
      %get3A_358 = arith.constant 0 : i32
      %get3A_359 = arith.index_cast %get3A_358 : i32 to index
      %get3A_360 = arith.constant 64 : index
      %get3A_361 = tpu.vector_load %arg15[%get3A_359, %get3A_360] {strides = array<i32>} : memref<1x128xf32, #tpu.memory_space<vmem>>, vector<1x16xf32>,
      %get3A_362 = vector.shape_cast %get3A_361 : vector<1x16xf32> to vector<16xf32>
      %swap3A_363 = arith.constant 0 : i32
      %swap3A_364 = arith.constant 0 : i32
      %swap3A_365 = arith.index_cast %swap3A_363 : i32 to index
      %swap3A_366 = arith.index_cast %swap3A_364 : i32 to index
      %swap3A_367 = arith.constant 64 : index
      %swap3A_368 = tpu.vector_load %arg13[%swap3A_365, %swap3A_366, %swap3A_367] {strides = array<i32>} : memref<1x4x128xf32, #tpu.memory_space<vmem>>, vector<1x1x16xf32>,
      %swap3A_369 = vector.shape_cast %swap3A_368 : vector<1x1x16xf32> to vector<16xf32>
      %swap3A_370 = vector.shape_cast %get3A_362 : vector<16xf32> to vector<1x1x16xf32>
      tpu.vector_store %arg13[%swap3A_365, %swap3A_366, %swap3A_367], %swap3A_370 {strides = array<i32>} : memref<1x4x128xf32, #tpu.memory_space<vmem>>, vector<1x1x16xf32>,
      %get3A_371 = arith.constant 0 : i32
      %get3A_372 = arith.index_cast %get3A_371 : i32 to index
      %get3A_373 = arith.constant 80 : index
      %get3A_374 = tpu.vector_load %arg15[%get3A_372, %get3A_373] {strides = array<i32>} : memref<1x128xf32, #tpu.memory_space<vmem>>, vector<1x16xf32>,
      %get3A_375 = vector.shape_cast %get3A_374 : vector<1x16xf32> to vector<16xf32>
      %swap3A_376 = arith.constant 0 : i32
      %swap3A_377 = arith.constant 0 : i32
      %swap3A_378 = arith.index_cast %swap3A_376 : i32 to index
      %swap3A_379 = arith.index_cast %swap3A_377 : i32 to index
      %swap3A_380 = arith.constant 80 : index
      %swap3A_381 = tpu.vector_load %arg13[%swap3A_378, %swap3A_379, %swap3A_380] {strides = array<i32>} : memref<1x4x128xf32, #tpu.memory_space<vmem>>, vector<1x1x16xf32>,
      %swap3A_382 = vector.shape_cast %swap3A_381 : vector<1x1x16xf32> to vector<16xf32>
      %swap3A_383 = vector.shape_cast %get3A_375 : vector<16xf32> to vector<1x1x16xf32>
      tpu.vector_store %arg13[%swap3A_378, %swap3A_379, %swap3A_380], %swap3A_383 {strides = array<i32>} : memref<1x4x128xf32, #tpu.memory_space<vmem>>, vector<1x1x16xf32>,
      %get3A_384 = arith.constant 0 : i32
      %get3A_385 = arith.index_cast %get3A_384 : i32 to index
      %get3A_386 = arith.constant 96 : index
      %get3A_387 = tpu.vector_load %arg15[%get3A_385, %get3A_386] {strides = array<i32>} : memref<1x128xf32, #tpu.memory_space<vmem>>, vector<1x16xf32>,
      %get3A_388 = vector.shape_cast %get3A_387 : vector<1x16xf32> to vector<16xf32>
      %swap3A_389 = arith.constant 0 : i32
      %swap3A_390 = arith.constant 0 : i32
      %swap3A_391 = arith.index_cast %swap3A_389 : i32 to index
      %swap3A_392 = arith.index_cast %swap3A_390 : i32 to index
      %swap3A_393 = arith.constant 96 : index
      %swap3A_394 = tpu.vector_load %arg13[%swap3A_391, %swap3A_392, %swap3A_393] {strides = array<i32>} : memref<1x4x128xf32, #tpu.memory_space<vmem>>, vector<1x1x16xf32>,
      %swap3A_395 = vector.shape_cast %swap3A_394 : vector<1x1x16xf32> to vector<16xf32>
      %swap3A_396 = vector.shape_cast %get3A_388 : vector<16xf32> to vector<1x1x16xf32>
      tpu.vector_store %arg13[%swap3A_391, %swap3A_392, %swap3A_393], %swap3A_396 {strides = array<i32>} : memref<1x4x128xf32, #tpu.memory_space<vmem>>, vector<1x1x16xf32>,
      %get3A_397 = arith.constant 0 : i32
      %get3A_398 = arith.index_cast %get3A_397 : i32 to index
      %get3A_399 = arith.constant 112 : index
      %get3A_400 = tpu.vector_load %arg15[%get3A_398, %get3A_399] {strides = array<i32>} : memref<1x128xf32, #tpu.memory_space<vmem>>, vector<1x16xf32>,
      %get3A_401 = vector.shape_cast %get3A_400 : vector<1x16xf32> to vector<16xf32>
      %swap3A_402 = arith.constant 0 : i32
      %swap3A_403 = arith.constant 0 : i32
      %swap3A_404 = arith.index_cast %swap3A_402 : i32 to index
      %swap3A_405 = arith.index_cast %swap3A_403 : i32 to index
      %swap3A_406 = arith.constant 112 : index
      %swap3A_407 = tpu.vector_load %arg13[%swap3A_404, %swap3A_405, %swap3A_406] {strides = array<i32>} : memref<1x4x128xf32, #tpu.memory_space<vmem>>, vector<1x1x16xf32>,
      %swap3A_408 = vector.shape_cast %swap3A_407 : vector<1x1x16xf32> to vector<16xf32>
      %swap3A_409 = vector.shape_cast %get3A_401 : vector<16xf32> to vector<1x1x16xf32>
      tpu.vector_store %arg13[%swap3A_404, %swap3A_405, %swap3A_406], %swap3A_409 {strides = array<i32>} : memref<1x4x128xf32, #tpu.memory_space<vmem>>, vector<1x1x16xf32>,
      %get3A_410 = arith.constant 0 : i32
      %get3A_411 = arith.index_cast %get3A_410 : i32 to index
      %get3A_412 = arith.constant 0 : index
      %get3A_413 = tpu.vector_load %arg15[%get3A_411, %get3A_412] {strides = array<i32>} : memref<1x128xf32, #tpu.memory_space<vmem>>, vector<1x16xf32>,
      %get3A_414 = vector.shape_cast %get3A_413 : vector<1x16xf32> to vector<16xf32>
      %swap3A_415 = arith.constant 0 : i32
      %swap3A_416 = arith.constant 1 : i32
      %swap3A_417 = arith.index_cast %swap3A_415 : i32 to index
      %swap3A_418 = arith.index_cast %swap3A_416 : i32 to index
      %swap3A_419 = arith.constant 0 : index
      %swap3A_420 = tpu.vector_load %arg13[%swap3A_417, %swap3A_418, %swap3A_419] {strides = array<i32>} : memref<1x4x128xf32, #tpu.memory_space<vmem>>, vector<1x1x16xf32>,
      %swap3A_421 = vector.shape_cast %swap3A_420 : vector<1x1x16xf32> to vector<16xf32>
      %swap3A_422 = vector.shape_cast %get3A_414 : vector<16xf32> to vector<1x1x16xf32>
      tpu.vector_store %arg13[%swap3A_417, %swap3A_418, %swap3A_419], %swap3A_422 {strides = array<i32>} : memref<1x4x128xf32, #tpu.memory_space<vmem>>, vector<1x1x16xf32>,
      %get3A_423 = arith.constant 0 : i32
      %get3A_424 = arith.index_cast %get3A_423 : i32 to index
      %get3A_425 = arith.constant 16 : index
      %get3A_426 = tpu.vector_load %arg15[%get3A_424, %get3A_425] {strides = array<i32>} : memref<1x128xf32, #tpu.memory_space<vmem>>, vector<1x16xf32>,
      %get3A_427 = vector.shape_cast %get3A_426 : vector<1x16xf32> to vector<16xf32>
      %swap3A_428 = arith.constant 0 : i32
      %swap3A_429 = arith.constant 1 : i32
      %swap3A_430 = arith.index_cast %swap3A_428 : i32 to index
      %swap3A_431 = arith.index_cast %swap3A_429 : i32 to index
      %swap3A_432 = arith.constant 16 : index
      %swap3A_433 = tpu.vector_load %arg13[%swap3A_430, %swap3A_431, %swap3A_432] {strides = array<i32>} : memref<1x4x128xf32, #tpu.memory_space<vmem>>, vector<1x1x16xf32>,
      %swap3A_434 = vector.shape_cast %swap3A_433 : vector<1x1x16xf32> to vector<16xf32>
      %swap3A_435 = vector.shape_cast %get3A_427 : vector<16xf32> to vector<1x1x16xf32>
      tpu.vector_store %arg13[%swap3A_430, %swap3A_431, %swap3A_432], %swap3A_435 {strides = array<i32>} : memref<1x4x128xf32, #tpu.memory_space<vmem>>, vector<1x1x16xf32>,
      %get3A_436 = arith.constant 0 : i32
      %get3A_437 = arith.index_cast %get3A_436 : i32 to index
      %get3A_438 = arith.constant 32 : index
      %get3A_439 = tpu.vector_load %arg15[%get3A_437, %get3A_438] {strides = array<i32>} : memref<1x128xf32, #tpu.memory_space<vmem>>, vector<1x16xf32>,
      %get3A_440 = vector.shape_cast %get3A_439 : vector<1x16xf32> to vector<16xf32>
      %swap3A_441 = arith.constant 0 : i32
      %swap3A_442 = arith.constant 1 : i32
      %swap3A_443 = arith.index_cast %swap3A_441 : i32 to index
      %swap3A_444 = arith.index_cast %swap3A_442 : i32 to index
      %swap3A_445 = arith.constant 32 : index
      %swap3A_446 = tpu.vector_load %arg13[%swap3A_443, %swap3A_444, %swap3A_445] {strides = array<i32>} : memref<1x4x128xf32, #tpu.memory_space<vmem>>, vector<1x1x16xf32>,
      %swap3A_447 = vector.shape_cast %swap3A_446 : vector<1x1x16xf32> to vector<16xf32>
      %swap3A_448 = vector.shape_cast %get3A_440 : vector<16xf32> to vector<1x1x16xf32>
      tpu.vector_store %arg13[%swap3A_443, %swap3A_444, %swap3A_445], %swap3A_448 {strides = array<i32>} : memref<1x4x128xf32, #tpu.memory_space<vmem>>, vector<1x1x16xf32>,
      %get3A_449 = arith.constant 0 : i32
      %get3A_450 = arith.index_cast %get3A_449 : i32 to index
      %get3A_451 = arith.constant 48 : index
      %get3A_452 = tpu.vector_load %arg15[%get3A_450, %get3A_451] {strides = array<i32>} : memref<1x128xf32, #tpu.memory_space<vmem>>, vector<1x16xf32>,
      %get3A_453 = vector.shape_cast %get3A_452 : vector<1x16xf32> to vector<16xf32>
      %swap3A_454 = arith.constant 0 : i32
      %swap3A_455 = arith.constant 1 : i32
      %swap3A_456 = arith.index_cast %swap3A_454 : i32 to index
      %swap3A_457 = arith.index_cast %swap3A_455 : i32 to index
      %swap3A_458 = arith.constant 48 : index
      %swap3A_459 = tpu.vector_load %arg13[%swap3A_456, %swap3A_457, %swap3A_458] {strides = array<i32>} : memref<1x4x128xf32, #tpu.memory_space<vmem>>, vector<1x1x16xf32>,
      %swap3A_460 = vector.shape_cast %swap3A_459 : vector<1x1x16xf32> to vector<16xf32>
      %swap3A_461 = vector.shape_cast %get3A_453 : vector<16xf32> to vector<1x1x16xf32>
      tpu.vector_store %arg13[%swap3A_456, %swap3A_457, %swap3A_458], %swap3A_461 {strides = array<i32>} : memref<1x4x128xf32, #tpu.memory_space<vmem>>, vector<1x1x16xf32>,
      %get3A_462 = arith.constant 0 : i32
      %get3A_463 = arith.index_cast %get3A_462 : i32 to index
      %get3A_464 = arith.constant 64 : index
      %get3A_465 = tpu.vector_load %arg15[%get3A_463, %get3A_464] {strides = array<i32>} : memref<1x128xf32, #tpu.memory_space<vmem>>, vector<1x16xf32>,
      %get3A_466 = vector.shape_cast %get3A_465 : vector<1x16xf32> to vector<16xf32>
      %swap3A_467 = arith.constant 0 : i32
      %swap3A_468 = arith.constant 1 : i32
      %swap3A_469 = arith.index_cast %swap3A_467 : i32 to index
      %swap3A_470 = arith.index_cast %swap3A_468 : i32 to index
      %swap3A_471 = arith.constant 64 : index
      %swap3A_472 = tpu.vector_load %arg13[%swap3A_469, %swap3A_470, %swap3A_471] {strides = array<i32>} : memref<1x4x128xf32, #tpu.memory_space<vmem>>, vector<1x1x16xf32>,
      %swap3A_473 = vector.shape_cast %swap3A_472 : vector<1x1x16xf32> to vector<16xf32>
      %swap3A_474 = vector.shape_cast %get3A_466 : vector<16xf32> to vector<1x1x16xf32>
      tpu.vector_store %arg13[%swap3A_469, %swap3A_470, %swap3A_471], %swap3A_474 {strides = array<i32>} : memref<1x4x128xf32, #tpu.memory_space<vmem>>, vector<1x1x16xf32>,
      %get3A_475 = arith.constant 0 : i32
      %get3A_476 = arith.index_cast %get3A_475 : i32 to index
      %get3A_477 = arith.constant 80 : index
      %get3A_478 = tpu.vector_load %arg15[%get3A_476, %get3A_477] {strides = array<i32>} : memref<1x128xf32, #tpu.memory_space<vmem>>, vector<1x16xf32>,
      %get3A_479 = vector.shape_cast %get3A_478 : vector<1x16xf32> to vector<16xf32>
      %swap3A_480 = arith.constant 0 : i32
      %swap3A_481 = arith.constant 1 : i32
      %swap3A_482 = arith.index_cast %swap3A_480 : i32 to index
      %swap3A_483 = arith.index_cast %swap3A_481 : i32 to index
      %swap3A_484 = arith.constant 80 : index
      %swap3A_485 = tpu.vector_load %arg13[%swap3A_482, %swap3A_483, %swap3A_484] {strides = array<i32>} : memref<1x4x128xf32, #tpu.memory_space<vmem>>, vector<1x1x16xf32>,
      %swap3A_486 = vector.shape_cast %swap3A_485 : vector<1x1x16xf32> to vector<16xf32>
      %swap3A_487 = vector.shape_cast %get3A_479 : vector<16xf32> to vector<1x1x16xf32>
      tpu.vector_store %arg13[%swap3A_482, %swap3A_483, %swap3A_484], %swap3A_487 {strides = array<i32>} : memref<1x4x128xf32, #tpu.memory_space<vmem>>, vector<1x1x16xf32>,
      %get3A_488 = arith.constant 0 : i32
      %get3A_489 = arith.index_cast %get3A_488 : i32 to index
      %get3A_490 = arith.constant 96 : index
      %get3A_491 = tpu.vector_load %arg15[%get3A_489, %get3A_490] {strides = array<i32>} : memref<1x128xf32, #tpu.memory_space<vmem>>, vector<1x16xf32>,
      %get3A_492 = vector.shape_cast %get3A_491 : vector<1x16xf32> to vector<16xf32>
      %swap3A_493 = arith.constant 0 : i32
      %swap3A_494 = arith.constant 1 : i32
      %swap3A_495 = arith.index_cast %swap3A_493 : i32 to index
      %swap3A_496 = arith.index_cast %swap3A_494 : i32 to index
      %swap3A_497 = arith.constant 96 : index
      %swap3A_498 = tpu.vector_load %arg13[%swap3A_495, %swap3A_496, %swap3A_497] {strides = array<i32>} : memref<1x4x128xf32, #tpu.memory_space<vmem>>, vector<1x1x16xf32>,
      %swap3A_499 = vector.shape_cast %swap3A_498 : vector<1x1x16xf32> to vector<16xf32>
      %swap3A_500 = vector.shape_cast %get3A_492 : vector<16xf32> to vector<1x1x16xf32>
      tpu.vector_store %arg13[%swap3A_495, %swap3A_496, %swap3A_497], %swap3A_500 {strides = array<i32>} : memref<1x4x128xf32, #tpu.memory_space<vmem>>, vector<1x1x16xf32>,
      %get3A_501 = arith.constant 0 : i32
      %get3A_502 = arith.index_cast %get3A_501 : i32 to index
      %get3A_503 = arith.constant 112 : index
      %get3A_504 = tpu.vector_load %arg15[%get3A_502, %get3A_503] {strides = array<i32>} : memref<1x128xf32, #tpu.memory_space<vmem>>, vector<1x16xf32>,
      %get3A_505 = vector.shape_cast %get3A_504 : vector<1x16xf32> to vector<16xf32>
      %swap3A_506 = arith.constant 0 : i32
      %swap3A_507 = arith.constant 1 : i32
      %swap3A_508 = arith.index_cast %swap3A_506 : i32 to index
      %swap3A_509 = arith.index_cast %swap3A_507 : i32 to index
      %swap3A_510 = arith.constant 112 : index
      %swap3A_511 = tpu.vector_load %arg13[%swap3A_508, %swap3A_509, %swap3A_510] {strides = array<i32>} : memref<1x4x128xf32, #tpu.memory_space<vmem>>, vector<1x1x16xf32>,
      %swap3A_512 = vector.shape_cast %swap3A_511 : vector<1x1x16xf32> to vector<16xf32>
      %swap3A_513 = vector.shape_cast %get3A_505 : vector<16xf32> to vector<1x1x16xf32>
      tpu.vector_store %arg13[%swap3A_508, %swap3A_509, %swap3A_510], %swap3A_513 {strides = array<i32>} : memref<1x4x128xf32, #tpu.memory_space<vmem>>, vector<1x1x16xf32>,
      %get3A_514 = arith.constant 0 : i32
      %get3A_515 = arith.index_cast %get3A_514 : i32 to index
      %get3A_516 = arith.constant 0 : index
      %get3A_517 = tpu.vector_load %arg15[%get3A_515, %get3A_516] {strides = array<i32>} : memref<1x128xf32, #tpu.memory_space<vmem>>, vector<1x16xf32>,
      %get3A_518 = vector.shape_cast %get3A_517 : vector<1x16xf32> to vector<16xf32>
      %swap3A_519 = arith.constant 0 : i32
      %swap3A_520 = arith.constant 2 : i32
      %swap3A_521 = arith.index_cast %swap3A_519 : i32 to index
      %swap3A_522 = arith.index_cast %swap3A_520 : i32 to index
      %swap3A_523 = arith.constant 0 : index
      %swap3A_524 = tpu.vector_load %arg13[%swap3A_521, %swap3A_522, %swap3A_523] {strides = array<i32>} : memref<1x4x128xf32, #tpu.memory_space<vmem>>, vector<1x1x16xf32>,
      %swap3A_525 = vector.shape_cast %swap3A_524 : vector<1x1x16xf32> to vector<16xf32>
      %swap3A_526 = vector.shape_cast %get3A_518 : vector<16xf32> to vector<1x1x16xf32>
      tpu.vector_store %arg13[%swap3A_521, %swap3A_522, %swap3A_523], %swap3A_526 {strides = array<i32>} : memref<1x4x128xf32, #tpu.memory_space<vmem>>, vector<1x1x16xf32>,
      %get3A_527 = arith.constant 0 : i32
      %get3A_528 = arith.index_cast %get3A_527 : i32 to index
      %get3A_529 = arith.constant 16 : index
      %get3A_530 = tpu.vector_load %arg15[%get3A_528, %get3A_529] {strides = array<i32>} : memref<1x128xf32, #tpu.memory_space<vmem>>, vector<1x16xf32>,
      %get3A_531 = vector.shape_cast %get3A_530 : vector<1x16xf32> to vector<16xf32>
      %swap3A_532 = arith.constant 0 : i32
      %swap3A_533 = arith.constant 2 : i32
      %swap3A_534 = arith.index_cast %swap3A_532 : i32 to index
      %swap3A_535 = arith.index_cast %swap3A_533 : i32 to index
      %swap3A_536 = arith.constant 16 : index
      %swap3A_537 = tpu.vector_load %arg13[%swap3A_534, %swap3A_535, %swap3A_536] {strides = array<i32>} : memref<1x4x128xf32, #tpu.memory_space<vmem>>, vector<1x1x16xf32>,
      %swap3A_538 = vector.shape_cast %swap3A_537 : vector<1x1x16xf32> to vector<16xf32>
      %swap3A_539 = vector.shape_cast %get3A_531 : vector<16xf32> to vector<1x1x16xf32>
      tpu.vector_store %arg13[%swap3A_534, %swap3A_535, %swap3A_536], %swap3A_539 {strides = array<i32>} : memref<1x4x128xf32, #tpu.memory_space<vmem>>, vector<1x1x16xf32>,
      %get3A_540 = arith.constant 0 : i32
      %get3A_541 = arith.index_cast %get3A_540 : i32 to index
      %get3A_542 = arith.constant 32 : index
      %get3A_543 = tpu.vector_load %arg15[%get3A_541, %get3A_542] {strides = array<i32>} : memref<1x128xf32, #tpu.memory_space<vmem>>, vector<1x16xf32>,
      %get3A_544 = vector.shape_cast %get3A_543 : vector<1x16xf32> to vector<16xf32>
      %swap3A_545 = arith.constant 0 : i32
      %swap3A_546 = arith.constant 2 : i32
      %swap3A_547 = arith.index_cast %swap3A_545 : i32 to index
      %swap3A_548 = arith.index_cast %swap3A_546 : i32 to index
      %swap3A_549 = arith.constant 32 : index
      %swap3A_550 = tpu.vector_load %arg13[%swap3A_547, %swap3A_548, %swap3A_549] {strides = array<i32>} : memref<1x4x128xf32, #tpu.memory_space<vmem>>, vector<1x1x16xf32>,
      %swap3A_551 = vector.shape_cast %swap3A_550 : vector<1x1x16xf32> to vector<16xf32>
      %swap3A_552 = vector.shape_cast %get3A_544 : vector<16xf32> to vector<1x1x16xf32>
      tpu.vector_store %arg13[%swap3A_547, %swap3A_548, %swap3A_549], %swap3A_552 {strides = array<i32>} : memref<1x4x128xf32, #tpu.memory_space<vmem>>, vector<1x1x16xf32>,
      %get3A_553 = arith.constant 0 : i32
      %get3A_554 = arith.index_cast %get3A_553 : i32 to index
      %get3A_555 = arith.constant 48 : index
      %get3A_556 = tpu.vector_load %arg15[%get3A_554, %get3A_555] {strides = array<i32>} : memref<1x128xf32, #tpu.memory_space<vmem>>, vector<1x16xf32>,
      %get3A_557 = vector.shape_cast %get3A_556 : vector<1x16xf32> to vector<16xf32>
      %swap3A_558 = arith.constant 0 : i32
      %swap3A_559 = arith.constant 2 : i32
      %swap3A_560 = arith.index_cast %swap3A_558 : i32 to index
      %swap3A_561 = arith.index_cast %swap3A_559 : i32 to index
      %swap3A_562 = arith.constant 48 : index
      %swap3A_563 = tpu.vector_load %arg13[%swap3A_560, %swap3A_561, %swap3A_562] {strides = array<i32>} : memref<1x4x128xf32, #tpu.memory_space<vmem>>, vector<1x1x16xf32>,
      %swap3A_564 = vector.shape_cast %swap3A_563 : vector<1x1x16xf32> to vector<16xf32>
      %swap3A_565 = vector.shape_cast %get3A_557 : vector<16xf32> to vector<1x1x16xf32>
      tpu.vector_store %arg13[%swap3A_560, %swap3A_561, %swap3A_562], %swap3A_565 {strides = array<i32>} : memref<1x4x128xf32, #tpu.memory_space<vmem>>, vector<1x1x16xf32>,
      %get3A_566 = arith.constant 0 : i32
      %get3A_567 = arith.index_cast %get3A_566 : i32 to index
      %get3A_568 = arith.constant 64 : index
      %get3A_569 = tpu.vector_load %arg15[%get3A_567, %get3A_568] {strides = array<i32>} : memref<1x128xf32, #tpu.memory_space<vmem>>, vector<1x16xf32>,
      %get3A_570 = vector.shape_cast %get3A_569 : vector<1x16xf32> to vector<16xf32>
      %swap3A_571 = arith.constant 0 : i32
      %swap3A_572 = arith.constant 2 : i32
      %swap3A_573 = arith.index_cast %swap3A_571 : i32 to index
      %swap3A_574 = arith.index_cast %swap3A_572 : i32 to index
      %swap3A_575 = arith.constant 64 : index
      %swap3A_576 = tpu.vector_load %arg13[%swap3A_573, %swap3A_574, %swap3A_575] {strides = array<i32>} : memref<1x4x128xf32, #tpu.memory_space<vmem>>, vector<1x1x16xf32>,
      %swap3A_577 = vector.shape_cast %swap3A_576 : vector<1x1x16xf32> to vector<16xf32>
      %swap3A_578 = vector.shape_cast %get3A_570 : vector<16xf32> to vector<1x1x16xf32>
      tpu.vector_store %arg13[%swap3A_573, %swap3A_574, %swap3A_575], %swap3A_578 {strides = array<i32>} : memref<1x4x128xf32, #tpu.memory_space<vmem>>, vector<1x1x16xf32>,
      %get3A_579 = arith.constant 0 : i32
      %get3A_580 = arith.index_cast %get3A_579 : i32 to index
      %get3A_581 = arith.constant 80 : index
      %get3A_582 = tpu.vector_load %arg15[%get3A_580, %get3A_581] {strides = array<i32>} : memref<1x128xf32, #tpu.memory_space<vmem>>, vector<1x16xf32>,
      %get3A_583 = vector.shape_cast %get3A_582 : vector<1x16xf32> to vector<16xf32>
      %swap3A_584 = arith.constant 0 : i32
      %swap3A_585 = arith.constant 2 : i32
      %swap3A_586 = arith.index_cast %swap3A_584 : i32 to index
      %swap3A_587 = arith.index_cast %swap3A_585 : i32 to index
      %swap3A_588 = arith.constant 80 : index
      %swap3A_589 = tpu.vector_load %arg13[%swap3A_586, %swap3A_587, %swap3A_588] {strides = array<i32>} : memref<1x4x128xf32, #tpu.memory_space<vmem>>, vector<1x1x16xf32>,
      %swap3A_590 = vector.shape_cast %swap3A_589 : vector<1x1x16xf32> to vector<16xf32>
      %swap3A_591 = vector.shape_cast %get3A_583 : vector<16xf32> to vector<1x1x16xf32>
      tpu.vector_store %arg13[%swap3A_586, %swap3A_587, %swap3A_588], %swap3A_591 {strides = array<i32>} : memref<1x4x128xf32, #tpu.memory_space<vmem>>, vector<1x1x16xf32>,
      %get3A_592 = arith.constant 0 : i32
      %get3A_593 = arith.index_cast %get3A_592 : i32 to index
      %get3A_594 = arith.constant 96 : index
      %get3A_595 = tpu.vector_load %arg15[%get3A_593, %get3A_594] {strides = array<i32>} : memref<1x128xf32, #tpu.memory_space<vmem>>, vector<1x16xf32>,
      %get3A_596 = vector.shape_cast %get3A_595 : vector<1x16xf32> to vector<16xf32>
      %swap3A_597 = arith.constant 0 : i32
      %swap3A_598 = arith.constant 2 : i32
      %swap3A_599 = arith.index_cast %swap3A_597 : i32 to index
      %swap3A_600 = arith.index_cast %swap3A_598 : i32 to index
      %swap3A_601 = arith.constant 96 : index
      %swap3A_602 = tpu.vector_load %arg13[%swap3A_599, %swap3A_600, %swap3A_601] {strides = array<i32>} : memref<1x4x128xf32, #tpu.memory_space<vmem>>, vector<1x1x16xf32>,
      %swap3A_603 = vector.shape_cast %swap3A_602 : vector<1x1x16xf32> to vector<16xf32>
      %swap3A_604 = vector.shape_cast %get3A_596 : vector<16xf32> to vector<1x1x16xf32>
      tpu.vector_store %arg13[%swap3A_599, %swap3A_600, %swap3A_601], %swap3A_604 {strides = array<i32>} : memref<1x4x128xf32, #tpu.memory_space<vmem>>, vector<1x1x16xf32>,
      %get3A_605 = arith.constant 0 : i32
      %get3A_606 = arith.index_cast %get3A_605 : i32 to index
      %get3A_607 = arith.constant 112 : index
      %get3A_608 = tpu.vector_load %arg15[%get3A_606, %get3A_607] {strides = array<i32>} : memref<1x128xf32, #tpu.memory_space<vmem>>, vector<1x16xf32>,
      %get3A_609 = vector.shape_cast %get3A_608 : vector<1x16xf32> to vector<16xf32>
      %swap3A_610 = arith.constant 0 : i32
      %swap3A_611 = arith.constant 2 : i32
      %swap3A_612 = arith.index_cast %swap3A_610 : i32 to index
      %swap3A_613 = arith.index_cast %swap3A_611 : i32 to index
      %swap3A_614 = arith.constant 112 : index
      %swap3A_615 = tpu.vector_load %arg13[%swap3A_612, %swap3A_613, %swap3A_614] {strides = array<i32>} : memref<1x4x128xf32, #tpu.memory_space<vmem>>, vector<1x1x16xf32>,
      %swap3A_616 = vector.shape_cast %swap3A_615 : vector<1x1x16xf32> to vector<16xf32>
      %swap3A_617 = vector.shape_cast %get3A_609 : vector<16xf32> to vector<1x1x16xf32>
      tpu.vector_store %arg13[%swap3A_612, %swap3A_613, %swap3A_614], %swap3A_617 {strides = array<i32>} : memref<1x4x128xf32, #tpu.memory_space<vmem>>, vector<1x1x16xf32>,
      %get3A_618 = arith.constant 0 : i32
      %get3A_619 = arith.index_cast %get3A_618 : i32 to index
      %get3A_620 = arith.constant 0 : index
      %get3A_621 = tpu.vector_load %arg15[%get3A_619, %get3A_620] {strides = array<i32>} : memref<1x128xf32, #tpu.memory_space<vmem>>, vector<1x16xf32>,
      %get3A_622 = vector.shape_cast %get3A_621 : vector<1x16xf32> to vector<16xf32>
      %swap3A_623 = arith.constant 0 : i32
      %swap3A_624 = arith.constant 3 : i32
      %swap3A_625 = arith.index_cast %swap3A_623 : i32 to index
      %swap3A_626 = arith.index_cast %swap3A_624 : i32 to index
      %swap3A_627 = arith.constant 0 : index
      %swap3A_628 = tpu.vector_load %arg13[%swap3A_625, %swap3A_626, %swap3A_627] {strides = array<i32>} : memref<1x4x128xf32, #tpu.memory_space<vmem>>, vector<1x1x16xf32>,
      %swap3A_629 = vector.shape_cast %swap3A_628 : vector<1x1x16xf32> to vector<16xf32>
      %swap3A_630 = vector.shape_cast %get3A_622 : vector<16xf32> to vector<1x1x16xf32>
      tpu.vector_store %arg13[%swap3A_625, %swap3A_626, %swap3A_627], %swap3A_630 {strides = array<i32>} : memref<1x4x128xf32, #tpu.memory_space<vmem>>, vector<1x1x16xf32>,
      %get3A_631 = arith.constant 0 : i32
      %get3A_632 = arith.index_cast %get3A_631 : i32 to index
      %get3A_633 = arith.constant 16 : index
      %get3A_634 = tpu.vector_load %arg15[%get3A_632, %get3A_633] {strides = array<i32>} : memref<1x128xf32, #tpu.memory_space<vmem>>, vector<1x16xf32>,
      %get3A_635 = vector.shape_cast %get3A_634 : vector<1x16xf32> to vector<16xf32>
      %swap3A_636 = arith.constant 0 : i32
      %swap3A_637 = arith.constant 3 : i32
      %swap3A_638 = arith.index_cast %swap3A_636 : i32 to index
      %swap3A_639 = arith.index_cast %swap3A_637 : i32 to index
      %swap3A_640 = arith.constant 16 : index
      %swap3A_641 = tpu.vector_load %arg13[%swap3A_638, %swap3A_639, %swap3A_640] {strides = array<i32>} : memref<1x4x128xf32, #tpu.memory_space<vmem>>, vector<1x1x16xf32>,
      %swap3A_642 = vector.shape_cast %swap3A_641 : vector<1x1x16xf32> to vector<16xf32>
      %swap3A_643 = vector.shape_cast %get3A_635 : vector<16xf32> to vector<1x1x16xf32>
      tpu.vector_store %arg13[%swap3A_638, %swap3A_639, %swap3A_640], %swap3A_643 {strides = array<i32>} : memref<1x4x128xf32, #tpu.memory_space<vmem>>, vector<1x1x16xf32>,
      %get3A_644 = arith.constant 0 : i32
      %get3A_645 = arith.index_cast %get3A_644 : i32 to index
      %get3A_646 = arith.constant 32 : index
      %get3A_647 = tpu.vector_load %arg15[%get3A_645, %get3A_646] {strides = array<i32>} : memref<1x128xf32, #tpu.memory_space<vmem>>, vector<1x16xf32>,
      %get3A_648 = vector.shape_cast %get3A_647 : vector<1x16xf32> to vector<16xf32>
      %swap3A_649 = arith.constant 0 : i32
      %swap3A_650 = arith.constant 3 : i32
      %swap3A_651 = arith.index_cast %swap3A_649 : i32 to index
      %swap3A_652 = arith.index_cast %swap3A_650 : i32 to index
      %swap3A_653 = arith.constant 32 : index
      %swap3A_654 = tpu.vector_load %arg13[%swap3A_651, %swap3A_652, %swap3A_653] {strides = array<i32>} : memref<1x4x128xf32, #tpu.memory_space<vmem>>, vector<1x1x16xf32>,
      %swap3A_655 = vector.shape_cast %swap3A_654 : vector<1x1x16xf32> to vector<16xf32>
      %swap3A_656 = vector.shape_cast %get3A_648 : vector<16xf32> to vector<1x1x16xf32>
      tpu.vector_store %arg13[%swap3A_651, %swap3A_652, %swap3A_653], %swap3A_656 {strides = array<i32>} : memref<1x4x128xf32, #tpu.memory_space<vmem>>, vector<1x1x16xf32>,
      %get3A_657 = arith.constant 0 : i32
      %get3A_658 = arith.index_cast %get3A_657 : i32 to index
      %get3A_659 = arith.constant 48 : index
      %get3A_660 = tpu.vector_load %arg15[%get3A_658, %get3A_659] {strides = array<i32>} : memref<1x128xf32, #tpu.memory_space<vmem>>, vector<1x16xf32>,
      %get3A_661 = vector.shape_cast %get3A_660 : vector<1x16xf32> to vector<16xf32>
      %swap3A_662 = arith.constant 0 : i32
      %swap3A_663 = arith.constant 3 : i32
      %swap3A_664 = arith.index_cast %swap3A_662 : i32 to index
      %swap3A_665 = arith.index_cast %swap3A_663 : i32 to index
      %swap3A_666 = arith.constant 48 : index
      %swap3A_667 = tpu.vector_load %arg13[%swap3A_664, %swap3A_665, %swap3A_666] {strides = array<i32>} : memref<1x4x128xf32, #tpu.memory_space<vmem>>, vector<1x1x16xf32>,
      %swap3A_668 = vector.shape_cast %swap3A_667 : vector<1x1x16xf32> to vector<16xf32>
      %swap3A_669 = vector.shape_cast %get3A_661 : vector<16xf32> to vector<1x1x16xf32>
      tpu.vector_store %arg13[%swap3A_664, %swap3A_665, %swap3A_666], %swap3A_669 {strides = array<i32>} : memref<1x4x128xf32, #tpu.memory_space<vmem>>, vector<1x1x16xf32>,
      %get3A_670 = arith.constant 0 : i32
      %get3A_671 = arith.index_cast %get3A_670 : i32 to index
      %get3A_672 = arith.constant 64 : index
      %get3A_673 = tpu.vector_load %arg15[%get3A_671, %get3A_672] {strides = array<i32>} : memref<1x128xf32, #tpu.memory_space<vmem>>, vector<1x16xf32>,
      %get3A_674 = vector.shape_cast %get3A_673 : vector<1x16xf32> to vector<16xf32>
      %swap3A_675 = arith.constant 0 : i32
      %swap3A_676 = arith.constant 3 : i32
      %swap3A_677 = arith.index_cast %swap3A_675 : i32 to index
      %swap3A_678 = arith.index_cast %swap3A_676 : i32 to index
      %swap3A_679 = arith.constant 64 : index
      %swap3A_680 = tpu.vector_load %arg13[%swap3A_677, %swap3A_678, %swap3A_679] {strides = array<i32>} : memref<1x4x128xf32, #tpu.memory_space<vmem>>, vector<1x1x16xf32>,
      %swap3A_681 = vector.shape_cast %swap3A_680 : vector<1x1x16xf32> to vector<16xf32>
      %swap3A_682 = vector.shape_cast %get3A_674 : vector<16xf32> to vector<1x1x16xf32>
      tpu.vector_store %arg13[%swap3A_677, %swap3A_678, %swap3A_679], %swap3A_682 {strides = array<i32>} : memref<1x4x128xf32, #tpu.memory_space<vmem>>, vector<1x1x16xf32>,
      %get3A_683 = arith.constant 0 : i32
      %get3A_684 = arith.index_cast %get3A_683 : i32 to index
      %get3A_685 = arith.constant 80 : index
      %get3A_686 = tpu.vector_load %arg15[%get3A_684, %get3A_685] {strides = array<i32>} : memref<1x128xf32, #tpu.memory_space<vmem>>, vector<1x16xf32>,
      %get3A_687 = vector.shape_cast %get3A_686 : vector<1x16xf32> to vector<16xf32>
      %swap3A_688 = arith.constant 0 : i32
      %swap3A_689 = arith.constant 3 : i32
      %swap3A_690 = arith.index_cast %swap3A_688 : i32 to index
      %swap3A_691 = arith.index_cast %swap3A_689 : i32 to index
      %swap3A_692 = arith.constant 80 : index
      %swap3A_693 = tpu.vector_load %arg13[%swap3A_690, %swap3A_691, %swap3A_692] {strides = array<i32>} : memref<1x4x128xf32, #tpu.memory_space<vmem>>, vector<1x1x16xf32>,
      %swap3A_694 = vector.shape_cast %swap3A_693 : vector<1x1x16xf32> to vector<16xf32>
      %swap3A_695 = vector.shape_cast %get3A_687 : vector<16xf32> to vector<1x1x16xf32>
      tpu.vector_store %arg13[%swap3A_690, %swap3A_691, %swap3A_692], %swap3A_695 {strides = array<i32>} : memref<1x4x128xf32, #tpu.memory_space<vmem>>, vector<1x1x16xf32>,
      %get3A_696 = arith.constant 0 : i32
      %get3A_697 = arith.index_cast %get3A_696 : i32 to index
      %get3A_698 = arith.constant 96 : index
      %get3A_699 = tpu.vector_load %arg15[%get3A_697, %get3A_698] {strides = array<i32>} : memref<1x128xf32, #tpu.memory_space<vmem>>, vector<1x16xf32>,
      %get3A_700 = vector.shape_cast %get3A_699 : vector<1x16xf32> to vector<16xf32>
      %swap3A_701 = arith.constant 0 : i32
      %swap3A_702 = arith.constant 3 : i32
      %swap3A_703 = arith.index_cast %swap3A_701 : i32 to index
      %swap3A_704 = arith.index_cast %swap3A_702 : i32 to index
      %swap3A_705 = arith.constant 96 : index
      %swap3A_706 = tpu.vector_load %arg13[%swap3A_703, %swap3A_704, %swap3A_705] {strides = array<i32>} : memref<1x4x128xf32, #tpu.memory_space<vmem>>, vector<1x1x16xf32>,
      %swap3A_707 = vector.shape_cast %swap3A_706 : vector<1x1x16xf32> to vector<16xf32>
      %swap3A_708 = vector.shape_cast %get3A_700 : vector<16xf32> to vector<1x1x16xf32>
      tpu.vector_store %arg13[%swap3A_703, %swap3A_704, %swap3A_705], %swap3A_708 {strides = array<i32>} : memref<1x4x128xf32, #tpu.memory_space<vmem>>, vector<1x1x16xf32>,
      %get3A_709 = arith.constant 0 : i32
      %get3A_710 = arith.index_cast %get3A_709 : i32 to index
      %get3A_711 = arith.constant 112 : index
      %get3A_712 = tpu.vector_load %arg15[%get3A_710, %get3A_711] {strides = array<i32>} : memref<1x128xf32, #tpu.memory_space<vmem>>, vector<1x16xf32>,
      %get3A_713 = vector.shape_cast %get3A_712 : vector<1x16xf32> to vector<16xf32>
      %swap3A_714 = arith.constant 0 : i32
      %swap3A_715 = arith.constant 3 : i32
      %swap3A_716 = arith.index_cast %swap3A_714 : i32 to index
      %swap3A_717 = arith.index_cast %swap3A_715 : i32 to index
      %swap3A_718 = arith.constant 112 : index
      %swap3A_719 = tpu.vector_load %arg13[%swap3A_716, %swap3A_717, %swap3A_718] {strides = array<i32>} : memref<1x4x128xf32, #tpu.memory_space<vmem>>, vector<1x1x16xf32>,
      %swap3A_720 = vector.shape_cast %swap3A_719 : vector<1x1x16xf32> to vector<16xf32>
      %swap3A_721 = vector.shape_cast %get3A_713 : vector<16xf32> to vector<1x1x16xf32>
      tpu.vector_store %arg13[%swap3A_716, %swap3A_717, %swap3A_718], %swap3A_721 {strides = array<i32>} : memref<1x4x128xf32, #tpu.memory_space<vmem>>, vector<1x1x16xf32>,
      %dma_start3A_722 = arith.constant 0 : i32
      %dma_start3A_723 = arith.constant 0 : i32
      %dma_start3A_724 = arith.constant 0 : i32
      %dma_start3A_725 = tpu.memref_slice %arg7[%dma_start3A_722, %dma_start3A_723, %dma_start3A_724] : memref<8193x4x128xf32, #tpu.memory_space<hbm>> -> memref<1x4x128xf32, #tpu.memory_space<hbm>>
      %dma_start3A_726 = arith.constant 0 : i32
      %dma_start3A_727 = arith.constant 0 : i32
      %dma_start3A_728 = arith.constant 0 : i32
      %dma_start3A_729 = tpu.memref_slice %arg7[%dma_start3A_726, %dma_start3A_727, %dma_start3A_728] : memref<8193x4x128xf32, #tpu.memory_space<hbm>> -> memref<1x4x128xf32, #tpu.memory_space<hbm>>
      tpu.enqueue_dma source(%arg13 : memref<1x4x128xf32, #tpu.memory_space<vmem>>) target(%dma_start3A_729 : memref<1x4x128xf32, #tpu.memory_space<hbm>>) target_semaphore(%arg20 : memref<!tpu.dma_semaphore, #tpu.memory_space<semaphore_mem>>)
      %dma_wait3A_730 = arith.constant 0 : i32
      %dma_wait3A_731 = arith.constant 0 : i32
      %dma_wait3A_732 = arith.constant 0 : i32
      %dma_wait3A_733 = tpu.memref_slice %arg7[%dma_wait3A_730, %dma_wait3A_731, %dma_wait3A_732] : memref<8193x4x128xf32, #tpu.memory_space<hbm>> -> memref<1x4x128xf32, #tpu.memory_space<hbm>>
      %dma_wait3A_734 = arith.constant 0 : i32
      %dma_wait3A_735 = arith.constant 0 : i32
      %dma_wait3A_736 = arith.constant 0 : i32
      %dma_wait3A_737 = tpu.memref_slice %arg7[%dma_wait3A_734, %dma_wait3A_735, %dma_wait3A_736] : memref<8193x4x128xf32, #tpu.memory_space<hbm>> -> memref<1x4x128xf32, #tpu.memory_space<hbm>>
      tpu.wait_dma2 semaphore(%arg20 : memref<!tpu.dma_semaphore, #tpu.memory_space<semaphore_mem>>) src(%arg13 : memref<1x4x128xf32, #tpu.memory_space<vmem>>) dst(%dma_wait3A_737 : memref<1x4x128xf32, #tpu.memory_space<hbm>>)
    } else {
    }
    %dma_wait3A_116 = arith.constant 0 : i32
    %dma_wait3A_117 = arith.constant 0 : i32
    %dma_wait3A_118 = arith.constant 0 : i32
    %dma_wait3A_119 = tpu.memref_slice %arg2[%dma_wait3A_116, %dma_wait3A_117, %dma_wait3A_118] : memref<4x4096x128xf32, #tpu.memory_space<hbm>> -> memref<4x32x128xf32, #tpu.memory_space<hbm>>
    %dma_wait3A_120 = arith.constant 0 : i32
    %dma_wait3A_121 = arith.constant 0 : i32
    %dma_wait3A_122 = arith.constant 0 : i32
    %dma_wait3A_123 = tpu.memref_slice %arg2[%dma_wait3A_120, %dma_wait3A_121, %dma_wait3A_122] : memref<4x4096x128xf32, #tpu.memory_space<hbm>> -> memref<4x32x128xf32, #tpu.memory_space<hbm>>
    tpu.wait_dma2 semaphore(%arg16 : memref<!tpu.dma_semaphore, #tpu.memory_space<semaphore_mem>>) src(%dma_wait3A_123 : memref<4x32x128xf32, #tpu.memory_space<hbm>>) dst(%arg9 : memref<4x32x128xf32, #tpu.memory_space<vmem>>)
    %le3A_124 = arith.constant 0 : i32
    %le3A_125 = arith.constant 3 : i32
    %le3A_126 = arith.cmpi sle, %le3A_124, %le3A_125 : i32
    %jit3A = arith.constant 1.000000e+00 : f32
    %jit3A_127 = arith.constant 0.000000e+00 : f32
    %select_n3A = arith.select %le3A_126, %jit3A, %jit3A_127 : f32
    %sub3A = arith.subf %get3A_36, %get3A_76 : vector<16xf32>
    %mul3A_128 = vector.broadcast %select_n3A : f32 to vector<16xf32>
    %mul3A_129 = arith.mulf %sub3A, %mul3A_128 : vector<16xf32>
    %add3A_130 = arith.addf %get3A_76, %mul3A_129 : vector<16xf32>
    %sub3A_131 = arith.subf %get3A_41, %get3A_81 : vector<16xf32>
    %mul3A_132 = vector.broadcast %select_n3A : f32 to vector<16xf32>
    %mul3A_133 = arith.mulf %sub3A_131, %mul3A_132 : vector<16xf32>
    %add3A_134 = arith.addf %get3A_81, %mul3A_133 : vector<16xf32>
    %sub3A_135 = arith.subf %get3A_46, %get3A_86 : vector<16xf32>
    %mul3A_136 = vector.broadcast %select_n3A : f32 to vector<16xf32>
    %mul3A_137 = arith.mulf %sub3A_135, %mul3A_136 : vector<16xf32>
    %add3A_138 = arith.addf %get3A_86, %mul3A_137 : vector<16xf32>
    %sub3A_139 = arith.subf %get3A_51, %get3A_91 : vector<16xf32>
    %mul3A_140 = vector.broadcast %select_n3A : f32 to vector<16xf32>
    %mul3A_141 = arith.mulf %sub3A_139, %mul3A_140 : vector<16xf32>
    %add3A_142 = arith.addf %get3A_91, %mul3A_141 : vector<16xf32>
    %sub3A_143 = arith.subf %get3A_56, %get3A_96 : vector<16xf32>
    %mul3A_144 = vector.broadcast %select_n3A : f32 to vector<16xf32>
    %mul3A_145 = arith.mulf %sub3A_143, %mul3A_144 : vector<16xf32>
    %add3A_146 = arith.addf %get3A_96, %mul3A_145 : vector<16xf32>
    %sub3A_147 = arith.subf %get3A_61, %get3A_101 : vector<16xf32>
    %mul3A_148 = vector.broadcast %select_n3A : f32 to vector<16xf32>
    %mul3A_149 = arith.mulf %sub3A_147, %mul3A_148 : vector<16xf32>
    %add3A_150 = arith.addf %get3A_101, %mul3A_149 : vector<16xf32>
    %sub3A_151 = arith.subf %get3A_66, %get3A_106 : vector<16xf32>
    %mul3A_152 = vector.broadcast %select_n3A : f32 to vector<16xf32>
    %mul3A_153 = arith.mulf %sub3A_151, %mul3A_152 : vector<16xf32>
    %add3A_154 = arith.addf %get3A_106, %mul3A_153 : vector<16xf32>
    %sub3A_155 = arith.subf %get3A_71, %get3A_111 : vector<16xf32>
    %mul3A_156 = vector.broadcast %select_n3A : f32 to vector<16xf32>
    %mul3A_157 = arith.mulf %sub3A_155, %mul3A_156 : vector<16xf32>
    %add3A_158 = arith.addf %get3A_111, %mul3A_157 : vector<16xf32>
    %ge3A_159 = arith.constant 0 : i32
    %ge3A_160 = arith.constant 4 : i32
    %ge3A_161 = arith.cmpi sge, %ge3A_159, %ge3A_160 : i32
    %jit3A_162 = arith.constant 1 : i32
    %jit3A_163 = arith.constant 0 : i32
    %select_n3A_164 = arith.select %ge3A_161, %jit3A_162, %jit3A_163 : i32
    %mul3A_165 = arith.constant 4 : i32
    %mul3A_166 = arith.muli %mul3A_165, %select_n3A_164 : i32
    %sub3A_167 = arith.constant 0 : i32
    %sub3A_168 = arith.subi %sub3A_167, %mul3A_166 : i32
    %mul3A_169 = arith.constant 32 : i32
    %mul3A_170 = arith.muli %sub3A_168, %mul3A_169 : i32
    %parallel_loop3A = arith.constant 0 : i32
    %parallel_loop3A_171 = arith.constant 32 : i32
    %parallel_loop3A_172 = arith.constant 1 : i32
    scf.for %parallel_loop3A_307 = %parallel_loop3A to %parallel_loop3A_171 step %parallel_loop3A_172  : i32 {
      %parallel_loop3A_308 = arith.addi %mul3A_170, %parallel_loop3A_307 : i32
      %parallel_loop3A_309 = arith.index_cast %parallel_loop3A_308 : i32 to index
      %parallel_loop3A_310 = arith.constant 0 : index
      %parallel_loop3A_311 = tpu.vector_load %arg8[%parallel_loop3A_309, %parallel_loop3A_310] {strides = array<i32>} : memref<128x128xf32, #tpu.memory_space<vmem>>, vector<1x16xf32>,
      %parallel_loop3A_312 = vector.shape_cast %parallel_loop3A_311 : vector<1x16xf32> to vector<16xf32>
      %parallel_loop3A_313 = arith.addf %parallel_loop3A_312, %add3A_130 : vector<16xf32>
      %parallel_loop3A_314 = arith.constant 0 : i32
      %parallel_loop3A_315 = arith.index_cast %parallel_loop3A_314 : i32 to index
      %parallel_loop3A_316 = arith.index_cast %parallel_loop3A_307 : i32 to index
      %parallel_loop3A_317 = arith.constant 0 : index
      %parallel_loop3A_318 = tpu.vector_load %arg9[%parallel_loop3A_315, %parallel_loop3A_316, %parallel_loop3A_317] {strides = array<i32>} : memref<4x32x128xf32, #tpu.memory_space<vmem>>, vector<1x1x16xf32>,
      %parallel_loop3A_319 = vector.shape_cast %parallel_loop3A_318 : vector<1x1x16xf32> to vector<16xf32>
      %parallel_loop3A_320 = arith.addf %parallel_loop3A_319, %parallel_loop3A_313 : vector<16xf32>
      %parallel_loop3A_321 = arith.constant 0 : i32
      %parallel_loop3A_322 = arith.index_cast %parallel_loop3A_307 : i32 to index
      %parallel_loop3A_323 = arith.index_cast %parallel_loop3A_321 : i32 to index
      %parallel_loop3A_324 = arith.constant 0 : index
      %parallel_loop3A_325 = tpu.vector_load %arg11[%parallel_loop3A_322, %parallel_loop3A_323, %parallel_loop3A_324] {strides = array<i32>} : memref<32x4x128xf32, #tpu.memory_space<vmem>>, vector<1x1x16xf32>,
      %parallel_loop3A_326 = vector.shape_cast %parallel_loop3A_325 : vector<1x1x16xf32> to vector<16xf32>
      %parallel_loop3A_327 = vector.shape_cast %parallel_loop3A_320 : vector<16xf32> to vector<1x1x16xf32>
      tpu.vector_store %arg11[%parallel_loop3A_322, %parallel_loop3A_323, %parallel_loop3A_324], %parallel_loop3A_327 {strides = array<i32>} : memref<32x4x128xf32, #tpu.memory_space<vmem>>, vector<1x1x16xf32>,
      %parallel_loop3A_328 = arith.constant 1 : i32
      %parallel_loop3A_329 = arith.index_cast %parallel_loop3A_328 : i32 to index
      %parallel_loop3A_330 = arith.index_cast %parallel_loop3A_307 : i32 to index
      %parallel_loop3A_331 = arith.constant 0 : index
      %parallel_loop3A_332 = tpu.vector_load %arg9[%parallel_loop3A_329, %parallel_loop3A_330, %parallel_loop3A_331] {strides = array<i32>} : memref<4x32x128xf32, #tpu.memory_space<vmem>>, vector<1x1x16xf32>,
      %parallel_loop3A_333 = vector.shape_cast %parallel_loop3A_332 : vector<1x1x16xf32> to vector<16xf32>
      %parallel_loop3A_334 = arith.addf %parallel_loop3A_333, %parallel_loop3A_313 : vector<16xf32>
      %parallel_loop3A_335 = arith.constant 1 : i32
      %parallel_loop3A_336 = arith.index_cast %parallel_loop3A_307 : i32 to index
      %parallel_loop3A_337 = arith.index_cast %parallel_loop3A_335 : i32 to index
      %parallel_loop3A_338 = arith.constant 0 : index
      %parallel_loop3A_339 = tpu.vector_load %arg11[%parallel_loop3A_336, %parallel_loop3A_337, %parallel_loop3A_338] {strides = array<i32>} : memref<32x4x128xf32, #tpu.memory_space<vmem>>, vector<1x1x16xf32>,
      %parallel_loop3A_340 = vector.shape_cast %parallel_loop3A_339 : vector<1x1x16xf32> to vector<16xf32>
      %parallel_loop3A_341 = vector.shape_cast %parallel_loop3A_334 : vector<16xf32> to vector<1x1x16xf32>
      tpu.vector_store %arg11[%parallel_loop3A_336, %parallel_loop3A_337, %parallel_loop3A_338], %parallel_loop3A_341 {strides = array<i32>} : memref<32x4x128xf32, #tpu.memory_space<vmem>>, vector<1x1x16xf32>,
      %parallel_loop3A_342 = arith.constant 2 : i32
      %parallel_loop3A_343 = arith.index_cast %parallel_loop3A_342 : i32 to index
      %parallel_loop3A_344 = arith.index_cast %parallel_loop3A_307 : i32 to index
      %parallel_loop3A_345 = arith.constant 0 : index
      %parallel_loop3A_346 = tpu.vector_load %arg9[%parallel_loop3A_343, %parallel_loop3A_344, %parallel_loop3A_345] {strides = array<i32>} : memref<4x32x128xf32, #tpu.memory_space<vmem>>, vector<1x1x16xf32>,
      %parallel_loop3A_347 = vector.shape_cast %parallel_loop3A_346 : vector<1x1x16xf32> to vector<16xf32>
      %parallel_loop3A_348 = arith.addf %parallel_loop3A_347, %parallel_loop3A_313 : vector<16xf32>
      %parallel_loop3A_349 = arith.constant 2 : i32
      %parallel_loop3A_350 = arith.index_cast %parallel_loop3A_307 : i32 to index
      %parallel_loop3A_351 = arith.index_cast %parallel_loop3A_349 : i32 to index
      %parallel_loop3A_352 = arith.constant 0 : index
      %parallel_loop3A_353 = tpu.vector_load %arg11[%parallel_loop3A_350, %parallel_loop3A_351, %parallel_loop3A_352] {strides = array<i32>} : memref<32x4x128xf32, #tpu.memory_space<vmem>>, vector<1x1x16xf32>,
      %parallel_loop3A_354 = vector.shape_cast %parallel_loop3A_353 : vector<1x1x16xf32> to vector<16xf32>
      %parallel_loop3A_355 = vector.shape_cast %parallel_loop3A_348 : vector<16xf32> to vector<1x1x16xf32>
      tpu.vector_store %arg11[%parallel_loop3A_350, %parallel_loop3A_351, %parallel_loop3A_352], %parallel_loop3A_355 {strides = array<i32>} : memref<32x4x128xf32, #tpu.memory_space<vmem>>, vector<1x1x16xf32>,
      %parallel_loop3A_356 = arith.constant 3 : i32
      %parallel_loop3A_357 = arith.index_cast %parallel_loop3A_356 : i32 to index
      %parallel_loop3A_358 = arith.index_cast %parallel_loop3A_307 : i32 to index
      %parallel_loop3A_359 = arith.constant 0 : index
      %parallel_loop3A_360 = tpu.vector_load %arg9[%parallel_loop3A_357, %parallel_loop3A_358, %parallel_loop3A_359] {strides = array<i32>} : memref<4x32x128xf32, #tpu.memory_space<vmem>>, vector<1x1x16xf32>,
      %parallel_loop3A_361 = vector.shape_cast %parallel_loop3A_360 : vector<1x1x16xf32> to vector<16xf32>
      %parallel_loop3A_362 = arith.addf %parallel_loop3A_361, %parallel_loop3A_313 : vector<16xf32>
      %parallel_loop3A_363 = arith.constant 3 : i32
      %parallel_loop3A_364 = arith.index_cast %parallel_loop3A_307 : i32 to index
      %parallel_loop3A_365 = arith.index_cast %parallel_loop3A_363 : i32 to index
      %parallel_loop3A_366 = arith.constant 0 : index
      %parallel_loop3A_367 = tpu.vector_load %arg11[%parallel_loop3A_364, %parallel_loop3A_365, %parallel_loop3A_366] {strides = array<i32>} : memref<32x4x128xf32, #tpu.memory_space<vmem>>, vector<1x1x16xf32>,
      %parallel_loop3A_368 = vector.shape_cast %parallel_loop3A_367 : vector<1x1x16xf32> to vector<16xf32>
      %parallel_loop3A_369 = vector.shape_cast %parallel_loop3A_362 : vector<16xf32> to vector<1x1x16xf32>
      tpu.vector_store %arg11[%parallel_loop3A_364, %parallel_loop3A_365, %parallel_loop3A_366], %parallel_loop3A_369 {strides = array<i32>} : memref<32x4x128xf32, #tpu.memory_space<vmem>>, vector<1x1x16xf32>,
      %parallel_loop3A_370 = arith.index_cast %parallel_loop3A_308 : i32 to index
      %parallel_loop3A_371 = arith.constant 16 : index
      %parallel_loop3A_372 = tpu.vector_load %arg8[%parallel_loop3A_370, %parallel_loop3A_371] {strides = array<i32>} : memref<128x128xf32, #tpu.memory_space<vmem>>, vector<1x16xf32>,
      %parallel_loop3A_373 = vector.shape_cast %parallel_loop3A_372 : vector<1x16xf32> to vector<16xf32>
      %parallel_loop3A_374 = arith.addf %parallel_loop3A_373, %add3A_134 : vector<16xf32>
      %parallel_loop3A_375 = arith.constant 0 : i32
      %parallel_loop3A_376 = arith.index_cast %parallel_loop3A_375 : i32 to index
      %parallel_loop3A_377 = arith.index_cast %parallel_loop3A_307 : i32 to index
      %parallel_loop3A_378 = arith.constant 16 : index
      %parallel_loop3A_379 = tpu.vector_load %arg9[%parallel_loop3A_376, %parallel_loop3A_377, %parallel_loop3A_378] {strides = array<i32>} : memref<4x32x128xf32, #tpu.memory_space<vmem>>, vector<1x1x16xf32>,
      %parallel_loop3A_380 = vector.shape_cast %parallel_loop3A_379 : vector<1x1x16xf32> to vector<16xf32>
      %parallel_loop3A_381 = arith.addf %parallel_loop3A_380, %parallel_loop3A_374 : vector<16xf32>
      %parallel_loop3A_382 = arith.constant 0 : i32
      %parallel_loop3A_383 = arith.index_cast %parallel_loop3A_307 : i32 to index
      %parallel_loop3A_384 = arith.index_cast %parallel_loop3A_382 : i32 to index
      %parallel_loop3A_385 = arith.constant 16 : index
      %parallel_loop3A_386 = tpu.vector_load %arg11[%parallel_loop3A_383, %parallel_loop3A_384, %parallel_loop3A_385] {strides = array<i32>} : memref<32x4x128xf32, #tpu.memory_space<vmem>>, vector<1x1x16xf32>,
      %parallel_loop3A_387 = vector.shape_cast %parallel_loop3A_386 : vector<1x1x16xf32> to vector<16xf32>
      %parallel_loop3A_388 = vector.shape_cast %parallel_loop3A_381 : vector<16xf32> to vector<1x1x16xf32>
      tpu.vector_store %arg11[%parallel_loop3A_383, %parallel_loop3A_384, %parallel_loop3A_385], %parallel_loop3A_388 {strides = array<i32>} : memref<32x4x128xf32, #tpu.memory_space<vmem>>, vector<1x1x16xf32>,
      %parallel_loop3A_389 = arith.constant 1 : i32
      %parallel_loop3A_390 = arith.index_cast %parallel_loop3A_389 : i32 to index
      %parallel_loop3A_391 = arith.index_cast %parallel_loop3A_307 : i32 to index
      %parallel_loop3A_392 = arith.constant 16 : index
      %parallel_loop3A_393 = tpu.vector_load %arg9[%parallel_loop3A_390, %parallel_loop3A_391, %parallel_loop3A_392] {strides = array<i32>} : memref<4x32x128xf32, #tpu.memory_space<vmem>>, vector<1x1x16xf32>,
      %parallel_loop3A_394 = vector.shape_cast %parallel_loop3A_393 : vector<1x1x16xf32> to vector<16xf32>
      %parallel_loop3A_395 = arith.addf %parallel_loop3A_394, %parallel_loop3A_374 : vector<16xf32>
      %parallel_loop3A_396 = arith.constant 1 : i32
      %parallel_loop3A_397 = arith.index_cast %parallel_loop3A_307 : i32 to index
      %parallel_loop3A_398 = arith.index_cast %parallel_loop3A_396 : i32 to index
      %parallel_loop3A_399 = arith.constant 16 : index
      %parallel_loop3A_400 = tpu.vector_load %arg11[%parallel_loop3A_397, %parallel_loop3A_398, %parallel_loop3A_399] {strides = array<i32>} : memref<32x4x128xf32, #tpu.memory_space<vmem>>, vector<1x1x16xf32>,
      %parallel_loop3A_401 = vector.shape_cast %parallel_loop3A_400 : vector<1x1x16xf32> to vector<16xf32>
      %parallel_loop3A_402 = vector.shape_cast %parallel_loop3A_395 : vector<16xf32> to vector<1x1x16xf32>
      tpu.vector_store %arg11[%parallel_loop3A_397, %parallel_loop3A_398, %parallel_loop3A_399], %parallel_loop3A_402 {strides = array<i32>} : memref<32x4x128xf32, #tpu.memory_space<vmem>>, vector<1x1x16xf32>,
      %parallel_loop3A_403 = arith.constant 2 : i32
      %parallel_loop3A_404 = arith.index_cast %parallel_loop3A_403 : i32 to index
      %parallel_loop3A_405 = arith.index_cast %parallel_loop3A_307 : i32 to index
      %parallel_loop3A_406 = arith.constant 16 : index
      %parallel_loop3A_407 = tpu.vector_load %arg9[%parallel_loop3A_404, %parallel_loop3A_405, %parallel_loop3A_406] {strides = array<i32>} : memref<4x32x128xf32, #tpu.memory_space<vmem>>, vector<1x1x16xf32>,
      %parallel_loop3A_408 = vector.shape_cast %parallel_loop3A_407 : vector<1x1x16xf32> to vector<16xf32>
      %parallel_loop3A_409 = arith.addf %parallel_loop3A_408, %parallel_loop3A_374 : vector<16xf32>
      %parallel_loop3A_410 = arith.constant 2 : i32
      %parallel_loop3A_411 = arith.index_cast %parallel_loop3A_307 : i32 to index
      %parallel_loop3A_412 = arith.index_cast %parallel_loop3A_410 : i32 to index
      %parallel_loop3A_413 = arith.constant 16 : index
      %parallel_loop3A_414 = tpu.vector_load %arg11[%parallel_loop3A_411, %parallel_loop3A_412, %parallel_loop3A_413] {strides = array<i32>} : memref<32x4x128xf32, #tpu.memory_space<vmem>>, vector<1x1x16xf32>,
      %parallel_loop3A_415 = vector.shape_cast %parallel_loop3A_414 : vector<1x1x16xf32> to vector<16xf32>
      %parallel_loop3A_416 = vector.shape_cast %parallel_loop3A_409 : vector<16xf32> to vector<1x1x16xf32>
      tpu.vector_store %arg11[%parallel_loop3A_411, %parallel_loop3A_412, %parallel_loop3A_413], %parallel_loop3A_416 {strides = array<i32>} : memref<32x4x128xf32, #tpu.memory_space<vmem>>, vector<1x1x16xf32>,
      %parallel_loop3A_417 = arith.constant 3 : i32
      %parallel_loop3A_418 = arith.index_cast %parallel_loop3A_417 : i32 to index
      %parallel_loop3A_419 = arith.index_cast %parallel_loop3A_307 : i32 to index
      %parallel_loop3A_420 = arith.constant 16 : index
      %parallel_loop3A_421 = tpu.vector_load %arg9[%parallel_loop3A_418, %parallel_loop3A_419, %parallel_loop3A_420] {strides = array<i32>} : memref<4x32x128xf32, #tpu.memory_space<vmem>>, vector<1x1x16xf32>,
      %parallel_loop3A_422 = vector.shape_cast %parallel_loop3A_421 : vector<1x1x16xf32> to vector<16xf32>
      %parallel_loop3A_423 = arith.addf %parallel_loop3A_422, %parallel_loop3A_374 : vector<16xf32>
      %parallel_loop3A_424 = arith.constant 3 : i32
      %parallel_loop3A_425 = arith.index_cast %parallel_loop3A_307 : i32 to index
      %parallel_loop3A_426 = arith.index_cast %parallel_loop3A_424 : i32 to index
      %parallel_loop3A_427 = arith.constant 16 : index
      %parallel_loop3A_428 = tpu.vector_load %arg11[%parallel_loop3A_425, %parallel_loop3A_426, %parallel_loop3A_427] {strides = array<i32>} : memref<32x4x128xf32, #tpu.memory_space<vmem>>, vector<1x1x16xf32>,
      %parallel_loop3A_429 = vector.shape_cast %parallel_loop3A_428 : vector<1x1x16xf32> to vector<16xf32>
      %parallel_loop3A_430 = vector.shape_cast %parallel_loop3A_423 : vector<16xf32> to vector<1x1x16xf32>
      tpu.vector_store %arg11[%parallel_loop3A_425, %parallel_loop3A_426, %parallel_loop3A_427], %parallel_loop3A_430 {strides = array<i32>} : memref<32x4x128xf32, #tpu.memory_space<vmem>>, vector<1x1x16xf32>,
      %parallel_loop3A_431 = arith.index_cast %parallel_loop3A_308 : i32 to index
      %parallel_loop3A_432 = arith.constant 32 : index
      %parallel_loop3A_433 = tpu.vector_load %arg8[%parallel_loop3A_431, %parallel_loop3A_432] {strides = array<i32>} : memref<128x128xf32, #tpu.memory_space<vmem>>, vector<1x16xf32>,
      %parallel_loop3A_434 = vector.shape_cast %parallel_loop3A_433 : vector<1x16xf32> to vector<16xf32>
      %parallel_loop3A_435 = arith.addf %parallel_loop3A_434, %add3A_138 : vector<16xf32>
      %parallel_loop3A_436 = arith.constant 0 : i32
      %parallel_loop3A_437 = arith.index_cast %parallel_loop3A_436 : i32 to index
      %parallel_loop3A_438 = arith.index_cast %parallel_loop3A_307 : i32 to index
      %parallel_loop3A_439 = arith.constant 32 : index
      %parallel_loop3A_440 = tpu.vector_load %arg9[%parallel_loop3A_437, %parallel_loop3A_438, %parallel_loop3A_439] {strides = array<i32>} : memref<4x32x128xf32, #tpu.memory_space<vmem>>, vector<1x1x16xf32>,
      %parallel_loop3A_441 = vector.shape_cast %parallel_loop3A_440 : vector<1x1x16xf32> to vector<16xf32>
      %parallel_loop3A_442 = arith.addf %parallel_loop3A_441, %parallel_loop3A_435 : vector<16xf32>
      %parallel_loop3A_443 = arith.constant 0 : i32
      %parallel_loop3A_444 = arith.index_cast %parallel_loop3A_307 : i32 to index
      %parallel_loop3A_445 = arith.index_cast %parallel_loop3A_443 : i32 to index
      %parallel_loop3A_446 = arith.constant 32 : index
      %parallel_loop3A_447 = tpu.vector_load %arg11[%parallel_loop3A_444, %parallel_loop3A_445, %parallel_loop3A_446] {strides = array<i32>} : memref<32x4x128xf32, #tpu.memory_space<vmem>>, vector<1x1x16xf32>,
      %parallel_loop3A_448 = vector.shape_cast %parallel_loop3A_447 : vector<1x1x16xf32> to vector<16xf32>
      %parallel_loop3A_449 = vector.shape_cast %parallel_loop3A_442 : vector<16xf32> to vector<1x1x16xf32>
      tpu.vector_store %arg11[%parallel_loop3A_444, %parallel_loop3A_445, %parallel_loop3A_446], %parallel_loop3A_449 {strides = array<i32>} : memref<32x4x128xf32, #tpu.memory_space<vmem>>, vector<1x1x16xf32>,
      %parallel_loop3A_450 = arith.constant 1 : i32
      %parallel_loop3A_451 = arith.index_cast %parallel_loop3A_450 : i32 to index
      %parallel_loop3A_452 = arith.index_cast %parallel_loop3A_307 : i32 to index
      %parallel_loop3A_453 = arith.constant 32 : index
      %parallel_loop3A_454 = tpu.vector_load %arg9[%parallel_loop3A_451, %parallel_loop3A_452, %parallel_loop3A_453] {strides = array<i32>} : memref<4x32x128xf32, #tpu.memory_space<vmem>>, vector<1x1x16xf32>,
      %parallel_loop3A_455 = vector.shape_cast %parallel_loop3A_454 : vector<1x1x16xf32> to vector<16xf32>
      %parallel_loop3A_456 = arith.addf %parallel_loop3A_455, %parallel_loop3A_435 : vector<16xf32>
      %parallel_loop3A_457 = arith.constant 1 : i32
      %parallel_loop3A_458 = arith.index_cast %parallel_loop3A_307 : i32 to index
      %parallel_loop3A_459 = arith.index_cast %parallel_loop3A_457 : i32 to index
      %parallel_loop3A_460 = arith.constant 32 : index
      %parallel_loop3A_461 = tpu.vector_load %arg11[%parallel_loop3A_458, %parallel_loop3A_459, %parallel_loop3A_460] {strides = array<i32>} : memref<32x4x128xf32, #tpu.memory_space<vmem>>, vector<1x1x16xf32>,
      %parallel_loop3A_462 = vector.shape_cast %parallel_loop3A_461 : vector<1x1x16xf32> to vector<16xf32>
      %parallel_loop3A_463 = vector.shape_cast %parallel_loop3A_456 : vector<16xf32> to vector<1x1x16xf32>
      tpu.vector_store %arg11[%parallel_loop3A_458, %parallel_loop3A_459, %parallel_loop3A_460], %parallel_loop3A_463 {strides = array<i32>} : memref<32x4x128xf32, #tpu.memory_space<vmem>>, vector<1x1x16xf32>,
      %parallel_loop3A_464 = arith.constant 2 : i32
      %parallel_loop3A_465 = arith.index_cast %parallel_loop3A_464 : i32 to index
      %parallel_loop3A_466 = arith.index_cast %parallel_loop3A_307 : i32 to index
      %parallel_loop3A_467 = arith.constant 32 : index
      %parallel_loop3A_468 = tpu.vector_load %arg9[%parallel_loop3A_465, %parallel_loop3A_466, %parallel_loop3A_467] {strides = array<i32>} : memref<4x32x128xf32, #tpu.memory_space<vmem>>, vector<1x1x16xf32>,
      %parallel_loop3A_469 = vector.shape_cast %parallel_loop3A_468 : vector<1x1x16xf32> to vector<16xf32>
      %parallel_loop3A_470 = arith.addf %parallel_loop3A_469, %parallel_loop3A_435 : vector<16xf32>
      %parallel_loop3A_471 = arith.constant 2 : i32
      %parallel_loop3A_472 = arith.index_cast %parallel_loop3A_307 : i32 to index
      %parallel_loop3A_473 = arith.index_cast %parallel_loop3A_471 : i32 to index
      %parallel_loop3A_474 = arith.constant 32 : index
      %parallel_loop3A_475 = tpu.vector_load %arg11[%parallel_loop3A_472, %parallel_loop3A_473, %parallel_loop3A_474] {strides = array<i32>} : memref<32x4x128xf32, #tpu.memory_space<vmem>>, vector<1x1x16xf32>,
      %parallel_loop3A_476 = vector.shape_cast %parallel_loop3A_475 : vector<1x1x16xf32> to vector<16xf32>
      %parallel_loop3A_477 = vector.shape_cast %parallel_loop3A_470 : vector<16xf32> to vector<1x1x16xf32>
      tpu.vector_store %arg11[%parallel_loop3A_472, %parallel_loop3A_473, %parallel_loop3A_474], %parallel_loop3A_477 {strides = array<i32>} : memref<32x4x128xf32, #tpu.memory_space<vmem>>, vector<1x1x16xf32>,
      %parallel_loop3A_478 = arith.constant 3 : i32
      %parallel_loop3A_479 = arith.index_cast %parallel_loop3A_478 : i32 to index
      %parallel_loop3A_480 = arith.index_cast %parallel_loop3A_307 : i32 to index
      %parallel_loop3A_481 = arith.constant 32 : index
      %parallel_loop3A_482 = tpu.vector_load %arg9[%parallel_loop3A_479, %parallel_loop3A_480, %parallel_loop3A_481] {strides = array<i32>} : memref<4x32x128xf32, #tpu.memory_space<vmem>>, vector<1x1x16xf32>,
      %parallel_loop3A_483 = vector.shape_cast %parallel_loop3A_482 : vector<1x1x16xf32> to vector<16xf32>
      %parallel_loop3A_484 = arith.addf %parallel_loop3A_483, %parallel_loop3A_435 : vector<16xf32>
      %parallel_loop3A_485 = arith.constant 3 : i32
      %parallel_loop3A_486 = arith.index_cast %parallel_loop3A_307 : i32 to index
      %parallel_loop3A_487 = arith.index_cast %parallel_loop3A_485 : i32 to index
      %parallel_loop3A_488 = arith.constant 32 : index
      %parallel_loop3A_489 = tpu.vector_load %arg11[%parallel_loop3A_486, %parallel_loop3A_487, %parallel_loop3A_488] {strides = array<i32>} : memref<32x4x128xf32, #tpu.memory_space<vmem>>, vector<1x1x16xf32>,
      %parallel_loop3A_490 = vector.shape_cast %parallel_loop3A_489 : vector<1x1x16xf32> to vector<16xf32>
      %parallel_loop3A_491 = vector.shape_cast %parallel_loop3A_484 : vector<16xf32> to vector<1x1x16xf32>
      tpu.vector_store %arg11[%parallel_loop3A_486, %parallel_loop3A_487, %parallel_loop3A_488], %parallel_loop3A_491 {strides = array<i32>} : memref<32x4x128xf32, #tpu.memory_space<vmem>>, vector<1x1x16xf32>,
      %parallel_loop3A_492 = arith.index_cast %parallel_loop3A_308 : i32 to index
      %parallel_loop3A_493 = arith.constant 48 : index
      %parallel_loop3A_494 = tpu.vector_load %arg8[%parallel_loop3A_492, %parallel_loop3A_493] {strides = array<i32>} : memref<128x128xf32, #tpu.memory_space<vmem>>, vector<1x16xf32>,
      %parallel_loop3A_495 = vector.shape_cast %parallel_loop3A_494 : vector<1x16xf32> to vector<16xf32>
      %parallel_loop3A_496 = arith.addf %parallel_loop3A_495, %add3A_142 : vector<16xf32>
      %parallel_loop3A_497 = arith.constant 0 : i32
      %parallel_loop3A_498 = arith.index_cast %parallel_loop3A_497 : i32 to index
      %parallel_loop3A_499 = arith.index_cast %parallel_loop3A_307 : i32 to index
      %parallel_loop3A_500 = arith.constant 48 : index
      %parallel_loop3A_501 = tpu.vector_load %arg9[%parallel_loop3A_498, %parallel_loop3A_499, %parallel_loop3A_500] {strides = array<i32>} : memref<4x32x128xf32, #tpu.memory_space<vmem>>, vector<1x1x16xf32>,
      %parallel_loop3A_502 = vector.shape_cast %parallel_loop3A_501 : vector<1x1x16xf32> to vector<16xf32>
      %parallel_loop3A_503 = arith.addf %parallel_loop3A_502, %parallel_loop3A_496 : vector<16xf32>
      %parallel_loop3A_504 = arith.constant 0 : i32
      %parallel_loop3A_505 = arith.index_cast %parallel_loop3A_307 : i32 to index
      %parallel_loop3A_506 = arith.index_cast %parallel_loop3A_504 : i32 to index
      %parallel_loop3A_507 = arith.constant 48 : index
      %parallel_loop3A_508 = tpu.vector_load %arg11[%parallel_loop3A_505, %parallel_loop3A_506, %parallel_loop3A_507] {strides = array<i32>} : memref<32x4x128xf32, #tpu.memory_space<vmem>>, vector<1x1x16xf32>,
      %parallel_loop3A_509 = vector.shape_cast %parallel_loop3A_508 : vector<1x1x16xf32> to vector<16xf32>
      %parallel_loop3A_510 = vector.shape_cast %parallel_loop3A_503 : vector<16xf32> to vector<1x1x16xf32>
      tpu.vector_store %arg11[%parallel_loop3A_505, %parallel_loop3A_506, %parallel_loop3A_507], %parallel_loop3A_510 {strides = array<i32>} : memref<32x4x128xf32, #tpu.memory_space<vmem>>, vector<1x1x16xf32>,
      %parallel_loop3A_511 = arith.constant 1 : i32
      %parallel_loop3A_512 = arith.index_cast %parallel_loop3A_511 : i32 to index
      %parallel_loop3A_513 = arith.index_cast %parallel_loop3A_307 : i32 to index
      %parallel_loop3A_514 = arith.constant 48 : index
      %parallel_loop3A_515 = tpu.vector_load %arg9[%parallel_loop3A_512, %parallel_loop3A_513, %parallel_loop3A_514] {strides = array<i32>} : memref<4x32x128xf32, #tpu.memory_space<vmem>>, vector<1x1x16xf32>,
      %parallel_loop3A_516 = vector.shape_cast %parallel_loop3A_515 : vector<1x1x16xf32> to vector<16xf32>
      %parallel_loop3A_517 = arith.addf %parallel_loop3A_516, %parallel_loop3A_496 : vector<16xf32>
      %parallel_loop3A_518 = arith.constant 1 : i32
      %parallel_loop3A_519 = arith.index_cast %parallel_loop3A_307 : i32 to index
      %parallel_loop3A_520 = arith.index_cast %parallel_loop3A_518 : i32 to index
      %parallel_loop3A_521 = arith.constant 48 : index
      %parallel_loop3A_522 = tpu.vector_load %arg11[%parallel_loop3A_519, %parallel_loop3A_520, %parallel_loop3A_521] {strides = array<i32>} : memref<32x4x128xf32, #tpu.memory_space<vmem>>, vector<1x1x16xf32>,
      %parallel_loop3A_523 = vector.shape_cast %parallel_loop3A_522 : vector<1x1x16xf32> to vector<16xf32>
      %parallel_loop3A_524 = vector.shape_cast %parallel_loop3A_517 : vector<16xf32> to vector<1x1x16xf32>
      tpu.vector_store %arg11[%parallel_loop3A_519, %parallel_loop3A_520, %parallel_loop3A_521], %parallel_loop3A_524 {strides = array<i32>} : memref<32x4x128xf32, #tpu.memory_space<vmem>>, vector<1x1x16xf32>,
      %parallel_loop3A_525 = arith.constant 2 : i32
      %parallel_loop3A_526 = arith.index_cast %parallel_loop3A_525 : i32 to index
      %parallel_loop3A_527 = arith.index_cast %parallel_loop3A_307 : i32 to index
      %parallel_loop3A_528 = arith.constant 48 : index
      %parallel_loop3A_529 = tpu.vector_load %arg9[%parallel_loop3A_526, %parallel_loop3A_527, %parallel_loop3A_528] {strides = array<i32>} : memref<4x32x128xf32, #tpu.memory_space<vmem>>, vector<1x1x16xf32>,
      %parallel_loop3A_530 = vector.shape_cast %parallel_loop3A_529 : vector<1x1x16xf32> to vector<16xf32>
      %parallel_loop3A_531 = arith.addf %parallel_loop3A_530, %parallel_loop3A_496 : vector<16xf32>
      %parallel_loop3A_532 = arith.constant 2 : i32
      %parallel_loop3A_533 = arith.index_cast %parallel_loop3A_307 : i32 to index
      %parallel_loop3A_534 = arith.index_cast %parallel_loop3A_532 : i32 to index
      %parallel_loop3A_535 = arith.constant 48 : index
      %parallel_loop3A_536 = tpu.vector_load %arg11[%parallel_loop3A_533, %parallel_loop3A_534, %parallel_loop3A_535] {strides = array<i32>} : memref<32x4x128xf32, #tpu.memory_space<vmem>>, vector<1x1x16xf32>,
      %parallel_loop3A_537 = vector.shape_cast %parallel_loop3A_536 : vector<1x1x16xf32> to vector<16xf32>
      %parallel_loop3A_538 = vector.shape_cast %parallel_loop3A_531 : vector<16xf32> to vector<1x1x16xf32>
      tpu.vector_store %arg11[%parallel_loop3A_533, %parallel_loop3A_534, %parallel_loop3A_535], %parallel_loop3A_538 {strides = array<i32>} : memref<32x4x128xf32, #tpu.memory_space<vmem>>, vector<1x1x16xf32>,
      %parallel_loop3A_539 = arith.constant 3 : i32
      %parallel_loop3A_540 = arith.index_cast %parallel_loop3A_539 : i32 to index
      %parallel_loop3A_541 = arith.index_cast %parallel_loop3A_307 : i32 to index
      %parallel_loop3A_542 = arith.constant 48 : index
      %parallel_loop3A_543 = tpu.vector_load %arg9[%parallel_loop3A_540, %parallel_loop3A_541, %parallel_loop3A_542] {strides = array<i32>} : memref<4x32x128xf32, #tpu.memory_space<vmem>>, vector<1x1x16xf32>,
      %parallel_loop3A_544 = vector.shape_cast %parallel_loop3A_543 : vector<1x1x16xf32> to vector<16xf32>
      %parallel_loop3A_545 = arith.addf %parallel_loop3A_544, %parallel_loop3A_496 : vector<16xf32>
      %parallel_loop3A_546 = arith.constant 3 : i32
      %parallel_loop3A_547 = arith.index_cast %parallel_loop3A_307 : i32 to index
      %parallel_loop3A_548 = arith.index_cast %parallel_loop3A_546 : i32 to index
      %parallel_loop3A_549 = arith.constant 48 : index
      %parallel_loop3A_550 = tpu.vector_load %arg11[%parallel_loop3A_547, %parallel_loop3A_548, %parallel_loop3A_549] {strides = array<i32>} : memref<32x4x128xf32, #tpu.memory_space<vmem>>, vector<1x1x16xf32>,
      %parallel_loop3A_551 = vector.shape_cast %parallel_loop3A_550 : vector<1x1x16xf32> to vector<16xf32>
      %parallel_loop3A_552 = vector.shape_cast %parallel_loop3A_545 : vector<16xf32> to vector<1x1x16xf32>
      tpu.vector_store %arg11[%parallel_loop3A_547, %parallel_loop3A_548, %parallel_loop3A_549], %parallel_loop3A_552 {strides = array<i32>} : memref<32x4x128xf32, #tpu.memory_space<vmem>>, vector<1x1x16xf32>,
      %parallel_loop3A_553 = arith.index_cast %parallel_loop3A_308 : i32 to index
      %parallel_loop3A_554 = arith.constant 64 : index
      %parallel_loop3A_555 = tpu.vector_load %arg8[%parallel_loop3A_553, %parallel_loop3A_554] {strides = array<i32>} : memref<128x128xf32, #tpu.memory_space<vmem>>, vector<1x16xf32>,
      %parallel_loop3A_556 = vector.shape_cast %parallel_loop3A_555 : vector<1x16xf32> to vector<16xf32>
      %parallel_loop3A_557 = arith.addf %parallel_loop3A_556, %add3A_146 : vector<16xf32>
      %parallel_loop3A_558 = arith.constant 0 : i32
      %parallel_loop3A_559 = arith.index_cast %parallel_loop3A_558 : i32 to index
      %parallel_loop3A_560 = arith.index_cast %parallel_loop3A_307 : i32 to index
      %parallel_loop3A_561 = arith.constant 64 : index
      %parallel_loop3A_562 = tpu.vector_load %arg9[%parallel_loop3A_559, %parallel_loop3A_560, %parallel_loop3A_561] {strides = array<i32>} : memref<4x32x128xf32, #tpu.memory_space<vmem>>, vector<1x1x16xf32>,
      %parallel_loop3A_563 = vector.shape_cast %parallel_loop3A_562 : vector<1x1x16xf32> to vector<16xf32>
      %parallel_loop3A_564 = arith.addf %parallel_loop3A_563, %parallel_loop3A_557 : vector<16xf32>
      %parallel_loop3A_565 = arith.constant 0 : i32
      %parallel_loop3A_566 = arith.index_cast %parallel_loop3A_307 : i32 to index
      %parallel_loop3A_567 = arith.index_cast %parallel_loop3A_565 : i32 to index
      %parallel_loop3A_568 = arith.constant 64 : index
      %parallel_loop3A_569 = tpu.vector_load %arg11[%parallel_loop3A_566, %parallel_loop3A_567, %parallel_loop3A_568] {strides = array<i32>} : memref<32x4x128xf32, #tpu.memory_space<vmem>>, vector<1x1x16xf32>,
      %parallel_loop3A_570 = vector.shape_cast %parallel_loop3A_569 : vector<1x1x16xf32> to vector<16xf32>
      %parallel_loop3A_571 = vector.shape_cast %parallel_loop3A_564 : vector<16xf32> to vector<1x1x16xf32>
      tpu.vector_store %arg11[%parallel_loop3A_566, %parallel_loop3A_567, %parallel_loop3A_568], %parallel_loop3A_571 {strides = array<i32>} : memref<32x4x128xf32, #tpu.memory_space<vmem>>, vector<1x1x16xf32>,
      %parallel_loop3A_572 = arith.constant 1 : i32
      %parallel_loop3A_573 = arith.index_cast %parallel_loop3A_572 : i32 to index
      %parallel_loop3A_574 = arith.index_cast %parallel_loop3A_307 : i32 to index
      %parallel_loop3A_575 = arith.constant 64 : index
      %parallel_loop3A_576 = tpu.vector_load %arg9[%parallel_loop3A_573, %parallel_loop3A_574, %parallel_loop3A_575] {strides = array<i32>} : memref<4x32x128xf32, #tpu.memory_space<vmem>>, vector<1x1x16xf32>,
      %parallel_loop3A_577 = vector.shape_cast %parallel_loop3A_576 : vector<1x1x16xf32> to vector<16xf32>
      %parallel_loop3A_578 = arith.addf %parallel_loop3A_577, %parallel_loop3A_557 : vector<16xf32>
      %parallel_loop3A_579 = arith.constant 1 : i32
      %parallel_loop3A_580 = arith.index_cast %parallel_loop3A_307 : i32 to index
      %parallel_loop3A_581 = arith.index_cast %parallel_loop3A_579 : i32 to index
      %parallel_loop3A_582 = arith.constant 64 : index
      %parallel_loop3A_583 = tpu.vector_load %arg11[%parallel_loop3A_580, %parallel_loop3A_581, %parallel_loop3A_582] {strides = array<i32>} : memref<32x4x128xf32, #tpu.memory_space<vmem>>, vector<1x1x16xf32>,
      %parallel_loop3A_584 = vector.shape_cast %parallel_loop3A_583 : vector<1x1x16xf32> to vector<16xf32>
      %parallel_loop3A_585 = vector.shape_cast %parallel_loop3A_578 : vector<16xf32> to vector<1x1x16xf32>
      tpu.vector_store %arg11[%parallel_loop3A_580, %parallel_loop3A_581, %parallel_loop3A_582], %parallel_loop3A_585 {strides = array<i32>} : memref<32x4x128xf32, #tpu.memory_space<vmem>>, vector<1x1x16xf32>,
      %parallel_loop3A_586 = arith.constant 2 : i32
      %parallel_loop3A_587 = arith.index_cast %parallel_loop3A_586 : i32 to index
      %parallel_loop3A_588 = arith.index_cast %parallel_loop3A_307 : i32 to index
      %parallel_loop3A_589 = arith.constant 64 : index
      %parallel_loop3A_590 = tpu.vector_load %arg9[%parallel_loop3A_587, %parallel_loop3A_588, %parallel_loop3A_589] {strides = array<i32>} : memref<4x32x128xf32, #tpu.memory_space<vmem>>, vector<1x1x16xf32>,
      %parallel_loop3A_591 = vector.shape_cast %parallel_loop3A_590 : vector<1x1x16xf32> to vector<16xf32>
      %parallel_loop3A_592 = arith.addf %parallel_loop3A_591, %parallel_loop3A_557 : vector<16xf32>
      %parallel_loop3A_593 = arith.constant 2 : i32
      %parallel_loop3A_594 = arith.index_cast %parallel_loop3A_307 : i32 to index
      %parallel_loop3A_595 = arith.index_cast %parallel_loop3A_593 : i32 to index
      %parallel_loop3A_596 = arith.constant 64 : index
      %parallel_loop3A_597 = tpu.vector_load %arg11[%parallel_loop3A_594, %parallel_loop3A_595, %parallel_loop3A_596] {strides = array<i32>} : memref<32x4x128xf32, #tpu.memory_space<vmem>>, vector<1x1x16xf32>,
      %parallel_loop3A_598 = vector.shape_cast %parallel_loop3A_597 : vector<1x1x16xf32> to vector<16xf32>
      %parallel_loop3A_599 = vector.shape_cast %parallel_loop3A_592 : vector<16xf32> to vector<1x1x16xf32>
      tpu.vector_store %arg11[%parallel_loop3A_594, %parallel_loop3A_595, %parallel_loop3A_596], %parallel_loop3A_599 {strides = array<i32>} : memref<32x4x128xf32, #tpu.memory_space<vmem>>, vector<1x1x16xf32>,
      %parallel_loop3A_600 = arith.constant 3 : i32
      %parallel_loop3A_601 = arith.index_cast %parallel_loop3A_600 : i32 to index
      %parallel_loop3A_602 = arith.index_cast %parallel_loop3A_307 : i32 to index
      %parallel_loop3A_603 = arith.constant 64 : index
      %parallel_loop3A_604 = tpu.vector_load %arg9[%parallel_loop3A_601, %parallel_loop3A_602, %parallel_loop3A_603] {strides = array<i32>} : memref<4x32x128xf32, #tpu.memory_space<vmem>>, vector<1x1x16xf32>,
      %parallel_loop3A_605 = vector.shape_cast %parallel_loop3A_604 : vector<1x1x16xf32> to vector<16xf32>
      %parallel_loop3A_606 = arith.addf %parallel_loop3A_605, %parallel_loop3A_557 : vector<16xf32>
      %parallel_loop3A_607 = arith.constant 3 : i32
      %parallel_loop3A_608 = arith.index_cast %parallel_loop3A_307 : i32 to index
      %parallel_loop3A_609 = arith.index_cast %parallel_loop3A_607 : i32 to index
      %parallel_loop3A_610 = arith.constant 64 : index
      %parallel_loop3A_611 = tpu.vector_load %arg11[%parallel_loop3A_608, %parallel_loop3A_609, %parallel_loop3A_610] {strides = array<i32>} : memref<32x4x128xf32, #tpu.memory_space<vmem>>, vector<1x1x16xf32>,
      %parallel_loop3A_612 = vector.shape_cast %parallel_loop3A_611 : vector<1x1x16xf32> to vector<16xf32>
      %parallel_loop3A_613 = vector.shape_cast %parallel_loop3A_606 : vector<16xf32> to vector<1x1x16xf32>
      tpu.vector_store %arg11[%parallel_loop3A_608, %parallel_loop3A_609, %parallel_loop3A_610], %parallel_loop3A_613 {strides = array<i32>} : memref<32x4x128xf32, #tpu.memory_space<vmem>>, vector<1x1x16xf32>,
      %parallel_loop3A_614 = arith.index_cast %parallel_loop3A_308 : i32 to index
      %parallel_loop3A_615 = arith.constant 80 : index
      %parallel_loop3A_616 = tpu.vector_load %arg8[%parallel_loop3A_614, %parallel_loop3A_615] {strides = array<i32>} : memref<128x128xf32, #tpu.memory_space<vmem>>, vector<1x16xf32>,
      %parallel_loop3A_617 = vector.shape_cast %parallel_loop3A_616 : vector<1x16xf32> to vector<16xf32>
      %parallel_loop3A_618 = arith.addf %parallel_loop3A_617, %add3A_150 : vector<16xf32>
      %parallel_loop3A_619 = arith.constant 0 : i32
      %parallel_loop3A_620 = arith.index_cast %parallel_loop3A_619 : i32 to index
      %parallel_loop3A_621 = arith.index_cast %parallel_loop3A_307 : i32 to index
      %parallel_loop3A_622 = arith.constant 80 : index
      %parallel_loop3A_623 = tpu.vector_load %arg9[%parallel_loop3A_620, %parallel_loop3A_621, %parallel_loop3A_622] {strides = array<i32>} : memref<4x32x128xf32, #tpu.memory_space<vmem>>, vector<1x1x16xf32>,
      %parallel_loop3A_624 = vector.shape_cast %parallel_loop3A_623 : vector<1x1x16xf32> to vector<16xf32>
      %parallel_loop3A_625 = arith.addf %parallel_loop3A_624, %parallel_loop3A_618 : vector<16xf32>
      %parallel_loop3A_626 = arith.constant 0 : i32
      %parallel_loop3A_627 = arith.index_cast %parallel_loop3A_307 : i32 to index
      %parallel_loop3A_628 = arith.index_cast %parallel_loop3A_626 : i32 to index
      %parallel_loop3A_629 = arith.constant 80 : index
      %parallel_loop3A_630 = tpu.vector_load %arg11[%parallel_loop3A_627, %parallel_loop3A_628, %parallel_loop3A_629] {strides = array<i32>} : memref<32x4x128xf32, #tpu.memory_space<vmem>>, vector<1x1x16xf32>,
      %parallel_loop3A_631 = vector.shape_cast %parallel_loop3A_630 : vector<1x1x16xf32> to vector<16xf32>
      %parallel_loop3A_632 = vector.shape_cast %parallel_loop3A_625 : vector<16xf32> to vector<1x1x16xf32>
      tpu.vector_store %arg11[%parallel_loop3A_627, %parallel_loop3A_628, %parallel_loop3A_629], %parallel_loop3A_632 {strides = array<i32>} : memref<32x4x128xf32, #tpu.memory_space<vmem>>, vector<1x1x16xf32>,
      %parallel_loop3A_633 = arith.constant 1 : i32
      %parallel_loop3A_634 = arith.index_cast %parallel_loop3A_633 : i32 to index
      %parallel_loop3A_635 = arith.index_cast %parallel_loop3A_307 : i32 to index
      %parallel_loop3A_636 = arith.constant 80 : index
      %parallel_loop3A_637 = tpu.vector_load %arg9[%parallel_loop3A_634, %parallel_loop3A_635, %parallel_loop3A_636] {strides = array<i32>} : memref<4x32x128xf32, #tpu.memory_space<vmem>>, vector<1x1x16xf32>,
      %parallel_loop3A_638 = vector.shape_cast %parallel_loop3A_637 : vector<1x1x16xf32> to vector<16xf32>
      %parallel_loop3A_639 = arith.addf %parallel_loop3A_638, %parallel_loop3A_618 : vector<16xf32>
      %parallel_loop3A_640 = arith.constant 1 : i32
      %parallel_loop3A_641 = arith.index_cast %parallel_loop3A_307 : i32 to index
      %parallel_loop3A_642 = arith.index_cast %parallel_loop3A_640 : i32 to index
      %parallel_loop3A_643 = arith.constant 80 : index
      %parallel_loop3A_644 = tpu.vector_load %arg11[%parallel_loop3A_641, %parallel_loop3A_642, %parallel_loop3A_643] {strides = array<i32>} : memref<32x4x128xf32, #tpu.memory_space<vmem>>, vector<1x1x16xf32>,
      %parallel_loop3A_645 = vector.shape_cast %parallel_loop3A_644 : vector<1x1x16xf32> to vector<16xf32>
      %parallel_loop3A_646 = vector.shape_cast %parallel_loop3A_639 : vector<16xf32> to vector<1x1x16xf32>
      tpu.vector_store %arg11[%parallel_loop3A_641, %parallel_loop3A_642, %parallel_loop3A_643], %parallel_loop3A_646 {strides = array<i32>} : memref<32x4x128xf32, #tpu.memory_space<vmem>>, vector<1x1x16xf32>,
      %parallel_loop3A_647 = arith.constant 2 : i32
      %parallel_loop3A_648 = arith.index_cast %parallel_loop3A_647 : i32 to index
      %parallel_loop3A_649 = arith.index_cast %parallel_loop3A_307 : i32 to index
      %parallel_loop3A_650 = arith.constant 80 : index
      %parallel_loop3A_651 = tpu.vector_load %arg9[%parallel_loop3A_648, %parallel_loop3A_649, %parallel_loop3A_650] {strides = array<i32>} : memref<4x32x128xf32, #tpu.memory_space<vmem>>, vector<1x1x16xf32>,
      %parallel_loop3A_652 = vector.shape_cast %parallel_loop3A_651 : vector<1x1x16xf32> to vector<16xf32>
      %parallel_loop3A_653 = arith.addf %parallel_loop3A_652, %parallel_loop3A_618 : vector<16xf32>
      %parallel_loop3A_654 = arith.constant 2 : i32
      %parallel_loop3A_655 = arith.index_cast %parallel_loop3A_307 : i32 to index
      %parallel_loop3A_656 = arith.index_cast %parallel_loop3A_654 : i32 to index
      %parallel_loop3A_657 = arith.constant 80 : index
      %parallel_loop3A_658 = tpu.vector_load %arg11[%parallel_loop3A_655, %parallel_loop3A_656, %parallel_loop3A_657] {strides = array<i32>} : memref<32x4x128xf32, #tpu.memory_space<vmem>>, vector<1x1x16xf32>,
      %parallel_loop3A_659 = vector.shape_cast %parallel_loop3A_658 : vector<1x1x16xf32> to vector<16xf32>
      %parallel_loop3A_660 = vector.shape_cast %parallel_loop3A_653 : vector<16xf32> to vector<1x1x16xf32>
      tpu.vector_store %arg11[%parallel_loop3A_655, %parallel_loop3A_656, %parallel_loop3A_657], %parallel_loop3A_660 {strides = array<i32>} : memref<32x4x128xf32, #tpu.memory_space<vmem>>, vector<1x1x16xf32>,
      %parallel_loop3A_661 = arith.constant 3 : i32
      %parallel_loop3A_662 = arith.index_cast %parallel_loop3A_661 : i32 to index
      %parallel_loop3A_663 = arith.index_cast %parallel_loop3A_307 : i32 to index
      %parallel_loop3A_664 = arith.constant 80 : index
      %parallel_loop3A_665 = tpu.vector_load %arg9[%parallel_loop3A_662, %parallel_loop3A_663, %parallel_loop3A_664] {strides = array<i32>} : memref<4x32x128xf32, #tpu.memory_space<vmem>>, vector<1x1x16xf32>,
      %parallel_loop3A_666 = vector.shape_cast %parallel_loop3A_665 : vector<1x1x16xf32> to vector<16xf32>
      %parallel_loop3A_667 = arith.addf %parallel_loop3A_666, %parallel_loop3A_618 : vector<16xf32>
      %parallel_loop3A_668 = arith.constant 3 : i32
      %parallel_loop3A_669 = arith.index_cast %parallel_loop3A_307 : i32 to index
      %parallel_loop3A_670 = arith.index_cast %parallel_loop3A_668 : i32 to index
      %parallel_loop3A_671 = arith.constant 80 : index
      %parallel_loop3A_672 = tpu.vector_load %arg11[%parallel_loop3A_669, %parallel_loop3A_670, %parallel_loop3A_671] {strides = array<i32>} : memref<32x4x128xf32, #tpu.memory_space<vmem>>, vector<1x1x16xf32>,
      %parallel_loop3A_673 = vector.shape_cast %parallel_loop3A_672 : vector<1x1x16xf32> to vector<16xf32>
      %parallel_loop3A_674 = vector.shape_cast %parallel_loop3A_667 : vector<16xf32> to vector<1x1x16xf32>
      tpu.vector_store %arg11[%parallel_loop3A_669, %parallel_loop3A_670, %parallel_loop3A_671], %parallel_loop3A_674 {strides = array<i32>} : memref<32x4x128xf32, #tpu.memory_space<vmem>>, vector<1x1x16xf32>,
      %parallel_loop3A_675 = arith.index_cast %parallel_loop3A_308 : i32 to index
      %parallel_loop3A_676 = arith.constant 96 : index
      %parallel_loop3A_677 = tpu.vector_load %arg8[%parallel_loop3A_675, %parallel_loop3A_676] {strides = array<i32>} : memref<128x128xf32, #tpu.memory_space<vmem>>, vector<1x16xf32>,
      %parallel_loop3A_678 = vector.shape_cast %parallel_loop3A_677 : vector<1x16xf32> to vector<16xf32>
      %parallel_loop3A_679 = arith.addf %parallel_loop3A_678, %add3A_154 : vector<16xf32>
      %parallel_loop3A_680 = arith.constant 0 : i32
      %parallel_loop3A_681 = arith.index_cast %parallel_loop3A_680 : i32 to index
      %parallel_loop3A_682 = arith.index_cast %parallel_loop3A_307 : i32 to index
      %parallel_loop3A_683 = arith.constant 96 : index
      %parallel_loop3A_684 = tpu.vector_load %arg9[%parallel_loop3A_681, %parallel_loop3A_682, %parallel_loop3A_683] {strides = array<i32>} : memref<4x32x128xf32, #tpu.memory_space<vmem>>, vector<1x1x16xf32>,
      %parallel_loop3A_685 = vector.shape_cast %parallel_loop3A_684 : vector<1x1x16xf32> to vector<16xf32>
      %parallel_loop3A_686 = arith.addf %parallel_loop3A_685, %parallel_loop3A_679 : vector<16xf32>
      %parallel_loop3A_687 = arith.constant 0 : i32
      %parallel_loop3A_688 = arith.index_cast %parallel_loop3A_307 : i32 to index
      %parallel_loop3A_689 = arith.index_cast %parallel_loop3A_687 : i32 to index
      %parallel_loop3A_690 = arith.constant 96 : index
      %parallel_loop3A_691 = tpu.vector_load %arg11[%parallel_loop3A_688, %parallel_loop3A_689, %parallel_loop3A_690] {strides = array<i32>} : memref<32x4x128xf32, #tpu.memory_space<vmem>>, vector<1x1x16xf32>,
      %parallel_loop3A_692 = vector.shape_cast %parallel_loop3A_691 : vector<1x1x16xf32> to vector<16xf32>
      %parallel_loop3A_693 = vector.shape_cast %parallel_loop3A_686 : vector<16xf32> to vector<1x1x16xf32>
      tpu.vector_store %arg11[%parallel_loop3A_688, %parallel_loop3A_689, %parallel_loop3A_690], %parallel_loop3A_693 {strides = array<i32>} : memref<32x4x128xf32, #tpu.memory_space<vmem>>, vector<1x1x16xf32>,
      %parallel_loop3A_694 = arith.constant 1 : i32
      %parallel_loop3A_695 = arith.index_cast %parallel_loop3A_694 : i32 to index
      %parallel_loop3A_696 = arith.index_cast %parallel_loop3A_307 : i32 to index
      %parallel_loop3A_697 = arith.constant 96 : index
      %parallel_loop3A_698 = tpu.vector_load %arg9[%parallel_loop3A_695, %parallel_loop3A_696, %parallel_loop3A_697] {strides = array<i32>} : memref<4x32x128xf32, #tpu.memory_space<vmem>>, vector<1x1x16xf32>,
      %parallel_loop3A_699 = vector.shape_cast %parallel_loop3A_698 : vector<1x1x16xf32> to vector<16xf32>
      %parallel_loop3A_700 = arith.addf %parallel_loop3A_699, %parallel_loop3A_679 : vector<16xf32>
      %parallel_loop3A_701 = arith.constant 1 : i32
      %parallel_loop3A_702 = arith.index_cast %parallel_loop3A_307 : i32 to index
      %parallel_loop3A_703 = arith.index_cast %parallel_loop3A_701 : i32 to index
      %parallel_loop3A_704 = arith.constant 96 : index
      %parallel_loop3A_705 = tpu.vector_load %arg11[%parallel_loop3A_702, %parallel_loop3A_703, %parallel_loop3A_704] {strides = array<i32>} : memref<32x4x128xf32, #tpu.memory_space<vmem>>, vector<1x1x16xf32>,
      %parallel_loop3A_706 = vector.shape_cast %parallel_loop3A_705 : vector<1x1x16xf32> to vector<16xf32>
      %parallel_loop3A_707 = vector.shape_cast %parallel_loop3A_700 : vector<16xf32> to vector<1x1x16xf32>
      tpu.vector_store %arg11[%parallel_loop3A_702, %parallel_loop3A_703, %parallel_loop3A_704], %parallel_loop3A_707 {strides = array<i32>} : memref<32x4x128xf32, #tpu.memory_space<vmem>>, vector<1x1x16xf32>,
      %parallel_loop3A_708 = arith.constant 2 : i32
      %parallel_loop3A_709 = arith.index_cast %parallel_loop3A_708 : i32 to index
      %parallel_loop3A_710 = arith.index_cast %parallel_loop3A_307 : i32 to index
      %parallel_loop3A_711 = arith.constant 96 : index
      %parallel_loop3A_712 = tpu.vector_load %arg9[%parallel_loop3A_709, %parallel_loop3A_710, %parallel_loop3A_711] {strides = array<i32>} : memref<4x32x128xf32, #tpu.memory_space<vmem>>, vector<1x1x16xf32>,
      %parallel_loop3A_713 = vector.shape_cast %parallel_loop3A_712 : vector<1x1x16xf32> to vector<16xf32>
      %parallel_loop3A_714 = arith.addf %parallel_loop3A_713, %parallel_loop3A_679 : vector<16xf32>
      %parallel_loop3A_715 = arith.constant 2 : i32
      %parallel_loop3A_716 = arith.index_cast %parallel_loop3A_307 : i32 to index
      %parallel_loop3A_717 = arith.index_cast %parallel_loop3A_715 : i32 to index
      %parallel_loop3A_718 = arith.constant 96 : index
      %parallel_loop3A_719 = tpu.vector_load %arg11[%parallel_loop3A_716, %parallel_loop3A_717, %parallel_loop3A_718] {strides = array<i32>} : memref<32x4x128xf32, #tpu.memory_space<vmem>>, vector<1x1x16xf32>,
      %parallel_loop3A_720 = vector.shape_cast %parallel_loop3A_719 : vector<1x1x16xf32> to vector<16xf32>
      %parallel_loop3A_721 = vector.shape_cast %parallel_loop3A_714 : vector<16xf32> to vector<1x1x16xf32>
      tpu.vector_store %arg11[%parallel_loop3A_716, %parallel_loop3A_717, %parallel_loop3A_718], %parallel_loop3A_721 {strides = array<i32>} : memref<32x4x128xf32, #tpu.memory_space<vmem>>, vector<1x1x16xf32>,
      %parallel_loop3A_722 = arith.constant 3 : i32
      %parallel_loop3A_723 = arith.index_cast %parallel_loop3A_722 : i32 to index
      %parallel_loop3A_724 = arith.index_cast %parallel_loop3A_307 : i32 to index
      %parallel_loop3A_725 = arith.constant 96 : index
      %parallel_loop3A_726 = tpu.vector_load %arg9[%parallel_loop3A_723, %parallel_loop3A_724, %parallel_loop3A_725] {strides = array<i32>} : memref<4x32x128xf32, #tpu.memory_space<vmem>>, vector<1x1x16xf32>,
      %parallel_loop3A_727 = vector.shape_cast %parallel_loop3A_726 : vector<1x1x16xf32> to vector<16xf32>
      %parallel_loop3A_728 = arith.addf %parallel_loop3A_727, %parallel_loop3A_679 : vector<16xf32>
      %parallel_loop3A_729 = arith.constant 3 : i32
      %parallel_loop3A_730 = arith.index_cast %parallel_loop3A_307 : i32 to index
      %parallel_loop3A_731 = arith.index_cast %parallel_loop3A_729 : i32 to index
      %parallel_loop3A_732 = arith.constant 96 : index
      %parallel_loop3A_733 = tpu.vector_load %arg11[%parallel_loop3A_730, %parallel_loop3A_731, %parallel_loop3A_732] {strides = array<i32>} : memref<32x4x128xf32, #tpu.memory_space<vmem>>, vector<1x1x16xf32>,
      %parallel_loop3A_734 = vector.shape_cast %parallel_loop3A_733 : vector<1x1x16xf32> to vector<16xf32>
      %parallel_loop3A_735 = vector.shape_cast %parallel_loop3A_728 : vector<16xf32> to vector<1x1x16xf32>
      tpu.vector_store %arg11[%parallel_loop3A_730, %parallel_loop3A_731, %parallel_loop3A_732], %parallel_loop3A_735 {strides = array<i32>} : memref<32x4x128xf32, #tpu.memory_space<vmem>>, vector<1x1x16xf32>,
      %parallel_loop3A_736 = arith.index_cast %parallel_loop3A_308 : i32 to index
      %parallel_loop3A_737 = arith.constant 112 : index
      %parallel_loop3A_738 = tpu.vector_load %arg8[%parallel_loop3A_736, %parallel_loop3A_737] {strides = array<i32>} : memref<128x128xf32, #tpu.memory_space<vmem>>, vector<1x16xf32>,
      %parallel_loop3A_739 = vector.shape_cast %parallel_loop3A_738 : vector<1x16xf32> to vector<16xf32>
      %parallel_loop3A_740 = arith.addf %parallel_loop3A_739, %add3A_158 : vector<16xf32>
      %parallel_loop3A_741 = arith.constant 0 : i32
      %parallel_loop3A_742 = arith.index_cast %parallel_loop3A_741 : i32 to index
      %parallel_loop3A_743 = arith.index_cast %parallel_loop3A_307 : i32 to index
      %parallel_loop3A_744 = arith.constant 112 : index
      %parallel_loop3A_745 = tpu.vector_load %arg9[%parallel_loop3A_742, %parallel_loop3A_743, %parallel_loop3A_744] {strides = array<i32>} : memref<4x32x128xf32, #tpu.memory_space<vmem>>, vector<1x1x16xf32>,
      %parallel_loop3A_746 = vector.shape_cast %parallel_loop3A_745 : vector<1x1x16xf32> to vector<16xf32>
      %parallel_loop3A_747 = arith.addf %parallel_loop3A_746, %parallel_loop3A_740 : vector<16xf32>
      %parallel_loop3A_748 = arith.constant 0 : i32
      %parallel_loop3A_749 = arith.index_cast %parallel_loop3A_307 : i32 to index
      %parallel_loop3A_750 = arith.index_cast %parallel_loop3A_748 : i32 to index
      %parallel_loop3A_751 = arith.constant 112 : index
      %parallel_loop3A_752 = tpu.vector_load %arg11[%parallel_loop3A_749, %parallel_loop3A_750, %parallel_loop3A_751] {strides = array<i32>} : memref<32x4x128xf32, #tpu.memory_space<vmem>>, vector<1x1x16xf32>,
      %parallel_loop3A_753 = vector.shape_cast %parallel_loop3A_752 : vector<1x1x16xf32> to vector<16xf32>
      %parallel_loop3A_754 = vector.shape_cast %parallel_loop3A_747 : vector<16xf32> to vector<1x1x16xf32>
      tpu.vector_store %arg11[%parallel_loop3A_749, %parallel_loop3A_750, %parallel_loop3A_751], %parallel_loop3A_754 {strides = array<i32>} : memref<32x4x128xf32, #tpu.memory_space<vmem>>, vector<1x1x16xf32>,
      %parallel_loop3A_755 = arith.constant 1 : i32
      %parallel_loop3A_756 = arith.index_cast %parallel_loop3A_755 : i32 to index
      %parallel_loop3A_757 = arith.index_cast %parallel_loop3A_307 : i32 to index
      %parallel_loop3A_758 = arith.constant 112 : index
      %parallel_loop3A_759 = tpu.vector_load %arg9[%parallel_loop3A_756, %parallel_loop3A_757, %parallel_loop3A_758] {strides = array<i32>} : memref<4x32x128xf32, #tpu.memory_space<vmem>>, vector<1x1x16xf32>,
      %parallel_loop3A_760 = vector.shape_cast %parallel_loop3A_759 : vector<1x1x16xf32> to vector<16xf32>
      %parallel_loop3A_761 = arith.addf %parallel_loop3A_760, %parallel_loop3A_740 : vector<16xf32>
      %parallel_loop3A_762 = arith.constant 1 : i32
      %parallel_loop3A_763 = arith.index_cast %parallel_loop3A_307 : i32 to index
      %parallel_loop3A_764 = arith.index_cast %parallel_loop3A_762 : i32 to index
      %parallel_loop3A_765 = arith.constant 112 : index
      %parallel_loop3A_766 = tpu.vector_load %arg11[%parallel_loop3A_763, %parallel_loop3A_764, %parallel_loop3A_765] {strides = array<i32>} : memref<32x4x128xf32, #tpu.memory_space<vmem>>, vector<1x1x16xf32>,
      %parallel_loop3A_767 = vector.shape_cast %parallel_loop3A_766 : vector<1x1x16xf32> to vector<16xf32>
      %parallel_loop3A_768 = vector.shape_cast %parallel_loop3A_761 : vector<16xf32> to vector<1x1x16xf32>
      tpu.vector_store %arg11[%parallel_loop3A_763, %parallel_loop3A_764, %parallel_loop3A_765], %parallel_loop3A_768 {strides = array<i32>} : memref<32x4x128xf32, #tpu.memory_space<vmem>>, vector<1x1x16xf32>,
      %parallel_loop3A_769 = arith.constant 2 : i32
      %parallel_loop3A_770 = arith.index_cast %parallel_loop3A_769 : i32 to index
      %parallel_loop3A_771 = arith.index_cast %parallel_loop3A_307 : i32 to index
      %parallel_loop3A_772 = arith.constant 112 : index
      %parallel_loop3A_773 = tpu.vector_load %arg9[%parallel_loop3A_770, %parallel_loop3A_771, %parallel_loop3A_772] {strides = array<i32>} : memref<4x32x128xf32, #tpu.memory_space<vmem>>, vector<1x1x16xf32>,
      %parallel_loop3A_774 = vector.shape_cast %parallel_loop3A_773 : vector<1x1x16xf32> to vector<16xf32>
      %parallel_loop3A_775 = arith.addf %parallel_loop3A_774, %parallel_loop3A_740 : vector<16xf32>
      %parallel_loop3A_776 = arith.constant 2 : i32
      %parallel_loop3A_777 = arith.index_cast %parallel_loop3A_307 : i32 to index
      %parallel_loop3A_778 = arith.index_cast %parallel_loop3A_776 : i32 to index
      %parallel_loop3A_779 = arith.constant 112 : index
      %parallel_loop3A_780 = tpu.vector_load %arg11[%parallel_loop3A_777, %parallel_loop3A_778, %parallel_loop3A_779] {strides = array<i32>} : memref<32x4x128xf32, #tpu.memory_space<vmem>>, vector<1x1x16xf32>,
      %parallel_loop3A_781 = vector.shape_cast %parallel_loop3A_780 : vector<1x1x16xf32> to vector<16xf32>
      %parallel_loop3A_782 = vector.shape_cast %parallel_loop3A_775 : vector<16xf32> to vector<1x1x16xf32>
      tpu.vector_store %arg11[%parallel_loop3A_777, %parallel_loop3A_778, %parallel_loop3A_779], %parallel_loop3A_782 {strides = array<i32>} : memref<32x4x128xf32, #tpu.memory_space<vmem>>, vector<1x1x16xf32>,
      %parallel_loop3A_783 = arith.constant 3 : i32
      %parallel_loop3A_784 = arith.index_cast %parallel_loop3A_783 : i32 to index
      %parallel_loop3A_785 = arith.index_cast %parallel_loop3A_307 : i32 to index
      %parallel_loop3A_786 = arith.constant 112 : index
      %parallel_loop3A_787 = tpu.vector_load %arg9[%parallel_loop3A_784, %parallel_loop3A_785, %parallel_loop3A_786] {strides = array<i32>} : memref<4x32x128xf32, #tpu.memory_space<vmem>>, vector<1x1x16xf32>,
      %parallel_loop3A_788 = vector.shape_cast %parallel_loop3A_787 : vector<1x1x16xf32> to vector<16xf32>
      %parallel_loop3A_789 = arith.addf %parallel_loop3A_788, %parallel_loop3A_740 : vector<16xf32>
      %parallel_loop3A_790 = arith.constant 3 : i32
      %parallel_loop3A_791 = arith.index_cast %parallel_loop3A_307 : i32 to index
      %parallel_loop3A_792 = arith.index_cast %parallel_loop3A_790 : i32 to index
      %parallel_loop3A_793 = arith.constant 112 : index
      %parallel_loop3A_794 = tpu.vector_load %arg11[%parallel_loop3A_791, %parallel_loop3A_792, %parallel_loop3A_793] {strides = array<i32>} : memref<32x4x128xf32, #tpu.memory_space<vmem>>, vector<1x1x16xf32>,
      %parallel_loop3A_795 = vector.shape_cast %parallel_loop3A_794 : vector<1x1x16xf32> to vector<16xf32>
      %parallel_loop3A_796 = vector.shape_cast %parallel_loop3A_789 : vector<16xf32> to vector<1x1x16xf32>
      tpu.vector_store %arg11[%parallel_loop3A_791, %parallel_loop3A_792, %parallel_loop3A_793], %parallel_loop3A_796 {strides = array<i32>} : memref<32x4x128xf32, #tpu.memory_space<vmem>>, vector<1x1x16xf32>,
    } {sc.loop_unroll_factor = 1 : i64, sc.parallel_access}
    %add3A_173 = arith.constant 1 : i32
    %add3A_174 = arith.addi %add3A_173, %multiple_of3A : i32
    %mul3A_175 = arith.constant 0 : i32
    %mul3A_176 = arith.constant 32 : i32
    %mul3A_177 = arith.muli %mul3A_175, %mul3A_176 : i32
    %add3A_178 = arith.addi %add3A_174, %mul3A_177 : i32
    %ge3A_179 = arith.constant 0 : i32
    %ge3A_180 = arith.constant 4 : i32
    %ge3A_181 = arith.cmpi sge, %ge3A_179, %ge3A_180 : i32
    %jit3A_182 = arith.constant 3968 : i32
    %jit3A_183 = arith.constant 0 : i32
    %select_n3A_184 = arith.select %ge3A_181, %jit3A_182, %jit3A_183 : i32
    %add3A_185 = arith.addi %add3A_178, %select_n3A_184 : i32
    %dma_start3A_186 = arith.constant 0 : i32
    %dma_start3A_187 = arith.constant 0 : i32
    %dma_start3A_188 = tpu.memref_slice %arg7[%add3A_185, %dma_start3A_186, %dma_start3A_187] : memref<8193x4x128xf32, #tpu.memory_space<hbm>> -> memref<32x4x128xf32, #tpu.memory_space<hbm>>
    %dma_start3A_189 = arith.constant 0 : i32
    %dma_start3A_190 = arith.constant 0 : i32
    %dma_start3A_191 = tpu.memref_slice %arg7[%add3A_185, %dma_start3A_189, %dma_start3A_190] : memref<8193x4x128xf32, #tpu.memory_space<hbm>> -> memref<32x4x128xf32, #tpu.memory_space<hbm>>
    tpu.enqueue_dma source(%arg11 : memref<32x4x128xf32, #tpu.memory_space<vmem>>) target(%dma_start3A_191 : memref<32x4x128xf32, #tpu.memory_space<hbm>>) target_semaphore(%arg18 : memref<!tpu.dma_semaphore, #tpu.memory_space<semaphore_mem>>)
    %le3A_192 = arith.constant 2 : i32
    %le3A_193 = arith.constant 3 : i32
    %le3A_194 = arith.cmpi sle, %le3A_192, %le3A_193 : i32
    %convert_element_type3A_195 = arith.extui %le3A_194 : i1 to i32
    %cond3A_196 = arith.constant 2 : i32
    %cond3A_197 = arith.constant 0 : i32
    %cond3A_198 = arith.cmpi ne, %convert_element_type3A_195, %cond3A_197 : i32
    scf.if %cond3A_198 {
      %mul3A_307 = arith.constant 32 : i32
      %mul3A_308 = arith.muli %cond3A_196, %mul3A_307 : i32
      %add3A_309 = arith.addi %multiple_of3A, %mul3A_308 : i32
      %multiple_of3A_310 = tpu.assume_multiple %add3A_309, 32 : i32
      %dma_start3A_311 = arith.constant 0 : i32
      %dma_start3A_312 = arith.constant 0 : i32
      %dma_start3A_313 = tpu.memref_slice %arg2[%dma_start3A_311, %multiple_of3A_310, %dma_start3A_312] : memref<4x4096x128xf32, #tpu.memory_space<hbm>> -> memref<4x32x128xf32, #tpu.memory_space<hbm>>
      %dma_start3A_314 = arith.constant 0 : i32
      %dma_start3A_315 = arith.constant 0 : i32
      %dma_start3A_316 = tpu.memref_slice %arg2[%dma_start3A_314, %multiple_of3A_310, %dma_start3A_315] : memref<4x4096x128xf32, #tpu.memory_space<hbm>> -> memref<4x32x128xf32, #tpu.memory_space<hbm>>
      tpu.enqueue_dma source(%dma_start3A_316 : memref<4x32x128xf32, #tpu.memory_space<hbm>>) target(%arg9 : memref<4x32x128xf32, #tpu.memory_space<vmem>>) target_semaphore(%arg16 : memref<!tpu.dma_semaphore, #tpu.memory_space<semaphore_mem>>)
    } else {
    }
    %ge3A_199 = arith.constant 2 : i32
    %ge3A_200 = arith.constant 4 : i32
    %ge3A_201 = arith.cmpi sge, %ge3A_199, %ge3A_200 : i32
    %convert_element_type3A_202 = arith.extui %ge3A_201 : i1 to i32
    %cond3A_203 = arith.constant 2 : i32
    %cond3A_204 = arith.constant 0 : i32
    %cond3A_205 = arith.cmpi ne, %convert_element_type3A_202, %cond3A_204 : i32
    scf.if %cond3A_205 {
      %sub3A_307 = arith.constant 4 : i32
      %sub3A_308 = arith.subi %cond3A_203, %sub3A_307 : i32
      %mul3A_309 = arith.constant 32 : i32
      %mul3A_310 = arith.muli %sub3A_308, %mul3A_309 : i32
      %add3A_311 = arith.addi %multiple_of3A, %mul3A_310 : i32
      %multiple_of3A_312 = tpu.assume_multiple %add3A_311, 32 : i32
      %dma_start3A_313 = arith.constant 0 : i32
      %dma_start3A_314 = arith.constant 0 : i32
      %dma_start3A_315 = tpu.memref_slice %arg3[%dma_start3A_313, %multiple_of3A_312, %dma_start3A_314] : memref<4x4096x128xf32, #tpu.memory_space<hbm>> -> memref<4x32x128xf32, #tpu.memory_space<hbm>>
      %dma_start3A_316 = arith.constant 0 : i32
      %dma_start3A_317 = arith.constant 0 : i32
      %dma_start3A_318 = tpu.memref_slice %arg3[%dma_start3A_316, %multiple_of3A_312, %dma_start3A_317] : memref<4x4096x128xf32, #tpu.memory_space<hbm>> -> memref<4x32x128xf32, #tpu.memory_space<hbm>>
      tpu.enqueue_dma source(%dma_start3A_318 : memref<4x32x128xf32, #tpu.memory_space<hbm>>) target(%arg9 : memref<4x32x128xf32, #tpu.memory_space<vmem>>) target_semaphore(%arg16 : memref<!tpu.dma_semaphore, #tpu.memory_space<semaphore_mem>>)
    } else {
    }
    %dma_wait3A_206 = arith.constant 0 : i32
    %dma_wait3A_207 = arith.constant 0 : i32
    %dma_wait3A_208 = arith.constant 0 : i32
    %dma_wait3A_209 = tpu.memref_slice %arg2[%dma_wait3A_206, %dma_wait3A_207, %dma_wait3A_208] : memref<4x4096x128xf32, #tpu.memory_space<hbm>> -> memref<4x32x128xf32, #tpu.memory_space<hbm>>
    %dma_wait3A_210 = arith.constant 0 : i32
    %dma_wait3A_211 = arith.constant 0 : i32
    %dma_wait3A_212 = arith.constant 0 : i32
    %dma_wait3A_213 = tpu.memref_slice %arg2[%dma_wait3A_210, %dma_wait3A_211, %dma_wait3A_212] : memref<4x4096x128xf32, #tpu.memory_space<hbm>> -> memref<4x32x128xf32, #tpu.memory_space<hbm>>
    tpu.wait_dma2 semaphore(%arg17 : memref<!tpu.dma_semaphore, #tpu.memory_space<semaphore_mem>>) src(%dma_wait3A_213 : memref<4x32x128xf32, #tpu.memory_space<hbm>>) dst(%arg10 : memref<4x32x128xf32, #tpu.memory_space<vmem>>)
    %le3A_214 = arith.constant 1 : i32
    %le3A_215 = arith.constant 3 : i32
    %le3A_216 = arith.cmpi sle, %le3A_214, %le3A_215 : i32
    %jit3A_217 = arith.constant 1.000000e+00 : f32
    %jit3A_218 = arith.constant 0.000000e+00 : f32
    %select_n3A_219 = arith.select %le3A_216, %jit3A_217, %jit3A_218 : f32
    %sub3A_220 = arith.subf %get3A_36, %get3A_76 : vector<16xf32>
    %mul3A_221 = vector.broadcast %select_n3A_219 : f32 to vector<16xf32>
    %mul3A_222 = arith.mulf %sub3A_220, %mul3A_221 : vector<16xf32>
    %add3A_223 = arith.addf %get3A_76, %mul3A_222 : vector<16xf32>
    %sub3A_224 = arith.subf %get3A_41, %get3A_81 : vector<16xf32>
    %mul3A_225 = vector.broadcast %select_n3A_219 : f32 to vector<16xf32>
    %mul3A_226 = arith.mulf %sub3A_224, %mul3A_225 : vector<16xf32>
    %add3A_227 = arith.addf %get3A_81, %mul3A_226 : vector<16xf32>
    %sub3A_228 = arith.subf %get3A_46, %get3A_86 : vector<16xf32>
    %mul3A_229 = vector.broadcast %select_n3A_219 : f32 to vector<16xf32>
    %mul3A_230 = arith.mulf %sub3A_228, %mul3A_229 : vector<16xf32>
    %add3A_231 = arith.addf %get3A_86, %mul3A_230 : vector<16xf32>
    %sub3A_232 = arith.subf %get3A_51, %get3A_91 : vector<16xf32>
    %mul3A_233 = vector.broadcast %select_n3A_219 : f32 to vector<16xf32>
    %mul3A_234 = arith.mulf %sub3A_232, %mul3A_233 : vector<16xf32>
    %add3A_235 = arith.addf %get3A_91, %mul3A_234 : vector<16xf32>
    %sub3A_236 = arith.subf %get3A_56, %get3A_96 : vector<16xf32>
    %mul3A_237 = vector.broadcast %select_n3A_219 : f32 to vector<16xf32>
    %mul3A_238 = arith.mulf %sub3A_236, %mul3A_237 : vector<16xf32>
    %add3A_239 = arith.addf %get3A_96, %mul3A_238 : vector<16xf32>
    %sub3A_240 = arith.subf %get3A_61, %get3A_101 : vector<16xf32>
    %mul3A_241 = vector.broadcast %select_n3A_219 : f32 to vector<16xf32>
    %mul3A_242 = arith.mulf %sub3A_240, %mul3A_241 : vector<16xf32>
    %add3A_243 = arith.addf %get3A_101, %mul3A_242 : vector<16xf32>
    %sub3A_244 = arith.subf %get3A_66, %get3A_106 : vector<16xf32>
    %mul3A_245 = vector.broadcast %select_n3A_219 : f32 to vector<16xf32>
    %mul3A_246 = arith.mulf %sub3A_244, %mul3A_245 : vector<16xf32>
    %add3A_247 = arith.addf %get3A_106, %mul3A_246 : vector<16xf32>
    %sub3A_248 = arith.subf %get3A_71, %get3A_111 : vector<16xf32>
    %mul3A_249 = vector.broadcast %select_n3A_219 : f32 to vector<16xf32>
    %mul3A_250 = arith.mulf %sub3A_248, %mul3A_249 : vector<16xf32>
    %add3A_251 = arith.addf %get3A_111, %mul3A_250 : vector<16xf32>
    %ge3A_252 = arith.constant 1 : i32
    %ge3A_253 = arith.constant 4 : i32
    %ge3A_254 = arith.cmpi sge, %ge3A_252, %ge3A_253 : i32
    %jit3A_255 = arith.constant 1 : i32
    %jit3A_256 = arith.constant 0 : i32
    %select_n3A_257 = arith.select %ge3A_254, %jit3A_255, %jit3A_256 : i32
    %mul3A_258 = arith.constant 4 : i32
    %mul3A_259 = arith.muli %mul3A_258, %select_n3A_257 : i32
    %sub3A_260 = arith.constant 1 : i32
    %sub3A_261 = arith.subi %sub3A_260, %mul3A_259 : i32
    %mul3A_262 = arith.constant 32 : i32
    %mul3A_263 = arith.muli %sub3A_261, %mul3A_262 : i32
    %parallel_loop3A_264 = arith.constant 0 : i32
    %parallel_loop3A_265 = arith.constant 32 : i32
    %parallel_loop3A_266 = arith.constant 1 : i32
    scf.for %parallel_loop3A_307 = %parallel_loop3A_264 to %parallel_loop3A_265 step %parallel_loop3A_266  : i32 {
      %parallel_loop3A_308 = arith.addi %mul3A_263, %parallel_loop3A_307 : i32
      %parallel_loop3A_309 = arith.index_cast %parallel_loop3A_308 : i32 to index
      %parallel_loop3A_310 = arith.constant 0 : index
      %parallel_loop3A_311 = tpu.vector_load %arg8[%parallel_loop3A_309, %parallel_loop3A_310] {strides = array<i32>} : memref<128x128xf32, #tpu.memory_space<vmem>>, vector<1x16xf32>,
      %parallel_loop3A_312 = vector.shape_cast %parallel_loop3A_311 : vector<1x16xf32> to vector<16xf32>
      %parallel_loop3A_313 = arith.addf %parallel_loop3A_312, %add3A_223 : vector<16xf32>
      %parallel_loop3A_314 = arith.constant 0 : i32
      %parallel_loop3A_315 = arith.index_cast %parallel_loop3A_314 : i32 to index
      %parallel_loop3A_316 = arith.index_cast %parallel_loop3A_307 : i32 to index
      %parallel_loop3A_317 = arith.constant 0 : index
      %parallel_loop3A_318 = tpu.vector_load %arg10[%parallel_loop3A_315, %parallel_loop3A_316, %parallel_loop3A_317] {strides = array<i32>} : memref<4x32x128xf32, #tpu.memory_space<vmem>>, vector<1x1x16xf32>,
      %parallel_loop3A_319 = vector.shape_cast %parallel_loop3A_318 : vector<1x1x16xf32> to vector<16xf32>
      %parallel_loop3A_320 = arith.addf %parallel_loop3A_319, %parallel_loop3A_313 : vector<16xf32>
      %parallel_loop3A_321 = arith.constant 0 : i32
      %parallel_loop3A_322 = arith.index_cast %parallel_loop3A_307 : i32 to index
      %parallel_loop3A_323 = arith.index_cast %parallel_loop3A_321 : i32 to index
      %parallel_loop3A_324 = arith.constant 0 : index
      %parallel_loop3A_325 = tpu.vector_load %arg12[%parallel_loop3A_322, %parallel_loop3A_323, %parallel_loop3A_324] {strides = array<i32>} : memref<32x4x128xf32, #tpu.memory_space<vmem>>, vector<1x1x16xf32>,
      %parallel_loop3A_326 = vector.shape_cast %parallel_loop3A_325 : vector<1x1x16xf32> to vector<16xf32>
      %parallel_loop3A_327 = vector.shape_cast %parallel_loop3A_320 : vector<16xf32> to vector<1x1x16xf32>
      tpu.vector_store %arg12[%parallel_loop3A_322, %parallel_loop3A_323, %parallel_loop3A_324], %parallel_loop3A_327 {strides = array<i32>} : memref<32x4x128xf32, #tpu.memory_space<vmem>>, vector<1x1x16xf32>,
      %parallel_loop3A_328 = arith.constant 1 : i32
      %parallel_loop3A_329 = arith.index_cast %parallel_loop3A_328 : i32 to index
      %parallel_loop3A_330 = arith.index_cast %parallel_loop3A_307 : i32 to index
      %parallel_loop3A_331 = arith.constant 0 : index
      %parallel_loop3A_332 = tpu.vector_load %arg10[%parallel_loop3A_329, %parallel_loop3A_330, %parallel_loop3A_331] {strides = array<i32>} : memref<4x32x128xf32, #tpu.memory_space<vmem>>, vector<1x1x16xf32>,
      %parallel_loop3A_333 = vector.shape_cast %parallel_loop3A_332 : vector<1x1x16xf32> to vector<16xf32>
      %parallel_loop3A_334 = arith.addf %parallel_loop3A_333, %parallel_loop3A_313 : vector<16xf32>
      %parallel_loop3A_335 = arith.constant 1 : i32
      %parallel_loop3A_336 = arith.index_cast %parallel_loop3A_307 : i32 to index
      %parallel_loop3A_337 = arith.index_cast %parallel_loop3A_335 : i32 to index
      %parallel_loop3A_338 = arith.constant 0 : index
      %parallel_loop3A_339 = tpu.vector_load %arg12[%parallel_loop3A_336, %parallel_loop3A_337, %parallel_loop3A_338] {strides = array<i32>} : memref<32x4x128xf32, #tpu.memory_space<vmem>>, vector<1x1x16xf32>,
      %parallel_loop3A_340 = vector.shape_cast %parallel_loop3A_339 : vector<1x1x16xf32> to vector<16xf32>
      %parallel_loop3A_341 = vector.shape_cast %parallel_loop3A_334 : vector<16xf32> to vector<1x1x16xf32>
      tpu.vector_store %arg12[%parallel_loop3A_336, %parallel_loop3A_337, %parallel_loop3A_338], %parallel_loop3A_341 {strides = array<i32>} : memref<32x4x128xf32, #tpu.memory_space<vmem>>, vector<1x1x16xf32>,
      %parallel_loop3A_342 = arith.constant 2 : i32
      %parallel_loop3A_343 = arith.index_cast %parallel_loop3A_342 : i32 to index
      %parallel_loop3A_344 = arith.index_cast %parallel_loop3A_307 : i32 to index
      %parallel_loop3A_345 = arith.constant 0 : index
      %parallel_loop3A_346 = tpu.vector_load %arg10[%parallel_loop3A_343, %parallel_loop3A_344, %parallel_loop3A_345] {strides = array<i32>} : memref<4x32x128xf32, #tpu.memory_space<vmem>>, vector<1x1x16xf32>,
      %parallel_loop3A_347 = vector.shape_cast %parallel_loop3A_346 : vector<1x1x16xf32> to vector<16xf32>
      %parallel_loop3A_348 = arith.addf %parallel_loop3A_347, %parallel_loop3A_313 : vector<16xf32>
      %parallel_loop3A_349 = arith.constant 2 : i32
      %parallel_loop3A_350 = arith.index_cast %parallel_loop3A_307 : i32 to index
      %parallel_loop3A_351 = arith.index_cast %parallel_loop3A_349 : i32 to index
      %parallel_loop3A_352 = arith.constant 0 : index
      %parallel_loop3A_353 = tpu.vector_load %arg12[%parallel_loop3A_350, %parallel_loop3A_351, %parallel_loop3A_352] {strides = array<i32>} : memref<32x4x128xf32, #tpu.memory_space<vmem>>, vector<1x1x16xf32>,
      %parallel_loop3A_354 = vector.shape_cast %parallel_loop3A_353 : vector<1x1x16xf32> to vector<16xf32>
      %parallel_loop3A_355 = vector.shape_cast %parallel_loop3A_348 : vector<16xf32> to vector<1x1x16xf32>
      tpu.vector_store %arg12[%parallel_loop3A_350, %parallel_loop3A_351, %parallel_loop3A_352], %parallel_loop3A_355 {strides = array<i32>} : memref<32x4x128xf32, #tpu.memory_space<vmem>>, vector<1x1x16xf32>,
      %parallel_loop3A_356 = arith.constant 3 : i32
      %parallel_loop3A_357 = arith.index_cast %parallel_loop3A_356 : i32 to index
      %parallel_loop3A_358 = arith.index_cast %parallel_loop3A_307 : i32 to index
      %parallel_loop3A_359 = arith.constant 0 : index
      %parallel_loop3A_360 = tpu.vector_load %arg10[%parallel_loop3A_357, %parallel_loop3A_358, %parallel_loop3A_359] {strides = array<i32>} : memref<4x32x128xf32, #tpu.memory_space<vmem>>, vector<1x1x16xf32>,
      %parallel_loop3A_361 = vector.shape_cast %parallel_loop3A_360 : vector<1x1x16xf32> to vector<16xf32>
      %parallel_loop3A_362 = arith.addf %parallel_loop3A_361, %parallel_loop3A_313 : vector<16xf32>
      %parallel_loop3A_363 = arith.constant 3 : i32
      %parallel_loop3A_364 = arith.index_cast %parallel_loop3A_307 : i32 to index
      %parallel_loop3A_365 = arith.index_cast %parallel_loop3A_363 : i32 to index
      %parallel_loop3A_366 = arith.constant 0 : index
      %parallel_loop3A_367 = tpu.vector_load %arg12[%parallel_loop3A_364, %parallel_loop3A_365, %parallel_loop3A_366] {strides = array<i32>} : memref<32x4x128xf32, #tpu.memory_space<vmem>>, vector<1x1x16xf32>,
      %parallel_loop3A_368 = vector.shape_cast %parallel_loop3A_367 : vector<1x1x16xf32> to vector<16xf32>
      %parallel_loop3A_369 = vector.shape_cast %parallel_loop3A_362 : vector<16xf32> to vector<1x1x16xf32>
      tpu.vector_store %arg12[%parallel_loop3A_364, %parallel_loop3A_365, %parallel_loop3A_366], %parallel_loop3A_369 {strides = array<i32>} : memref<32x4x128xf32, #tpu.memory_space<vmem>>, vector<1x1x16xf32>,
      %parallel_loop3A_370 = arith.index_cast %parallel_loop3A_308 : i32 to index
      %parallel_loop3A_371 = arith.constant 16 : index
      %parallel_loop3A_372 = tpu.vector_load %arg8[%parallel_loop3A_370, %parallel_loop3A_371] {strides = array<i32>} : memref<128x128xf32, #tpu.memory_space<vmem>>, vector<1x16xf32>,
      %parallel_loop3A_373 = vector.shape_cast %parallel_loop3A_372 : vector<1x16xf32> to vector<16xf32>
      %parallel_loop3A_374 = arith.addf %parallel_loop3A_373, %add3A_227 : vector<16xf32>
      %parallel_loop3A_375 = arith.constant 0 : i32
      %parallel_loop3A_376 = arith.index_cast %parallel_loop3A_375 : i32 to index
      %parallel_loop3A_377 = arith.index_cast %parallel_loop3A_307 : i32 to index
      %parallel_loop3A_378 = arith.constant 16 : index
      %parallel_loop3A_379 = tpu.vector_load %arg10[%parallel_loop3A_376, %parallel_loop3A_377, %parallel_loop3A_378] {strides = array<i32>} : memref<4x32x128xf32, #tpu.memory_space<vmem>>, vector<1x1x16xf32>,
      %parallel_loop3A_380 = vector.shape_cast %parallel_loop3A_379 : vector<1x1x16xf32> to vector<16xf32>
      %parallel_loop3A_381 = arith.addf %parallel_loop3A_380, %parallel_loop3A_374 : vector<16xf32>
      %parallel_loop3A_382 = arith.constant 0 : i32
      %parallel_loop3A_383 = arith.index_cast %parallel_loop3A_307 : i32 to index
      %parallel_loop3A_384 = arith.index_cast %parallel_loop3A_382 : i32 to index
      %parallel_loop3A_385 = arith.constant 16 : index
      %parallel_loop3A_386 = tpu.vector_load %arg12[%parallel_loop3A_383, %parallel_loop3A_384, %parallel_loop3A_385] {strides = array<i32>} : memref<32x4x128xf32, #tpu.memory_space<vmem>>, vector<1x1x16xf32>,
      %parallel_loop3A_387 = vector.shape_cast %parallel_loop3A_386 : vector<1x1x16xf32> to vector<16xf32>
      %parallel_loop3A_388 = vector.shape_cast %parallel_loop3A_381 : vector<16xf32> to vector<1x1x16xf32>
      tpu.vector_store %arg12[%parallel_loop3A_383, %parallel_loop3A_384, %parallel_loop3A_385], %parallel_loop3A_388 {strides = array<i32>} : memref<32x4x128xf32, #tpu.memory_space<vmem>>, vector<1x1x16xf32>,
      %parallel_loop3A_389 = arith.constant 1 : i32
      %parallel_loop3A_390 = arith.index_cast %parallel_loop3A_389 : i32 to index
      %parallel_loop3A_391 = arith.index_cast %parallel_loop3A_307 : i32 to index
      %parallel_loop3A_392 = arith.constant 16 : index
      %parallel_loop3A_393 = tpu.vector_load %arg10[%parallel_loop3A_390, %parallel_loop3A_391, %parallel_loop3A_392] {strides = array<i32>} : memref<4x32x128xf32, #tpu.memory_space<vmem>>, vector<1x1x16xf32>,
      %parallel_loop3A_394 = vector.shape_cast %parallel_loop3A_393 : vector<1x1x16xf32> to vector<16xf32>
      %parallel_loop3A_395 = arith.addf %parallel_loop3A_394, %parallel_loop3A_374 : vector<16xf32>
      %parallel_loop3A_396 = arith.constant 1 : i32
      %parallel_loop3A_397 = arith.index_cast %parallel_loop3A_307 : i32 to index
      %parallel_loop3A_398 = arith.index_cast %parallel_loop3A_396 : i32 to index
      %parallel_loop3A_399 = arith.constant 16 : index
      %parallel_loop3A_400 = tpu.vector_load %arg12[%parallel_loop3A_397, %parallel_loop3A_398, %parallel_loop3A_399] {strides = array<i32>} : memref<32x4x128xf32, #tpu.memory_space<vmem>>, vector<1x1x16xf32>,
      %parallel_loop3A_401 = vector.shape_cast %parallel_loop3A_400 : vector<1x1x16xf32> to vector<16xf32>
      %parallel_loop3A_402 = vector.shape_cast %parallel_loop3A_395 : vector<16xf32> to vector<1x1x16xf32>
      tpu.vector_store %arg12[%parallel_loop3A_397, %parallel_loop3A_398, %parallel_loop3A_399], %parallel_loop3A_402 {strides = array<i32>} : memref<32x4x128xf32, #tpu.memory_space<vmem>>, vector<1x1x16xf32>,
      %parallel_loop3A_403 = arith.constant 2 : i32
      %parallel_loop3A_404 = arith.index_cast %parallel_loop3A_403 : i32 to index
      %parallel_loop3A_405 = arith.index_cast %parallel_loop3A_307 : i32 to index
      %parallel_loop3A_406 = arith.constant 16 : index
      %parallel_loop3A_407 = tpu.vector_load %arg10[%parallel_loop3A_404, %parallel_loop3A_405, %parallel_loop3A_406] {strides = array<i32>} : memref<4x32x128xf32, #tpu.memory_space<vmem>>, vector<1x1x16xf32>,
      %parallel_loop3A_408 = vector.shape_cast %parallel_loop3A_407 : vector<1x1x16xf32> to vector<16xf32>
      %parallel_loop3A_409 = arith.addf %parallel_loop3A_408, %parallel_loop3A_374 : vector<16xf32>
      %parallel_loop3A_410 = arith.constant 2 : i32
      %parallel_loop3A_411 = arith.index_cast %parallel_loop3A_307 : i32 to index
      %parallel_loop3A_412 = arith.index_cast %parallel_loop3A_410 : i32 to index
      %parallel_loop3A_413 = arith.constant 16 : index
      %parallel_loop3A_414 = tpu.vector_load %arg12[%parallel_loop3A_411, %parallel_loop3A_412, %parallel_loop3A_413] {strides = array<i32>} : memref<32x4x128xf32, #tpu.memory_space<vmem>>, vector<1x1x16xf32>,
      %parallel_loop3A_415 = vector.shape_cast %parallel_loop3A_414 : vector<1x1x16xf32> to vector<16xf32>
      %parallel_loop3A_416 = vector.shape_cast %parallel_loop3A_409 : vector<16xf32> to vector<1x1x16xf32>
      tpu.vector_store %arg12[%parallel_loop3A_411, %parallel_loop3A_412, %parallel_loop3A_413], %parallel_loop3A_416 {strides = array<i32>} : memref<32x4x128xf32, #tpu.memory_space<vmem>>, vector<1x1x16xf32>,
      %parallel_loop3A_417 = arith.constant 3 : i32
      %parallel_loop3A_418 = arith.index_cast %parallel_loop3A_417 : i32 to index
      %parallel_loop3A_419 = arith.index_cast %parallel_loop3A_307 : i32 to index
      %parallel_loop3A_420 = arith.constant 16 : index
      %parallel_loop3A_421 = tpu.vector_load %arg10[%parallel_loop3A_418, %parallel_loop3A_419, %parallel_loop3A_420] {strides = array<i32>} : memref<4x32x128xf32, #tpu.memory_space<vmem>>, vector<1x1x16xf32>,
      %parallel_loop3A_422 = vector.shape_cast %parallel_loop3A_421 : vector<1x1x16xf32> to vector<16xf32>
      %parallel_loop3A_423 = arith.addf %parallel_loop3A_422, %parallel_loop3A_374 : vector<16xf32>
      %parallel_loop3A_424 = arith.constant 3 : i32
      %parallel_loop3A_425 = arith.index_cast %parallel_loop3A_307 : i32 to index
      %parallel_loop3A_426 = arith.index_cast %parallel_loop3A_424 : i32 to index
      %parallel_loop3A_427 = arith.constant 16 : index
      %parallel_loop3A_428 = tpu.vector_load %arg12[%parallel_loop3A_425, %parallel_loop3A_426, %parallel_loop3A_427] {strides = array<i32>} : memref<32x4x128xf32, #tpu.memory_space<vmem>>, vector<1x1x16xf32>,
      %parallel_loop3A_429 = vector.shape_cast %parallel_loop3A_428 : vector<1x1x16xf32> to vector<16xf32>
      %parallel_loop3A_430 = vector.shape_cast %parallel_loop3A_423 : vector<16xf32> to vector<1x1x16xf32>
      tpu.vector_store %arg12[%parallel_loop3A_425, %parallel_loop3A_426, %parallel_loop3A_427], %parallel_loop3A_430 {strides = array<i32>} : memref<32x4x128xf32, #tpu.memory_space<vmem>>, vector<1x1x16xf32>,
      %parallel_loop3A_431 = arith.index_cast %parallel_loop3A_308 : i32 to index
      %parallel_loop3A_432 = arith.constant 32 : index
      %parallel_loop3A_433 = tpu.vector_load %arg8[%parallel_loop3A_431, %parallel_loop3A_432] {strides = array<i32>} : memref<128x128xf32, #tpu.memory_space<vmem>>, vector<1x16xf32>,
      %parallel_loop3A_434 = vector.shape_cast %parallel_loop3A_433 : vector<1x16xf32> to vector<16xf32>
      %parallel_loop3A_435 = arith.addf %parallel_loop3A_434, %add3A_231 : vector<16xf32>
      %parallel_loop3A_436 = arith.constant 0 : i32
      %parallel_loop3A_437 = arith.index_cast %parallel_loop3A_436 : i32 to index
      %parallel_loop3A_438 = arith.index_cast %parallel_loop3A_307 : i32 to index
      %parallel_loop3A_439 = arith.constant 32 : index
      %parallel_loop3A_440 = tpu.vector_load %arg10[%parallel_loop3A_437, %parallel_loop3A_438, %parallel_loop3A_439] {strides = array<i32>} : memref<4x32x128xf32, #tpu.memory_space<vmem>>, vector<1x1x16xf32>,
      %parallel_loop3A_441 = vector.shape_cast %parallel_loop3A_440 : vector<1x1x16xf32> to vector<16xf32>
      %parallel_loop3A_442 = arith.addf %parallel_loop3A_441, %parallel_loop3A_435 : vector<16xf32>
      %parallel_loop3A_443 = arith.constant 0 : i32
      %parallel_loop3A_444 = arith.index_cast %parallel_loop3A_307 : i32 to index
      %parallel_loop3A_445 = arith.index_cast %parallel_loop3A_443 : i32 to index
      %parallel_loop3A_446 = arith.constant 32 : index
      %parallel_loop3A_447 = tpu.vector_load %arg12[%parallel_loop3A_444, %parallel_loop3A_445, %parallel_loop3A_446] {strides = array<i32>} : memref<32x4x128xf32, #tpu.memory_space<vmem>>, vector<1x1x16xf32>,
      %parallel_loop3A_448 = vector.shape_cast %parallel_loop3A_447 : vector<1x1x16xf32> to vector<16xf32>
      %parallel_loop3A_449 = vector.shape_cast %parallel_loop3A_442 : vector<16xf32> to vector<1x1x16xf32>
      tpu.vector_store %arg12[%parallel_loop3A_444, %parallel_loop3A_445, %parallel_loop3A_446], %parallel_loop3A_449 {strides = array<i32>} : memref<32x4x128xf32, #tpu.memory_space<vmem>>, vector<1x1x16xf32>,
      %parallel_loop3A_450 = arith.constant 1 : i32
      %parallel_loop3A_451 = arith.index_cast %parallel_loop3A_450 : i32 to index
      %parallel_loop3A_452 = arith.index_cast %parallel_loop3A_307 : i32 to index
      %parallel_loop3A_453 = arith.constant 32 : index
      %parallel_loop3A_454 = tpu.vector_load %arg10[%parallel_loop3A_451, %parallel_loop3A_452, %parallel_loop3A_453] {strides = array<i32>} : memref<4x32x128xf32, #tpu.memory_space<vmem>>, vector<1x1x16xf32>,
      %parallel_loop3A_455 = vector.shape_cast %parallel_loop3A_454 : vector<1x1x16xf32> to vector<16xf32>
      %parallel_loop3A_456 = arith.addf %parallel_loop3A_455, %parallel_loop3A_435 : vector<16xf32>
      %parallel_loop3A_457 = arith.constant 1 : i32
      %parallel_loop3A_458 = arith.index_cast %parallel_loop3A_307 : i32 to index
      %parallel_loop3A_459 = arith.index_cast %parallel_loop3A_457 : i32 to index
      %parallel_loop3A_460 = arith.constant 32 : index
      %parallel_loop3A_461 = tpu.vector_load %arg12[%parallel_loop3A_458, %parallel_loop3A_459, %parallel_loop3A_460] {strides = array<i32>} : memref<32x4x128xf32, #tpu.memory_space<vmem>>, vector<1x1x16xf32>,
      %parallel_loop3A_462 = vector.shape_cast %parallel_loop3A_461 : vector<1x1x16xf32> to vector<16xf32>
      %parallel_loop3A_463 = vector.shape_cast %parallel_loop3A_456 : vector<16xf32> to vector<1x1x16xf32>
      tpu.vector_store %arg12[%parallel_loop3A_458, %parallel_loop3A_459, %parallel_loop3A_460], %parallel_loop3A_463 {strides = array<i32>} : memref<32x4x128xf32, #tpu.memory_space<vmem>>, vector<1x1x16xf32>,
      %parallel_loop3A_464 = arith.constant 2 : i32
      %parallel_loop3A_465 = arith.index_cast %parallel_loop3A_464 : i32 to index
      %parallel_loop3A_466 = arith.index_cast %parallel_loop3A_307 : i32 to index
      %parallel_loop3A_467 = arith.constant 32 : index
      %parallel_loop3A_468 = tpu.vector_load %arg10[%parallel_loop3A_465, %parallel_loop3A_466, %parallel_loop3A_467] {strides = array<i32>} : memref<4x32x128xf32, #tpu.memory_space<vmem>>, vector<1x1x16xf32>,
      %parallel_loop3A_469 = vector.shape_cast %parallel_loop3A_468 : vector<1x1x16xf32> to vector<16xf32>
      %parallel_loop3A_470 = arith.addf %parallel_loop3A_469, %parallel_loop3A_435 : vector<16xf32>
      %parallel_loop3A_471 = arith.constant 2 : i32
      %parallel_loop3A_472 = arith.index_cast %parallel_loop3A_307 : i32 to index
      %parallel_loop3A_473 = arith.index_cast %parallel_loop3A_471 : i32 to index
      %parallel_loop3A_474 = arith.constant 32 : index
      %parallel_loop3A_475 = tpu.vector_load %arg12[%parallel_loop3A_472, %parallel_loop3A_473, %parallel_loop3A_474] {strides = array<i32>} : memref<32x4x128xf32, #tpu.memory_space<vmem>>, vector<1x1x16xf32>,
      %parallel_loop3A_476 = vector.shape_cast %parallel_loop3A_475 : vector<1x1x16xf32> to vector<16xf32>
      %parallel_loop3A_477 = vector.shape_cast %parallel_loop3A_470 : vector<16xf32> to vector<1x1x16xf32>
      tpu.vector_store %arg12[%parallel_loop3A_472, %parallel_loop3A_473, %parallel_loop3A_474], %parallel_loop3A_477 {strides = array<i32>} : memref<32x4x128xf32, #tpu.memory_space<vmem>>, vector<1x1x16xf32>,
      %parallel_loop3A_478 = arith.constant 3 : i32
      %parallel_loop3A_479 = arith.index_cast %parallel_loop3A_478 : i32 to index
      %parallel_loop3A_480 = arith.index_cast %parallel_loop3A_307 : i32 to index
      %parallel_loop3A_481 = arith.constant 32 : index
      %parallel_loop3A_482 = tpu.vector_load %arg10[%parallel_loop3A_479, %parallel_loop3A_480, %parallel_loop3A_481] {strides = array<i32>} : memref<4x32x128xf32, #tpu.memory_space<vmem>>, vector<1x1x16xf32>,
      %parallel_loop3A_483 = vector.shape_cast %parallel_loop3A_482 : vector<1x1x16xf32> to vector<16xf32>
      %parallel_loop3A_484 = arith.addf %parallel_loop3A_483, %parallel_loop3A_435 : vector<16xf32>
      %parallel_loop3A_485 = arith.constant 3 : i32
      %parallel_loop3A_486 = arith.index_cast %parallel_loop3A_307 : i32 to index
      %parallel_loop3A_487 = arith.index_cast %parallel_loop3A_485 : i32 to index
      %parallel_loop3A_488 = arith.constant 32 : index
      %parallel_loop3A_489 = tpu.vector_load %arg12[%parallel_loop3A_486, %parallel_loop3A_487, %parallel_loop3A_488] {strides = array<i32>} : memref<32x4x128xf32, #tpu.memory_space<vmem>>, vector<1x1x16xf32>,
      %parallel_loop3A_490 = vector.shape_cast %parallel_loop3A_489 : vector<1x1x16xf32> to vector<16xf32>
      %parallel_loop3A_491 = vector.shape_cast %parallel_loop3A_484 : vector<16xf32> to vector<1x1x16xf32>
      tpu.vector_store %arg12[%parallel_loop3A_486, %parallel_loop3A_487, %parallel_loop3A_488], %parallel_loop3A_491 {strides = array<i32>} : memref<32x4x128xf32, #tpu.memory_space<vmem>>, vector<1x1x16xf32>,
      %parallel_loop3A_492 = arith.index_cast %parallel_loop3A_308 : i32 to index
      %parallel_loop3A_493 = arith.constant 48 : index
      %parallel_loop3A_494 = tpu.vector_load %arg8[%parallel_loop3A_492, %parallel_loop3A_493] {strides = array<i32>} : memref<128x128xf32, #tpu.memory_space<vmem>>, vector<1x16xf32>,
      %parallel_loop3A_495 = vector.shape_cast %parallel_loop3A_494 : vector<1x16xf32> to vector<16xf32>
      %parallel_loop3A_496 = arith.addf %parallel_loop3A_495, %add3A_235 : vector<16xf32>
      %parallel_loop3A_497 = arith.constant 0 : i32
      %parallel_loop3A_498 = arith.index_cast %parallel_loop3A_497 : i32 to index
      %parallel_loop3A_499 = arith.index_cast %parallel_loop3A_307 : i32 to index
      %parallel_loop3A_500 = arith.constant 48 : index
      %parallel_loop3A_501 = tpu.vector_load %arg10[%parallel_loop3A_498, %parallel_loop3A_499, %parallel_loop3A_500] {strides = array<i32>} : memref<4x32x128xf32, #tpu.memory_space<vmem>>, vector<1x1x16xf32>,
      %parallel_loop3A_502 = vector.shape_cast %parallel_loop3A_501 : vector<1x1x16xf32> to vector<16xf32>
      %parallel_loop3A_503 = arith.addf %parallel_loop3A_502, %parallel_loop3A_496 : vector<16xf32>
      %parallel_loop3A_504 = arith.constant 0 : i32
      %parallel_loop3A_505 = arith.index_cast %parallel_loop3A_307 : i32 to index
      %parallel_loop3A_506 = arith.index_cast %parallel_loop3A_504 : i32 to index
      %parallel_loop3A_507 = arith.constant 48 : index
      %parallel_loop3A_508 = tpu.vector_load %arg12[%parallel_loop3A_505, %parallel_loop3A_506, %parallel_loop3A_507] {strides = array<i32>} : memref<32x4x128xf32, #tpu.memory_space<vmem>>, vector<1x1x16xf32>,
      %parallel_loop3A_509 = vector.shape_cast %parallel_loop3A_508 : vector<1x1x16xf32> to vector<16xf32>
      %parallel_loop3A_510 = vector.shape_cast %parallel_loop3A_503 : vector<16xf32> to vector<1x1x16xf32>
      tpu.vector_store %arg12[%parallel_loop3A_505, %parallel_loop3A_506, %parallel_loop3A_507], %parallel_loop3A_510 {strides = array<i32>} : memref<32x4x128xf32, #tpu.memory_space<vmem>>, vector<1x1x16xf32>,
      %parallel_loop3A_511 = arith.constant 1 : i32
      %parallel_loop3A_512 = arith.index_cast %parallel_loop3A_511 : i32 to index
      %parallel_loop3A_513 = arith.index_cast %parallel_loop3A_307 : i32 to index
      %parallel_loop3A_514 = arith.constant 48 : index
      %parallel_loop3A_515 = tpu.vector_load %arg10[%parallel_loop3A_512, %parallel_loop3A_513, %parallel_loop3A_514] {strides = array<i32>} : memref<4x32x128xf32, #tpu.memory_space<vmem>>, vector<1x1x16xf32>,
      %parallel_loop3A_516 = vector.shape_cast %parallel_loop3A_515 : vector<1x1x16xf32> to vector<16xf32>
      %parallel_loop3A_517 = arith.addf %parallel_loop3A_516, %parallel_loop3A_496 : vector<16xf32>
      %parallel_loop3A_518 = arith.constant 1 : i32
      %parallel_loop3A_519 = arith.index_cast %parallel_loop3A_307 : i32 to index
      %parallel_loop3A_520 = arith.index_cast %parallel_loop3A_518 : i32 to index
      %parallel_loop3A_521 = arith.constant 48 : index
      %parallel_loop3A_522 = tpu.vector_load %arg12[%parallel_loop3A_519, %parallel_loop3A_520, %parallel_loop3A_521] {strides = array<i32>} : memref<32x4x128xf32, #tpu.memory_space<vmem>>, vector<1x1x16xf32>,
      %parallel_loop3A_523 = vector.shape_cast %parallel_loop3A_522 : vector<1x1x16xf32> to vector<16xf32>
      %parallel_loop3A_524 = vector.shape_cast %parallel_loop3A_517 : vector<16xf32> to vector<1x1x16xf32>
      tpu.vector_store %arg12[%parallel_loop3A_519, %parallel_loop3A_520, %parallel_loop3A_521], %parallel_loop3A_524 {strides = array<i32>} : memref<32x4x128xf32, #tpu.memory_space<vmem>>, vector<1x1x16xf32>,
      %parallel_loop3A_525 = arith.constant 2 : i32
      %parallel_loop3A_526 = arith.index_cast %parallel_loop3A_525 : i32 to index
      %parallel_loop3A_527 = arith.index_cast %parallel_loop3A_307 : i32 to index
      %parallel_loop3A_528 = arith.constant 48 : index
      %parallel_loop3A_529 = tpu.vector_load %arg10[%parallel_loop3A_526, %parallel_loop3A_527, %parallel_loop3A_528] {strides = array<i32>} : memref<4x32x128xf32, #tpu.memory_space<vmem>>, vector<1x1x16xf32>,
      %parallel_loop3A_530 = vector.shape_cast %parallel_loop3A_529 : vector<1x1x16xf32> to vector<16xf32>
      %parallel_loop3A_531 = arith.addf %parallel_loop3A_530, %parallel_loop3A_496 : vector<16xf32>
      %parallel_loop3A_532 = arith.constant 2 : i32
      %parallel_loop3A_533 = arith.index_cast %parallel_loop3A_307 : i32 to index
      %parallel_loop3A_534 = arith.index_cast %parallel_loop3A_532 : i32 to index
      %parallel_loop3A_535 = arith.constant 48 : index
      %parallel_loop3A_536 = tpu.vector_load %arg12[%parallel_loop3A_533, %parallel_loop3A_534, %parallel_loop3A_535] {strides = array<i32>} : memref<32x4x128xf32, #tpu.memory_space<vmem>>, vector<1x1x16xf32>,
      %parallel_loop3A_537 = vector.shape_cast %parallel_loop3A_536 : vector<1x1x16xf32> to vector<16xf32>
      %parallel_loop3A_538 = vector.shape_cast %parallel_loop3A_531 : vector<16xf32> to vector<1x1x16xf32>
      tpu.vector_store %arg12[%parallel_loop3A_533, %parallel_loop3A_534, %parallel_loop3A_535], %parallel_loop3A_538 {strides = array<i32>} : memref<32x4x128xf32, #tpu.memory_space<vmem>>, vector<1x1x16xf32>,
      %parallel_loop3A_539 = arith.constant 3 : i32
      %parallel_loop3A_540 = arith.index_cast %parallel_loop3A_539 : i32 to index
      %parallel_loop3A_541 = arith.index_cast %parallel_loop3A_307 : i32 to index
      %parallel_loop3A_542 = arith.constant 48 : index
      %parallel_loop3A_543 = tpu.vector_load %arg10[%parallel_loop3A_540, %parallel_loop3A_541, %parallel_loop3A_542] {strides = array<i32>} : memref<4x32x128xf32, #tpu.memory_space<vmem>>, vector<1x1x16xf32>,
      %parallel_loop3A_544 = vector.shape_cast %parallel_loop3A_543 : vector<1x1x16xf32> to vector<16xf32>
      %parallel_loop3A_545 = arith.addf %parallel_loop3A_544, %parallel_loop3A_496 : vector<16xf32>
      %parallel_loop3A_546 = arith.constant 3 : i32
      %parallel_loop3A_547 = arith.index_cast %parallel_loop3A_307 : i32 to index
      %parallel_loop3A_548 = arith.index_cast %parallel_loop3A_546 : i32 to index
      %parallel_loop3A_549 = arith.constant 48 : index
      %parallel_loop3A_550 = tpu.vector_load %arg12[%parallel_loop3A_547, %parallel_loop3A_548, %parallel_loop3A_549] {strides = array<i32>} : memref<32x4x128xf32, #tpu.memory_space<vmem>>, vector<1x1x16xf32>,
      %parallel_loop3A_551 = vector.shape_cast %parallel_loop3A_550 : vector<1x1x16xf32> to vector<16xf32>
      %parallel_loop3A_552 = vector.shape_cast %parallel_loop3A_545 : vector<16xf32> to vector<1x1x16xf32>
      tpu.vector_store %arg12[%parallel_loop3A_547, %parallel_loop3A_548, %parallel_loop3A_549], %parallel_loop3A_552 {strides = array<i32>} : memref<32x4x128xf32, #tpu.memory_space<vmem>>, vector<1x1x16xf32>,
      %parallel_loop3A_553 = arith.index_cast %parallel_loop3A_308 : i32 to index
      %parallel_loop3A_554 = arith.constant 64 : index
      %parallel_loop3A_555 = tpu.vector_load %arg8[%parallel_loop3A_553, %parallel_loop3A_554] {strides = array<i32>} : memref<128x128xf32, #tpu.memory_space<vmem>>, vector<1x16xf32>,
      %parallel_loop3A_556 = vector.shape_cast %parallel_loop3A_555 : vector<1x16xf32> to vector<16xf32>
      %parallel_loop3A_557 = arith.addf %parallel_loop3A_556, %add3A_239 : vector<16xf32>
      %parallel_loop3A_558 = arith.constant 0 : i32
      %parallel_loop3A_559 = arith.index_cast %parallel_loop3A_558 : i32 to index
      %parallel_loop3A_560 = arith.index_cast %parallel_loop3A_307 : i32 to index
      %parallel_loop3A_561 = arith.constant 64 : index
      %parallel_loop3A_562 = tpu.vector_load %arg10[%parallel_loop3A_559, %parallel_loop3A_560, %parallel_loop3A_561] {strides = array<i32>} : memref<4x32x128xf32, #tpu.memory_space<vmem>>, vector<1x1x16xf32>,
      %parallel_loop3A_563 = vector.shape_cast %parallel_loop3A_562 : vector<1x1x16xf32> to vector<16xf32>
      %parallel_loop3A_564 = arith.addf %parallel_loop3A_563, %parallel_loop3A_557 : vector<16xf32>
      %parallel_loop3A_565 = arith.constant 0 : i32
      %parallel_loop3A_566 = arith.index_cast %parallel_loop3A_307 : i32 to index
      %parallel_loop3A_567 = arith.index_cast %parallel_loop3A_565 : i32 to index
      %parallel_loop3A_568 = arith.constant 64 : index
      %parallel_loop3A_569 = tpu.vector_load %arg12[%parallel_loop3A_566, %parallel_loop3A_567, %parallel_loop3A_568] {strides = array<i32>} : memref<32x4x128xf32, #tpu.memory_space<vmem>>, vector<1x1x16xf32>,
      %parallel_loop3A_570 = vector.shape_cast %parallel_loop3A_569 : vector<1x1x16xf32> to vector<16xf32>
      %parallel_loop3A_571 = vector.shape_cast %parallel_loop3A_564 : vector<16xf32> to vector<1x1x16xf32>
      tpu.vector_store %arg12[%parallel_loop3A_566, %parallel_loop3A_567, %parallel_loop3A_568], %parallel_loop3A_571 {strides = array<i32>} : memref<32x4x128xf32, #tpu.memory_space<vmem>>, vector<1x1x16xf32>,
      %parallel_loop3A_572 = arith.constant 1 : i32
      %parallel_loop3A_573 = arith.index_cast %parallel_loop3A_572 : i32 to index
      %parallel_loop3A_574 = arith.index_cast %parallel_loop3A_307 : i32 to index
      %parallel_loop3A_575 = arith.constant 64 : index
      %parallel_loop3A_576 = tpu.vector_load %arg10[%parallel_loop3A_573, %parallel_loop3A_574, %parallel_loop3A_575] {strides = array<i32>} : memref<4x32x128xf32, #tpu.memory_space<vmem>>, vector<1x1x16xf32>,
      %parallel_loop3A_577 = vector.shape_cast %parallel_loop3A_576 : vector<1x1x16xf32> to vector<16xf32>
      %parallel_loop3A_578 = arith.addf %parallel_loop3A_577, %parallel_loop3A_557 : vector<16xf32>
      %parallel_loop3A_579 = arith.constant 1 : i32
      %parallel_loop3A_580 = arith.index_cast %parallel_loop3A_307 : i32 to index
      %parallel_loop3A_581 = arith.index_cast %parallel_loop3A_579 : i32 to index
      %parallel_loop3A_582 = arith.constant 64 : index
      %parallel_loop3A_583 = tpu.vector_load %arg12[%parallel_loop3A_580, %parallel_loop3A_581, %parallel_loop3A_582] {strides = array<i32>} : memref<32x4x128xf32, #tpu.memory_space<vmem>>, vector<1x1x16xf32>,
      %parallel_loop3A_584 = vector.shape_cast %parallel_loop3A_583 : vector<1x1x16xf32> to vector<16xf32>
      %parallel_loop3A_585 = vector.shape_cast %parallel_loop3A_578 : vector<16xf32> to vector<1x1x16xf32>
      tpu.vector_store %arg12[%parallel_loop3A_580, %parallel_loop3A_581, %parallel_loop3A_582], %parallel_loop3A_585 {strides = array<i32>} : memref<32x4x128xf32, #tpu.memory_space<vmem>>, vector<1x1x16xf32>,
      %parallel_loop3A_586 = arith.constant 2 : i32
      %parallel_loop3A_587 = arith.index_cast %parallel_loop3A_586 : i32 to index
      %parallel_loop3A_588 = arith.index_cast %parallel_loop3A_307 : i32 to index
      %parallel_loop3A_589 = arith.constant 64 : index
      %parallel_loop3A_590 = tpu.vector_load %arg10[%parallel_loop3A_587, %parallel_loop3A_588, %parallel_loop3A_589] {strides = array<i32>} : memref<4x32x128xf32, #tpu.memory_space<vmem>>, vector<1x1x16xf32>,
      %parallel_loop3A_591 = vector.shape_cast %parallel_loop3A_590 : vector<1x1x16xf32> to vector<16xf32>
      %parallel_loop3A_592 = arith.addf %parallel_loop3A_591, %parallel_loop3A_557 : vector<16xf32>
      %parallel_loop3A_593 = arith.constant 2 : i32
      %parallel_loop3A_594 = arith.index_cast %parallel_loop3A_307 : i32 to index
      %parallel_loop3A_595 = arith.index_cast %parallel_loop3A_593 : i32 to index
      %parallel_loop3A_596 = arith.constant 64 : index
      %parallel_loop3A_597 = tpu.vector_load %arg12[%parallel_loop3A_594, %parallel_loop3A_595, %parallel_loop3A_596] {strides = array<i32>} : memref<32x4x128xf32, #tpu.memory_space<vmem>>, vector<1x1x16xf32>,
      %parallel_loop3A_598 = vector.shape_cast %parallel_loop3A_597 : vector<1x1x16xf32> to vector<16xf32>
      %parallel_loop3A_599 = vector.shape_cast %parallel_loop3A_592 : vector<16xf32> to vector<1x1x16xf32>
      tpu.vector_store %arg12[%parallel_loop3A_594, %parallel_loop3A_595, %parallel_loop3A_596], %parallel_loop3A_599 {strides = array<i32>} : memref<32x4x128xf32, #tpu.memory_space<vmem>>, vector<1x1x16xf32>,
      %parallel_loop3A_600 = arith.constant 3 : i32
      %parallel_loop3A_601 = arith.index_cast %parallel_loop3A_600 : i32 to index
      %parallel_loop3A_602 = arith.index_cast %parallel_loop3A_307 : i32 to index
      %parallel_loop3A_603 = arith.constant 64 : index
      %parallel_loop3A_604 = tpu.vector_load %arg10[%parallel_loop3A_601, %parallel_loop3A_602, %parallel_loop3A_603] {strides = array<i32>} : memref<4x32x128xf32, #tpu.memory_space<vmem>>, vector<1x1x16xf32>,
      %parallel_loop3A_605 = vector.shape_cast %parallel_loop3A_604 : vector<1x1x16xf32> to vector<16xf32>
      %parallel_loop3A_606 = arith.addf %parallel_loop3A_605, %parallel_loop3A_557 : vector<16xf32>
      %parallel_loop3A_607 = arith.constant 3 : i32
      %parallel_loop3A_608 = arith.index_cast %parallel_loop3A_307 : i32 to index
      %parallel_loop3A_609 = arith.index_cast %parallel_loop3A_607 : i32 to index
      %parallel_loop3A_610 = arith.constant 64 : index
      %parallel_loop3A_611 = tpu.vector_load %arg12[%parallel_loop3A_608, %parallel_loop3A_609, %parallel_loop3A_610] {strides = array<i32>} : memref<32x4x128xf32, #tpu.memory_space<vmem>>, vector<1x1x16xf32>,
      %parallel_loop3A_612 = vector.shape_cast %parallel_loop3A_611 : vector<1x1x16xf32> to vector<16xf32>
      %parallel_loop3A_613 = vector.shape_cast %parallel_loop3A_606 : vector<16xf32> to vector<1x1x16xf32>
      tpu.vector_store %arg12[%parallel_loop3A_608, %parallel_loop3A_609, %parallel_loop3A_610], %parallel_loop3A_613 {strides = array<i32>} : memref<32x4x128xf32, #tpu.memory_space<vmem>>, vector<1x1x16xf32>,
      %parallel_loop3A_614 = arith.index_cast %parallel_loop3A_308 : i32 to index
      %parallel_loop3A_615 = arith.constant 80 : index
      %parallel_loop3A_616 = tpu.vector_load %arg8[%parallel_loop3A_614, %parallel_loop3A_615] {strides = array<i32>} : memref<128x128xf32, #tpu.memory_space<vmem>>, vector<1x16xf32>,
      %parallel_loop3A_617 = vector.shape_cast %parallel_loop3A_616 : vector<1x16xf32> to vector<16xf32>
      %parallel_loop3A_618 = arith.addf %parallel_loop3A_617, %add3A_243 : vector<16xf32>
      %parallel_loop3A_619 = arith.constant 0 : i32
      %parallel_loop3A_620 = arith.index_cast %parallel_loop3A_619 : i32 to index
      %parallel_loop3A_621 = arith.index_cast %parallel_loop3A_307 : i32 to index
      %parallel_loop3A_622 = arith.constant 80 : index
      %parallel_loop3A_623 = tpu.vector_load %arg10[%parallel_loop3A_620, %parallel_loop3A_621, %parallel_loop3A_622] {strides = array<i32>} : memref<4x32x128xf32, #tpu.memory_space<vmem>>, vector<1x1x16xf32>,
      %parallel_loop3A_624 = vector.shape_cast %parallel_loop3A_623 : vector<1x1x16xf32> to vector<16xf32>
      %parallel_loop3A_625 = arith.addf %parallel_loop3A_624, %parallel_loop3A_618 : vector<16xf32>
      %parallel_loop3A_626 = arith.constant 0 : i32
      %parallel_loop3A_627 = arith.index_cast %parallel_loop3A_307 : i32 to index
      %parallel_loop3A_628 = arith.index_cast %parallel_loop3A_626 : i32 to index
      %parallel_loop3A_629 = arith.constant 80 : index
      %parallel_loop3A_630 = tpu.vector_load %arg12[%parallel_loop3A_627, %parallel_loop3A_628, %parallel_loop3A_629] {strides = array<i32>} : memref<32x4x128xf32, #tpu.memory_space<vmem>>, vector<1x1x16xf32>,
      %parallel_loop3A_631 = vector.shape_cast %parallel_loop3A_630 : vector<1x1x16xf32> to vector<16xf32>
      %parallel_loop3A_632 = vector.shape_cast %parallel_loop3A_625 : vector<16xf32> to vector<1x1x16xf32>
      tpu.vector_store %arg12[%parallel_loop3A_627, %parallel_loop3A_628, %parallel_loop3A_629], %parallel_loop3A_632 {strides = array<i32>} : memref<32x4x128xf32, #tpu.memory_space<vmem>>, vector<1x1x16xf32>,
      %parallel_loop3A_633 = arith.constant 1 : i32
      %parallel_loop3A_634 = arith.index_cast %parallel_loop3A_633 : i32 to index
      %parallel_loop3A_635 = arith.index_cast %parallel_loop3A_307 : i32 to index
      %parallel_loop3A_636 = arith.constant 80 : index
      %parallel_loop3A_637 = tpu.vector_load %arg10[%parallel_loop3A_634, %parallel_loop3A_635, %parallel_loop3A_636] {strides = array<i32>} : memref<4x32x128xf32, #tpu.memory_space<vmem>>, vector<1x1x16xf32>,
      %parallel_loop3A_638 = vector.shape_cast %parallel_loop3A_637 : vector<1x1x16xf32> to vector<16xf32>
      %parallel_loop3A_639 = arith.addf %parallel_loop3A_638, %parallel_loop3A_618 : vector<16xf32>
      %parallel_loop3A_640 = arith.constant 1 : i32
      %parallel_loop3A_641 = arith.index_cast %parallel_loop3A_307 : i32 to index
      %parallel_loop3A_642 = arith.index_cast %parallel_loop3A_640 : i32 to index
      %parallel_loop3A_643 = arith.constant 80 : index
      %parallel_loop3A_644 = tpu.vector_load %arg12[%parallel_loop3A_641, %parallel_loop3A_642, %parallel_loop3A_643] {strides = array<i32>} : memref<32x4x128xf32, #tpu.memory_space<vmem>>, vector<1x1x16xf32>,
      %parallel_loop3A_645 = vector.shape_cast %parallel_loop3A_644 : vector<1x1x16xf32> to vector<16xf32>
      %parallel_loop3A_646 = vector.shape_cast %parallel_loop3A_639 : vector<16xf32> to vector<1x1x16xf32>
      tpu.vector_store %arg12[%parallel_loop3A_641, %parallel_loop3A_642, %parallel_loop3A_643], %parallel_loop3A_646 {strides = array<i32>} : memref<32x4x128xf32, #tpu.memory_space<vmem>>, vector<1x1x16xf32>,
      %parallel_loop3A_647 = arith.constant 2 : i32
      %parallel_loop3A_648 = arith.index_cast %parallel_loop3A_647 : i32 to index
      %parallel_loop3A_649 = arith.index_cast %parallel_loop3A_307 : i32 to index
      %parallel_loop3A_650 = arith.constant 80 : index
      %parallel_loop3A_651 = tpu.vector_load %arg10[%parallel_loop3A_648, %parallel_loop3A_649, %parallel_loop3A_650] {strides = array<i32>} : memref<4x32x128xf32, #tpu.memory_space<vmem>>, vector<1x1x16xf32>,
      %parallel_loop3A_652 = vector.shape_cast %parallel_loop3A_651 : vector<1x1x16xf32> to vector<16xf32>
      %parallel_loop3A_653 = arith.addf %parallel_loop3A_652, %parallel_loop3A_618 : vector<16xf32>
      %parallel_loop3A_654 = arith.constant 2 : i32
      %parallel_loop3A_655 = arith.index_cast %parallel_loop3A_307 : i32 to index
      %parallel_loop3A_656 = arith.index_cast %parallel_loop3A_654 : i32 to index
      %parallel_loop3A_657 = arith.constant 80 : index
      %parallel_loop3A_658 = tpu.vector_load %arg12[%parallel_loop3A_655, %parallel_loop3A_656, %parallel_loop3A_657] {strides = array<i32>} : memref<32x4x128xf32, #tpu.memory_space<vmem>>, vector<1x1x16xf32>,
      %parallel_loop3A_659 = vector.shape_cast %parallel_loop3A_658 : vector<1x1x16xf32> to vector<16xf32>
      %parallel_loop3A_660 = vector.shape_cast %parallel_loop3A_653 : vector<16xf32> to vector<1x1x16xf32>
      tpu.vector_store %arg12[%parallel_loop3A_655, %parallel_loop3A_656, %parallel_loop3A_657], %parallel_loop3A_660 {strides = array<i32>} : memref<32x4x128xf32, #tpu.memory_space<vmem>>, vector<1x1x16xf32>,
      %parallel_loop3A_661 = arith.constant 3 : i32
      %parallel_loop3A_662 = arith.index_cast %parallel_loop3A_661 : i32 to index
      %parallel_loop3A_663 = arith.index_cast %parallel_loop3A_307 : i32 to index
      %parallel_loop3A_664 = arith.constant 80 : index
      %parallel_loop3A_665 = tpu.vector_load %arg10[%parallel_loop3A_662, %parallel_loop3A_663, %parallel_loop3A_664] {strides = array<i32>} : memref<4x32x128xf32, #tpu.memory_space<vmem>>, vector<1x1x16xf32>,
      %parallel_loop3A_666 = vector.shape_cast %parallel_loop3A_665 : vector<1x1x16xf32> to vector<16xf32>
      %parallel_loop3A_667 = arith.addf %parallel_loop3A_666, %parallel_loop3A_618 : vector<16xf32>
      %parallel_loop3A_668 = arith.constant 3 : i32
      %parallel_loop3A_669 = arith.index_cast %parallel_loop3A_307 : i32 to index
      %parallel_loop3A_670 = arith.index_cast %parallel_loop3A_668 : i32 to index
      %parallel_loop3A_671 = arith.constant 80 : index
      %parallel_loop3A_672 = tpu.vector_load %arg12[%parallel_loop3A_669, %parallel_loop3A_670, %parallel_loop3A_671] {strides = array<i32>} : memref<32x4x128xf32, #tpu.memory_space<vmem>>, vector<1x1x16xf32>,
      %parallel_loop3A_673 = vector.shape_cast %parallel_loop3A_672 : vector<1x1x16xf32> to vector<16xf32>
      %parallel_loop3A_674 = vector.shape_cast %parallel_loop3A_667 : vector<16xf32> to vector<1x1x16xf32>
      tpu.vector_store %arg12[%parallel_loop3A_669, %parallel_loop3A_670, %parallel_loop3A_671], %parallel_loop3A_674 {strides = array<i32>} : memref<32x4x128xf32, #tpu.memory_space<vmem>>, vector<1x1x16xf32>,
      %parallel_loop3A_675 = arith.index_cast %parallel_loop3A_308 : i32 to index
      %parallel_loop3A_676 = arith.constant 96 : index
      %parallel_loop3A_677 = tpu.vector_load %arg8[%parallel_loop3A_675, %parallel_loop3A_676] {strides = array<i32>} : memref<128x128xf32, #tpu.memory_space<vmem>>, vector<1x16xf32>,
      %parallel_loop3A_678 = vector.shape_cast %parallel_loop3A_677 : vector<1x16xf32> to vector<16xf32>
      %parallel_loop3A_679 = arith.addf %parallel_loop3A_678, %add3A_247 : vector<16xf32>
      %parallel_loop3A_680 = arith.constant 0 : i32
      %parallel_loop3A_681 = arith.index_cast %parallel_loop3A_680 : i32 to index
      %parallel_loop3A_682 = arith.index_cast %parallel_loop3A_307 : i32 to index
      %parallel_loop3A_683 = arith.constant 96 : index
      %parallel_loop3A_684 = tpu.vector_load %arg10[%parallel_loop3A_681, %parallel_loop3A_682, %parallel_loop3A_683] {strides = array<i32>} : memref<4x32x128xf32, #tpu.memory_space<vmem>>, vector<1x1x16xf32>,
      %parallel_loop3A_685 = vector.shape_cast %parallel_loop3A_684 : vector<1x1x16xf32> to vector<16xf32>
      %parallel_loop3A_686 = arith.addf %parallel_loop3A_685, %parallel_loop3A_679 : vector<16xf32>
      %parallel_loop3A_687 = arith.constant 0 : i32
      %parallel_loop3A_688 = arith.index_cast %parallel_loop3A_307 : i32 to index
      %parallel_loop3A_689 = arith.index_cast %parallel_loop3A_687 : i32 to index
      %parallel_loop3A_690 = arith.constant 96 : index
      %parallel_loop3A_691 = tpu.vector_load %arg12[%parallel_loop3A_688, %parallel_loop3A_689, %parallel_loop3A_690] {strides = array<i32>} : memref<32x4x128xf32, #tpu.memory_space<vmem>>, vector<1x1x16xf32>,
      %parallel_loop3A_692 = vector.shape_cast %parallel_loop3A_691 : vector<1x1x16xf32> to vector<16xf32>
      %parallel_loop3A_693 = vector.shape_cast %parallel_loop3A_686 : vector<16xf32> to vector<1x1x16xf32>
      tpu.vector_store %arg12[%parallel_loop3A_688, %parallel_loop3A_689, %parallel_loop3A_690], %parallel_loop3A_693 {strides = array<i32>} : memref<32x4x128xf32, #tpu.memory_space<vmem>>, vector<1x1x16xf32>,
      %parallel_loop3A_694 = arith.constant 1 : i32
      %parallel_loop3A_695 = arith.index_cast %parallel_loop3A_694 : i32 to index
      %parallel_loop3A_696 = arith.index_cast %parallel_loop3A_307 : i32 to index
      %parallel_loop3A_697 = arith.constant 96 : index
      %parallel_loop3A_698 = tpu.vector_load %arg10[%parallel_loop3A_695, %parallel_loop3A_696, %parallel_loop3A_697] {strides = array<i32>} : memref<4x32x128xf32, #tpu.memory_space<vmem>>, vector<1x1x16xf32>,
      %parallel_loop3A_699 = vector.shape_cast %parallel_loop3A_698 : vector<1x1x16xf32> to vector<16xf32>
      %parallel_loop3A_700 = arith.addf %parallel_loop3A_699, %parallel_loop3A_679 : vector<16xf32>
      %parallel_loop3A_701 = arith.constant 1 : i32
      %parallel_loop3A_702 = arith.index_cast %parallel_loop3A_307 : i32 to index
      %parallel_loop3A_703 = arith.index_cast %parallel_loop3A_701 : i32 to index
      %parallel_loop3A_704 = arith.constant 96 : index
      %parallel_loop3A_705 = tpu.vector_load %arg12[%parallel_loop3A_702, %parallel_loop3A_703, %parallel_loop3A_704] {strides = array<i32>} : memref<32x4x128xf32, #tpu.memory_space<vmem>>, vector<1x1x16xf32>,
      %parallel_loop3A_706 = vector.shape_cast %parallel_loop3A_705 : vector<1x1x16xf32> to vector<16xf32>
      %parallel_loop3A_707 = vector.shape_cast %parallel_loop3A_700 : vector<16xf32> to vector<1x1x16xf32>
      tpu.vector_store %arg12[%parallel_loop3A_702, %parallel_loop3A_703, %parallel_loop3A_704], %parallel_loop3A_707 {strides = array<i32>} : memref<32x4x128xf32, #tpu.memory_space<vmem>>, vector<1x1x16xf32>,
      %parallel_loop3A_708 = arith.constant 2 : i32
      %parallel_loop3A_709 = arith.index_cast %parallel_loop3A_708 : i32 to index
      %parallel_loop3A_710 = arith.index_cast %parallel_loop3A_307 : i32 to index
      %parallel_loop3A_711 = arith.constant 96 : index
      %parallel_loop3A_712 = tpu.vector_load %arg10[%parallel_loop3A_709, %parallel_loop3A_710, %parallel_loop3A_711] {strides = array<i32>} : memref<4x32x128xf32, #tpu.memory_space<vmem>>, vector<1x1x16xf32>,
      %parallel_loop3A_713 = vector.shape_cast %parallel_loop3A_712 : vector<1x1x16xf32> to vector<16xf32>
      %parallel_loop3A_714 = arith.addf %parallel_loop3A_713, %parallel_loop3A_679 : vector<16xf32>
      %parallel_loop3A_715 = arith.constant 2 : i32
      %parallel_loop3A_716 = arith.index_cast %parallel_loop3A_307 : i32 to index
      %parallel_loop3A_717 = arith.index_cast %parallel_loop3A_715 : i32 to index
      %parallel_loop3A_718 = arith.constant 96 : index
      %parallel_loop3A_719 = tpu.vector_load %arg12[%parallel_loop3A_716, %parallel_loop3A_717, %parallel_loop3A_718] {strides = array<i32>} : memref<32x4x128xf32, #tpu.memory_space<vmem>>, vector<1x1x16xf32>,
      %parallel_loop3A_720 = vector.shape_cast %parallel_loop3A_719 : vector<1x1x16xf32> to vector<16xf32>
      %parallel_loop3A_721 = vector.shape_cast %parallel_loop3A_714 : vector<16xf32> to vector<1x1x16xf32>
      tpu.vector_store %arg12[%parallel_loop3A_716, %parallel_loop3A_717, %parallel_loop3A_718], %parallel_loop3A_721 {strides = array<i32>} : memref<32x4x128xf32, #tpu.memory_space<vmem>>, vector<1x1x16xf32>,
      %parallel_loop3A_722 = arith.constant 3 : i32
      %parallel_loop3A_723 = arith.index_cast %parallel_loop3A_722 : i32 to index
      %parallel_loop3A_724 = arith.index_cast %parallel_loop3A_307 : i32 to index
      %parallel_loop3A_725 = arith.constant 96 : index
      %parallel_loop3A_726 = tpu.vector_load %arg10[%parallel_loop3A_723, %parallel_loop3A_724, %parallel_loop3A_725] {strides = array<i32>} : memref<4x32x128xf32, #tpu.memory_space<vmem>>, vector<1x1x16xf32>,
      %parallel_loop3A_727 = vector.shape_cast %parallel_loop3A_726 : vector<1x1x16xf32> to vector<16xf32>
      %parallel_loop3A_728 = arith.addf %parallel_loop3A_727, %parallel_loop3A_679 : vector<16xf32>
      %parallel_loop3A_729 = arith.constant 3 : i32
      %parallel_loop3A_730 = arith.index_cast %parallel_loop3A_307 : i32 to index
      %parallel_loop3A_731 = arith.index_cast %parallel_loop3A_729 : i32 to index
      %parallel_loop3A_732 = arith.constant 96 : index
      %parallel_loop3A_733 = tpu.vector_load %arg12[%parallel_loop3A_730, %parallel_loop3A_731, %parallel_loop3A_732] {strides = array<i32>} : memref<32x4x128xf32, #tpu.memory_space<vmem>>, vector<1x1x16xf32>,
      %parallel_loop3A_734 = vector.shape_cast %parallel_loop3A_733 : vector<1x1x16xf32> to vector<16xf32>
      %parallel_loop3A_735 = vector.shape_cast %parallel_loop3A_728 : vector<16xf32> to vector<1x1x16xf32>
      tpu.vector_store %arg12[%parallel_loop3A_730, %parallel_loop3A_731, %parallel_loop3A_732], %parallel_loop3A_735 {strides = array<i32>} : memref<32x4x128xf32, #tpu.memory_space<vmem>>, vector<1x1x16xf32>,
      %parallel_loop3A_736 = arith.index_cast %parallel_loop3A_308 : i32 to index
      %parallel_loop3A_737 = arith.constant 112 : index
      %parallel_loop3A_738 = tpu.vector_load %arg8[%parallel_loop3A_736, %parallel_loop3A_737] {strides = array<i32>} : memref<128x128xf32, #tpu.memory_space<vmem>>, vector<1x16xf32>,
      %parallel_loop3A_739 = vector.shape_cast %parallel_loop3A_738 : vector<1x16xf32> to vector<16xf32>
      %parallel_loop3A_740 = arith.addf %parallel_loop3A_739, %add3A_251 : vector<16xf32>
      %parallel_loop3A_741 = arith.constant 0 : i32
      %parallel_loop3A_742 = arith.index_cast %parallel_loop3A_741 : i32 to index
      %parallel_loop3A_743 = arith.index_cast %parallel_loop3A_307 : i32 to index
      %parallel_loop3A_744 = arith.constant 112 : index
      %parallel_loop3A_745 = tpu.vector_load %arg10[%parallel_loop3A_742, %parallel_loop3A_743, %parallel_loop3A_744] {strides = array<i32>} : memref<4x32x128xf32, #tpu.memory_space<vmem>>, vector<1x1x16xf32>,
      %parallel_loop3A_746 = vector.shape_cast %parallel_loop3A_745 : vector<1x1x16xf32> to vector<16xf32>
      %parallel_loop3A_747 = arith.addf %parallel_loop3A_746, %parallel_loop3A_740 : vector<16xf32>
      %parallel_loop3A_748 = arith.constant 0 : i32
      %parallel_loop3A_749 = arith.index_cast %parallel_loop3A_307 : i32 to index
      %parallel_loop3A_750 = arith.index_cast %parallel_loop3A_748 : i32 to index
      %parallel_loop3A_751 = arith.constant 112 : index
      %parallel_loop3A_752 = tpu.vector_load %arg12[%parallel_loop3A_749, %parallel_loop3A_750, %parallel_loop3A_751] {strides = array<i32>} : memref<32x4x128xf32, #tpu.memory_space<vmem>>, vector<1x1x16xf32>,
      %parallel_loop3A_753 = vector.shape_cast %parallel_loop3A_752 : vector<1x1x16xf32> to vector<16xf32>
      %parallel_loop3A_754 = vector.shape_cast %parallel_loop3A_747 : vector<16xf32> to vector<1x1x16xf32>
      tpu.vector_store %arg12[%parallel_loop3A_749, %parallel_loop3A_750, %parallel_loop3A_751], %parallel_loop3A_754 {strides = array<i32>} : memref<32x4x128xf32, #tpu.memory_space<vmem>>, vector<1x1x16xf32>,
      %parallel_loop3A_755 = arith.constant 1 : i32
      %parallel_loop3A_756 = arith.index_cast %parallel_loop3A_755 : i32 to index
      %parallel_loop3A_757 = arith.index_cast %parallel_loop3A_307 : i32 to index
      %parallel_loop3A_758 = arith.constant 112 : index
      %parallel_loop3A_759 = tpu.vector_load %arg10[%parallel_loop3A_756, %parallel_loop3A_757, %parallel_loop3A_758] {strides = array<i32>} : memref<4x32x128xf32, #tpu.memory_space<vmem>>, vector<1x1x16xf32>,
      %parallel_loop3A_760 = vector.shape_cast %parallel_loop3A_759 : vector<1x1x16xf32> to vector<16xf32>
      %parallel_loop3A_761 = arith.addf %parallel_loop3A_760, %parallel_loop3A_740 : vector<16xf32>
      %parallel_loop3A_762 = arith.constant 1 : i32
      %parallel_loop3A_763 = arith.index_cast %parallel_loop3A_307 : i32 to index
      %parallel_loop3A_764 = arith.index_cast %parallel_loop3A_762 : i32 to index
      %parallel_loop3A_765 = arith.constant 112 : index
      %parallel_loop3A_766 = tpu.vector_load %arg12[%parallel_loop3A_763, %parallel_loop3A_764, %parallel_loop3A_765] {strides = array<i32>} : memref<32x4x128xf32, #tpu.memory_space<vmem>>, vector<1x1x16xf32>,
      %parallel_loop3A_767 = vector.shape_cast %parallel_loop3A_766 : vector<1x1x16xf32> to vector<16xf32>
      %parallel_loop3A_768 = vector.shape_cast %parallel_loop3A_761 : vector<16xf32> to vector<1x1x16xf32>
      tpu.vector_store %arg12[%parallel_loop3A_763, %parallel_loop3A_764, %parallel_loop3A_765], %parallel_loop3A_768 {strides = array<i32>} : memref<32x4x128xf32, #tpu.memory_space<vmem>>, vector<1x1x16xf32>,
      %parallel_loop3A_769 = arith.constant 2 : i32
      %parallel_loop3A_770 = arith.index_cast %parallel_loop3A_769 : i32 to index
      %parallel_loop3A_771 = arith.index_cast %parallel_loop3A_307 : i32 to index
      %parallel_loop3A_772 = arith.constant 112 : index
      %parallel_loop3A_773 = tpu.vector_load %arg10[%parallel_loop3A_770, %parallel_loop3A_771, %parallel_loop3A_772] {strides = array<i32>} : memref<4x32x128xf32, #tpu.memory_space<vmem>>, vector<1x1x16xf32>,
      %parallel_loop3A_774 = vector.shape_cast %parallel_loop3A_773 : vector<1x1x16xf32> to vector<16xf32>
      %parallel_loop3A_775 = arith.addf %parallel_loop3A_774, %parallel_loop3A_740 : vector<16xf32>
      %parallel_loop3A_776 = arith.constant 2 : i32
      %parallel_loop3A_777 = arith.index_cast %parallel_loop3A_307 : i32 to index
      %parallel_loop3A_778 = arith.index_cast %parallel_loop3A_776 : i32 to index
      %parallel_loop3A_779 = arith.constant 112 : index
      %parallel_loop3A_780 = tpu.vector_load %arg12[%parallel_loop3A_777, %parallel_loop3A_778, %parallel_loop3A_779] {strides = array<i32>} : memref<32x4x128xf32, #tpu.memory_space<vmem>>, vector<1x1x16xf32>,
      %parallel_loop3A_781 = vector.shape_cast %parallel_loop3A_780 : vector<1x1x16xf32> to vector<16xf32>
      %parallel_loop3A_782 = vector.shape_cast %parallel_loop3A_775 : vector<16xf32> to vector<1x1x16xf32>
      tpu.vector_store %arg12[%parallel_loop3A_777, %parallel_loop3A_778, %parallel_loop3A_779], %parallel_loop3A_782 {strides = array<i32>} : memref<32x4x128xf32, #tpu.memory_space<vmem>>, vector<1x1x16xf32>,
      %parallel_loop3A_783 = arith.constant 3 : i32
      %parallel_loop3A_784 = arith.index_cast %parallel_loop3A_783 : i32 to index
      %parallel_loop3A_785 = arith.index_cast %parallel_loop3A_307 : i32 to index
      %parallel_loop3A_786 = arith.constant 112 : index
      %parallel_loop3A_787 = tpu.vector_load %arg10[%parallel_loop3A_784, %parallel_loop3A_785, %parallel_loop3A_786] {strides = array<i32>} : memref<4x32x128xf32, #tpu.memory_space<vmem>>, vector<1x1x16xf32>,
      %parallel_loop3A_788 = vector.shape_cast %parallel_loop3A_787 : vector<1x1x16xf32> to vector<16xf32>
      %parallel_loop3A_789 = arith.addf %parallel_loop3A_788, %parallel_loop3A_740 : vector<16xf32>
      %parallel_loop3A_790 = arith.constant 3 : i32
      %parallel_loop3A_791 = arith.index_cast %parallel_loop3A_307 : i32 to index
      %parallel_loop3A_792 = arith.index_cast %parallel_loop3A_790 : i32 to index
      %parallel_loop3A_793 = arith.constant 112 : index
      %parallel_loop3A_794 = tpu.vector_load %arg12[%parallel_loop3A_791, %parallel_loop3A_792, %parallel_loop3A_793] {strides = array<i32>} : memref<32x4x128xf32, #tpu.memory_space<vmem>>, vector<1x1x16xf32>,
      %parallel_loop3A_795 = vector.shape_cast %parallel_loop3A_794 : vector<1x1x16xf32> to vector<16xf32>
      %parallel_loop3A_796 = vector.shape_cast %parallel_loop3A_789 : vector<16xf32> to vector<1x1x16xf32>
      tpu.vector_store %arg12[%parallel_loop3A_791, %parallel_loop3A_792, %parallel_loop3A_793], %parallel_loop3A_796 {strides = array<i32>} : memref<32x4x128xf32, #tpu.memory_space<vmem>>, vector<1x1x16xf32>,
    } {sc.loop_unroll_factor = 1 : i64, sc.parallel_access}
    %add3A_267 = arith.constant 1 : i32
    %add3A_268 = arith.addi %add3A_267, %multiple_of3A : i32
    %mul3A_269 = arith.constant 1 : i32
    %mul3A_270 = arith.constant 32 : i32
    %mul3A_271 = arith.muli %mul3A_269, %mul3A_270 : i32
    %add3A_272 = arith.addi %add3A_268, %mul3A_271 : i32
    %ge3A_273 = arith.constant 1 : i32
    %ge3A_274 = arith.constant 4 : i32
    %ge3A_275 = arith.cmpi sge, %ge3A_273, %ge3A_274 : i32
    %jit3A_276 = arith.constant 3968 : i32
    %jit3A_277 = arith.constant 0 : i32
    %select_n3A_278 = arith.select %ge3A_275, %jit3A_276, %jit3A_277 : i32
    %add3A_279 = arith.addi %add3A_272, %select_n3A_278 : i32
    %dma_start3A_280 = arith.constant 0 : i32
    %dma_start3A_281 = arith.constant 0 : i32
    %dma_start3A_282 = tpu.memref_slice %arg7[%add3A_279, %dma_start3A_280, %dma_start3A_281] : memref<8193x4x128xf32, #tpu.memory_space<hbm>> -> memref<32x4x128xf32, #tpu.memory_space<hbm>>
    %dma_start3A_283 = arith.constant 0 : i32
    %dma_start3A_284 = arith.constant 0 : i32
    %dma_start3A_285 = tpu.memref_slice %arg7[%add3A_279, %dma_start3A_283, %dma_start3A_284] : memref<8193x4x128xf32, #tpu.memory_space<hbm>> -> memref<32x4x128xf32, #tpu.memory_space<hbm>>
    tpu.enqueue_dma source(%arg12 : memref<32x4x128xf32, #tpu.memory_space<vmem>>) target(%dma_start3A_285 : memref<32x4x128xf32, #tpu.memory_space<hbm>>) target_semaphore(%arg19 : memref<!tpu.dma_semaphore, #tpu.memory_space<semaphore_mem>>)
    %scan3A = arith.constant 0 : i32
    %scan3A_286 = arith.constant 0 : i32
    %scan3A_287 = arith.constant 3 : i32
    %scan3A_288 = arith.addi %scan3A_286, %scan3A_287 : i32
    %scan3A_289 = arith.constant 1 : i32
    scf.for %scan3A_307 = %scan3A_286 to %scan3A_288 step %scan3A_289  : i32 {
      %mul3A_308 = arith.constant 2 : i32
      %mul3A_309 = arith.muli %mul3A_308, %scan3A_307 : i32
      %add3A_310 = arith.constant 2 : i32
      %add3A_311 = arith.addi %mul3A_309, %add3A_310 : i32
      %add3A_312 = arith.constant 1 : i32
      %add3A_313 = arith.addi %add3A_311, %add3A_312 : i32
      %le3A_314 = arith.constant 3 : i32
      %le3A_315 = arith.cmpi sle, %add3A_313, %le3A_314 : i32
      %convert_element_type3A_316 = arith.extui %le3A_315 : i1 to i32
      %cond3A_317 = arith.constant 0 : i32
      %cond3A_318 = arith.cmpi ne, %convert_element_type3A_316, %cond3A_317 : i32
      scf.if %cond3A_318 {
        %mul3A_500 = arith.constant 32 : i32
        %mul3A_501 = arith.muli %add3A_313, %mul3A_500 : i32
        %add3A_502 = arith.addi %multiple_of3A, %mul3A_501 : i32
        %multiple_of3A_503 = tpu.assume_multiple %add3A_502, 32 : i32
        %dma_start3A_504 = arith.constant 0 : i32
        %dma_start3A_505 = arith.constant 0 : i32
        %dma_start3A_506 = tpu.memref_slice %arg2[%dma_start3A_504, %multiple_of3A_503, %dma_start3A_505] : memref<4x4096x128xf32, #tpu.memory_space<hbm>> -> memref<4x32x128xf32, #tpu.memory_space<hbm>>
        %dma_start3A_507 = arith.constant 0 : i32
        %dma_start3A_508 = arith.constant 0 : i32
        %dma_start3A_509 = tpu.memref_slice %arg2[%dma_start3A_507, %multiple_of3A_503, %dma_start3A_508] : memref<4x4096x128xf32, #tpu.memory_space<hbm>> -> memref<4x32x128xf32, #tpu.memory_space<hbm>>
        tpu.enqueue_dma source(%dma_start3A_509 : memref<4x32x128xf32, #tpu.memory_space<hbm>>) target(%arg10 : memref<4x32x128xf32, #tpu.memory_space<vmem>>) target_semaphore(%arg17 : memref<!tpu.dma_semaphore, #tpu.memory_space<semaphore_mem>>)
      } else {
      }
      %ge3A_319 = arith.constant 4 : i32
      %ge3A_320 = arith.cmpi sge, %add3A_313, %ge3A_319 : i32
      %convert_element_type3A_321 = arith.extui %ge3A_320 : i1 to i32
      %cond3A_322 = arith.constant 0 : i32
      %cond3A_323 = arith.cmpi ne, %convert_element_type3A_321, %cond3A_322 : i32
      scf.if %cond3A_323 {
        %sub3A_500 = arith.constant 4 : i32
        %sub3A_501 = arith.subi %add3A_313, %sub3A_500 : i32
        %mul3A_502 = arith.constant 32 : i32
        %mul3A_503 = arith.muli %sub3A_501, %mul3A_502 : i32
        %add3A_504 = arith.addi %multiple_of3A, %mul3A_503 : i32
        %multiple_of3A_505 = tpu.assume_multiple %add3A_504, 32 : i32
        %dma_start3A_506 = arith.constant 0 : i32
        %dma_start3A_507 = arith.constant 0 : i32
        %dma_start3A_508 = tpu.memref_slice %arg3[%dma_start3A_506, %multiple_of3A_505, %dma_start3A_507] : memref<4x4096x128xf32, #tpu.memory_space<hbm>> -> memref<4x32x128xf32, #tpu.memory_space<hbm>>
        %dma_start3A_509 = arith.constant 0 : i32
        %dma_start3A_510 = arith.constant 0 : i32
        %dma_start3A_511 = tpu.memref_slice %arg3[%dma_start3A_509, %multiple_of3A_505, %dma_start3A_510] : memref<4x4096x128xf32, #tpu.memory_space<hbm>> -> memref<4x32x128xf32, #tpu.memory_space<hbm>>
        tpu.enqueue_dma source(%dma_start3A_511 : memref<4x32x128xf32, #tpu.memory_space<hbm>>) target(%arg10 : memref<4x32x128xf32, #tpu.memory_space<vmem>>) target_semaphore(%arg17 : memref<!tpu.dma_semaphore, #tpu.memory_space<semaphore_mem>>)
      } else {
      }
      %dma_wait3A_324 = arith.constant 0 : i32
      %dma_wait3A_325 = arith.constant 0 : i32
      %dma_wait3A_326 = arith.constant 0 : i32
      %dma_wait3A_327 = tpu.memref_slice %arg2[%dma_wait3A_324, %dma_wait3A_325, %dma_wait3A_326] : memref<4x4096x128xf32, #tpu.memory_space<hbm>> -> memref<4x32x128xf32, #tpu.memory_space<hbm>>
      %dma_wait3A_328 = arith.constant 0 : i32
      %dma_wait3A_329 = arith.constant 0 : i32
      %dma_wait3A_330 = arith.constant 0 : i32
      %dma_wait3A_331 = tpu.memref_slice %arg2[%dma_wait3A_328, %dma_wait3A_329, %dma_wait3A_330] : memref<4x4096x128xf32, #tpu.memory_space<hbm>> -> memref<4x32x128xf32, #tpu.memory_space<hbm>>
      tpu.wait_dma2 semaphore(%arg16 : memref<!tpu.dma_semaphore, #tpu.memory_space<semaphore_mem>>) src(%dma_wait3A_331 : memref<4x32x128xf32, #tpu.memory_space<hbm>>) dst(%arg9 : memref<4x32x128xf32, #tpu.memory_space<vmem>>)
      %dma_wait3A_332 = arith.constant 0 : i32
      %dma_wait3A_333 = arith.constant 0 : i32
      %dma_wait3A_334 = arith.constant 0 : i32
      %dma_wait3A_335 = tpu.memref_slice %arg7[%dma_wait3A_332, %dma_wait3A_333, %dma_wait3A_334] : memref<8193x4x128xf32, #tpu.memory_space<hbm>> -> memref<32x4x128xf32, #tpu.memory_space<hbm>>
      %dma_wait3A_336 = arith.constant 0 : i32
      %dma_wait3A_337 = arith.constant 0 : i32
      %dma_wait3A_338 = arith.constant 0 : i32
      %dma_wait3A_339 = tpu.memref_slice %arg7[%dma_wait3A_336, %dma_wait3A_337, %dma_wait3A_338] : memref<8193x4x128xf32, #tpu.memory_space<hbm>> -> memref<32x4x128xf32, #tpu.memory_space<hbm>>
      tpu.wait_dma2 semaphore(%arg18 : memref<!tpu.dma_semaphore, #tpu.memory_space<semaphore_mem>>) src(%arg11 : memref<32x4x128xf32, #tpu.memory_space<vmem>>) dst(%dma_wait3A_339 : memref<32x4x128xf32, #tpu.memory_space<hbm>>)
      %le3A_340 = arith.constant 3 : i32
      %le3A_341 = arith.cmpi sle, %add3A_311, %le3A_340 : i32
      %jit3A_342 = arith.constant 1.000000e+00 : f32
      %jit3A_343 = arith.constant 0.000000e+00 : f32
      %select_n3A_344 = arith.select %le3A_341, %jit3A_342, %jit3A_343 : f32
      %sub3A_345 = arith.subf %get3A_36, %get3A_76 : vector<16xf32>
      %mul3A_346 = vector.broadcast %select_n3A_344 : f32 to vector<16xf32>
      %mul3A_347 = arith.mulf %sub3A_345, %mul3A_346 : vector<16xf32>
      %add3A_348 = arith.addf %get3A_76, %mul3A_347 : vector<16xf32>
      %sub3A_349 = arith.subf %get3A_41, %get3A_81 : vector<16xf32>
      %mul3A_350 = vector.broadcast %select_n3A_344 : f32 to vector<16xf32>
      %mul3A_351 = arith.mulf %sub3A_349, %mul3A_350 : vector<16xf32>
      %add3A_352 = arith.addf %get3A_81, %mul3A_351 : vector<16xf32>
      %sub3A_353 = arith.subf %get3A_46, %get3A_86 : vector<16xf32>
      %mul3A_354 = vector.broadcast %select_n3A_344 : f32 to vector<16xf32>
      %mul3A_355 = arith.mulf %sub3A_353, %mul3A_354 : vector<16xf32>
      %add3A_356 = arith.addf %get3A_86, %mul3A_355 : vector<16xf32>
      %sub3A_357 = arith.subf %get3A_51, %get3A_91 : vector<16xf32>
      %mul3A_358 = vector.broadcast %select_n3A_344 : f32 to vector<16xf32>
      %mul3A_359 = arith.mulf %sub3A_357, %mul3A_358 : vector<16xf32>
      %add3A_360 = arith.addf %get3A_91, %mul3A_359 : vector<16xf32>
      %sub3A_361 = arith.subf %get3A_56, %get3A_96 : vector<16xf32>
      %mul3A_362 = vector.broadcast %select_n3A_344 : f32 to vector<16xf32>
      %mul3A_363 = arith.mulf %sub3A_361, %mul3A_362 : vector<16xf32>
      %add3A_364 = arith.addf %get3A_96, %mul3A_363 : vector<16xf32>
      %sub3A_365 = arith.subf %get3A_61, %get3A_101 : vector<16xf32>
      %mul3A_366 = vector.broadcast %select_n3A_344 : f32 to vector<16xf32>
      %mul3A_367 = arith.mulf %sub3A_365, %mul3A_366 : vector<16xf32>
      %add3A_368 = arith.addf %get3A_101, %mul3A_367 : vector<16xf32>
      %sub3A_369 = arith.subf %get3A_66, %get3A_106 : vector<16xf32>
      %mul3A_370 = vector.broadcast %select_n3A_344 : f32 to vector<16xf32>
      %mul3A_371 = arith.mulf %sub3A_369, %mul3A_370 : vector<16xf32>
      %add3A_372 = arith.addf %get3A_106, %mul3A_371 : vector<16xf32>
      %sub3A_373 = arith.subf %get3A_71, %get3A_111 : vector<16xf32>
      %mul3A_374 = vector.broadcast %select_n3A_344 : f32 to vector<16xf32>
      %mul3A_375 = arith.mulf %sub3A_373, %mul3A_374 : vector<16xf32>
      %add3A_376 = arith.addf %get3A_111, %mul3A_375 : vector<16xf32>
      %ge3A_377 = arith.constant 4 : i32
      %ge3A_378 = arith.cmpi sge, %add3A_311, %ge3A_377 : i32
      %jit3A_379 = arith.constant 1 : i32
      %jit3A_380 = arith.constant 0 : i32
      %select_n3A_381 = arith.select %ge3A_378, %jit3A_379, %jit3A_380 : i32
      %mul3A_382 = arith.constant 4 : i32
      %mul3A_383 = arith.muli %mul3A_382, %select_n3A_381 : i32
      %sub3A_384 = arith.subi %add3A_311, %mul3A_383 : i32
      %mul3A_385 = arith.constant 32 : i32
      %mul3A_386 = arith.muli %sub3A_384, %mul3A_385 : i32
      %parallel_loop3A_387 = arith.constant 0 : i32
      %parallel_loop3A_388 = arith.constant 32 : i32
      %parallel_loop3A_389 = arith.constant 1 : i32
      scf.for %parallel_loop3A_500 = %parallel_loop3A_387 to %parallel_loop3A_388 step %parallel_loop3A_389  : i32 {
        %parallel_loop3A_501 = arith.addi %mul3A_386, %parallel_loop3A_500 : i32
        %parallel_loop3A_502 = arith.index_cast %parallel_loop3A_501 : i32 to index
        %parallel_loop3A_503 = arith.constant 0 : index
        %parallel_loop3A_504 = tpu.vector_load %arg8[%parallel_loop3A_502, %parallel_loop3A_503] {strides = array<i32>} : memref<128x128xf32, #tpu.memory_space<vmem>>, vector<1x16xf32>,
        %parallel_loop3A_505 = vector.shape_cast %parallel_loop3A_504 : vector<1x16xf32> to vector<16xf32>
        %parallel_loop3A_506 = arith.addf %parallel_loop3A_505, %add3A_348 : vector<16xf32>
        %parallel_loop3A_507 = arith.constant 0 : i32
        %parallel_loop3A_508 = arith.index_cast %parallel_loop3A_507 : i32 to index
        %parallel_loop3A_509 = arith.index_cast %parallel_loop3A_500 : i32 to index
        %parallel_loop3A_510 = arith.constant 0 : index
        %parallel_loop3A_511 = tpu.vector_load %arg9[%parallel_loop3A_508, %parallel_loop3A_509, %parallel_loop3A_510] {strides = array<i32>} : memref<4x32x128xf32, #tpu.memory_space<vmem>>, vector<1x1x16xf32>,
        %parallel_loop3A_512 = vector.shape_cast %parallel_loop3A_511 : vector<1x1x16xf32> to vector<16xf32>
        %parallel_loop3A_513 = arith.addf %parallel_loop3A_512, %parallel_loop3A_506 : vector<16xf32>
        %parallel_loop3A_514 = arith.constant 0 : i32
        %parallel_loop3A_515 = arith.index_cast %parallel_loop3A_500 : i32 to index
        %parallel_loop3A_516 = arith.index_cast %parallel_loop3A_514 : i32 to index
        %parallel_loop3A_517 = arith.constant 0 : index
        %parallel_loop3A_518 = tpu.vector_load %arg11[%parallel_loop3A_515, %parallel_loop3A_516, %parallel_loop3A_517] {strides = array<i32>} : memref<32x4x128xf32, #tpu.memory_space<vmem>>, vector<1x1x16xf32>,
        %parallel_loop3A_519 = vector.shape_cast %parallel_loop3A_518 : vector<1x1x16xf32> to vector<16xf32>
        %parallel_loop3A_520 = vector.shape_cast %parallel_loop3A_513 : vector<16xf32> to vector<1x1x16xf32>
        tpu.vector_store %arg11[%parallel_loop3A_515, %parallel_loop3A_516, %parallel_loop3A_517], %parallel_loop3A_520 {strides = array<i32>} : memref<32x4x128xf32, #tpu.memory_space<vmem>>, vector<1x1x16xf32>,
        %parallel_loop3A_521 = arith.constant 1 : i32
        %parallel_loop3A_522 = arith.index_cast %parallel_loop3A_521 : i32 to index
        %parallel_loop3A_523 = arith.index_cast %parallel_loop3A_500 : i32 to index
        %parallel_loop3A_524 = arith.constant 0 : index
        %parallel_loop3A_525 = tpu.vector_load %arg9[%parallel_loop3A_522, %parallel_loop3A_523, %parallel_loop3A_524] {strides = array<i32>} : memref<4x32x128xf32, #tpu.memory_space<vmem>>, vector<1x1x16xf32>,
        %parallel_loop3A_526 = vector.shape_cast %parallel_loop3A_525 : vector<1x1x16xf32> to vector<16xf32>
        %parallel_loop3A_527 = arith.addf %parallel_loop3A_526, %parallel_loop3A_506 : vector<16xf32>
        %parallel_loop3A_528 = arith.constant 1 : i32
        %parallel_loop3A_529 = arith.index_cast %parallel_loop3A_500 : i32 to index
        %parallel_loop3A_530 = arith.index_cast %parallel_loop3A_528 : i32 to index
        %parallel_loop3A_531 = arith.constant 0 : index
        %parallel_loop3A_532 = tpu.vector_load %arg11[%parallel_loop3A_529, %parallel_loop3A_530, %parallel_loop3A_531] {strides = array<i32>} : memref<32x4x128xf32, #tpu.memory_space<vmem>>, vector<1x1x16xf32>,
        %parallel_loop3A_533 = vector.shape_cast %parallel_loop3A_532 : vector<1x1x16xf32> to vector<16xf32>
        %parallel_loop3A_534 = vector.shape_cast %parallel_loop3A_527 : vector<16xf32> to vector<1x1x16xf32>
        tpu.vector_store %arg11[%parallel_loop3A_529, %parallel_loop3A_530, %parallel_loop3A_531], %parallel_loop3A_534 {strides = array<i32>} : memref<32x4x128xf32, #tpu.memory_space<vmem>>, vector<1x1x16xf32>,
        %parallel_loop3A_535 = arith.constant 2 : i32
        %parallel_loop3A_536 = arith.index_cast %parallel_loop3A_535 : i32 to index
        %parallel_loop3A_537 = arith.index_cast %parallel_loop3A_500 : i32 to index
        %parallel_loop3A_538 = arith.constant 0 : index
        %parallel_loop3A_539 = tpu.vector_load %arg9[%parallel_loop3A_536, %parallel_loop3A_537, %parallel_loop3A_538] {strides = array<i32>} : memref<4x32x128xf32, #tpu.memory_space<vmem>>, vector<1x1x16xf32>,
        %parallel_loop3A_540 = vector.shape_cast %parallel_loop3A_539 : vector<1x1x16xf32> to vector<16xf32>
        %parallel_loop3A_541 = arith.addf %parallel_loop3A_540, %parallel_loop3A_506 : vector<16xf32>
        %parallel_loop3A_542 = arith.constant 2 : i32
        %parallel_loop3A_543 = arith.index_cast %parallel_loop3A_500 : i32 to index
        %parallel_loop3A_544 = arith.index_cast %parallel_loop3A_542 : i32 to index
        %parallel_loop3A_545 = arith.constant 0 : index
        %parallel_loop3A_546 = tpu.vector_load %arg11[%parallel_loop3A_543, %parallel_loop3A_544, %parallel_loop3A_545] {strides = array<i32>} : memref<32x4x128xf32, #tpu.memory_space<vmem>>, vector<1x1x16xf32>,
        %parallel_loop3A_547 = vector.shape_cast %parallel_loop3A_546 : vector<1x1x16xf32> to vector<16xf32>
        %parallel_loop3A_548 = vector.shape_cast %parallel_loop3A_541 : vector<16xf32> to vector<1x1x16xf32>
        tpu.vector_store %arg11[%parallel_loop3A_543, %parallel_loop3A_544, %parallel_loop3A_545], %parallel_loop3A_548 {strides = array<i32>} : memref<32x4x128xf32, #tpu.memory_space<vmem>>, vector<1x1x16xf32>,
        %parallel_loop3A_549 = arith.constant 3 : i32
        %parallel_loop3A_550 = arith.index_cast %parallel_loop3A_549 : i32 to index
        %parallel_loop3A_551 = arith.index_cast %parallel_loop3A_500 : i32 to index
        %parallel_loop3A_552 = arith.constant 0 : index
        %parallel_loop3A_553 = tpu.vector_load %arg9[%parallel_loop3A_550, %parallel_loop3A_551, %parallel_loop3A_552] {strides = array<i32>} : memref<4x32x128xf32, #tpu.memory_space<vmem>>, vector<1x1x16xf32>,
        %parallel_loop3A_554 = vector.shape_cast %parallel_loop3A_553 : vector<1x1x16xf32> to vector<16xf32>
        %parallel_loop3A_555 = arith.addf %parallel_loop3A_554, %parallel_loop3A_506 : vector<16xf32>
        %parallel_loop3A_556 = arith.constant 3 : i32
        %parallel_loop3A_557 = arith.index_cast %parallel_loop3A_500 : i32 to index
        %parallel_loop3A_558 = arith.index_cast %parallel_loop3A_556 : i32 to index
        %parallel_loop3A_559 = arith.constant 0 : index
        %parallel_loop3A_560 = tpu.vector_load %arg11[%parallel_loop3A_557, %parallel_loop3A_558, %parallel_loop3A_559] {strides = array<i32>} : memref<32x4x128xf32, #tpu.memory_space<vmem>>, vector<1x1x16xf32>,
        %parallel_loop3A_561 = vector.shape_cast %parallel_loop3A_560 : vector<1x1x16xf32> to vector<16xf32>
        %parallel_loop3A_562 = vector.shape_cast %parallel_loop3A_555 : vector<16xf32> to vector<1x1x16xf32>
        tpu.vector_store %arg11[%parallel_loop3A_557, %parallel_loop3A_558, %parallel_loop3A_559], %parallel_loop3A_562 {strides = array<i32>} : memref<32x4x128xf32, #tpu.memory_space<vmem>>, vector<1x1x16xf32>,
        %parallel_loop3A_563 = arith.index_cast %parallel_loop3A_501 : i32 to index
        %parallel_loop3A_564 = arith.constant 16 : index
        %parallel_loop3A_565 = tpu.vector_load %arg8[%parallel_loop3A_563, %parallel_loop3A_564] {strides = array<i32>} : memref<128x128xf32, #tpu.memory_space<vmem>>, vector<1x16xf32>,
        %parallel_loop3A_566 = vector.shape_cast %parallel_loop3A_565 : vector<1x16xf32> to vector<16xf32>
        %parallel_loop3A_567 = arith.addf %parallel_loop3A_566, %add3A_352 : vector<16xf32>
        %parallel_loop3A_568 = arith.constant 0 : i32
        %parallel_loop3A_569 = arith.index_cast %parallel_loop3A_568 : i32 to index
        %parallel_loop3A_570 = arith.index_cast %parallel_loop3A_500 : i32 to index
        %parallel_loop3A_571 = arith.constant 16 : index
        %parallel_loop3A_572 = tpu.vector_load %arg9[%parallel_loop3A_569, %parallel_loop3A_570, %parallel_loop3A_571] {strides = array<i32>} : memref<4x32x128xf32, #tpu.memory_space<vmem>>, vector<1x1x16xf32>,
        %parallel_loop3A_573 = vector.shape_cast %parallel_loop3A_572 : vector<1x1x16xf32> to vector<16xf32>
        %parallel_loop3A_574 = arith.addf %parallel_loop3A_573, %parallel_loop3A_567 : vector<16xf32>
        %parallel_loop3A_575 = arith.constant 0 : i32
        %parallel_loop3A_576 = arith.index_cast %parallel_loop3A_500 : i32 to index
        %parallel_loop3A_577 = arith.index_cast %parallel_loop3A_575 : i32 to index
        %parallel_loop3A_578 = arith.constant 16 : index
        %parallel_loop3A_579 = tpu.vector_load %arg11[%parallel_loop3A_576, %parallel_loop3A_577, %parallel_loop3A_578] {strides = array<i32>} : memref<32x4x128xf32, #tpu.memory_space<vmem>>, vector<1x1x16xf32>,
        %parallel_loop3A_580 = vector.shape_cast %parallel_loop3A_579 : vector<1x1x16xf32> to vector<16xf32>
        %parallel_loop3A_581 = vector.shape_cast %parallel_loop3A_574 : vector<16xf32> to vector<1x1x16xf32>
        tpu.vector_store %arg11[%parallel_loop3A_576, %parallel_loop3A_577, %parallel_loop3A_578], %parallel_loop3A_581 {strides = array<i32>} : memref<32x4x128xf32, #tpu.memory_space<vmem>>, vector<1x1x16xf32>,
        %parallel_loop3A_582 = arith.constant 1 : i32
        %parallel_loop3A_583 = arith.index_cast %parallel_loop3A_582 : i32 to index
        %parallel_loop3A_584 = arith.index_cast %parallel_loop3A_500 : i32 to index
        %parallel_loop3A_585 = arith.constant 16 : index
        %parallel_loop3A_586 = tpu.vector_load %arg9[%parallel_loop3A_583, %parallel_loop3A_584, %parallel_loop3A_585] {strides = array<i32>} : memref<4x32x128xf32, #tpu.memory_space<vmem>>, vector<1x1x16xf32>,
        %parallel_loop3A_587 = vector.shape_cast %parallel_loop3A_586 : vector<1x1x16xf32> to vector<16xf32>
        %parallel_loop3A_588 = arith.addf %parallel_loop3A_587, %parallel_loop3A_567 : vector<16xf32>
        %parallel_loop3A_589 = arith.constant 1 : i32
        %parallel_loop3A_590 = arith.index_cast %parallel_loop3A_500 : i32 to index
        %parallel_loop3A_591 = arith.index_cast %parallel_loop3A_589 : i32 to index
        %parallel_loop3A_592 = arith.constant 16 : index
        %parallel_loop3A_593 = tpu.vector_load %arg11[%parallel_loop3A_590, %parallel_loop3A_591, %parallel_loop3A_592] {strides = array<i32>} : memref<32x4x128xf32, #tpu.memory_space<vmem>>, vector<1x1x16xf32>,
        %parallel_loop3A_594 = vector.shape_cast %parallel_loop3A_593 : vector<1x1x16xf32> to vector<16xf32>
        %parallel_loop3A_595 = vector.shape_cast %parallel_loop3A_588 : vector<16xf32> to vector<1x1x16xf32>
        tpu.vector_store %arg11[%parallel_loop3A_590, %parallel_loop3A_591, %parallel_loop3A_592], %parallel_loop3A_595 {strides = array<i32>} : memref<32x4x128xf32, #tpu.memory_space<vmem>>, vector<1x1x16xf32>,
        %parallel_loop3A_596 = arith.constant 2 : i32
        %parallel_loop3A_597 = arith.index_cast %parallel_loop3A_596 : i32 to index
        %parallel_loop3A_598 = arith.index_cast %parallel_loop3A_500 : i32 to index
        %parallel_loop3A_599 = arith.constant 16 : index
        %parallel_loop3A_600 = tpu.vector_load %arg9[%parallel_loop3A_597, %parallel_loop3A_598, %parallel_loop3A_599] {strides = array<i32>} : memref<4x32x128xf32, #tpu.memory_space<vmem>>, vector<1x1x16xf32>,
        %parallel_loop3A_601 = vector.shape_cast %parallel_loop3A_600 : vector<1x1x16xf32> to vector<16xf32>
        %parallel_loop3A_602 = arith.addf %parallel_loop3A_601, %parallel_loop3A_567 : vector<16xf32>
        %parallel_loop3A_603 = arith.constant 2 : i32
        %parallel_loop3A_604 = arith.index_cast %parallel_loop3A_500 : i32 to index
        %parallel_loop3A_605 = arith.index_cast %parallel_loop3A_603 : i32 to index
        %parallel_loop3A_606 = arith.constant 16 : index
        %parallel_loop3A_607 = tpu.vector_load %arg11[%parallel_loop3A_604, %parallel_loop3A_605, %parallel_loop3A_606] {strides = array<i32>} : memref<32x4x128xf32, #tpu.memory_space<vmem>>, vector<1x1x16xf32>,
        %parallel_loop3A_608 = vector.shape_cast %parallel_loop3A_607 : vector<1x1x16xf32> to vector<16xf32>
        %parallel_loop3A_609 = vector.shape_cast %parallel_loop3A_602 : vector<16xf32> to vector<1x1x16xf32>
        tpu.vector_store %arg11[%parallel_loop3A_604, %parallel_loop3A_605, %parallel_loop3A_606], %parallel_loop3A_609 {strides = array<i32>} : memref<32x4x128xf32, #tpu.memory_space<vmem>>, vector<1x1x16xf32>,
        %parallel_loop3A_610 = arith.constant 3 : i32
        %parallel_loop3A_611 = arith.index_cast %parallel_loop3A_610 : i32 to index
        %parallel_loop3A_612 = arith.index_cast %parallel_loop3A_500 : i32 to index
        %parallel_loop3A_613 = arith.constant 16 : index
        %parallel_loop3A_614 = tpu.vector_load %arg9[%parallel_loop3A_611, %parallel_loop3A_612, %parallel_loop3A_613] {strides = array<i32>} : memref<4x32x128xf32, #tpu.memory_space<vmem>>, vector<1x1x16xf32>,
        %parallel_loop3A_615 = vector.shape_cast %parallel_loop3A_614 : vector<1x1x16xf32> to vector<16xf32>
        %parallel_loop3A_616 = arith.addf %parallel_loop3A_615, %parallel_loop3A_567 : vector<16xf32>
        %parallel_loop3A_617 = arith.constant 3 : i32
        %parallel_loop3A_618 = arith.index_cast %parallel_loop3A_500 : i32 to index
        %parallel_loop3A_619 = arith.index_cast %parallel_loop3A_617 : i32 to index
        %parallel_loop3A_620 = arith.constant 16 : index
        %parallel_loop3A_621 = tpu.vector_load %arg11[%parallel_loop3A_618, %parallel_loop3A_619, %parallel_loop3A_620] {strides = array<i32>} : memref<32x4x128xf32, #tpu.memory_space<vmem>>, vector<1x1x16xf32>,
        %parallel_loop3A_622 = vector.shape_cast %parallel_loop3A_621 : vector<1x1x16xf32> to vector<16xf32>
        %parallel_loop3A_623 = vector.shape_cast %parallel_loop3A_616 : vector<16xf32> to vector<1x1x16xf32>
        tpu.vector_store %arg11[%parallel_loop3A_618, %parallel_loop3A_619, %parallel_loop3A_620], %parallel_loop3A_623 {strides = array<i32>} : memref<32x4x128xf32, #tpu.memory_space<vmem>>, vector<1x1x16xf32>,
        %parallel_loop3A_624 = arith.index_cast %parallel_loop3A_501 : i32 to index
        %parallel_loop3A_625 = arith.constant 32 : index
        %parallel_loop3A_626 = tpu.vector_load %arg8[%parallel_loop3A_624, %parallel_loop3A_625] {strides = array<i32>} : memref<128x128xf32, #tpu.memory_space<vmem>>, vector<1x16xf32>,
        %parallel_loop3A_627 = vector.shape_cast %parallel_loop3A_626 : vector<1x16xf32> to vector<16xf32>
        %parallel_loop3A_628 = arith.addf %parallel_loop3A_627, %add3A_356 : vector<16xf32>
        %parallel_loop3A_629 = arith.constant 0 : i32
        %parallel_loop3A_630 = arith.index_cast %parallel_loop3A_629 : i32 to index
        %parallel_loop3A_631 = arith.index_cast %parallel_loop3A_500 : i32 to index
        %parallel_loop3A_632 = arith.constant 32 : index
        %parallel_loop3A_633 = tpu.vector_load %arg9[%parallel_loop3A_630, %parallel_loop3A_631, %parallel_loop3A_632] {strides = array<i32>} : memref<4x32x128xf32, #tpu.memory_space<vmem>>, vector<1x1x16xf32>,
        %parallel_loop3A_634 = vector.shape_cast %parallel_loop3A_633 : vector<1x1x16xf32> to vector<16xf32>
        %parallel_loop3A_635 = arith.addf %parallel_loop3A_634, %parallel_loop3A_628 : vector<16xf32>
        %parallel_loop3A_636 = arith.constant 0 : i32
        %parallel_loop3A_637 = arith.index_cast %parallel_loop3A_500 : i32 to index
        %parallel_loop3A_638 = arith.index_cast %parallel_loop3A_636 : i32 to index
        %parallel_loop3A_639 = arith.constant 32 : index
        %parallel_loop3A_640 = tpu.vector_load %arg11[%parallel_loop3A_637, %parallel_loop3A_638, %parallel_loop3A_639] {strides = array<i32>} : memref<32x4x128xf32, #tpu.memory_space<vmem>>, vector<1x1x16xf32>,
        %parallel_loop3A_641 = vector.shape_cast %parallel_loop3A_640 : vector<1x1x16xf32> to vector<16xf32>
        %parallel_loop3A_642 = vector.shape_cast %parallel_loop3A_635 : vector<16xf32> to vector<1x1x16xf32>
        tpu.vector_store %arg11[%parallel_loop3A_637, %parallel_loop3A_638, %parallel_loop3A_639], %parallel_loop3A_642 {strides = array<i32>} : memref<32x4x128xf32, #tpu.memory_space<vmem>>, vector<1x1x16xf32>,
        %parallel_loop3A_643 = arith.constant 1 : i32
        %parallel_loop3A_644 = arith.index_cast %parallel_loop3A_643 : i32 to index
        %parallel_loop3A_645 = arith.index_cast %parallel_loop3A_500 : i32 to index
        %parallel_loop3A_646 = arith.constant 32 : index
        %parallel_loop3A_647 = tpu.vector_load %arg9[%parallel_loop3A_644, %parallel_loop3A_645, %parallel_loop3A_646] {strides = array<i32>} : memref<4x32x128xf32, #tpu.memory_space<vmem>>, vector<1x1x16xf32>,
        %parallel_loop3A_648 = vector.shape_cast %parallel_loop3A_647 : vector<1x1x16xf32> to vector<16xf32>
        %parallel_loop3A_649 = arith.addf %parallel_loop3A_648, %parallel_loop3A_628 : vector<16xf32>
        %parallel_loop3A_650 = arith.constant 1 : i32
        %parallel_loop3A_651 = arith.index_cast %parallel_loop3A_500 : i32 to index
        %parallel_loop3A_652 = arith.index_cast %parallel_loop3A_650 : i32 to index
        %parallel_loop3A_653 = arith.constant 32 : index
        %parallel_loop3A_654 = tpu.vector_load %arg11[%parallel_loop3A_651, %parallel_loop3A_652, %parallel_loop3A_653] {strides = array<i32>} : memref<32x4x128xf32, #tpu.memory_space<vmem>>, vector<1x1x16xf32>,
        %parallel_loop3A_655 = vector.shape_cast %parallel_loop3A_654 : vector<1x1x16xf32> to vector<16xf32>
        %parallel_loop3A_656 = vector.shape_cast %parallel_loop3A_649 : vector<16xf32> to vector<1x1x16xf32>
        tpu.vector_store %arg11[%parallel_loop3A_651, %parallel_loop3A_652, %parallel_loop3A_653], %parallel_loop3A_656 {strides = array<i32>} : memref<32x4x128xf32, #tpu.memory_space<vmem>>, vector<1x1x16xf32>,
        %parallel_loop3A_657 = arith.constant 2 : i32
        %parallel_loop3A_658 = arith.index_cast %parallel_loop3A_657 : i32 to index
        %parallel_loop3A_659 = arith.index_cast %parallel_loop3A_500 : i32 to index
        %parallel_loop3A_660 = arith.constant 32 : index
        %parallel_loop3A_661 = tpu.vector_load %arg9[%parallel_loop3A_658, %parallel_loop3A_659, %parallel_loop3A_660] {strides = array<i32>} : memref<4x32x128xf32, #tpu.memory_space<vmem>>, vector<1x1x16xf32>,
        %parallel_loop3A_662 = vector.shape_cast %parallel_loop3A_661 : vector<1x1x16xf32> to vector<16xf32>
        %parallel_loop3A_663 = arith.addf %parallel_loop3A_662, %parallel_loop3A_628 : vector<16xf32>
        %parallel_loop3A_664 = arith.constant 2 : i32
        %parallel_loop3A_665 = arith.index_cast %parallel_loop3A_500 : i32 to index
        %parallel_loop3A_666 = arith.index_cast %parallel_loop3A_664 : i32 to index
        %parallel_loop3A_667 = arith.constant 32 : index
        %parallel_loop3A_668 = tpu.vector_load %arg11[%parallel_loop3A_665, %parallel_loop3A_666, %parallel_loop3A_667] {strides = array<i32>} : memref<32x4x128xf32, #tpu.memory_space<vmem>>, vector<1x1x16xf32>,
        %parallel_loop3A_669 = vector.shape_cast %parallel_loop3A_668 : vector<1x1x16xf32> to vector<16xf32>
        %parallel_loop3A_670 = vector.shape_cast %parallel_loop3A_663 : vector<16xf32> to vector<1x1x16xf32>
        tpu.vector_store %arg11[%parallel_loop3A_665, %parallel_loop3A_666, %parallel_loop3A_667], %parallel_loop3A_670 {strides = array<i32>} : memref<32x4x128xf32, #tpu.memory_space<vmem>>, vector<1x1x16xf32>,
        %parallel_loop3A_671 = arith.constant 3 : i32
        %parallel_loop3A_672 = arith.index_cast %parallel_loop3A_671 : i32 to index
        %parallel_loop3A_673 = arith.index_cast %parallel_loop3A_500 : i32 to index
        %parallel_loop3A_674 = arith.constant 32 : index
        %parallel_loop3A_675 = tpu.vector_load %arg9[%parallel_loop3A_672, %parallel_loop3A_673, %parallel_loop3A_674] {strides = array<i32>} : memref<4x32x128xf32, #tpu.memory_space<vmem>>, vector<1x1x16xf32>,
        %parallel_loop3A_676 = vector.shape_cast %parallel_loop3A_675 : vector<1x1x16xf32> to vector<16xf32>
        %parallel_loop3A_677 = arith.addf %parallel_loop3A_676, %parallel_loop3A_628 : vector<16xf32>
        %parallel_loop3A_678 = arith.constant 3 : i32
        %parallel_loop3A_679 = arith.index_cast %parallel_loop3A_500 : i32 to index
        %parallel_loop3A_680 = arith.index_cast %parallel_loop3A_678 : i32 to index
        %parallel_loop3A_681 = arith.constant 32 : index
        %parallel_loop3A_682 = tpu.vector_load %arg11[%parallel_loop3A_679, %parallel_loop3A_680, %parallel_loop3A_681] {strides = array<i32>} : memref<32x4x128xf32, #tpu.memory_space<vmem>>, vector<1x1x16xf32>,
        %parallel_loop3A_683 = vector.shape_cast %parallel_loop3A_682 : vector<1x1x16xf32> to vector<16xf32>
        %parallel_loop3A_684 = vector.shape_cast %parallel_loop3A_677 : vector<16xf32> to vector<1x1x16xf32>
        tpu.vector_store %arg11[%parallel_loop3A_679, %parallel_loop3A_680, %parallel_loop3A_681], %parallel_loop3A_684 {strides = array<i32>} : memref<32x4x128xf32, #tpu.memory_space<vmem>>, vector<1x1x16xf32>,
        %parallel_loop3A_685 = arith.index_cast %parallel_loop3A_501 : i32 to index
        %parallel_loop3A_686 = arith.constant 48 : index
        %parallel_loop3A_687 = tpu.vector_load %arg8[%parallel_loop3A_685, %parallel_loop3A_686] {strides = array<i32>} : memref<128x128xf32, #tpu.memory_space<vmem>>, vector<1x16xf32>,
        %parallel_loop3A_688 = vector.shape_cast %parallel_loop3A_687 : vector<1x16xf32> to vector<16xf32>
        %parallel_loop3A_689 = arith.addf %parallel_loop3A_688, %add3A_360 : vector<16xf32>
        %parallel_loop3A_690 = arith.constant 0 : i32
        %parallel_loop3A_691 = arith.index_cast %parallel_loop3A_690 : i32 to index
        %parallel_loop3A_692 = arith.index_cast %parallel_loop3A_500 : i32 to index
        %parallel_loop3A_693 = arith.constant 48 : index
        %parallel_loop3A_694 = tpu.vector_load %arg9[%parallel_loop3A_691, %parallel_loop3A_692, %parallel_loop3A_693] {strides = array<i32>} : memref<4x32x128xf32, #tpu.memory_space<vmem>>, vector<1x1x16xf32>,
        %parallel_loop3A_695 = vector.shape_cast %parallel_loop3A_694 : vector<1x1x16xf32> to vector<16xf32>
        %parallel_loop3A_696 = arith.addf %parallel_loop3A_695, %parallel_loop3A_689 : vector<16xf32>
        %parallel_loop3A_697 = arith.constant 0 : i32
        %parallel_loop3A_698 = arith.index_cast %parallel_loop3A_500 : i32 to index
        %parallel_loop3A_699 = arith.index_cast %parallel_loop3A_697 : i32 to index
        %parallel_loop3A_700 = arith.constant 48 : index
        %parallel_loop3A_701 = tpu.vector_load %arg11[%parallel_loop3A_698, %parallel_loop3A_699, %parallel_loop3A_700] {strides = array<i32>} : memref<32x4x128xf32, #tpu.memory_space<vmem>>, vector<1x1x16xf32>,
        %parallel_loop3A_702 = vector.shape_cast %parallel_loop3A_701 : vector<1x1x16xf32> to vector<16xf32>
        %parallel_loop3A_703 = vector.shape_cast %parallel_loop3A_696 : vector<16xf32> to vector<1x1x16xf32>
        tpu.vector_store %arg11[%parallel_loop3A_698, %parallel_loop3A_699, %parallel_loop3A_700], %parallel_loop3A_703 {strides = array<i32>} : memref<32x4x128xf32, #tpu.memory_space<vmem>>, vector<1x1x16xf32>,
        %parallel_loop3A_704 = arith.constant 1 : i32
        %parallel_loop3A_705 = arith.index_cast %parallel_loop3A_704 : i32 to index
        %parallel_loop3A_706 = arith.index_cast %parallel_loop3A_500 : i32 to index
        %parallel_loop3A_707 = arith.constant 48 : index
        %parallel_loop3A_708 = tpu.vector_load %arg9[%parallel_loop3A_705, %parallel_loop3A_706, %parallel_loop3A_707] {strides = array<i32>} : memref<4x32x128xf32, #tpu.memory_space<vmem>>, vector<1x1x16xf32>,
        %parallel_loop3A_709 = vector.shape_cast %parallel_loop3A_708 : vector<1x1x16xf32> to vector<16xf32>
        %parallel_loop3A_710 = arith.addf %parallel_loop3A_709, %parallel_loop3A_689 : vector<16xf32>
        %parallel_loop3A_711 = arith.constant 1 : i32
        %parallel_loop3A_712 = arith.index_cast %parallel_loop3A_500 : i32 to index
        %parallel_loop3A_713 = arith.index_cast %parallel_loop3A_711 : i32 to index
        %parallel_loop3A_714 = arith.constant 48 : index
        %parallel_loop3A_715 = tpu.vector_load %arg11[%parallel_loop3A_712, %parallel_loop3A_713, %parallel_loop3A_714] {strides = array<i32>} : memref<32x4x128xf32, #tpu.memory_space<vmem>>, vector<1x1x16xf32>,
        %parallel_loop3A_716 = vector.shape_cast %parallel_loop3A_715 : vector<1x1x16xf32> to vector<16xf32>
        %parallel_loop3A_717 = vector.shape_cast %parallel_loop3A_710 : vector<16xf32> to vector<1x1x16xf32>
        tpu.vector_store %arg11[%parallel_loop3A_712, %parallel_loop3A_713, %parallel_loop3A_714], %parallel_loop3A_717 {strides = array<i32>} : memref<32x4x128xf32, #tpu.memory_space<vmem>>, vector<1x1x16xf32>,
        %parallel_loop3A_718 = arith.constant 2 : i32
        %parallel_loop3A_719 = arith.index_cast %parallel_loop3A_718 : i32 to index
        %parallel_loop3A_720 = arith.index_cast %parallel_loop3A_500 : i32 to index
        %parallel_loop3A_721 = arith.constant 48 : index
        %parallel_loop3A_722 = tpu.vector_load %arg9[%parallel_loop3A_719, %parallel_loop3A_720, %parallel_loop3A_721] {strides = array<i32>} : memref<4x32x128xf32, #tpu.memory_space<vmem>>, vector<1x1x16xf32>,
        %parallel_loop3A_723 = vector.shape_cast %parallel_loop3A_722 : vector<1x1x16xf32> to vector<16xf32>
        %parallel_loop3A_724 = arith.addf %parallel_loop3A_723, %parallel_loop3A_689 : vector<16xf32>
        %parallel_loop3A_725 = arith.constant 2 : i32
        %parallel_loop3A_726 = arith.index_cast %parallel_loop3A_500 : i32 to index
        %parallel_loop3A_727 = arith.index_cast %parallel_loop3A_725 : i32 to index
        %parallel_loop3A_728 = arith.constant 48 : index
        %parallel_loop3A_729 = tpu.vector_load %arg11[%parallel_loop3A_726, %parallel_loop3A_727, %parallel_loop3A_728] {strides = array<i32>} : memref<32x4x128xf32, #tpu.memory_space<vmem>>, vector<1x1x16xf32>,
        %parallel_loop3A_730 = vector.shape_cast %parallel_loop3A_729 : vector<1x1x16xf32> to vector<16xf32>
        %parallel_loop3A_731 = vector.shape_cast %parallel_loop3A_724 : vector<16xf32> to vector<1x1x16xf32>
        tpu.vector_store %arg11[%parallel_loop3A_726, %parallel_loop3A_727, %parallel_loop3A_728], %parallel_loop3A_731 {strides = array<i32>} : memref<32x4x128xf32, #tpu.memory_space<vmem>>, vector<1x1x16xf32>,
        %parallel_loop3A_732 = arith.constant 3 : i32
        %parallel_loop3A_733 = arith.index_cast %parallel_loop3A_732 : i32 to index
        %parallel_loop3A_734 = arith.index_cast %parallel_loop3A_500 : i32 to index
        %parallel_loop3A_735 = arith.constant 48 : index
        %parallel_loop3A_736 = tpu.vector_load %arg9[%parallel_loop3A_733, %parallel_loop3A_734, %parallel_loop3A_735] {strides = array<i32>} : memref<4x32x128xf32, #tpu.memory_space<vmem>>, vector<1x1x16xf32>,
        %parallel_loop3A_737 = vector.shape_cast %parallel_loop3A_736 : vector<1x1x16xf32> to vector<16xf32>
        %parallel_loop3A_738 = arith.addf %parallel_loop3A_737, %parallel_loop3A_689 : vector<16xf32>
        %parallel_loop3A_739 = arith.constant 3 : i32
        %parallel_loop3A_740 = arith.index_cast %parallel_loop3A_500 : i32 to index
        %parallel_loop3A_741 = arith.index_cast %parallel_loop3A_739 : i32 to index
        %parallel_loop3A_742 = arith.constant 48 : index
        %parallel_loop3A_743 = tpu.vector_load %arg11[%parallel_loop3A_740, %parallel_loop3A_741, %parallel_loop3A_742] {strides = array<i32>} : memref<32x4x128xf32, #tpu.memory_space<vmem>>, vector<1x1x16xf32>,
        %parallel_loop3A_744 = vector.shape_cast %parallel_loop3A_743 : vector<1x1x16xf32> to vector<16xf32>
        %parallel_loop3A_745 = vector.shape_cast %parallel_loop3A_738 : vector<16xf32> to vector<1x1x16xf32>
        tpu.vector_store %arg11[%parallel_loop3A_740, %parallel_loop3A_741, %parallel_loop3A_742], %parallel_loop3A_745 {strides = array<i32>} : memref<32x4x128xf32, #tpu.memory_space<vmem>>, vector<1x1x16xf32>,
        %parallel_loop3A_746 = arith.index_cast %parallel_loop3A_501 : i32 to index
        %parallel_loop3A_747 = arith.constant 64 : index
        %parallel_loop3A_748 = tpu.vector_load %arg8[%parallel_loop3A_746, %parallel_loop3A_747] {strides = array<i32>} : memref<128x128xf32, #tpu.memory_space<vmem>>, vector<1x16xf32>,
        %parallel_loop3A_749 = vector.shape_cast %parallel_loop3A_748 : vector<1x16xf32> to vector<16xf32>
        %parallel_loop3A_750 = arith.addf %parallel_loop3A_749, %add3A_364 : vector<16xf32>
        %parallel_loop3A_751 = arith.constant 0 : i32
        %parallel_loop3A_752 = arith.index_cast %parallel_loop3A_751 : i32 to index
        %parallel_loop3A_753 = arith.index_cast %parallel_loop3A_500 : i32 to index
        %parallel_loop3A_754 = arith.constant 64 : index
        %parallel_loop3A_755 = tpu.vector_load %arg9[%parallel_loop3A_752, %parallel_loop3A_753, %parallel_loop3A_754] {strides = array<i32>} : memref<4x32x128xf32, #tpu.memory_space<vmem>>, vector<1x1x16xf32>,
        %parallel_loop3A_756 = vector.shape_cast %parallel_loop3A_755 : vector<1x1x16xf32> to vector<16xf32>
        %parallel_loop3A_757 = arith.addf %parallel_loop3A_756, %parallel_loop3A_750 : vector<16xf32>
        %parallel_loop3A_758 = arith.constant 0 : i32
        %parallel_loop3A_759 = arith.index_cast %parallel_loop3A_500 : i32 to index
        %parallel_loop3A_760 = arith.index_cast %parallel_loop3A_758 : i32 to index
        %parallel_loop3A_761 = arith.constant 64 : index
        %parallel_loop3A_762 = tpu.vector_load %arg11[%parallel_loop3A_759, %parallel_loop3A_760, %parallel_loop3A_761] {strides = array<i32>} : memref<32x4x128xf32, #tpu.memory_space<vmem>>, vector<1x1x16xf32>,
        %parallel_loop3A_763 = vector.shape_cast %parallel_loop3A_762 : vector<1x1x16xf32> to vector<16xf32>
        %parallel_loop3A_764 = vector.shape_cast %parallel_loop3A_757 : vector<16xf32> to vector<1x1x16xf32>
        tpu.vector_store %arg11[%parallel_loop3A_759, %parallel_loop3A_760, %parallel_loop3A_761], %parallel_loop3A_764 {strides = array<i32>} : memref<32x4x128xf32, #tpu.memory_space<vmem>>, vector<1x1x16xf32>,
        %parallel_loop3A_765 = arith.constant 1 : i32
        %parallel_loop3A_766 = arith.index_cast %parallel_loop3A_765 : i32 to index
        %parallel_loop3A_767 = arith.index_cast %parallel_loop3A_500 : i32 to index
        %parallel_loop3A_768 = arith.constant 64 : index
        %parallel_loop3A_769 = tpu.vector_load %arg9[%parallel_loop3A_766, %parallel_loop3A_767, %parallel_loop3A_768] {strides = array<i32>} : memref<4x32x128xf32, #tpu.memory_space<vmem>>, vector<1x1x16xf32>,
        %parallel_loop3A_770 = vector.shape_cast %parallel_loop3A_769 : vector<1x1x16xf32> to vector<16xf32>
        %parallel_loop3A_771 = arith.addf %parallel_loop3A_770, %parallel_loop3A_750 : vector<16xf32>
        %parallel_loop3A_772 = arith.constant 1 : i32
        %parallel_loop3A_773 = arith.index_cast %parallel_loop3A_500 : i32 to index
        %parallel_loop3A_774 = arith.index_cast %parallel_loop3A_772 : i32 to index
        %parallel_loop3A_775 = arith.constant 64 : index
        %parallel_loop3A_776 = tpu.vector_load %arg11[%parallel_loop3A_773, %parallel_loop3A_774, %parallel_loop3A_775] {strides = array<i32>} : memref<32x4x128xf32, #tpu.memory_space<vmem>>, vector<1x1x16xf32>,
        %parallel_loop3A_777 = vector.shape_cast %parallel_loop3A_776 : vector<1x1x16xf32> to vector<16xf32>
        %parallel_loop3A_778 = vector.shape_cast %parallel_loop3A_771 : vector<16xf32> to vector<1x1x16xf32>
        tpu.vector_store %arg11[%parallel_loop3A_773, %parallel_loop3A_774, %parallel_loop3A_775], %parallel_loop3A_778 {strides = array<i32>} : memref<32x4x128xf32, #tpu.memory_space<vmem>>, vector<1x1x16xf32>,
        %parallel_loop3A_779 = arith.constant 2 : i32
        %parallel_loop3A_780 = arith.index_cast %parallel_loop3A_779 : i32 to index
        %parallel_loop3A_781 = arith.index_cast %parallel_loop3A_500 : i32 to index
        %parallel_loop3A_782 = arith.constant 64 : index
        %parallel_loop3A_783 = tpu.vector_load %arg9[%parallel_loop3A_780, %parallel_loop3A_781, %parallel_loop3A_782] {strides = array<i32>} : memref<4x32x128xf32, #tpu.memory_space<vmem>>, vector<1x1x16xf32>,
        %parallel_loop3A_784 = vector.shape_cast %parallel_loop3A_783 : vector<1x1x16xf32> to vector<16xf32>
        %parallel_loop3A_785 = arith.addf %parallel_loop3A_784, %parallel_loop3A_750 : vector<16xf32>
        %parallel_loop3A_786 = arith.constant 2 : i32
        %parallel_loop3A_787 = arith.index_cast %parallel_loop3A_500 : i32 to index
        %parallel_loop3A_788 = arith.index_cast %parallel_loop3A_786 : i32 to index
        %parallel_loop3A_789 = arith.constant 64 : index
        %parallel_loop3A_790 = tpu.vector_load %arg11[%parallel_loop3A_787, %parallel_loop3A_788, %parallel_loop3A_789] {strides = array<i32>} : memref<32x4x128xf32, #tpu.memory_space<vmem>>, vector<1x1x16xf32>,
        %parallel_loop3A_791 = vector.shape_cast %parallel_loop3A_790 : vector<1x1x16xf32> to vector<16xf32>
        %parallel_loop3A_792 = vector.shape_cast %parallel_loop3A_785 : vector<16xf32> to vector<1x1x16xf32>
        tpu.vector_store %arg11[%parallel_loop3A_787, %parallel_loop3A_788, %parallel_loop3A_789], %parallel_loop3A_792 {strides = array<i32>} : memref<32x4x128xf32, #tpu.memory_space<vmem>>, vector<1x1x16xf32>,
        %parallel_loop3A_793 = arith.constant 3 : i32
        %parallel_loop3A_794 = arith.index_cast %parallel_loop3A_793 : i32 to index
        %parallel_loop3A_795 = arith.index_cast %parallel_loop3A_500 : i32 to index
        %parallel_loop3A_796 = arith.constant 64 : index
        %parallel_loop3A_797 = tpu.vector_load %arg9[%parallel_loop3A_794, %parallel_loop3A_795, %parallel_loop3A_796] {strides = array<i32>} : memref<4x32x128xf32, #tpu.memory_space<vmem>>, vector<1x1x16xf32>,
        %parallel_loop3A_798 = vector.shape_cast %parallel_loop3A_797 : vector<1x1x16xf32> to vector<16xf32>
        %parallel_loop3A_799 = arith.addf %parallel_loop3A_798, %parallel_loop3A_750 : vector<16xf32>
        %parallel_loop3A_800 = arith.constant 3 : i32
        %parallel_loop3A_801 = arith.index_cast %parallel_loop3A_500 : i32 to index
        %parallel_loop3A_802 = arith.index_cast %parallel_loop3A_800 : i32 to index
        %parallel_loop3A_803 = arith.constant 64 : index
        %parallel_loop3A_804 = tpu.vector_load %arg11[%parallel_loop3A_801, %parallel_loop3A_802, %parallel_loop3A_803] {strides = array<i32>} : memref<32x4x128xf32, #tpu.memory_space<vmem>>, vector<1x1x16xf32>,
        %parallel_loop3A_805 = vector.shape_cast %parallel_loop3A_804 : vector<1x1x16xf32> to vector<16xf32>
        %parallel_loop3A_806 = vector.shape_cast %parallel_loop3A_799 : vector<16xf32> to vector<1x1x16xf32>
        tpu.vector_store %arg11[%parallel_loop3A_801, %parallel_loop3A_802, %parallel_loop3A_803], %parallel_loop3A_806 {strides = array<i32>} : memref<32x4x128xf32, #tpu.memory_space<vmem>>, vector<1x1x16xf32>,
        %parallel_loop3A_807 = arith.index_cast %parallel_loop3A_501 : i32 to index
        %parallel_loop3A_808 = arith.constant 80 : index
        %parallel_loop3A_809 = tpu.vector_load %arg8[%parallel_loop3A_807, %parallel_loop3A_808] {strides = array<i32>} : memref<128x128xf32, #tpu.memory_space<vmem>>, vector<1x16xf32>,
        %parallel_loop3A_810 = vector.shape_cast %parallel_loop3A_809 : vector<1x16xf32> to vector<16xf32>
        %parallel_loop3A_811 = arith.addf %parallel_loop3A_810, %add3A_368 : vector<16xf32>
        %parallel_loop3A_812 = arith.constant 0 : i32
        %parallel_loop3A_813 = arith.index_cast %parallel_loop3A_812 : i32 to index
        %parallel_loop3A_814 = arith.index_cast %parallel_loop3A_500 : i32 to index
        %parallel_loop3A_815 = arith.constant 80 : index
        %parallel_loop3A_816 = tpu.vector_load %arg9[%parallel_loop3A_813, %parallel_loop3A_814, %parallel_loop3A_815] {strides = array<i32>} : memref<4x32x128xf32, #tpu.memory_space<vmem>>, vector<1x1x16xf32>,
        %parallel_loop3A_817 = vector.shape_cast %parallel_loop3A_816 : vector<1x1x16xf32> to vector<16xf32>
        %parallel_loop3A_818 = arith.addf %parallel_loop3A_817, %parallel_loop3A_811 : vector<16xf32>
        %parallel_loop3A_819 = arith.constant 0 : i32
        %parallel_loop3A_820 = arith.index_cast %parallel_loop3A_500 : i32 to index
        %parallel_loop3A_821 = arith.index_cast %parallel_loop3A_819 : i32 to index
        %parallel_loop3A_822 = arith.constant 80 : index
        %parallel_loop3A_823 = tpu.vector_load %arg11[%parallel_loop3A_820, %parallel_loop3A_821, %parallel_loop3A_822] {strides = array<i32>} : memref<32x4x128xf32, #tpu.memory_space<vmem>>, vector<1x1x16xf32>,
        %parallel_loop3A_824 = vector.shape_cast %parallel_loop3A_823 : vector<1x1x16xf32> to vector<16xf32>
        %parallel_loop3A_825 = vector.shape_cast %parallel_loop3A_818 : vector<16xf32> to vector<1x1x16xf32>
        tpu.vector_store %arg11[%parallel_loop3A_820, %parallel_loop3A_821, %parallel_loop3A_822], %parallel_loop3A_825 {strides = array<i32>} : memref<32x4x128xf32, #tpu.memory_space<vmem>>, vector<1x1x16xf32>,
        %parallel_loop3A_826 = arith.constant 1 : i32
        %parallel_loop3A_827 = arith.index_cast %parallel_loop3A_826 : i32 to index
        %parallel_loop3A_828 = arith.index_cast %parallel_loop3A_500 : i32 to index
        %parallel_loop3A_829 = arith.constant 80 : index
        %parallel_loop3A_830 = tpu.vector_load %arg9[%parallel_loop3A_827, %parallel_loop3A_828, %parallel_loop3A_829] {strides = array<i32>} : memref<4x32x128xf32, #tpu.memory_space<vmem>>, vector<1x1x16xf32>,
        %parallel_loop3A_831 = vector.shape_cast %parallel_loop3A_830 : vector<1x1x16xf32> to vector<16xf32>
        %parallel_loop3A_832 = arith.addf %parallel_loop3A_831, %parallel_loop3A_811 : vector<16xf32>
        %parallel_loop3A_833 = arith.constant 1 : i32
        %parallel_loop3A_834 = arith.index_cast %parallel_loop3A_500 : i32 to index
        %parallel_loop3A_835 = arith.index_cast %parallel_loop3A_833 : i32 to index
        %parallel_loop3A_836 = arith.constant 80 : index
        %parallel_loop3A_837 = tpu.vector_load %arg11[%parallel_loop3A_834, %parallel_loop3A_835, %parallel_loop3A_836] {strides = array<i32>} : memref<32x4x128xf32, #tpu.memory_space<vmem>>, vector<1x1x16xf32>,
        %parallel_loop3A_838 = vector.shape_cast %parallel_loop3A_837 : vector<1x1x16xf32> to vector<16xf32>
        %parallel_loop3A_839 = vector.shape_cast %parallel_loop3A_832 : vector<16xf32> to vector<1x1x16xf32>
        tpu.vector_store %arg11[%parallel_loop3A_834, %parallel_loop3A_835, %parallel_loop3A_836], %parallel_loop3A_839 {strides = array<i32>} : memref<32x4x128xf32, #tpu.memory_space<vmem>>, vector<1x1x16xf32>,
        %parallel_loop3A_840 = arith.constant 2 : i32
        %parallel_loop3A_841 = arith.index_cast %parallel_loop3A_840 : i32 to index
        %parallel_loop3A_842 = arith.index_cast %parallel_loop3A_500 : i32 to index
        %parallel_loop3A_843 = arith.constant 80 : index
        %parallel_loop3A_844 = tpu.vector_load %arg9[%parallel_loop3A_841, %parallel_loop3A_842, %parallel_loop3A_843] {strides = array<i32>} : memref<4x32x128xf32, #tpu.memory_space<vmem>>, vector<1x1x16xf32>,
        %parallel_loop3A_845 = vector.shape_cast %parallel_loop3A_844 : vector<1x1x16xf32> to vector<16xf32>
        %parallel_loop3A_846 = arith.addf %parallel_loop3A_845, %parallel_loop3A_811 : vector<16xf32>
        %parallel_loop3A_847 = arith.constant 2 : i32
        %parallel_loop3A_848 = arith.index_cast %parallel_loop3A_500 : i32 to index
        %parallel_loop3A_849 = arith.index_cast %parallel_loop3A_847 : i32 to index
        %parallel_loop3A_850 = arith.constant 80 : index
        %parallel_loop3A_851 = tpu.vector_load %arg11[%parallel_loop3A_848, %parallel_loop3A_849, %parallel_loop3A_850] {strides = array<i32>} : memref<32x4x128xf32, #tpu.memory_space<vmem>>, vector<1x1x16xf32>,
        %parallel_loop3A_852 = vector.shape_cast %parallel_loop3A_851 : vector<1x1x16xf32> to vector<16xf32>
        %parallel_loop3A_853 = vector.shape_cast %parallel_loop3A_846 : vector<16xf32> to vector<1x1x16xf32>
        tpu.vector_store %arg11[%parallel_loop3A_848, %parallel_loop3A_849, %parallel_loop3A_850], %parallel_loop3A_853 {strides = array<i32>} : memref<32x4x128xf32, #tpu.memory_space<vmem>>, vector<1x1x16xf32>,
        %parallel_loop3A_854 = arith.constant 3 : i32
        %parallel_loop3A_855 = arith.index_cast %parallel_loop3A_854 : i32 to index
        %parallel_loop3A_856 = arith.index_cast %parallel_loop3A_500 : i32 to index
        %parallel_loop3A_857 = arith.constant 80 : index
        %parallel_loop3A_858 = tpu.vector_load %arg9[%parallel_loop3A_855, %parallel_loop3A_856, %parallel_loop3A_857] {strides = array<i32>} : memref<4x32x128xf32, #tpu.memory_space<vmem>>, vector<1x1x16xf32>,
        %parallel_loop3A_859 = vector.shape_cast %parallel_loop3A_858 : vector<1x1x16xf32> to vector<16xf32>
        %parallel_loop3A_860 = arith.addf %parallel_loop3A_859, %parallel_loop3A_811 : vector<16xf32>
        %parallel_loop3A_861 = arith.constant 3 : i32
        %parallel_loop3A_862 = arith.index_cast %parallel_loop3A_500 : i32 to index
        %parallel_loop3A_863 = arith.index_cast %parallel_loop3A_861 : i32 to index
        %parallel_loop3A_864 = arith.constant 80 : index
        %parallel_loop3A_865 = tpu.vector_load %arg11[%parallel_loop3A_862, %parallel_loop3A_863, %parallel_loop3A_864] {strides = array<i32>} : memref<32x4x128xf32, #tpu.memory_space<vmem>>, vector<1x1x16xf32>,
        %parallel_loop3A_866 = vector.shape_cast %parallel_loop3A_865 : vector<1x1x16xf32> to vector<16xf32>
        %parallel_loop3A_867 = vector.shape_cast %parallel_loop3A_860 : vector<16xf32> to vector<1x1x16xf32>
        tpu.vector_store %arg11[%parallel_loop3A_862, %parallel_loop3A_863, %parallel_loop3A_864], %parallel_loop3A_867 {strides = array<i32>} : memref<32x4x128xf32, #tpu.memory_space<vmem>>, vector<1x1x16xf32>,
        %parallel_loop3A_868 = arith.index_cast %parallel_loop3A_501 : i32 to index
        %parallel_loop3A_869 = arith.constant 96 : index
        %parallel_loop3A_870 = tpu.vector_load %arg8[%parallel_loop3A_868, %parallel_loop3A_869] {strides = array<i32>} : memref<128x128xf32, #tpu.memory_space<vmem>>, vector<1x16xf32>,
        %parallel_loop3A_871 = vector.shape_cast %parallel_loop3A_870 : vector<1x16xf32> to vector<16xf32>
        %parallel_loop3A_872 = arith.addf %parallel_loop3A_871, %add3A_372 : vector<16xf32>
        %parallel_loop3A_873 = arith.constant 0 : i32
        %parallel_loop3A_874 = arith.index_cast %parallel_loop3A_873 : i32 to index
        %parallel_loop3A_875 = arith.index_cast %parallel_loop3A_500 : i32 to index
        %parallel_loop3A_876 = arith.constant 96 : index
        %parallel_loop3A_877 = tpu.vector_load %arg9[%parallel_loop3A_874, %parallel_loop3A_875, %parallel_loop3A_876] {strides = array<i32>} : memref<4x32x128xf32, #tpu.memory_space<vmem>>, vector<1x1x16xf32>,
        %parallel_loop3A_878 = vector.shape_cast %parallel_loop3A_877 : vector<1x1x16xf32> to vector<16xf32>
        %parallel_loop3A_879 = arith.addf %parallel_loop3A_878, %parallel_loop3A_872 : vector<16xf32>
        %parallel_loop3A_880 = arith.constant 0 : i32
        %parallel_loop3A_881 = arith.index_cast %parallel_loop3A_500 : i32 to index
        %parallel_loop3A_882 = arith.index_cast %parallel_loop3A_880 : i32 to index
        %parallel_loop3A_883 = arith.constant 96 : index
        %parallel_loop3A_884 = tpu.vector_load %arg11[%parallel_loop3A_881, %parallel_loop3A_882, %parallel_loop3A_883] {strides = array<i32>} : memref<32x4x128xf32, #tpu.memory_space<vmem>>, vector<1x1x16xf32>,
        %parallel_loop3A_885 = vector.shape_cast %parallel_loop3A_884 : vector<1x1x16xf32> to vector<16xf32>
        %parallel_loop3A_886 = vector.shape_cast %parallel_loop3A_879 : vector<16xf32> to vector<1x1x16xf32>
        tpu.vector_store %arg11[%parallel_loop3A_881, %parallel_loop3A_882, %parallel_loop3A_883], %parallel_loop3A_886 {strides = array<i32>} : memref<32x4x128xf32, #tpu.memory_space<vmem>>, vector<1x1x16xf32>,
        %parallel_loop3A_887 = arith.constant 1 : i32
        %parallel_loop3A_888 = arith.index_cast %parallel_loop3A_887 : i32 to index
        %parallel_loop3A_889 = arith.index_cast %parallel_loop3A_500 : i32 to index
        %parallel_loop3A_890 = arith.constant 96 : index
        %parallel_loop3A_891 = tpu.vector_load %arg9[%parallel_loop3A_888, %parallel_loop3A_889, %parallel_loop3A_890] {strides = array<i32>} : memref<4x32x128xf32, #tpu.memory_space<vmem>>, vector<1x1x16xf32>,
        %parallel_loop3A_892 = vector.shape_cast %parallel_loop3A_891 : vector<1x1x16xf32> to vector<16xf32>
        %parallel_loop3A_893 = arith.addf %parallel_loop3A_892, %parallel_loop3A_872 : vector<16xf32>
        %parallel_loop3A_894 = arith.constant 1 : i32
        %parallel_loop3A_895 = arith.index_cast %parallel_loop3A_500 : i32 to index
        %parallel_loop3A_896 = arith.index_cast %parallel_loop3A_894 : i32 to index
        %parallel_loop3A_897 = arith.constant 96 : index
        %parallel_loop3A_898 = tpu.vector_load %arg11[%parallel_loop3A_895, %parallel_loop3A_896, %parallel_loop3A_897] {strides = array<i32>} : memref<32x4x128xf32, #tpu.memory_space<vmem>>, vector<1x1x16xf32>,
        %parallel_loop3A_899 = vector.shape_cast %parallel_loop3A_898 : vector<1x1x16xf32> to vector<16xf32>
        %parallel_loop3A_900 = vector.shape_cast %parallel_loop3A_893 : vector<16xf32> to vector<1x1x16xf32>
        tpu.vector_store %arg11[%parallel_loop3A_895, %parallel_loop3A_896, %parallel_loop3A_897], %parallel_loop3A_900 {strides = array<i32>} : memref<32x4x128xf32, #tpu.memory_space<vmem>>, vector<1x1x16xf32>,
        %parallel_loop3A_901 = arith.constant 2 : i32
        %parallel_loop3A_902 = arith.index_cast %parallel_loop3A_901 : i32 to index
        %parallel_loop3A_903 = arith.index_cast %parallel_loop3A_500 : i32 to index
        %parallel_loop3A_904 = arith.constant 96 : index
        %parallel_loop3A_905 = tpu.vector_load %arg9[%parallel_loop3A_902, %parallel_loop3A_903, %parallel_loop3A_904] {strides = array<i32>} : memref<4x32x128xf32, #tpu.memory_space<vmem>>, vector<1x1x16xf32>,
        %parallel_loop3A_906 = vector.shape_cast %parallel_loop3A_905 : vector<1x1x16xf32> to vector<16xf32>
        %parallel_loop3A_907 = arith.addf %parallel_loop3A_906, %parallel_loop3A_872 : vector<16xf32>
        %parallel_loop3A_908 = arith.constant 2 : i32
        %parallel_loop3A_909 = arith.index_cast %parallel_loop3A_500 : i32 to index
        %parallel_loop3A_910 = arith.index_cast %parallel_loop3A_908 : i32 to index
        %parallel_loop3A_911 = arith.constant 96 : index
        %parallel_loop3A_912 = tpu.vector_load %arg11[%parallel_loop3A_909, %parallel_loop3A_910, %parallel_loop3A_911] {strides = array<i32>} : memref<32x4x128xf32, #tpu.memory_space<vmem>>, vector<1x1x16xf32>,
        %parallel_loop3A_913 = vector.shape_cast %parallel_loop3A_912 : vector<1x1x16xf32> to vector<16xf32>
        %parallel_loop3A_914 = vector.shape_cast %parallel_loop3A_907 : vector<16xf32> to vector<1x1x16xf32>
        tpu.vector_store %arg11[%parallel_loop3A_909, %parallel_loop3A_910, %parallel_loop3A_911], %parallel_loop3A_914 {strides = array<i32>} : memref<32x4x128xf32, #tpu.memory_space<vmem>>, vector<1x1x16xf32>,
        %parallel_loop3A_915 = arith.constant 3 : i32
        %parallel_loop3A_916 = arith.index_cast %parallel_loop3A_915 : i32 to index
        %parallel_loop3A_917 = arith.index_cast %parallel_loop3A_500 : i32 to index
        %parallel_loop3A_918 = arith.constant 96 : index
        %parallel_loop3A_919 = tpu.vector_load %arg9[%parallel_loop3A_916, %parallel_loop3A_917, %parallel_loop3A_918] {strides = array<i32>} : memref<4x32x128xf32, #tpu.memory_space<vmem>>, vector<1x1x16xf32>,
        %parallel_loop3A_920 = vector.shape_cast %parallel_loop3A_919 : vector<1x1x16xf32> to vector<16xf32>
        %parallel_loop3A_921 = arith.addf %parallel_loop3A_920, %parallel_loop3A_872 : vector<16xf32>
        %parallel_loop3A_922 = arith.constant 3 : i32
        %parallel_loop3A_923 = arith.index_cast %parallel_loop3A_500 : i32 to index
        %parallel_loop3A_924 = arith.index_cast %parallel_loop3A_922 : i32 to index
        %parallel_loop3A_925 = arith.constant 96 : index
        %parallel_loop3A_926 = tpu.vector_load %arg11[%parallel_loop3A_923, %parallel_loop3A_924, %parallel_loop3A_925] {strides = array<i32>} : memref<32x4x128xf32, #tpu.memory_space<vmem>>, vector<1x1x16xf32>,
        %parallel_loop3A_927 = vector.shape_cast %parallel_loop3A_926 : vector<1x1x16xf32> to vector<16xf32>
        %parallel_loop3A_928 = vector.shape_cast %parallel_loop3A_921 : vector<16xf32> to vector<1x1x16xf32>
        tpu.vector_store %arg11[%parallel_loop3A_923, %parallel_loop3A_924, %parallel_loop3A_925], %parallel_loop3A_928 {strides = array<i32>} : memref<32x4x128xf32, #tpu.memory_space<vmem>>, vector<1x1x16xf32>,
        %parallel_loop3A_929 = arith.index_cast %parallel_loop3A_501 : i32 to index
        %parallel_loop3A_930 = arith.constant 112 : index
        %parallel_loop3A_931 = tpu.vector_load %arg8[%parallel_loop3A_929, %parallel_loop3A_930] {strides = array<i32>} : memref<128x128xf32, #tpu.memory_space<vmem>>, vector<1x16xf32>,
        %parallel_loop3A_932 = vector.shape_cast %parallel_loop3A_931 : vector<1x16xf32> to vector<16xf32>
        %parallel_loop3A_933 = arith.addf %parallel_loop3A_932, %add3A_376 : vector<16xf32>
        %parallel_loop3A_934 = arith.constant 0 : i32
        %parallel_loop3A_935 = arith.index_cast %parallel_loop3A_934 : i32 to index
        %parallel_loop3A_936 = arith.index_cast %parallel_loop3A_500 : i32 to index
        %parallel_loop3A_937 = arith.constant 112 : index
        %parallel_loop3A_938 = tpu.vector_load %arg9[%parallel_loop3A_935, %parallel_loop3A_936, %parallel_loop3A_937] {strides = array<i32>} : memref<4x32x128xf32, #tpu.memory_space<vmem>>, vector<1x1x16xf32>,
        %parallel_loop3A_939 = vector.shape_cast %parallel_loop3A_938 : vector<1x1x16xf32> to vector<16xf32>
        %parallel_loop3A_940 = arith.addf %parallel_loop3A_939, %parallel_loop3A_933 : vector<16xf32>
        %parallel_loop3A_941 = arith.constant 0 : i32
        %parallel_loop3A_942 = arith.index_cast %parallel_loop3A_500 : i32 to index
        %parallel_loop3A_943 = arith.index_cast %parallel_loop3A_941 : i32 to index
        %parallel_loop3A_944 = arith.constant 112 : index
        %parallel_loop3A_945 = tpu.vector_load %arg11[%parallel_loop3A_942, %parallel_loop3A_943, %parallel_loop3A_944] {strides = array<i32>} : memref<32x4x128xf32, #tpu.memory_space<vmem>>, vector<1x1x16xf32>,
        %parallel_loop3A_946 = vector.shape_cast %parallel_loop3A_945 : vector<1x1x16xf32> to vector<16xf32>
        %parallel_loop3A_947 = vector.shape_cast %parallel_loop3A_940 : vector<16xf32> to vector<1x1x16xf32>
        tpu.vector_store %arg11[%parallel_loop3A_942, %parallel_loop3A_943, %parallel_loop3A_944], %parallel_loop3A_947 {strides = array<i32>} : memref<32x4x128xf32, #tpu.memory_space<vmem>>, vector<1x1x16xf32>,
        %parallel_loop3A_948 = arith.constant 1 : i32
        %parallel_loop3A_949 = arith.index_cast %parallel_loop3A_948 : i32 to index
        %parallel_loop3A_950 = arith.index_cast %parallel_loop3A_500 : i32 to index
        %parallel_loop3A_951 = arith.constant 112 : index
        %parallel_loop3A_952 = tpu.vector_load %arg9[%parallel_loop3A_949, %parallel_loop3A_950, %parallel_loop3A_951] {strides = array<i32>} : memref<4x32x128xf32, #tpu.memory_space<vmem>>, vector<1x1x16xf32>,
        %parallel_loop3A_953 = vector.shape_cast %parallel_loop3A_952 : vector<1x1x16xf32> to vector<16xf32>
        %parallel_loop3A_954 = arith.addf %parallel_loop3A_953, %parallel_loop3A_933 : vector<16xf32>
        %parallel_loop3A_955 = arith.constant 1 : i32
        %parallel_loop3A_956 = arith.index_cast %parallel_loop3A_500 : i32 to index
        %parallel_loop3A_957 = arith.index_cast %parallel_loop3A_955 : i32 to index
        %parallel_loop3A_958 = arith.constant 112 : index
        %parallel_loop3A_959 = tpu.vector_load %arg11[%parallel_loop3A_956, %parallel_loop3A_957, %parallel_loop3A_958] {strides = array<i32>} : memref<32x4x128xf32, #tpu.memory_space<vmem>>, vector<1x1x16xf32>,
        %parallel_loop3A_960 = vector.shape_cast %parallel_loop3A_959 : vector<1x1x16xf32> to vector<16xf32>
        %parallel_loop3A_961 = vector.shape_cast %parallel_loop3A_954 : vector<16xf32> to vector<1x1x16xf32>
        tpu.vector_store %arg11[%parallel_loop3A_956, %parallel_loop3A_957, %parallel_loop3A_958], %parallel_loop3A_961 {strides = array<i32>} : memref<32x4x128xf32, #tpu.memory_space<vmem>>, vector<1x1x16xf32>,
        %parallel_loop3A_962 = arith.constant 2 : i32
        %parallel_loop3A_963 = arith.index_cast %parallel_loop3A_962 : i32 to index
        %parallel_loop3A_964 = arith.index_cast %parallel_loop3A_500 : i32 to index
        %parallel_loop3A_965 = arith.constant 112 : index
        %parallel_loop3A_966 = tpu.vector_load %arg9[%parallel_loop3A_963, %parallel_loop3A_964, %parallel_loop3A_965] {strides = array<i32>} : memref<4x32x128xf32, #tpu.memory_space<vmem>>, vector<1x1x16xf32>,
        %parallel_loop3A_967 = vector.shape_cast %parallel_loop3A_966 : vector<1x1x16xf32> to vector<16xf32>
        %parallel_loop3A_968 = arith.addf %parallel_loop3A_967, %parallel_loop3A_933 : vector<16xf32>
        %parallel_loop3A_969 = arith.constant 2 : i32
        %parallel_loop3A_970 = arith.index_cast %parallel_loop3A_500 : i32 to index
        %parallel_loop3A_971 = arith.index_cast %parallel_loop3A_969 : i32 to index
        %parallel_loop3A_972 = arith.constant 112 : index
        %parallel_loop3A_973 = tpu.vector_load %arg11[%parallel_loop3A_970, %parallel_loop3A_971, %parallel_loop3A_972] {strides = array<i32>} : memref<32x4x128xf32, #tpu.memory_space<vmem>>, vector<1x1x16xf32>,
        %parallel_loop3A_974 = vector.shape_cast %parallel_loop3A_973 : vector<1x1x16xf32> to vector<16xf32>
        %parallel_loop3A_975 = vector.shape_cast %parallel_loop3A_968 : vector<16xf32> to vector<1x1x16xf32>
        tpu.vector_store %arg11[%parallel_loop3A_970, %parallel_loop3A_971, %parallel_loop3A_972], %parallel_loop3A_975 {strides = array<i32>} : memref<32x4x128xf32, #tpu.memory_space<vmem>>, vector<1x1x16xf32>,
        %parallel_loop3A_976 = arith.constant 3 : i32
        %parallel_loop3A_977 = arith.index_cast %parallel_loop3A_976 : i32 to index
        %parallel_loop3A_978 = arith.index_cast %parallel_loop3A_500 : i32 to index
        %parallel_loop3A_979 = arith.constant 112 : index
        %parallel_loop3A_980 = tpu.vector_load %arg9[%parallel_loop3A_977, %parallel_loop3A_978, %parallel_loop3A_979] {strides = array<i32>} : memref<4x32x128xf32, #tpu.memory_space<vmem>>, vector<1x1x16xf32>,
        %parallel_loop3A_981 = vector.shape_cast %parallel_loop3A_980 : vector<1x1x16xf32> to vector<16xf32>
        %parallel_loop3A_982 = arith.addf %parallel_loop3A_981, %parallel_loop3A_933 : vector<16xf32>
        %parallel_loop3A_983 = arith.constant 3 : i32
        %parallel_loop3A_984 = arith.index_cast %parallel_loop3A_500 : i32 to index
        %parallel_loop3A_985 = arith.index_cast %parallel_loop3A_983 : i32 to index
        %parallel_loop3A_986 = arith.constant 112 : index
        %parallel_loop3A_987 = tpu.vector_load %arg11[%parallel_loop3A_984, %parallel_loop3A_985, %parallel_loop3A_986] {strides = array<i32>} : memref<32x4x128xf32, #tpu.memory_space<vmem>>, vector<1x1x16xf32>,
        %parallel_loop3A_988 = vector.shape_cast %parallel_loop3A_987 : vector<1x1x16xf32> to vector<16xf32>
        %parallel_loop3A_989 = vector.shape_cast %parallel_loop3A_982 : vector<16xf32> to vector<1x1x16xf32>
        tpu.vector_store %arg11[%parallel_loop3A_984, %parallel_loop3A_985, %parallel_loop3A_986], %parallel_loop3A_989 {strides = array<i32>} : memref<32x4x128xf32, #tpu.memory_space<vmem>>, vector<1x1x16xf32>,
      } {sc.loop_unroll_factor = 1 : i64, sc.parallel_access}
      %add3A_390 = arith.constant 1 : i32
      %add3A_391 = arith.addi %add3A_390, %multiple_of3A : i32
      %mul3A_392 = arith.constant 32 : i32
      %mul3A_393 = arith.muli %add3A_311, %mul3A_392 : i32
      %add3A_394 = arith.addi %add3A_391, %mul3A_393 : i32
      %ge3A_395 = arith.constant 4 : i32
      %ge3A_396 = arith.cmpi sge, %add3A_311, %ge3A_395 : i32
      %jit3A_397 = arith.constant 3968 : i32
      %jit3A_398 = arith.constant 0 : i32
      %select_n3A_399 = arith.select %ge3A_396, %jit3A_397, %jit3A_398 : i32
      %add3A_400 = arith.addi %add3A_394, %select_n3A_399 : i32
      %dma_start3A_401 = arith.constant 0 : i32
      %dma_start3A_402 = arith.constant 0 : i32
      %dma_start3A_403 = tpu.memref_slice %arg7[%add3A_400, %dma_start3A_401, %dma_start3A_402] : memref<8193x4x128xf32, #tpu.memory_space<hbm>> -> memref<32x4x128xf32, #tpu.memory_space<hbm>>
      %dma_start3A_404 = arith.constant 0 : i32
      %dma_start3A_405 = arith.constant 0 : i32
      %dma_start3A_406 = tpu.memref_slice %arg7[%add3A_400, %dma_start3A_404, %dma_start3A_405] : memref<8193x4x128xf32, #tpu.memory_space<hbm>> -> memref<32x4x128xf32, #tpu.memory_space<hbm>>
      tpu.enqueue_dma source(%arg11 : memref<32x4x128xf32, #tpu.memory_space<vmem>>) target(%dma_start3A_406 : memref<32x4x128xf32, #tpu.memory_space<hbm>>) target_semaphore(%arg18 : memref<!tpu.dma_semaphore, #tpu.memory_space<semaphore_mem>>)
      %add3A_407 = arith.constant 2 : i32
      %add3A_408 = arith.addi %add3A_311, %add3A_407 : i32
      %lt3A = arith.constant 8 : i32
      %lt3A_409 = arith.cmpi slt, %add3A_408, %lt3A : i32
      %convert_element_type3A_410 = arith.extui %lt3A_409 : i1 to i32
      %cond3A_411 = arith.constant 0 : i32
      %cond3A_412 = arith.cmpi ne, %convert_element_type3A_410, %cond3A_411 : i32
      scf.if %cond3A_412 {
        %add3A_500 = arith.constant 2 : i32
        %add3A_501 = arith.addi %add3A_311, %add3A_500 : i32
        %le3A_502 = arith.constant 3 : i32
        %le3A_503 = arith.cmpi sle, %add3A_501, %le3A_502 : i32
        %convert_element_type3A_504 = arith.extui %le3A_503 : i1 to i32
        %cond3A_505 = arith.constant 0 : i32
        %cond3A_506 = arith.cmpi ne, %convert_element_type3A_504, %cond3A_505 : i32
        scf.if %cond3A_506 {
          %mul3A_512 = arith.constant 32 : i32
          %mul3A_513 = arith.muli %add3A_501, %mul3A_512 : i32
          %add3A_514 = arith.addi %multiple_of3A, %mul3A_513 : i32
          %multiple_of3A_515 = tpu.assume_multiple %add3A_514, 32 : i32
          %dma_start3A_516 = arith.constant 0 : i32
          %dma_start3A_517 = arith.constant 0 : i32
          %dma_start3A_518 = tpu.memref_slice %arg2[%dma_start3A_516, %multiple_of3A_515, %dma_start3A_517] : memref<4x4096x128xf32, #tpu.memory_space<hbm>> -> memref<4x32x128xf32, #tpu.memory_space<hbm>>
          %dma_start3A_519 = arith.constant 0 : i32
          %dma_start3A_520 = arith.constant 0 : i32
          %dma_start3A_521 = tpu.memref_slice %arg2[%dma_start3A_519, %multiple_of3A_515, %dma_start3A_520] : memref<4x4096x128xf32, #tpu.memory_space<hbm>> -> memref<4x32x128xf32, #tpu.memory_space<hbm>>
          tpu.enqueue_dma source(%dma_start3A_521 : memref<4x32x128xf32, #tpu.memory_space<hbm>>) target(%arg9 : memref<4x32x128xf32, #tpu.memory_space<vmem>>) target_semaphore(%arg16 : memref<!tpu.dma_semaphore, #tpu.memory_space<semaphore_mem>>)
        } else {
        }
        %ge3A_507 = arith.constant 4 : i32
        %ge3A_508 = arith.cmpi sge, %add3A_501, %ge3A_507 : i32
        %convert_element_type3A_509 = arith.extui %ge3A_508 : i1 to i32
        %cond3A_510 = arith.constant 0 : i32
        %cond3A_511 = arith.cmpi ne, %convert_element_type3A_509, %cond3A_510 : i32
        scf.if %cond3A_511 {
          %sub3A_512 = arith.constant 4 : i32
          %sub3A_513 = arith.subi %add3A_501, %sub3A_512 : i32
          %mul3A_514 = arith.constant 32 : i32
          %mul3A_515 = arith.muli %sub3A_513, %mul3A_514 : i32
          %add3A_516 = arith.addi %multiple_of3A, %mul3A_515 : i32
          %multiple_of3A_517 = tpu.assume_multiple %add3A_516, 32 : i32
          %dma_start3A_518 = arith.constant 0 : i32
          %dma_start3A_519 = arith.constant 0 : i32
          %dma_start3A_520 = tpu.memref_slice %arg3[%dma_start3A_518, %multiple_of3A_517, %dma_start3A_519] : memref<4x4096x128xf32, #tpu.memory_space<hbm>> -> memref<4x32x128xf32, #tpu.memory_space<hbm>>
          %dma_start3A_521 = arith.constant 0 : i32
          %dma_start3A_522 = arith.constant 0 : i32
          %dma_start3A_523 = tpu.memref_slice %arg3[%dma_start3A_521, %multiple_of3A_517, %dma_start3A_522] : memref<4x4096x128xf32, #tpu.memory_space<hbm>> -> memref<4x32x128xf32, #tpu.memory_space<hbm>>
          tpu.enqueue_dma source(%dma_start3A_523 : memref<4x32x128xf32, #tpu.memory_space<hbm>>) target(%arg9 : memref<4x32x128xf32, #tpu.memory_space<vmem>>) target_semaphore(%arg16 : memref<!tpu.dma_semaphore, #tpu.memory_space<semaphore_mem>>)
        } else {
        }
      } else {
      }
      %dma_wait3A_413 = arith.constant 0 : i32
      %dma_wait3A_414 = arith.constant 0 : i32
      %dma_wait3A_415 = arith.constant 0 : i32
      %dma_wait3A_416 = tpu.memref_slice %arg2[%dma_wait3A_413, %dma_wait3A_414, %dma_wait3A_415] : memref<4x4096x128xf32, #tpu.memory_space<hbm>> -> memref<4x32x128xf32, #tpu.memory_space<hbm>>
      %dma_wait3A_417 = arith.constant 0 : i32
      %dma_wait3A_418 = arith.constant 0 : i32
      %dma_wait3A_419 = arith.constant 0 : i32
      %dma_wait3A_420 = tpu.memref_slice %arg2[%dma_wait3A_417, %dma_wait3A_418, %dma_wait3A_419] : memref<4x4096x128xf32, #tpu.memory_space<hbm>> -> memref<4x32x128xf32, #tpu.memory_space<hbm>>
      tpu.wait_dma2 semaphore(%arg17 : memref<!tpu.dma_semaphore, #tpu.memory_space<semaphore_mem>>) src(%dma_wait3A_420 : memref<4x32x128xf32, #tpu.memory_space<hbm>>) dst(%arg10 : memref<4x32x128xf32, #tpu.memory_space<vmem>>)
      %dma_wait3A_421 = arith.constant 0 : i32
      %dma_wait3A_422 = arith.constant 0 : i32
      %dma_wait3A_423 = arith.constant 0 : i32
      %dma_wait3A_424 = tpu.memref_slice %arg7[%dma_wait3A_421, %dma_wait3A_422, %dma_wait3A_423] : memref<8193x4x128xf32, #tpu.memory_space<hbm>> -> memref<32x4x128xf32, #tpu.memory_space<hbm>>
      %dma_wait3A_425 = arith.constant 0 : i32
      %dma_wait3A_426 = arith.constant 0 : i32
      %dma_wait3A_427 = arith.constant 0 : i32
      %dma_wait3A_428 = tpu.memref_slice %arg7[%dma_wait3A_425, %dma_wait3A_426, %dma_wait3A_427] : memref<8193x4x128xf32, #tpu.memory_space<hbm>> -> memref<32x4x128xf32, #tpu.memory_space<hbm>>
      tpu.wait_dma2 semaphore(%arg19 : memref<!tpu.dma_semaphore, #tpu.memory_space<semaphore_mem>>) src(%arg12 : memref<32x4x128xf32, #tpu.memory_space<vmem>>) dst(%dma_wait3A_428 : memref<32x4x128xf32, #tpu.memory_space<hbm>>)
      %add3A_429 = arith.constant 1 : i32
      %add3A_430 = arith.addi %add3A_311, %add3A_429 : i32
      %le3A_431 = arith.constant 3 : i32
      %le3A_432 = arith.cmpi sle, %add3A_430, %le3A_431 : i32
      %jit3A_433 = arith.constant 1.000000e+00 : f32
      %jit3A_434 = arith.constant 0.000000e+00 : f32
      %select_n3A_435 = arith.select %le3A_432, %jit3A_433, %jit3A_434 : f32
      %sub3A_436 = arith.subf %get3A_36, %get3A_76 : vector<16xf32>
      %mul3A_437 = vector.broadcast %select_n3A_435 : f32 to vector<16xf32>
      %mul3A_438 = arith.mulf %sub3A_436, %mul3A_437 : vector<16xf32>
      %add3A_439 = arith.addf %get3A_76, %mul3A_438 : vector<16xf32>
      %sub3A_440 = arith.subf %get3A_41, %get3A_81 : vector<16xf32>
      %mul3A_441 = vector.broadcast %select_n3A_435 : f32 to vector<16xf32>
      %mul3A_442 = arith.mulf %sub3A_440, %mul3A_441 : vector<16xf32>
      %add3A_443 = arith.addf %get3A_81, %mul3A_442 : vector<16xf32>
      %sub3A_444 = arith.subf %get3A_46, %get3A_86 : vector<16xf32>
      %mul3A_445 = vector.broadcast %select_n3A_435 : f32 to vector<16xf32>
      %mul3A_446 = arith.mulf %sub3A_444, %mul3A_445 : vector<16xf32>
      %add3A_447 = arith.addf %get3A_86, %mul3A_446 : vector<16xf32>
      %sub3A_448 = arith.subf %get3A_51, %get3A_91 : vector<16xf32>
      %mul3A_449 = vector.broadcast %select_n3A_435 : f32 to vector<16xf32>
      %mul3A_450 = arith.mulf %sub3A_448, %mul3A_449 : vector<16xf32>
      %add3A_451 = arith.addf %get3A_91, %mul3A_450 : vector<16xf32>
      %sub3A_452 = arith.subf %get3A_56, %get3A_96 : vector<16xf32>
      %mul3A_453 = vector.broadcast %select_n3A_435 : f32 to vector<16xf32>
      %mul3A_454 = arith.mulf %sub3A_452, %mul3A_453 : vector<16xf32>
      %add3A_455 = arith.addf %get3A_96, %mul3A_454 : vector<16xf32>
      %sub3A_456 = arith.subf %get3A_61, %get3A_101 : vector<16xf32>
      %mul3A_457 = vector.broadcast %select_n3A_435 : f32 to vector<16xf32>
      %mul3A_458 = arith.mulf %sub3A_456, %mul3A_457 : vector<16xf32>
      %add3A_459 = arith.addf %get3A_101, %mul3A_458 : vector<16xf32>
      %sub3A_460 = arith.subf %get3A_66, %get3A_106 : vector<16xf32>
      %mul3A_461 = vector.broadcast %select_n3A_435 : f32 to vector<16xf32>
      %mul3A_462 = arith.mulf %sub3A_460, %mul3A_461 : vector<16xf32>
      %add3A_463 = arith.addf %get3A_106, %mul3A_462 : vector<16xf32>
      %sub3A_464 = arith.subf %get3A_71, %get3A_111 : vector<16xf32>
      %mul3A_465 = vector.broadcast %select_n3A_435 : f32 to vector<16xf32>
      %mul3A_466 = arith.mulf %sub3A_464, %mul3A_465 : vector<16xf32>
      %add3A_467 = arith.addf %get3A_111, %mul3A_466 : vector<16xf32>
      %ge3A_468 = arith.constant 4 : i32
      %ge3A_469 = arith.cmpi sge, %add3A_430, %ge3A_468 : i32
      %jit3A_470 = arith.constant 1 : i32
      %jit3A_471 = arith.constant 0 : i32
      %select_n3A_472 = arith.select %ge3A_469, %jit3A_470, %jit3A_471 : i32
      %mul3A_473 = arith.constant 4 : i32
      %mul3A_474 = arith.muli %mul3A_473, %select_n3A_472 : i32
      %sub3A_475 = arith.subi %add3A_430, %mul3A_474 : i32
      %mul3A_476 = arith.constant 32 : i32
      %mul3A_477 = arith.muli %sub3A_475, %mul3A_476 : i32
      %parallel_loop3A_478 = arith.constant 0 : i32
      %parallel_loop3A_479 = arith.constant 32 : i32
      %parallel_loop3A_480 = arith.constant 1 : i32
      scf.for %parallel_loop3A_500 = %parallel_loop3A_478 to %parallel_loop3A_479 step %parallel_loop3A_480  : i32 {
        %parallel_loop3A_501 = arith.addi %mul3A_477, %parallel_loop3A_500 : i32
        %parallel_loop3A_502 = arith.index_cast %parallel_loop3A_501 : i32 to index
        %parallel_loop3A_503 = arith.constant 0 : index
        %parallel_loop3A_504 = tpu.vector_load %arg8[%parallel_loop3A_502, %parallel_loop3A_503] {strides = array<i32>} : memref<128x128xf32, #tpu.memory_space<vmem>>, vector<1x16xf32>,
        %parallel_loop3A_505 = vector.shape_cast %parallel_loop3A_504 : vector<1x16xf32> to vector<16xf32>
        %parallel_loop3A_506 = arith.addf %parallel_loop3A_505, %add3A_439 : vector<16xf32>
        %parallel_loop3A_507 = arith.constant 0 : i32
        %parallel_loop3A_508 = arith.index_cast %parallel_loop3A_507 : i32 to index
        %parallel_loop3A_509 = arith.index_cast %parallel_loop3A_500 : i32 to index
        %parallel_loop3A_510 = arith.constant 0 : index
        %parallel_loop3A_511 = tpu.vector_load %arg10[%parallel_loop3A_508, %parallel_loop3A_509, %parallel_loop3A_510] {strides = array<i32>} : memref<4x32x128xf32, #tpu.memory_space<vmem>>, vector<1x1x16xf32>,
        %parallel_loop3A_512 = vector.shape_cast %parallel_loop3A_511 : vector<1x1x16xf32> to vector<16xf32>
        %parallel_loop3A_513 = arith.addf %parallel_loop3A_512, %parallel_loop3A_506 : vector<16xf32>
        %parallel_loop3A_514 = arith.constant 0 : i32
        %parallel_loop3A_515 = arith.index_cast %parallel_loop3A_500 : i32 to index
        %parallel_loop3A_516 = arith.index_cast %parallel_loop3A_514 : i32 to index
        %parallel_loop3A_517 = arith.constant 0 : index
        %parallel_loop3A_518 = tpu.vector_load %arg12[%parallel_loop3A_515, %parallel_loop3A_516, %parallel_loop3A_517] {strides = array<i32>} : memref<32x4x128xf32, #tpu.memory_space<vmem>>, vector<1x1x16xf32>,
        %parallel_loop3A_519 = vector.shape_cast %parallel_loop3A_518 : vector<1x1x16xf32> to vector<16xf32>
        %parallel_loop3A_520 = vector.shape_cast %parallel_loop3A_513 : vector<16xf32> to vector<1x1x16xf32>
        tpu.vector_store %arg12[%parallel_loop3A_515, %parallel_loop3A_516, %parallel_loop3A_517], %parallel_loop3A_520 {strides = array<i32>} : memref<32x4x128xf32, #tpu.memory_space<vmem>>, vector<1x1x16xf32>,
        %parallel_loop3A_521 = arith.constant 1 : i32
        %parallel_loop3A_522 = arith.index_cast %parallel_loop3A_521 : i32 to index
        %parallel_loop3A_523 = arith.index_cast %parallel_loop3A_500 : i32 to index
        %parallel_loop3A_524 = arith.constant 0 : index
        %parallel_loop3A_525 = tpu.vector_load %arg10[%parallel_loop3A_522, %parallel_loop3A_523, %parallel_loop3A_524] {strides = array<i32>} : memref<4x32x128xf32, #tpu.memory_space<vmem>>, vector<1x1x16xf32>,
        %parallel_loop3A_526 = vector.shape_cast %parallel_loop3A_525 : vector<1x1x16xf32> to vector<16xf32>
        %parallel_loop3A_527 = arith.addf %parallel_loop3A_526, %parallel_loop3A_506 : vector<16xf32>
        %parallel_loop3A_528 = arith.constant 1 : i32
        %parallel_loop3A_529 = arith.index_cast %parallel_loop3A_500 : i32 to index
        %parallel_loop3A_530 = arith.index_cast %parallel_loop3A_528 : i32 to index
        %parallel_loop3A_531 = arith.constant 0 : index
        %parallel_loop3A_532 = tpu.vector_load %arg12[%parallel_loop3A_529, %parallel_loop3A_530, %parallel_loop3A_531] {strides = array<i32>} : memref<32x4x128xf32, #tpu.memory_space<vmem>>, vector<1x1x16xf32>,
        %parallel_loop3A_533 = vector.shape_cast %parallel_loop3A_532 : vector<1x1x16xf32> to vector<16xf32>
        %parallel_loop3A_534 = vector.shape_cast %parallel_loop3A_527 : vector<16xf32> to vector<1x1x16xf32>
        tpu.vector_store %arg12[%parallel_loop3A_529, %parallel_loop3A_530, %parallel_loop3A_531], %parallel_loop3A_534 {strides = array<i32>} : memref<32x4x128xf32, #tpu.memory_space<vmem>>, vector<1x1x16xf32>,
        %parallel_loop3A_535 = arith.constant 2 : i32
        %parallel_loop3A_536 = arith.index_cast %parallel_loop3A_535 : i32 to index
        %parallel_loop3A_537 = arith.index_cast %parallel_loop3A_500 : i32 to index
        %parallel_loop3A_538 = arith.constant 0 : index
        %parallel_loop3A_539 = tpu.vector_load %arg10[%parallel_loop3A_536, %parallel_loop3A_537, %parallel_loop3A_538] {strides = array<i32>} : memref<4x32x128xf32, #tpu.memory_space<vmem>>, vector<1x1x16xf32>,
        %parallel_loop3A_540 = vector.shape_cast %parallel_loop3A_539 : vector<1x1x16xf32> to vector<16xf32>
        %parallel_loop3A_541 = arith.addf %parallel_loop3A_540, %parallel_loop3A_506 : vector<16xf32>
        %parallel_loop3A_542 = arith.constant 2 : i32
        %parallel_loop3A_543 = arith.index_cast %parallel_loop3A_500 : i32 to index
        %parallel_loop3A_544 = arith.index_cast %parallel_loop3A_542 : i32 to index
        %parallel_loop3A_545 = arith.constant 0 : index
        %parallel_loop3A_546 = tpu.vector_load %arg12[%parallel_loop3A_543, %parallel_loop3A_544, %parallel_loop3A_545] {strides = array<i32>} : memref<32x4x128xf32, #tpu.memory_space<vmem>>, vector<1x1x16xf32>,
        %parallel_loop3A_547 = vector.shape_cast %parallel_loop3A_546 : vector<1x1x16xf32> to vector<16xf32>
        %parallel_loop3A_548 = vector.shape_cast %parallel_loop3A_541 : vector<16xf32> to vector<1x1x16xf32>
        tpu.vector_store %arg12[%parallel_loop3A_543, %parallel_loop3A_544, %parallel_loop3A_545], %parallel_loop3A_548 {strides = array<i32>} : memref<32x4x128xf32, #tpu.memory_space<vmem>>, vector<1x1x16xf32>,
        %parallel_loop3A_549 = arith.constant 3 : i32
        %parallel_loop3A_550 = arith.index_cast %parallel_loop3A_549 : i32 to index
        %parallel_loop3A_551 = arith.index_cast %parallel_loop3A_500 : i32 to index
        %parallel_loop3A_552 = arith.constant 0 : index
        %parallel_loop3A_553 = tpu.vector_load %arg10[%parallel_loop3A_550, %parallel_loop3A_551, %parallel_loop3A_552] {strides = array<i32>} : memref<4x32x128xf32, #tpu.memory_space<vmem>>, vector<1x1x16xf32>,
        %parallel_loop3A_554 = vector.shape_cast %parallel_loop3A_553 : vector<1x1x16xf32> to vector<16xf32>
        %parallel_loop3A_555 = arith.addf %parallel_loop3A_554, %parallel_loop3A_506 : vector<16xf32>
        %parallel_loop3A_556 = arith.constant 3 : i32
        %parallel_loop3A_557 = arith.index_cast %parallel_loop3A_500 : i32 to index
        %parallel_loop3A_558 = arith.index_cast %parallel_loop3A_556 : i32 to index
        %parallel_loop3A_559 = arith.constant 0 : index
        %parallel_loop3A_560 = tpu.vector_load %arg12[%parallel_loop3A_557, %parallel_loop3A_558, %parallel_loop3A_559] {strides = array<i32>} : memref<32x4x128xf32, #tpu.memory_space<vmem>>, vector<1x1x16xf32>,
        %parallel_loop3A_561 = vector.shape_cast %parallel_loop3A_560 : vector<1x1x16xf32> to vector<16xf32>
        %parallel_loop3A_562 = vector.shape_cast %parallel_loop3A_555 : vector<16xf32> to vector<1x1x16xf32>
        tpu.vector_store %arg12[%parallel_loop3A_557, %parallel_loop3A_558, %parallel_loop3A_559], %parallel_loop3A_562 {strides = array<i32>} : memref<32x4x128xf32, #tpu.memory_space<vmem>>, vector<1x1x16xf32>,
        %parallel_loop3A_563 = arith.index_cast %parallel_loop3A_501 : i32 to index
        %parallel_loop3A_564 = arith.constant 16 : index
        %parallel_loop3A_565 = tpu.vector_load %arg8[%parallel_loop3A_563, %parallel_loop3A_564] {strides = array<i32>} : memref<128x128xf32, #tpu.memory_space<vmem>>, vector<1x16xf32>,
        %parallel_loop3A_566 = vector.shape_cast %parallel_loop3A_565 : vector<1x16xf32> to vector<16xf32>
        %parallel_loop3A_567 = arith.addf %parallel_loop3A_566, %add3A_443 : vector<16xf32>
        %parallel_loop3A_568 = arith.constant 0 : i32
        %parallel_loop3A_569 = arith.index_cast %parallel_loop3A_568 : i32 to index
        %parallel_loop3A_570 = arith.index_cast %parallel_loop3A_500 : i32 to index
        %parallel_loop3A_571 = arith.constant 16 : index
        %parallel_loop3A_572 = tpu.vector_load %arg10[%parallel_loop3A_569, %parallel_loop3A_570, %parallel_loop3A_571] {strides = array<i32>} : memref<4x32x128xf32, #tpu.memory_space<vmem>>, vector<1x1x16xf32>,
        %parallel_loop3A_573 = vector.shape_cast %parallel_loop3A_572 : vector<1x1x16xf32> to vector<16xf32>
        %parallel_loop3A_574 = arith.addf %parallel_loop3A_573, %parallel_loop3A_567 : vector<16xf32>
        %parallel_loop3A_575 = arith.constant 0 : i32
        %parallel_loop3A_576 = arith.index_cast %parallel_loop3A_500 : i32 to index
        %parallel_loop3A_577 = arith.index_cast %parallel_loop3A_575 : i32 to index
        %parallel_loop3A_578 = arith.constant 16 : index
        %parallel_loop3A_579 = tpu.vector_load %arg12[%parallel_loop3A_576, %parallel_loop3A_577, %parallel_loop3A_578] {strides = array<i32>} : memref<32x4x128xf32, #tpu.memory_space<vmem>>, vector<1x1x16xf32>,
        %parallel_loop3A_580 = vector.shape_cast %parallel_loop3A_579 : vector<1x1x16xf32> to vector<16xf32>
        %parallel_loop3A_581 = vector.shape_cast %parallel_loop3A_574 : vector<16xf32> to vector<1x1x16xf32>
        tpu.vector_store %arg12[%parallel_loop3A_576, %parallel_loop3A_577, %parallel_loop3A_578], %parallel_loop3A_581 {strides = array<i32>} : memref<32x4x128xf32, #tpu.memory_space<vmem>>, vector<1x1x16xf32>,
        %parallel_loop3A_582 = arith.constant 1 : i32
        %parallel_loop3A_583 = arith.index_cast %parallel_loop3A_582 : i32 to index
        %parallel_loop3A_584 = arith.index_cast %parallel_loop3A_500 : i32 to index
        %parallel_loop3A_585 = arith.constant 16 : index
        %parallel_loop3A_586 = tpu.vector_load %arg10[%parallel_loop3A_583, %parallel_loop3A_584, %parallel_loop3A_585] {strides = array<i32>} : memref<4x32x128xf32, #tpu.memory_space<vmem>>, vector<1x1x16xf32>,
        %parallel_loop3A_587 = vector.shape_cast %parallel_loop3A_586 : vector<1x1x16xf32> to vector<16xf32>
        %parallel_loop3A_588 = arith.addf %parallel_loop3A_587, %parallel_loop3A_567 : vector<16xf32>
        %parallel_loop3A_589 = arith.constant 1 : i32
        %parallel_loop3A_590 = arith.index_cast %parallel_loop3A_500 : i32 to index
        %parallel_loop3A_591 = arith.index_cast %parallel_loop3A_589 : i32 to index
        %parallel_loop3A_592 = arith.constant 16 : index
        %parallel_loop3A_593 = tpu.vector_load %arg12[%parallel_loop3A_590, %parallel_loop3A_591, %parallel_loop3A_592] {strides = array<i32>} : memref<32x4x128xf32, #tpu.memory_space<vmem>>, vector<1x1x16xf32>,
        %parallel_loop3A_594 = vector.shape_cast %parallel_loop3A_593 : vector<1x1x16xf32> to vector<16xf32>
        %parallel_loop3A_595 = vector.shape_cast %parallel_loop3A_588 : vector<16xf32> to vector<1x1x16xf32>
        tpu.vector_store %arg12[%parallel_loop3A_590, %parallel_loop3A_591, %parallel_loop3A_592], %parallel_loop3A_595 {strides = array<i32>} : memref<32x4x128xf32, #tpu.memory_space<vmem>>, vector<1x1x16xf32>,
        %parallel_loop3A_596 = arith.constant 2 : i32
        %parallel_loop3A_597 = arith.index_cast %parallel_loop3A_596 : i32 to index
        %parallel_loop3A_598 = arith.index_cast %parallel_loop3A_500 : i32 to index
        %parallel_loop3A_599 = arith.constant 16 : index
        %parallel_loop3A_600 = tpu.vector_load %arg10[%parallel_loop3A_597, %parallel_loop3A_598, %parallel_loop3A_599] {strides = array<i32>} : memref<4x32x128xf32, #tpu.memory_space<vmem>>, vector<1x1x16xf32>,
        %parallel_loop3A_601 = vector.shape_cast %parallel_loop3A_600 : vector<1x1x16xf32> to vector<16xf32>
        %parallel_loop3A_602 = arith.addf %parallel_loop3A_601, %parallel_loop3A_567 : vector<16xf32>
        %parallel_loop3A_603 = arith.constant 2 : i32
        %parallel_loop3A_604 = arith.index_cast %parallel_loop3A_500 : i32 to index
        %parallel_loop3A_605 = arith.index_cast %parallel_loop3A_603 : i32 to index
        %parallel_loop3A_606 = arith.constant 16 : index
        %parallel_loop3A_607 = tpu.vector_load %arg12[%parallel_loop3A_604, %parallel_loop3A_605, %parallel_loop3A_606] {strides = array<i32>} : memref<32x4x128xf32, #tpu.memory_space<vmem>>, vector<1x1x16xf32>,
        %parallel_loop3A_608 = vector.shape_cast %parallel_loop3A_607 : vector<1x1x16xf32> to vector<16xf32>
        %parallel_loop3A_609 = vector.shape_cast %parallel_loop3A_602 : vector<16xf32> to vector<1x1x16xf32>
        tpu.vector_store %arg12[%parallel_loop3A_604, %parallel_loop3A_605, %parallel_loop3A_606], %parallel_loop3A_609 {strides = array<i32>} : memref<32x4x128xf32, #tpu.memory_space<vmem>>, vector<1x1x16xf32>,
        %parallel_loop3A_610 = arith.constant 3 : i32
        %parallel_loop3A_611 = arith.index_cast %parallel_loop3A_610 : i32 to index
        %parallel_loop3A_612 = arith.index_cast %parallel_loop3A_500 : i32 to index
        %parallel_loop3A_613 = arith.constant 16 : index
        %parallel_loop3A_614 = tpu.vector_load %arg10[%parallel_loop3A_611, %parallel_loop3A_612, %parallel_loop3A_613] {strides = array<i32>} : memref<4x32x128xf32, #tpu.memory_space<vmem>>, vector<1x1x16xf32>,
        %parallel_loop3A_615 = vector.shape_cast %parallel_loop3A_614 : vector<1x1x16xf32> to vector<16xf32>
        %parallel_loop3A_616 = arith.addf %parallel_loop3A_615, %parallel_loop3A_567 : vector<16xf32>
        %parallel_loop3A_617 = arith.constant 3 : i32
        %parallel_loop3A_618 = arith.index_cast %parallel_loop3A_500 : i32 to index
        %parallel_loop3A_619 = arith.index_cast %parallel_loop3A_617 : i32 to index
        %parallel_loop3A_620 = arith.constant 16 : index
        %parallel_loop3A_621 = tpu.vector_load %arg12[%parallel_loop3A_618, %parallel_loop3A_619, %parallel_loop3A_620] {strides = array<i32>} : memref<32x4x128xf32, #tpu.memory_space<vmem>>, vector<1x1x16xf32>,
        %parallel_loop3A_622 = vector.shape_cast %parallel_loop3A_621 : vector<1x1x16xf32> to vector<16xf32>
        %parallel_loop3A_623 = vector.shape_cast %parallel_loop3A_616 : vector<16xf32> to vector<1x1x16xf32>
        tpu.vector_store %arg12[%parallel_loop3A_618, %parallel_loop3A_619, %parallel_loop3A_620], %parallel_loop3A_623 {strides = array<i32>} : memref<32x4x128xf32, #tpu.memory_space<vmem>>, vector<1x1x16xf32>,
        %parallel_loop3A_624 = arith.index_cast %parallel_loop3A_501 : i32 to index
        %parallel_loop3A_625 = arith.constant 32 : index
        %parallel_loop3A_626 = tpu.vector_load %arg8[%parallel_loop3A_624, %parallel_loop3A_625] {strides = array<i32>} : memref<128x128xf32, #tpu.memory_space<vmem>>, vector<1x16xf32>,
        %parallel_loop3A_627 = vector.shape_cast %parallel_loop3A_626 : vector<1x16xf32> to vector<16xf32>
        %parallel_loop3A_628 = arith.addf %parallel_loop3A_627, %add3A_447 : vector<16xf32>
        %parallel_loop3A_629 = arith.constant 0 : i32
        %parallel_loop3A_630 = arith.index_cast %parallel_loop3A_629 : i32 to index
        %parallel_loop3A_631 = arith.index_cast %parallel_loop3A_500 : i32 to index
        %parallel_loop3A_632 = arith.constant 32 : index
        %parallel_loop3A_633 = tpu.vector_load %arg10[%parallel_loop3A_630, %parallel_loop3A_631, %parallel_loop3A_632] {strides = array<i32>} : memref<4x32x128xf32, #tpu.memory_space<vmem>>, vector<1x1x16xf32>,
        %parallel_loop3A_634 = vector.shape_cast %parallel_loop3A_633 : vector<1x1x16xf32> to vector<16xf32>
        %parallel_loop3A_635 = arith.addf %parallel_loop3A_634, %parallel_loop3A_628 : vector<16xf32>
        %parallel_loop3A_636 = arith.constant 0 : i32
        %parallel_loop3A_637 = arith.index_cast %parallel_loop3A_500 : i32 to index
        %parallel_loop3A_638 = arith.index_cast %parallel_loop3A_636 : i32 to index
        %parallel_loop3A_639 = arith.constant 32 : index
        %parallel_loop3A_640 = tpu.vector_load %arg12[%parallel_loop3A_637, %parallel_loop3A_638, %parallel_loop3A_639] {strides = array<i32>} : memref<32x4x128xf32, #tpu.memory_space<vmem>>, vector<1x1x16xf32>,
        %parallel_loop3A_641 = vector.shape_cast %parallel_loop3A_640 : vector<1x1x16xf32> to vector<16xf32>
        %parallel_loop3A_642 = vector.shape_cast %parallel_loop3A_635 : vector<16xf32> to vector<1x1x16xf32>
        tpu.vector_store %arg12[%parallel_loop3A_637, %parallel_loop3A_638, %parallel_loop3A_639], %parallel_loop3A_642 {strides = array<i32>} : memref<32x4x128xf32, #tpu.memory_space<vmem>>, vector<1x1x16xf32>,
        %parallel_loop3A_643 = arith.constant 1 : i32
        %parallel_loop3A_644 = arith.index_cast %parallel_loop3A_643 : i32 to index
        %parallel_loop3A_645 = arith.index_cast %parallel_loop3A_500 : i32 to index
        %parallel_loop3A_646 = arith.constant 32 : index
        %parallel_loop3A_647 = tpu.vector_load %arg10[%parallel_loop3A_644, %parallel_loop3A_645, %parallel_loop3A_646] {strides = array<i32>} : memref<4x32x128xf32, #tpu.memory_space<vmem>>, vector<1x1x16xf32>,
        %parallel_loop3A_648 = vector.shape_cast %parallel_loop3A_647 : vector<1x1x16xf32> to vector<16xf32>
        %parallel_loop3A_649 = arith.addf %parallel_loop3A_648, %parallel_loop3A_628 : vector<16xf32>
        %parallel_loop3A_650 = arith.constant 1 : i32
        %parallel_loop3A_651 = arith.index_cast %parallel_loop3A_500 : i32 to index
        %parallel_loop3A_652 = arith.index_cast %parallel_loop3A_650 : i32 to index
        %parallel_loop3A_653 = arith.constant 32 : index
        %parallel_loop3A_654 = tpu.vector_load %arg12[%parallel_loop3A_651, %parallel_loop3A_652, %parallel_loop3A_653] {strides = array<i32>} : memref<32x4x128xf32, #tpu.memory_space<vmem>>, vector<1x1x16xf32>,
        %parallel_loop3A_655 = vector.shape_cast %parallel_loop3A_654 : vector<1x1x16xf32> to vector<16xf32>
        %parallel_loop3A_656 = vector.shape_cast %parallel_loop3A_649 : vector<16xf32> to vector<1x1x16xf32>
        tpu.vector_store %arg12[%parallel_loop3A_651, %parallel_loop3A_652, %parallel_loop3A_653], %parallel_loop3A_656 {strides = array<i32>} : memref<32x4x128xf32, #tpu.memory_space<vmem>>, vector<1x1x16xf32>,
        %parallel_loop3A_657 = arith.constant 2 : i32
        %parallel_loop3A_658 = arith.index_cast %parallel_loop3A_657 : i32 to index
        %parallel_loop3A_659 = arith.index_cast %parallel_loop3A_500 : i32 to index
        %parallel_loop3A_660 = arith.constant 32 : index
        %parallel_loop3A_661 = tpu.vector_load %arg10[%parallel_loop3A_658, %parallel_loop3A_659, %parallel_loop3A_660] {strides = array<i32>} : memref<4x32x128xf32, #tpu.memory_space<vmem>>, vector<1x1x16xf32>,
        %parallel_loop3A_662 = vector.shape_cast %parallel_loop3A_661 : vector<1x1x16xf32> to vector<16xf32>
        %parallel_loop3A_663 = arith.addf %parallel_loop3A_662, %parallel_loop3A_628 : vector<16xf32>
        %parallel_loop3A_664 = arith.constant 2 : i32
        %parallel_loop3A_665 = arith.index_cast %parallel_loop3A_500 : i32 to index
        %parallel_loop3A_666 = arith.index_cast %parallel_loop3A_664 : i32 to index
        %parallel_loop3A_667 = arith.constant 32 : index
        %parallel_loop3A_668 = tpu.vector_load %arg12[%parallel_loop3A_665, %parallel_loop3A_666, %parallel_loop3A_667] {strides = array<i32>} : memref<32x4x128xf32, #tpu.memory_space<vmem>>, vector<1x1x16xf32>,
        %parallel_loop3A_669 = vector.shape_cast %parallel_loop3A_668 : vector<1x1x16xf32> to vector<16xf32>
        %parallel_loop3A_670 = vector.shape_cast %parallel_loop3A_663 : vector<16xf32> to vector<1x1x16xf32>
        tpu.vector_store %arg12[%parallel_loop3A_665, %parallel_loop3A_666, %parallel_loop3A_667], %parallel_loop3A_670 {strides = array<i32>} : memref<32x4x128xf32, #tpu.memory_space<vmem>>, vector<1x1x16xf32>,
        %parallel_loop3A_671 = arith.constant 3 : i32
        %parallel_loop3A_672 = arith.index_cast %parallel_loop3A_671 : i32 to index
        %parallel_loop3A_673 = arith.index_cast %parallel_loop3A_500 : i32 to index
        %parallel_loop3A_674 = arith.constant 32 : index
        %parallel_loop3A_675 = tpu.vector_load %arg10[%parallel_loop3A_672, %parallel_loop3A_673, %parallel_loop3A_674] {strides = array<i32>} : memref<4x32x128xf32, #tpu.memory_space<vmem>>, vector<1x1x16xf32>,
        %parallel_loop3A_676 = vector.shape_cast %parallel_loop3A_675 : vector<1x1x16xf32> to vector<16xf32>
        %parallel_loop3A_677 = arith.addf %parallel_loop3A_676, %parallel_loop3A_628 : vector<16xf32>
        %parallel_loop3A_678 = arith.constant 3 : i32
        %parallel_loop3A_679 = arith.index_cast %parallel_loop3A_500 : i32 to index
        %parallel_loop3A_680 = arith.index_cast %parallel_loop3A_678 : i32 to index
        %parallel_loop3A_681 = arith.constant 32 : index
        %parallel_loop3A_682 = tpu.vector_load %arg12[%parallel_loop3A_679, %parallel_loop3A_680, %parallel_loop3A_681] {strides = array<i32>} : memref<32x4x128xf32, #tpu.memory_space<vmem>>, vector<1x1x16xf32>,
        %parallel_loop3A_683 = vector.shape_cast %parallel_loop3A_682 : vector<1x1x16xf32> to vector<16xf32>
        %parallel_loop3A_684 = vector.shape_cast %parallel_loop3A_677 : vector<16xf32> to vector<1x1x16xf32>
        tpu.vector_store %arg12[%parallel_loop3A_679, %parallel_loop3A_680, %parallel_loop3A_681], %parallel_loop3A_684 {strides = array<i32>} : memref<32x4x128xf32, #tpu.memory_space<vmem>>, vector<1x1x16xf32>,
        %parallel_loop3A_685 = arith.index_cast %parallel_loop3A_501 : i32 to index
        %parallel_loop3A_686 = arith.constant 48 : index
        %parallel_loop3A_687 = tpu.vector_load %arg8[%parallel_loop3A_685, %parallel_loop3A_686] {strides = array<i32>} : memref<128x128xf32, #tpu.memory_space<vmem>>, vector<1x16xf32>,
        %parallel_loop3A_688 = vector.shape_cast %parallel_loop3A_687 : vector<1x16xf32> to vector<16xf32>
        %parallel_loop3A_689 = arith.addf %parallel_loop3A_688, %add3A_451 : vector<16xf32>
        %parallel_loop3A_690 = arith.constant 0 : i32
        %parallel_loop3A_691 = arith.index_cast %parallel_loop3A_690 : i32 to index
        %parallel_loop3A_692 = arith.index_cast %parallel_loop3A_500 : i32 to index
        %parallel_loop3A_693 = arith.constant 48 : index
        %parallel_loop3A_694 = tpu.vector_load %arg10[%parallel_loop3A_691, %parallel_loop3A_692, %parallel_loop3A_693] {strides = array<i32>} : memref<4x32x128xf32, #tpu.memory_space<vmem>>, vector<1x1x16xf32>,
        %parallel_loop3A_695 = vector.shape_cast %parallel_loop3A_694 : vector<1x1x16xf32> to vector<16xf32>
        %parallel_loop3A_696 = arith.addf %parallel_loop3A_695, %parallel_loop3A_689 : vector<16xf32>
        %parallel_loop3A_697 = arith.constant 0 : i32
        %parallel_loop3A_698 = arith.index_cast %parallel_loop3A_500 : i32 to index
        %parallel_loop3A_699 = arith.index_cast %parallel_loop3A_697 : i32 to index
        %parallel_loop3A_700 = arith.constant 48 : index
        %parallel_loop3A_701 = tpu.vector_load %arg12[%parallel_loop3A_698, %parallel_loop3A_699, %parallel_loop3A_700] {strides = array<i32>} : memref<32x4x128xf32, #tpu.memory_space<vmem>>, vector<1x1x16xf32>,
        %parallel_loop3A_702 = vector.shape_cast %parallel_loop3A_701 : vector<1x1x16xf32> to vector<16xf32>
        %parallel_loop3A_703 = vector.shape_cast %parallel_loop3A_696 : vector<16xf32> to vector<1x1x16xf32>
        tpu.vector_store %arg12[%parallel_loop3A_698, %parallel_loop3A_699, %parallel_loop3A_700], %parallel_loop3A_703 {strides = array<i32>} : memref<32x4x128xf32, #tpu.memory_space<vmem>>, vector<1x1x16xf32>,
        %parallel_loop3A_704 = arith.constant 1 : i32
        %parallel_loop3A_705 = arith.index_cast %parallel_loop3A_704 : i32 to index
        %parallel_loop3A_706 = arith.index_cast %parallel_loop3A_500 : i32 to index
        %parallel_loop3A_707 = arith.constant 48 : index
        %parallel_loop3A_708 = tpu.vector_load %arg10[%parallel_loop3A_705, %parallel_loop3A_706, %parallel_loop3A_707] {strides = array<i32>} : memref<4x32x128xf32, #tpu.memory_space<vmem>>, vector<1x1x16xf32>,
        %parallel_loop3A_709 = vector.shape_cast %parallel_loop3A_708 : vector<1x1x16xf32> to vector<16xf32>
        %parallel_loop3A_710 = arith.addf %parallel_loop3A_709, %parallel_loop3A_689 : vector<16xf32>
        %parallel_loop3A_711 = arith.constant 1 : i32
        %parallel_loop3A_712 = arith.index_cast %parallel_loop3A_500 : i32 to index
        %parallel_loop3A_713 = arith.index_cast %parallel_loop3A_711 : i32 to index
        %parallel_loop3A_714 = arith.constant 48 : index
        %parallel_loop3A_715 = tpu.vector_load %arg12[%parallel_loop3A_712, %parallel_loop3A_713, %parallel_loop3A_714] {strides = array<i32>} : memref<32x4x128xf32, #tpu.memory_space<vmem>>, vector<1x1x16xf32>,
        %parallel_loop3A_716 = vector.shape_cast %parallel_loop3A_715 : vector<1x1x16xf32> to vector<16xf32>
        %parallel_loop3A_717 = vector.shape_cast %parallel_loop3A_710 : vector<16xf32> to vector<1x1x16xf32>
        tpu.vector_store %arg12[%parallel_loop3A_712, %parallel_loop3A_713, %parallel_loop3A_714], %parallel_loop3A_717 {strides = array<i32>} : memref<32x4x128xf32, #tpu.memory_space<vmem>>, vector<1x1x16xf32>,
        %parallel_loop3A_718 = arith.constant 2 : i32
        %parallel_loop3A_719 = arith.index_cast %parallel_loop3A_718 : i32 to index
        %parallel_loop3A_720 = arith.index_cast %parallel_loop3A_500 : i32 to index
        %parallel_loop3A_721 = arith.constant 48 : index
        %parallel_loop3A_722 = tpu.vector_load %arg10[%parallel_loop3A_719, %parallel_loop3A_720, %parallel_loop3A_721] {strides = array<i32>} : memref<4x32x128xf32, #tpu.memory_space<vmem>>, vector<1x1x16xf32>,
        %parallel_loop3A_723 = vector.shape_cast %parallel_loop3A_722 : vector<1x1x16xf32> to vector<16xf32>
        %parallel_loop3A_724 = arith.addf %parallel_loop3A_723, %parallel_loop3A_689 : vector<16xf32>
        %parallel_loop3A_725 = arith.constant 2 : i32
        %parallel_loop3A_726 = arith.index_cast %parallel_loop3A_500 : i32 to index
        %parallel_loop3A_727 = arith.index_cast %parallel_loop3A_725 : i32 to index
        %parallel_loop3A_728 = arith.constant 48 : index
        %parallel_loop3A_729 = tpu.vector_load %arg12[%parallel_loop3A_726, %parallel_loop3A_727, %parallel_loop3A_728] {strides = array<i32>} : memref<32x4x128xf32, #tpu.memory_space<vmem>>, vector<1x1x16xf32>,
        %parallel_loop3A_730 = vector.shape_cast %parallel_loop3A_729 : vector<1x1x16xf32> to vector<16xf32>
        %parallel_loop3A_731 = vector.shape_cast %parallel_loop3A_724 : vector<16xf32> to vector<1x1x16xf32>
        tpu.vector_store %arg12[%parallel_loop3A_726, %parallel_loop3A_727, %parallel_loop3A_728], %parallel_loop3A_731 {strides = array<i32>} : memref<32x4x128xf32, #tpu.memory_space<vmem>>, vector<1x1x16xf32>,
        %parallel_loop3A_732 = arith.constant 3 : i32
        %parallel_loop3A_733 = arith.index_cast %parallel_loop3A_732 : i32 to index
        %parallel_loop3A_734 = arith.index_cast %parallel_loop3A_500 : i32 to index
        %parallel_loop3A_735 = arith.constant 48 : index
        %parallel_loop3A_736 = tpu.vector_load %arg10[%parallel_loop3A_733, %parallel_loop3A_734, %parallel_loop3A_735] {strides = array<i32>} : memref<4x32x128xf32, #tpu.memory_space<vmem>>, vector<1x1x16xf32>,
        %parallel_loop3A_737 = vector.shape_cast %parallel_loop3A_736 : vector<1x1x16xf32> to vector<16xf32>
        %parallel_loop3A_738 = arith.addf %parallel_loop3A_737, %parallel_loop3A_689 : vector<16xf32>
        %parallel_loop3A_739 = arith.constant 3 : i32
        %parallel_loop3A_740 = arith.index_cast %parallel_loop3A_500 : i32 to index
        %parallel_loop3A_741 = arith.index_cast %parallel_loop3A_739 : i32 to index
        %parallel_loop3A_742 = arith.constant 48 : index
        %parallel_loop3A_743 = tpu.vector_load %arg12[%parallel_loop3A_740, %parallel_loop3A_741, %parallel_loop3A_742] {strides = array<i32>} : memref<32x4x128xf32, #tpu.memory_space<vmem>>, vector<1x1x16xf32>,
        %parallel_loop3A_744 = vector.shape_cast %parallel_loop3A_743 : vector<1x1x16xf32> to vector<16xf32>
        %parallel_loop3A_745 = vector.shape_cast %parallel_loop3A_738 : vector<16xf32> to vector<1x1x16xf32>
        tpu.vector_store %arg12[%parallel_loop3A_740, %parallel_loop3A_741, %parallel_loop3A_742], %parallel_loop3A_745 {strides = array<i32>} : memref<32x4x128xf32, #tpu.memory_space<vmem>>, vector<1x1x16xf32>,
        %parallel_loop3A_746 = arith.index_cast %parallel_loop3A_501 : i32 to index
        %parallel_loop3A_747 = arith.constant 64 : index
        %parallel_loop3A_748 = tpu.vector_load %arg8[%parallel_loop3A_746, %parallel_loop3A_747] {strides = array<i32>} : memref<128x128xf32, #tpu.memory_space<vmem>>, vector<1x16xf32>,
        %parallel_loop3A_749 = vector.shape_cast %parallel_loop3A_748 : vector<1x16xf32> to vector<16xf32>
        %parallel_loop3A_750 = arith.addf %parallel_loop3A_749, %add3A_455 : vector<16xf32>
        %parallel_loop3A_751 = arith.constant 0 : i32
        %parallel_loop3A_752 = arith.index_cast %parallel_loop3A_751 : i32 to index
        %parallel_loop3A_753 = arith.index_cast %parallel_loop3A_500 : i32 to index
        %parallel_loop3A_754 = arith.constant 64 : index
        %parallel_loop3A_755 = tpu.vector_load %arg10[%parallel_loop3A_752, %parallel_loop3A_753, %parallel_loop3A_754] {strides = array<i32>} : memref<4x32x128xf32, #tpu.memory_space<vmem>>, vector<1x1x16xf32>,
        %parallel_loop3A_756 = vector.shape_cast %parallel_loop3A_755 : vector<1x1x16xf32> to vector<16xf32>
        %parallel_loop3A_757 = arith.addf %parallel_loop3A_756, %parallel_loop3A_750 : vector<16xf32>
        %parallel_loop3A_758 = arith.constant 0 : i32
        %parallel_loop3A_759 = arith.index_cast %parallel_loop3A_500 : i32 to index
        %parallel_loop3A_760 = arith.index_cast %parallel_loop3A_758 : i32 to index
        %parallel_loop3A_761 = arith.constant 64 : index
        %parallel_loop3A_762 = tpu.vector_load %arg12[%parallel_loop3A_759, %parallel_loop3A_760, %parallel_loop3A_761] {strides = array<i32>} : memref<32x4x128xf32, #tpu.memory_space<vmem>>, vector<1x1x16xf32>,
        %parallel_loop3A_763 = vector.shape_cast %parallel_loop3A_762 : vector<1x1x16xf32> to vector<16xf32>
        %parallel_loop3A_764 = vector.shape_cast %parallel_loop3A_757 : vector<16xf32> to vector<1x1x16xf32>
        tpu.vector_store %arg12[%parallel_loop3A_759, %parallel_loop3A_760, %parallel_loop3A_761], %parallel_loop3A_764 {strides = array<i32>} : memref<32x4x128xf32, #tpu.memory_space<vmem>>, vector<1x1x16xf32>,
        %parallel_loop3A_765 = arith.constant 1 : i32
        %parallel_loop3A_766 = arith.index_cast %parallel_loop3A_765 : i32 to index
        %parallel_loop3A_767 = arith.index_cast %parallel_loop3A_500 : i32 to index
        %parallel_loop3A_768 = arith.constant 64 : index
        %parallel_loop3A_769 = tpu.vector_load %arg10[%parallel_loop3A_766, %parallel_loop3A_767, %parallel_loop3A_768] {strides = array<i32>} : memref<4x32x128xf32, #tpu.memory_space<vmem>>, vector<1x1x16xf32>,
        %parallel_loop3A_770 = vector.shape_cast %parallel_loop3A_769 : vector<1x1x16xf32> to vector<16xf32>
        %parallel_loop3A_771 = arith.addf %parallel_loop3A_770, %parallel_loop3A_750 : vector<16xf32>
        %parallel_loop3A_772 = arith.constant 1 : i32
        %parallel_loop3A_773 = arith.index_cast %parallel_loop3A_500 : i32 to index
        %parallel_loop3A_774 = arith.index_cast %parallel_loop3A_772 : i32 to index
        %parallel_loop3A_775 = arith.constant 64 : index
        %parallel_loop3A_776 = tpu.vector_load %arg12[%parallel_loop3A_773, %parallel_loop3A_774, %parallel_loop3A_775] {strides = array<i32>} : memref<32x4x128xf32, #tpu.memory_space<vmem>>, vector<1x1x16xf32>,
        %parallel_loop3A_777 = vector.shape_cast %parallel_loop3A_776 : vector<1x1x16xf32> to vector<16xf32>
        %parallel_loop3A_778 = vector.shape_cast %parallel_loop3A_771 : vector<16xf32> to vector<1x1x16xf32>
        tpu.vector_store %arg12[%parallel_loop3A_773, %parallel_loop3A_774, %parallel_loop3A_775], %parallel_loop3A_778 {strides = array<i32>} : memref<32x4x128xf32, #tpu.memory_space<vmem>>, vector<1x1x16xf32>,
        %parallel_loop3A_779 = arith.constant 2 : i32
        %parallel_loop3A_780 = arith.index_cast %parallel_loop3A_779 : i32 to index
        %parallel_loop3A_781 = arith.index_cast %parallel_loop3A_500 : i32 to index
        %parallel_loop3A_782 = arith.constant 64 : index
        %parallel_loop3A_783 = tpu.vector_load %arg10[%parallel_loop3A_780, %parallel_loop3A_781, %parallel_loop3A_782] {strides = array<i32>} : memref<4x32x128xf32, #tpu.memory_space<vmem>>, vector<1x1x16xf32>,
        %parallel_loop3A_784 = vector.shape_cast %parallel_loop3A_783 : vector<1x1x16xf32> to vector<16xf32>
        %parallel_loop3A_785 = arith.addf %parallel_loop3A_784, %parallel_loop3A_750 : vector<16xf32>
        %parallel_loop3A_786 = arith.constant 2 : i32
        %parallel_loop3A_787 = arith.index_cast %parallel_loop3A_500 : i32 to index
        %parallel_loop3A_788 = arith.index_cast %parallel_loop3A_786 : i32 to index
        %parallel_loop3A_789 = arith.constant 64 : index
        %parallel_loop3A_790 = tpu.vector_load %arg12[%parallel_loop3A_787, %parallel_loop3A_788, %parallel_loop3A_789] {strides = array<i32>} : memref<32x4x128xf32, #tpu.memory_space<vmem>>, vector<1x1x16xf32>,
        %parallel_loop3A_791 = vector.shape_cast %parallel_loop3A_790 : vector<1x1x16xf32> to vector<16xf32>
        %parallel_loop3A_792 = vector.shape_cast %parallel_loop3A_785 : vector<16xf32> to vector<1x1x16xf32>
        tpu.vector_store %arg12[%parallel_loop3A_787, %parallel_loop3A_788, %parallel_loop3A_789], %parallel_loop3A_792 {strides = array<i32>} : memref<32x4x128xf32, #tpu.memory_space<vmem>>, vector<1x1x16xf32>,
        %parallel_loop3A_793 = arith.constant 3 : i32
        %parallel_loop3A_794 = arith.index_cast %parallel_loop3A_793 : i32 to index
        %parallel_loop3A_795 = arith.index_cast %parallel_loop3A_500 : i32 to index
        %parallel_loop3A_796 = arith.constant 64 : index
        %parallel_loop3A_797 = tpu.vector_load %arg10[%parallel_loop3A_794, %parallel_loop3A_795, %parallel_loop3A_796] {strides = array<i32>} : memref<4x32x128xf32, #tpu.memory_space<vmem>>, vector<1x1x16xf32>,
        %parallel_loop3A_798 = vector.shape_cast %parallel_loop3A_797 : vector<1x1x16xf32> to vector<16xf32>
        %parallel_loop3A_799 = arith.addf %parallel_loop3A_798, %parallel_loop3A_750 : vector<16xf32>
        %parallel_loop3A_800 = arith.constant 3 : i32
        %parallel_loop3A_801 = arith.index_cast %parallel_loop3A_500 : i32 to index
        %parallel_loop3A_802 = arith.index_cast %parallel_loop3A_800 : i32 to index
        %parallel_loop3A_803 = arith.constant 64 : index
        %parallel_loop3A_804 = tpu.vector_load %arg12[%parallel_loop3A_801, %parallel_loop3A_802, %parallel_loop3A_803] {strides = array<i32>} : memref<32x4x128xf32, #tpu.memory_space<vmem>>, vector<1x1x16xf32>,
        %parallel_loop3A_805 = vector.shape_cast %parallel_loop3A_804 : vector<1x1x16xf32> to vector<16xf32>
        %parallel_loop3A_806 = vector.shape_cast %parallel_loop3A_799 : vector<16xf32> to vector<1x1x16xf32>
        tpu.vector_store %arg12[%parallel_loop3A_801, %parallel_loop3A_802, %parallel_loop3A_803], %parallel_loop3A_806 {strides = array<i32>} : memref<32x4x128xf32, #tpu.memory_space<vmem>>, vector<1x1x16xf32>,
        %parallel_loop3A_807 = arith.index_cast %parallel_loop3A_501 : i32 to index
        %parallel_loop3A_808 = arith.constant 80 : index
        %parallel_loop3A_809 = tpu.vector_load %arg8[%parallel_loop3A_807, %parallel_loop3A_808] {strides = array<i32>} : memref<128x128xf32, #tpu.memory_space<vmem>>, vector<1x16xf32>,
        %parallel_loop3A_810 = vector.shape_cast %parallel_loop3A_809 : vector<1x16xf32> to vector<16xf32>
        %parallel_loop3A_811 = arith.addf %parallel_loop3A_810, %add3A_459 : vector<16xf32>
        %parallel_loop3A_812 = arith.constant 0 : i32
        %parallel_loop3A_813 = arith.index_cast %parallel_loop3A_812 : i32 to index
        %parallel_loop3A_814 = arith.index_cast %parallel_loop3A_500 : i32 to index
        %parallel_loop3A_815 = arith.constant 80 : index
        %parallel_loop3A_816 = tpu.vector_load %arg10[%parallel_loop3A_813, %parallel_loop3A_814, %parallel_loop3A_815] {strides = array<i32>} : memref<4x32x128xf32, #tpu.memory_space<vmem>>, vector<1x1x16xf32>,
        %parallel_loop3A_817 = vector.shape_cast %parallel_loop3A_816 : vector<1x1x16xf32> to vector<16xf32>
        %parallel_loop3A_818 = arith.addf %parallel_loop3A_817, %parallel_loop3A_811 : vector<16xf32>
        %parallel_loop3A_819 = arith.constant 0 : i32
        %parallel_loop3A_820 = arith.index_cast %parallel_loop3A_500 : i32 to index
        %parallel_loop3A_821 = arith.index_cast %parallel_loop3A_819 : i32 to index
        %parallel_loop3A_822 = arith.constant 80 : index
        %parallel_loop3A_823 = tpu.vector_load %arg12[%parallel_loop3A_820, %parallel_loop3A_821, %parallel_loop3A_822] {strides = array<i32>} : memref<32x4x128xf32, #tpu.memory_space<vmem>>, vector<1x1x16xf32>,
        %parallel_loop3A_824 = vector.shape_cast %parallel_loop3A_823 : vector<1x1x16xf32> to vector<16xf32>
        %parallel_loop3A_825 = vector.shape_cast %parallel_loop3A_818 : vector<16xf32> to vector<1x1x16xf32>
        tpu.vector_store %arg12[%parallel_loop3A_820, %parallel_loop3A_821, %parallel_loop3A_822], %parallel_loop3A_825 {strides = array<i32>} : memref<32x4x128xf32, #tpu.memory_space<vmem>>, vector<1x1x16xf32>,
        %parallel_loop3A_826 = arith.constant 1 : i32
        %parallel_loop3A_827 = arith.index_cast %parallel_loop3A_826 : i32 to index
        %parallel_loop3A_828 = arith.index_cast %parallel_loop3A_500 : i32 to index
        %parallel_loop3A_829 = arith.constant 80 : index
        %parallel_loop3A_830 = tpu.vector_load %arg10[%parallel_loop3A_827, %parallel_loop3A_828, %parallel_loop3A_829] {strides = array<i32>} : memref<4x32x128xf32, #tpu.memory_space<vmem>>, vector<1x1x16xf32>,
        %parallel_loop3A_831 = vector.shape_cast %parallel_loop3A_830 : vector<1x1x16xf32> to vector<16xf32>
        %parallel_loop3A_832 = arith.addf %parallel_loop3A_831, %parallel_loop3A_811 : vector<16xf32>
        %parallel_loop3A_833 = arith.constant 1 : i32
        %parallel_loop3A_834 = arith.index_cast %parallel_loop3A_500 : i32 to index
        %parallel_loop3A_835 = arith.index_cast %parallel_loop3A_833 : i32 to index
        %parallel_loop3A_836 = arith.constant 80 : index
        %parallel_loop3A_837 = tpu.vector_load %arg12[%parallel_loop3A_834, %parallel_loop3A_835, %parallel_loop3A_836] {strides = array<i32>} : memref<32x4x128xf32, #tpu.memory_space<vmem>>, vector<1x1x16xf32>,
        %parallel_loop3A_838 = vector.shape_cast %parallel_loop3A_837 : vector<1x1x16xf32> to vector<16xf32>
        %parallel_loop3A_839 = vector.shape_cast %parallel_loop3A_832 : vector<16xf32> to vector<1x1x16xf32>
        tpu.vector_store %arg12[%parallel_loop3A_834, %parallel_loop3A_835, %parallel_loop3A_836], %parallel_loop3A_839 {strides = array<i32>} : memref<32x4x128xf32, #tpu.memory_space<vmem>>, vector<1x1x16xf32>,
        %parallel_loop3A_840 = arith.constant 2 : i32
        %parallel_loop3A_841 = arith.index_cast %parallel_loop3A_840 : i32 to index
        %parallel_loop3A_842 = arith.index_cast %parallel_loop3A_500 : i32 to index
        %parallel_loop3A_843 = arith.constant 80 : index
        %parallel_loop3A_844 = tpu.vector_load %arg10[%parallel_loop3A_841, %parallel_loop3A_842, %parallel_loop3A_843] {strides = array<i32>} : memref<4x32x128xf32, #tpu.memory_space<vmem>>, vector<1x1x16xf32>,
        %parallel_loop3A_845 = vector.shape_cast %parallel_loop3A_844 : vector<1x1x16xf32> to vector<16xf32>
        %parallel_loop3A_846 = arith.addf %parallel_loop3A_845, %parallel_loop3A_811 : vector<16xf32>
        %parallel_loop3A_847 = arith.constant 2 : i32
        %parallel_loop3A_848 = arith.index_cast %parallel_loop3A_500 : i32 to index
        %parallel_loop3A_849 = arith.index_cast %parallel_loop3A_847 : i32 to index
        %parallel_loop3A_850 = arith.constant 80 : index
        %parallel_loop3A_851 = tpu.vector_load %arg12[%parallel_loop3A_848, %parallel_loop3A_849, %parallel_loop3A_850] {strides = array<i32>} : memref<32x4x128xf32, #tpu.memory_space<vmem>>, vector<1x1x16xf32>,
        %parallel_loop3A_852 = vector.shape_cast %parallel_loop3A_851 : vector<1x1x16xf32> to vector<16xf32>
        %parallel_loop3A_853 = vector.shape_cast %parallel_loop3A_846 : vector<16xf32> to vector<1x1x16xf32>
        tpu.vector_store %arg12[%parallel_loop3A_848, %parallel_loop3A_849, %parallel_loop3A_850], %parallel_loop3A_853 {strides = array<i32>} : memref<32x4x128xf32, #tpu.memory_space<vmem>>, vector<1x1x16xf32>,
        %parallel_loop3A_854 = arith.constant 3 : i32
        %parallel_loop3A_855 = arith.index_cast %parallel_loop3A_854 : i32 to index
        %parallel_loop3A_856 = arith.index_cast %parallel_loop3A_500 : i32 to index
        %parallel_loop3A_857 = arith.constant 80 : index
        %parallel_loop3A_858 = tpu.vector_load %arg10[%parallel_loop3A_855, %parallel_loop3A_856, %parallel_loop3A_857] {strides = array<i32>} : memref<4x32x128xf32, #tpu.memory_space<vmem>>, vector<1x1x16xf32>,
        %parallel_loop3A_859 = vector.shape_cast %parallel_loop3A_858 : vector<1x1x16xf32> to vector<16xf32>
        %parallel_loop3A_860 = arith.addf %parallel_loop3A_859, %parallel_loop3A_811 : vector<16xf32>
        %parallel_loop3A_861 = arith.constant 3 : i32
        %parallel_loop3A_862 = arith.index_cast %parallel_loop3A_500 : i32 to index
        %parallel_loop3A_863 = arith.index_cast %parallel_loop3A_861 : i32 to index
        %parallel_loop3A_864 = arith.constant 80 : index
        %parallel_loop3A_865 = tpu.vector_load %arg12[%parallel_loop3A_862, %parallel_loop3A_863, %parallel_loop3A_864] {strides = array<i32>} : memref<32x4x128xf32, #tpu.memory_space<vmem>>, vector<1x1x16xf32>,
        %parallel_loop3A_866 = vector.shape_cast %parallel_loop3A_865 : vector<1x1x16xf32> to vector<16xf32>
        %parallel_loop3A_867 = vector.shape_cast %parallel_loop3A_860 : vector<16xf32> to vector<1x1x16xf32>
        tpu.vector_store %arg12[%parallel_loop3A_862, %parallel_loop3A_863, %parallel_loop3A_864], %parallel_loop3A_867 {strides = array<i32>} : memref<32x4x128xf32, #tpu.memory_space<vmem>>, vector<1x1x16xf32>,
        %parallel_loop3A_868 = arith.index_cast %parallel_loop3A_501 : i32 to index
        %parallel_loop3A_869 = arith.constant 96 : index
        %parallel_loop3A_870 = tpu.vector_load %arg8[%parallel_loop3A_868, %parallel_loop3A_869] {strides = array<i32>} : memref<128x128xf32, #tpu.memory_space<vmem>>, vector<1x16xf32>,
        %parallel_loop3A_871 = vector.shape_cast %parallel_loop3A_870 : vector<1x16xf32> to vector<16xf32>
        %parallel_loop3A_872 = arith.addf %parallel_loop3A_871, %add3A_463 : vector<16xf32>
        %parallel_loop3A_873 = arith.constant 0 : i32
        %parallel_loop3A_874 = arith.index_cast %parallel_loop3A_873 : i32 to index
        %parallel_loop3A_875 = arith.index_cast %parallel_loop3A_500 : i32 to index
        %parallel_loop3A_876 = arith.constant 96 : index
        %parallel_loop3A_877 = tpu.vector_load %arg10[%parallel_loop3A_874, %parallel_loop3A_875, %parallel_loop3A_876] {strides = array<i32>} : memref<4x32x128xf32, #tpu.memory_space<vmem>>, vector<1x1x16xf32>,
        %parallel_loop3A_878 = vector.shape_cast %parallel_loop3A_877 : vector<1x1x16xf32> to vector<16xf32>
        %parallel_loop3A_879 = arith.addf %parallel_loop3A_878, %parallel_loop3A_872 : vector<16xf32>
        %parallel_loop3A_880 = arith.constant 0 : i32
        %parallel_loop3A_881 = arith.index_cast %parallel_loop3A_500 : i32 to index
        %parallel_loop3A_882 = arith.index_cast %parallel_loop3A_880 : i32 to index
        %parallel_loop3A_883 = arith.constant 96 : index
        %parallel_loop3A_884 = tpu.vector_load %arg12[%parallel_loop3A_881, %parallel_loop3A_882, %parallel_loop3A_883] {strides = array<i32>} : memref<32x4x128xf32, #tpu.memory_space<vmem>>, vector<1x1x16xf32>,
        %parallel_loop3A_885 = vector.shape_cast %parallel_loop3A_884 : vector<1x1x16xf32> to vector<16xf32>
        %parallel_loop3A_886 = vector.shape_cast %parallel_loop3A_879 : vector<16xf32> to vector<1x1x16xf32>
        tpu.vector_store %arg12[%parallel_loop3A_881, %parallel_loop3A_882, %parallel_loop3A_883], %parallel_loop3A_886 {strides = array<i32>} : memref<32x4x128xf32, #tpu.memory_space<vmem>>, vector<1x1x16xf32>,
        %parallel_loop3A_887 = arith.constant 1 : i32
        %parallel_loop3A_888 = arith.index_cast %parallel_loop3A_887 : i32 to index
        %parallel_loop3A_889 = arith.index_cast %parallel_loop3A_500 : i32 to index
        %parallel_loop3A_890 = arith.constant 96 : index
        %parallel_loop3A_891 = tpu.vector_load %arg10[%parallel_loop3A_888, %parallel_loop3A_889, %parallel_loop3A_890] {strides = array<i32>} : memref<4x32x128xf32, #tpu.memory_space<vmem>>, vector<1x1x16xf32>,
        %parallel_loop3A_892 = vector.shape_cast %parallel_loop3A_891 : vector<1x1x16xf32> to vector<16xf32>
        %parallel_loop3A_893 = arith.addf %parallel_loop3A_892, %parallel_loop3A_872 : vector<16xf32>
        %parallel_loop3A_894 = arith.constant 1 : i32
        %parallel_loop3A_895 = arith.index_cast %parallel_loop3A_500 : i32 to index
        %parallel_loop3A_896 = arith.index_cast %parallel_loop3A_894 : i32 to index
        %parallel_loop3A_897 = arith.constant 96 : index
        %parallel_loop3A_898 = tpu.vector_load %arg12[%parallel_loop3A_895, %parallel_loop3A_896, %parallel_loop3A_897] {strides = array<i32>} : memref<32x4x128xf32, #tpu.memory_space<vmem>>, vector<1x1x16xf32>,
        %parallel_loop3A_899 = vector.shape_cast %parallel_loop3A_898 : vector<1x1x16xf32> to vector<16xf32>
        %parallel_loop3A_900 = vector.shape_cast %parallel_loop3A_893 : vector<16xf32> to vector<1x1x16xf32>
        tpu.vector_store %arg12[%parallel_loop3A_895, %parallel_loop3A_896, %parallel_loop3A_897], %parallel_loop3A_900 {strides = array<i32>} : memref<32x4x128xf32, #tpu.memory_space<vmem>>, vector<1x1x16xf32>,
        %parallel_loop3A_901 = arith.constant 2 : i32
        %parallel_loop3A_902 = arith.index_cast %parallel_loop3A_901 : i32 to index
        %parallel_loop3A_903 = arith.index_cast %parallel_loop3A_500 : i32 to index
        %parallel_loop3A_904 = arith.constant 96 : index
        %parallel_loop3A_905 = tpu.vector_load %arg10[%parallel_loop3A_902, %parallel_loop3A_903, %parallel_loop3A_904] {strides = array<i32>} : memref<4x32x128xf32, #tpu.memory_space<vmem>>, vector<1x1x16xf32>,
        %parallel_loop3A_906 = vector.shape_cast %parallel_loop3A_905 : vector<1x1x16xf32> to vector<16xf32>
        %parallel_loop3A_907 = arith.addf %parallel_loop3A_906, %parallel_loop3A_872 : vector<16xf32>
        %parallel_loop3A_908 = arith.constant 2 : i32
        %parallel_loop3A_909 = arith.index_cast %parallel_loop3A_500 : i32 to index
        %parallel_loop3A_910 = arith.index_cast %parallel_loop3A_908 : i32 to index
        %parallel_loop3A_911 = arith.constant 96 : index
        %parallel_loop3A_912 = tpu.vector_load %arg12[%parallel_loop3A_909, %parallel_loop3A_910, %parallel_loop3A_911] {strides = array<i32>} : memref<32x4x128xf32, #tpu.memory_space<vmem>>, vector<1x1x16xf32>,
        %parallel_loop3A_913 = vector.shape_cast %parallel_loop3A_912 : vector<1x1x16xf32> to vector<16xf32>
        %parallel_loop3A_914 = vector.shape_cast %parallel_loop3A_907 : vector<16xf32> to vector<1x1x16xf32>
        tpu.vector_store %arg12[%parallel_loop3A_909, %parallel_loop3A_910, %parallel_loop3A_911], %parallel_loop3A_914 {strides = array<i32>} : memref<32x4x128xf32, #tpu.memory_space<vmem>>, vector<1x1x16xf32>,
        %parallel_loop3A_915 = arith.constant 3 : i32
        %parallel_loop3A_916 = arith.index_cast %parallel_loop3A_915 : i32 to index
        %parallel_loop3A_917 = arith.index_cast %parallel_loop3A_500 : i32 to index
        %parallel_loop3A_918 = arith.constant 96 : index
        %parallel_loop3A_919 = tpu.vector_load %arg10[%parallel_loop3A_916, %parallel_loop3A_917, %parallel_loop3A_918] {strides = array<i32>} : memref<4x32x128xf32, #tpu.memory_space<vmem>>, vector<1x1x16xf32>,
        %parallel_loop3A_920 = vector.shape_cast %parallel_loop3A_919 : vector<1x1x16xf32> to vector<16xf32>
        %parallel_loop3A_921 = arith.addf %parallel_loop3A_920, %parallel_loop3A_872 : vector<16xf32>
        %parallel_loop3A_922 = arith.constant 3 : i32
        %parallel_loop3A_923 = arith.index_cast %parallel_loop3A_500 : i32 to index
        %parallel_loop3A_924 = arith.index_cast %parallel_loop3A_922 : i32 to index
        %parallel_loop3A_925 = arith.constant 96 : index
        %parallel_loop3A_926 = tpu.vector_load %arg12[%parallel_loop3A_923, %parallel_loop3A_924, %parallel_loop3A_925] {strides = array<i32>} : memref<32x4x128xf32, #tpu.memory_space<vmem>>, vector<1x1x16xf32>,
        %parallel_loop3A_927 = vector.shape_cast %parallel_loop3A_926 : vector<1x1x16xf32> to vector<16xf32>
        %parallel_loop3A_928 = vector.shape_cast %parallel_loop3A_921 : vector<16xf32> to vector<1x1x16xf32>
        tpu.vector_store %arg12[%parallel_loop3A_923, %parallel_loop3A_924, %parallel_loop3A_925], %parallel_loop3A_928 {strides = array<i32>} : memref<32x4x128xf32, #tpu.memory_space<vmem>>, vector<1x1x16xf32>,
        %parallel_loop3A_929 = arith.index_cast %parallel_loop3A_501 : i32 to index
        %parallel_loop3A_930 = arith.constant 112 : index
        %parallel_loop3A_931 = tpu.vector_load %arg8[%parallel_loop3A_929, %parallel_loop3A_930] {strides = array<i32>} : memref<128x128xf32, #tpu.memory_space<vmem>>, vector<1x16xf32>,
        %parallel_loop3A_932 = vector.shape_cast %parallel_loop3A_931 : vector<1x16xf32> to vector<16xf32>
        %parallel_loop3A_933 = arith.addf %parallel_loop3A_932, %add3A_467 : vector<16xf32>
        %parallel_loop3A_934 = arith.constant 0 : i32
        %parallel_loop3A_935 = arith.index_cast %parallel_loop3A_934 : i32 to index
        %parallel_loop3A_936 = arith.index_cast %parallel_loop3A_500 : i32 to index
        %parallel_loop3A_937 = arith.constant 112 : index
        %parallel_loop3A_938 = tpu.vector_load %arg10[%parallel_loop3A_935, %parallel_loop3A_936, %parallel_loop3A_937] {strides = array<i32>} : memref<4x32x128xf32, #tpu.memory_space<vmem>>, vector<1x1x16xf32>,
        %parallel_loop3A_939 = vector.shape_cast %parallel_loop3A_938 : vector<1x1x16xf32> to vector<16xf32>
        %parallel_loop3A_940 = arith.addf %parallel_loop3A_939, %parallel_loop3A_933 : vector<16xf32>
        %parallel_loop3A_941 = arith.constant 0 : i32
        %parallel_loop3A_942 = arith.index_cast %parallel_loop3A_500 : i32 to index
        %parallel_loop3A_943 = arith.index_cast %parallel_loop3A_941 : i32 to index
        %parallel_loop3A_944 = arith.constant 112 : index
        %parallel_loop3A_945 = tpu.vector_load %arg12[%parallel_loop3A_942, %parallel_loop3A_943, %parallel_loop3A_944] {strides = array<i32>} : memref<32x4x128xf32, #tpu.memory_space<vmem>>, vector<1x1x16xf32>,
        %parallel_loop3A_946 = vector.shape_cast %parallel_loop3A_945 : vector<1x1x16xf32> to vector<16xf32>
        %parallel_loop3A_947 = vector.shape_cast %parallel_loop3A_940 : vector<16xf32> to vector<1x1x16xf32>
        tpu.vector_store %arg12[%parallel_loop3A_942, %parallel_loop3A_943, %parallel_loop3A_944], %parallel_loop3A_947 {strides = array<i32>} : memref<32x4x128xf32, #tpu.memory_space<vmem>>, vector<1x1x16xf32>,
        %parallel_loop3A_948 = arith.constant 1 : i32
        %parallel_loop3A_949 = arith.index_cast %parallel_loop3A_948 : i32 to index
        %parallel_loop3A_950 = arith.index_cast %parallel_loop3A_500 : i32 to index
        %parallel_loop3A_951 = arith.constant 112 : index
        %parallel_loop3A_952 = tpu.vector_load %arg10[%parallel_loop3A_949, %parallel_loop3A_950, %parallel_loop3A_951] {strides = array<i32>} : memref<4x32x128xf32, #tpu.memory_space<vmem>>, vector<1x1x16xf32>,
        %parallel_loop3A_953 = vector.shape_cast %parallel_loop3A_952 : vector<1x1x16xf32> to vector<16xf32>
        %parallel_loop3A_954 = arith.addf %parallel_loop3A_953, %parallel_loop3A_933 : vector<16xf32>
        %parallel_loop3A_955 = arith.constant 1 : i32
        %parallel_loop3A_956 = arith.index_cast %parallel_loop3A_500 : i32 to index
        %parallel_loop3A_957 = arith.index_cast %parallel_loop3A_955 : i32 to index
        %parallel_loop3A_958 = arith.constant 112 : index
        %parallel_loop3A_959 = tpu.vector_load %arg12[%parallel_loop3A_956, %parallel_loop3A_957, %parallel_loop3A_958] {strides = array<i32>} : memref<32x4x128xf32, #tpu.memory_space<vmem>>, vector<1x1x16xf32>,
        %parallel_loop3A_960 = vector.shape_cast %parallel_loop3A_959 : vector<1x1x16xf32> to vector<16xf32>
        %parallel_loop3A_961 = vector.shape_cast %parallel_loop3A_954 : vector<16xf32> to vector<1x1x16xf32>
        tpu.vector_store %arg12[%parallel_loop3A_956, %parallel_loop3A_957, %parallel_loop3A_958], %parallel_loop3A_961 {strides = array<i32>} : memref<32x4x128xf32, #tpu.memory_space<vmem>>, vector<1x1x16xf32>,
        %parallel_loop3A_962 = arith.constant 2 : i32
        %parallel_loop3A_963 = arith.index_cast %parallel_loop3A_962 : i32 to index
        %parallel_loop3A_964 = arith.index_cast %parallel_loop3A_500 : i32 to index
        %parallel_loop3A_965 = arith.constant 112 : index
        %parallel_loop3A_966 = tpu.vector_load %arg10[%parallel_loop3A_963, %parallel_loop3A_964, %parallel_loop3A_965] {strides = array<i32>} : memref<4x32x128xf32, #tpu.memory_space<vmem>>, vector<1x1x16xf32>,
        %parallel_loop3A_967 = vector.shape_cast %parallel_loop3A_966 : vector<1x1x16xf32> to vector<16xf32>
        %parallel_loop3A_968 = arith.addf %parallel_loop3A_967, %parallel_loop3A_933 : vector<16xf32>
        %parallel_loop3A_969 = arith.constant 2 : i32
        %parallel_loop3A_970 = arith.index_cast %parallel_loop3A_500 : i32 to index
        %parallel_loop3A_971 = arith.index_cast %parallel_loop3A_969 : i32 to index
        %parallel_loop3A_972 = arith.constant 112 : index
        %parallel_loop3A_973 = tpu.vector_load %arg12[%parallel_loop3A_970, %parallel_loop3A_971, %parallel_loop3A_972] {strides = array<i32>} : memref<32x4x128xf32, #tpu.memory_space<vmem>>, vector<1x1x16xf32>,
        %parallel_loop3A_974 = vector.shape_cast %parallel_loop3A_973 : vector<1x1x16xf32> to vector<16xf32>
        %parallel_loop3A_975 = vector.shape_cast %parallel_loop3A_968 : vector<16xf32> to vector<1x1x16xf32>
        tpu.vector_store %arg12[%parallel_loop3A_970, %parallel_loop3A_971, %parallel_loop3A_972], %parallel_loop3A_975 {strides = array<i32>} : memref<32x4x128xf32, #tpu.memory_space<vmem>>, vector<1x1x16xf32>,
        %parallel_loop3A_976 = arith.constant 3 : i32
        %parallel_loop3A_977 = arith.index_cast %parallel_loop3A_976 : i32 to index
        %parallel_loop3A_978 = arith.index_cast %parallel_loop3A_500 : i32 to index
        %parallel_loop3A_979 = arith.constant 112 : index
        %parallel_loop3A_980 = tpu.vector_load %arg10[%parallel_loop3A_977, %parallel_loop3A_978, %parallel_loop3A_979] {strides = array<i32>} : memref<4x32x128xf32, #tpu.memory_space<vmem>>, vector<1x1x16xf32>,
        %parallel_loop3A_981 = vector.shape_cast %parallel_loop3A_980 : vector<1x1x16xf32> to vector<16xf32>
        %parallel_loop3A_982 = arith.addf %parallel_loop3A_981, %parallel_loop3A_933 : vector<16xf32>
        %parallel_loop3A_983 = arith.constant 3 : i32
        %parallel_loop3A_984 = arith.index_cast %parallel_loop3A_500 : i32 to index
        %parallel_loop3A_985 = arith.index_cast %parallel_loop3A_983 : i32 to index
        %parallel_loop3A_986 = arith.constant 112 : index
        %parallel_loop3A_987 = tpu.vector_load %arg12[%parallel_loop3A_984, %parallel_loop3A_985, %parallel_loop3A_986] {strides = array<i32>} : memref<32x4x128xf32, #tpu.memory_space<vmem>>, vector<1x1x16xf32>,
        %parallel_loop3A_988 = vector.shape_cast %parallel_loop3A_987 : vector<1x1x16xf32> to vector<16xf32>
        %parallel_loop3A_989 = vector.shape_cast %parallel_loop3A_982 : vector<16xf32> to vector<1x1x16xf32>
        tpu.vector_store %arg12[%parallel_loop3A_984, %parallel_loop3A_985, %parallel_loop3A_986], %parallel_loop3A_989 {strides = array<i32>} : memref<32x4x128xf32, #tpu.memory_space<vmem>>, vector<1x1x16xf32>,
      } {sc.loop_unroll_factor = 1 : i64, sc.parallel_access}
      %add3A_481 = arith.constant 1 : i32
      %add3A_482 = arith.addi %add3A_311, %add3A_481 : i32
      %add3A_483 = arith.constant 1 : i32
      %add3A_484 = arith.addi %add3A_483, %multiple_of3A : i32
      %mul3A_485 = arith.constant 32 : i32
      %mul3A_486 = arith.muli %add3A_482, %mul3A_485 : i32
      %add3A_487 = arith.addi %add3A_484, %mul3A_486 : i32
      %ge3A_488 = arith.constant 4 : i32
      %ge3A_489 = arith.cmpi sge, %add3A_482, %ge3A_488 : i32
      %jit3A_490 = arith.constant 3968 : i32
      %jit3A_491 = arith.constant 0 : i32
      %select_n3A_492 = arith.select %ge3A_489, %jit3A_490, %jit3A_491 : i32
      %add3A_493 = arith.addi %add3A_487, %select_n3A_492 : i32
      %dma_start3A_494 = arith.constant 0 : i32
      %dma_start3A_495 = arith.constant 0 : i32
      %dma_start3A_496 = tpu.memref_slice %arg7[%add3A_493, %dma_start3A_494, %dma_start3A_495] : memref<8193x4x128xf32, #tpu.memory_space<hbm>> -> memref<32x4x128xf32, #tpu.memory_space<hbm>>
      %dma_start3A_497 = arith.constant 0 : i32
      %dma_start3A_498 = arith.constant 0 : i32
      %dma_start3A_499 = tpu.memref_slice %arg7[%add3A_493, %dma_start3A_497, %dma_start3A_498] : memref<8193x4x128xf32, #tpu.memory_space<hbm>> -> memref<32x4x128xf32, #tpu.memory_space<hbm>>
      tpu.enqueue_dma source(%arg12 : memref<32x4x128xf32, #tpu.memory_space<vmem>>) target(%dma_start3A_499 : memref<32x4x128xf32, #tpu.memory_space<hbm>>) target_semaphore(%arg19 : memref<!tpu.dma_semaphore, #tpu.memory_space<semaphore_mem>>)
    }
    %scan3A_290 = arith.constant 3 : i32
    %dma_wait3A_291 = arith.constant 0 : i32
    %dma_wait3A_292 = arith.constant 0 : i32
    %dma_wait3A_293 = arith.constant 0 : i32
    %dma_wait3A_294 = tpu.memref_slice %arg7[%dma_wait3A_291, %dma_wait3A_292, %dma_wait3A_293] : memref<8193x4x128xf32, #tpu.memory_space<hbm>> -> memref<32x4x128xf32, #tpu.memory_space<hbm>>
    %dma_wait3A_295 = arith.constant 0 : i32
    %dma_wait3A_296 = arith.constant 0 : i32
    %dma_wait3A_297 = arith.constant 0 : i32
    %dma_wait3A_298 = tpu.memref_slice %arg7[%dma_wait3A_295, %dma_wait3A_296, %dma_wait3A_297] : memref<8193x4x128xf32, #tpu.memory_space<hbm>> -> memref<32x4x128xf32, #tpu.memory_space<hbm>>
    tpu.wait_dma2 semaphore(%arg18 : memref<!tpu.dma_semaphore, #tpu.memory_space<semaphore_mem>>) src(%arg11 : memref<32x4x128xf32, #tpu.memory_space<vmem>>) dst(%dma_wait3A_298 : memref<32x4x128xf32, #tpu.memory_space<hbm>>)
    %dma_wait3A_299 = arith.constant 0 : i32
    %dma_wait3A_300 = arith.constant 0 : i32
    %dma_wait3A_301 = arith.constant 0 : i32
    %dma_wait3A_302 = tpu.memref_slice %arg7[%dma_wait3A_299, %dma_wait3A_300, %dma_wait3A_301] : memref<8193x4x128xf32, #tpu.memory_space<hbm>> -> memref<32x4x128xf32, #tpu.memory_space<hbm>>
    %dma_wait3A_303 = arith.constant 0 : i32
    %dma_wait3A_304 = arith.constant 0 : i32
    %dma_wait3A_305 = arith.constant 0 : i32
    %dma_wait3A_306 = tpu.memref_slice %arg7[%dma_wait3A_303, %dma_wait3A_304, %dma_wait3A_305] : memref<8193x4x128xf32, #tpu.memory_space<hbm>> -> memref<32x4x128xf32, #tpu.memory_space<hbm>>
    tpu.wait_dma2 semaphore(%arg19 : memref<!tpu.dma_semaphore, #tpu.memory_space<semaphore_mem>>) src(%arg12 : memref<32x4x128xf32, #tpu.memory_space<vmem>>) dst(%dma_wait3A_306 : memref<32x4x128xf32, #tpu.memory_space<hbm>>)
    return
  }
}

</mosaic_0001>

<sc_bundles>
// kernel: kernel.3.cloned.1.call-start
scs
__scs_entry_jumppad:
0x0: {  	(pc) =	sbr.rel $0x88, $3  }
0x1: {  	(tag) =	ssettag $0x0;
	lr =	simm.s32 $0x1  }
0x2: {  	[smem:$0x3F9C] =	sst lr;
	_ =	strace $0xD0000000  }
0x3: {  	_ = 	snop  }
0x4: {  	_ = 	snop  }
0x5: {  	_ = 	snop  }
0x6: {  	_ = 	snop  }
0x7: {  	_ = 	snop  }
__scs_overlays_trampoline_lowered:
0x8: {  	[smem:$0x3FAB] =	sst s0  }
0x9: {  	[smem:$0x3FAC] =	sst s1  }
0xa: {  	[smem:$0x3FAD] =	sst s2  }
0xb: {  	[smem:$0x3FAE] =	sst s3  }
0xc: {  	[smem:$0x3FAF] =	sst s4  }
0xd: {  	[smem:$0x3FB0] =	sst s5  }
0xe: {  	[smem:$0x3FB1] =	sst s6  }
0xf: {  	[smem:$0x3FB2] =	sst s7  }
0x10: {  	[smem:$0x3FB3] =	sst s8  }
0x11: {  	[smem:$0x3FB4] =	sst s9;
	s0 =	simm.s32 @!p0 $0x0  }
0x12: {  	s1 =	sld [smem:$0x3F9A];
	s0 =	simm.s32 @p0 $0x1  }
0x13: {  	[smem:$0x3FB5] =	sst s0;
	s0 =	simm.s32 @!p1 $0x0  }
0x14: {  	s2 =	sld [smem:$0x3F99];
	s0 =	simm.s32 @p1 $0x1  }
0x15: {  	[smem:$0x3FB6] =	sst s0;
	s0 =	simm.s32 @!p2 $0x0  }
0x16: {  	s3 =	sld [smem:$0x3FDB];
	s0 =	simm.s32 @p2 $0x1  }
0x17: {  	s4 =	simm.s32 $0x1BF5;
	[smem:$0x3FB8] =	sst s0  }
0x18: {  	s0 =	sld [smem:$0x3F9B];
	_ =	swait.ge [sflag:s4], $0x0  }
0x19: {  	s7 =	sld [smem:$0x3F9C]  }
0x1a: {  	s8 =	sadd.s32 $0xFFFFE003, lr  }
0x1b: {  	s9 =	sadd.s32 $0xFFFFFEF7, lr;
	s5 =	simm.s32 $0xFFFFFFFF;
	p2 =	slt.u32 s8, $0xFFFFF086  }
0x1c: {  	p1 =	slt.u32 s9, $0xF7A;
	s5 =	simm.s32 @!p2 $0x0  }
0x1d: {  	s5 =	simm.s32 @p1 $0x1;
	p0 =	seq.s32 s7, s2  }
0x1e: {  	s7 =	smul.u32 @!p0 $0xF7A, s2;
	p2 =	seq.s32 @!p0 s5, $0x0  }
0x1f: {  	s9 =	smul.u32 $0xF7A, s1;
	s8 =	simm.s32 @!p0 $0x1BF5;
	p2 =	por !p2, p0  }
0x20: {  	[sflag:s8] =	ssyncset.s32 @!p0 $0xFFFFF086;
	s6 =	sadd.s32 @!p0 s3, s7;
	s7 =	simm.s32 @!p0 $0x108  }
0x21: {  	s3 =	sadd.s32 s3, s9;
	s6 =	sadd.s32 @!p0 $0x88, s6;
	s7 =	simm.s32 @p2 $0x1082  }
0x22: {  	[simem:s7], [sflag:s8] =	dma.local @!p0 [hbm:s6], $0xF7A  }
0x23: {  	s9 =	sor.u32 $0xD0000000, s2;
	s6 =	simm.s32 $0x108;
	_ =	swait.ge @!p0 [sflag:s8], $0x0  }
0x24: {  	s3 =	sadd.s32 $0x88, s3;
	s6 =	simm.s32 @!p1 $0x1082;
	[sflag:s4] =	ssyncset.s32 $0xFFFFF086  }
0x25: {  	[simem:s6], [sflag:s4] =	dma.local [hbm:s3], $0xF7A  }
0x26: {  	[smem:$0x3F9C] =	sst s1;
	(tag) =	ssettag s2;
	_ =	strace s9  }
0x27: {  	s1 =	sld [smem:$0x3FAC]  }
0x28: {  	s2 =	sld [smem:$0x3FAD]  }
0x29: {  	s4 =	sld [smem:$0x3FAF]  }
0x2a: {  	p0 =	seq.s32 s5, $0x0;
	s5 =	sld [smem:$0x3FB0]  }
0x2b: {  	s6 =	sld [smem:$0x3FB1]  }
0x2c: {  	s7 =	sld [smem:$0x3FB2]  }
0x2d: {  	s3 =	simm.s32 $0x108;
	s8 =	sld [smem:$0x3FB3]  }
0x2e: {  	s3 =	simm.s32 @!p0 $0x1082;
	s9 =	sld [smem:$0x3FB4]  }
0x2f: {  	lr =	sadd.s32 s0, s3;
	s0 =	sld [smem:$0x3FAB]  }
0x30: {  	s3 =	sld [smem:$0x3FAE]  }
0x31: {  	[smem:$0x3FB7] =	sst s10  }
0x32: {  	s10 =	sld [smem:$0x3FB5];
	_ =	sdelay $0x3  }
0x33: {  	p0 =	seq.s32 s10, $0x1;
	s10 =	sld [smem:$0x3FB7];
	_ =	sdelay $0x3  }
0x34: {  	[smem:$0x3FB7] =	sst s10  }
0x35: {  	s10 =	sld [smem:$0x3FB6];
	_ =	sdelay $0x3  }
0x36: {  	p1 =	seq.s32 s10, $0x1;
	s10 =	sld [smem:$0x3FB7];
	_ =	sdelay $0x3  }
0x37: {  	[smem:$0x3FB7] =	sst s10  }
0x38: {  	s10 =	sld [smem:$0x3FB8]  }
0x39: {  	_ = 	snop;
	(pc) =	sbr.ind lr, $3  }
0x3a: {  	_ = 	snop  }
0x3b: {  	_ = 	snop  }
0x3c: {  	p2 =	seq.s32 s10, $0x1;
	s10 =	sld [smem:$0x3FB7]  }
0x3d: {  	_ =	shalt  }
0x3e: {  	_ =	shalt  }
0x3f: {  	_ =	shalt  }
0x40: {  	_ =	shalt  }
0x41: {  	_ =	shalt  }
0x42: {  	_ =	shalt  }
0x43: {  	_ =	shalt  }
0x44: {  	_ =	shalt  }
0x45: {  	_ =	shalt  }
0x46: {  	_ =	shalt  }
0x47: {  	_ =	shalt  }
0x48: {  	_ =	shalt  }
0x49: {  	_ =	shalt  }
0x4a: {  	_ =	shalt  }
0x4b: {  	_ =	shalt  }
0x4c: {  	_ =	shalt  }
0x4d: {  	_ =	shalt  }
0x4e: {  	_ =	shalt  }
0x4f: {  	_ =	shalt  }
0x50: {  	_ =	shalt  }
0x51: {  	_ =	shalt  }
0x52: {  	_ =	shalt  }
0x53: {  	_ =	shalt  }
0x54: {  	_ =	shalt  }
0x55: {  	_ =	shalt  }
0x56: {  	_ =	shalt  }
0x57: {  	_ =	shalt  }
0x58: {  	_ =	shalt  }
0x59: {  	_ =	shalt  }
0x5a: {  	_ =	shalt  }
0x5b: {  	_ =	shalt  }
0x5c: {  	_ =	shalt  }
0x5d: {  	_ =	shalt  }
0x5e: {  	_ =	shalt  }
0x5f: {  	_ =	shalt  }
0x60: {  	_ =	shalt  }
0x61: {  	_ =	shalt  }
0x62: {  	_ =	shalt  }
0x63: {  	_ =	shalt  }
0x64: {  	_ =	shalt  }
0x65: {  	_ =	shalt  }
0x66: {  	_ =	shalt  }
0x67: {  	_ =	shalt  }
0x68: {  	_ =	shalt  }
0x69: {  	_ =	shalt  }
0x6a: {  	_ =	shalt  }
0x6b: {  	_ =	shalt  }
0x6c: {  	_ =	shalt  }
0x6d: {  	_ =	shalt  }
0x6e: {  	_ =	shalt  }
0x6f: {  	_ =	shalt  }
0x70: {  	_ =	shalt  }
0x71: {  	_ =	shalt  }
0x72: {  	_ =	shalt  }
0x73: {  	_ =	shalt  }
0x74: {  	_ =	shalt  }
0x75: {  	_ =	shalt  }
0x76: {  	_ =	shalt  }
0x77: {  	_ =	shalt  }
0x78: {  	_ =	shalt  }
0x79: {  	_ =	shalt  }
0x7a: {  	_ =	shalt  }
0x7b: {  	_ =	shalt  }
0x7c: {  	_ =	shalt  }
0x7d: {  	_ =	shalt  }
0x7e: {  	_ =	shalt  }
0x7f: {  	_ =	shalt  }
0x80: {  	_ =	shalt  }
0x81: {  	_ =	shalt  }
0x82: {  	_ =	shalt  }
0x83: {  	_ =	shalt  }
0x84: {  	_ =	shalt  }
0x85: {  	_ =	shalt  }
0x86: {  	_ =	shalt  }
0x87: {  	_ =	shalt  }
.Lfunc_end0:
.L_simem_size_0:
called_computation_lowered:
.L_overlay_start_0:
0x88: {  	s2 =	sld [smem:$0x3FD9]  }
0x89: {  	s3 =	sld [smem:$0x3FFE];
	_ =	sdelay $0x1  }
0x8a: {  	s1 =	srdreg.scid  }
0x8b: {  	s0 =	sand.u32 $0x1, s1  }
0x8c: {  	s18 =	sshll.u32 s0, $0xA;
	s2 =	sadd.s32 s3, s2  }
0x8d: {  	s2 =	sadd.s32 s2, s18  }
0x8e: {  	[smem:$0x3FC3] =	sst s2  }
0x8f: {  	_ = 	snop  }
0x90: {  	s2 =	sld [smem:$0x3FC9]  }
0x91: {  	s19 =	sld [smem:$0x3FC8]  }
0x92: {  	s4 =	sld [smem:$0x3FC7]  }
0x93: {  	s5 =	sld [smem:$0x3FC6]  }
0x94: {  	s6 =	sld [smem:$0x3FC5]  }
0x95: {  	s7 =	sld [smem:$0x3FD0];
	(tm) =	ssettm $0x1  }
0x96: {  	s8 =	sld [smem:$0x3FFB];
	_ =	sdelay $0x3  }
0x97: {  	_ =	strace s8  }
0x98: {  	s8 =	sld [smem:$0x3FFC];
	_ =	sdelay $0x3  }
0x99: {  	_ =	strace s8  }
0x9a: {  	s8 =	sld [smem:$0x3FFD];
	_ =	sdelay $0x3  }
0x9b: {  	_ =	strace s8  }
0x9c: {  	_ =	strace $0x8FFFFFFF  }
0x9d: {  	s20 =	sld [smem:$0x3FDB];
	_ =	sdelay $0x1  }
0x9e: {  	s9 =	simm.s32 $_scs_section_size  }
0x9f: {  	s10 =	simm.s32 $_size__tile_overlayer_lowered;
	s11 =	simm.s32 $_tile_overlayer_lowered  }
0xa0: {  	s23 =	simm.s32 $0x1BFF;
	s22 =	sshll.u32 s11, $0x1;
	s8 =	sadd.s32 s9, s20  }
0xa1: {  	s12 =	simm.s32 $0x0;
	s21 =	sshll.u32 s10, $0x1;
	s10 =	sadd.s32 s22, s8  }
0xa2: {  	[timem:s12], [sflag:s23] =	dma.local [hbm:s10], s21  }
0xa3: {  	_ =	swait.ge [sflag:s23], s21  }
0xa4: {  	s9 =	ssub.s32 $0x0, s21;
	[sflag:s23] =	ssyncset.done $0x0  }
0xa5: {  	[sflag:s23] =	ssyncadd.s32 s9;
	_ =	sdelay $0x1  }
0xa6: {  	s24 =	simm.s32 $0x1B8B  }
0xa7: {  	_ =	swait.ge [sflag:s24], $0x1  }
0xa8: {  	[sflag:s24] =	ssyncset.done $0x0  }
0xa9: {  	s25 =	simm.s32 $0x1B8E;
	[sflag:s24] =	ssyncadd.s32 $0xFFFFFFFF  }
0xaa: {  	s26 =	simm.s32 $execute0_lowered;
	[smem:$0x3FD2] =	sst s25  }
0xab: {  	s9 =	sshll.u32 s26, $0x1;
	_ =	strace $0x80000046;
	[dreg:$0x1] =	wrdreg $0xFFFFFFFF  }
0xac: {  	s28 =	simm.s32 $_size_execute0_lowered;
	s8 =	sadd.s32 s8, s9;
	[dreg:$0x0] =	wrdreg $0x0  }
0xad: {  	s9 =	sshll.u32 s28, $0x1;
	[dreg:$0x2] =	wrdreg s8  }
0xae: {  	[dreg:$0x3] =	wrdreg s9  }
0xaf: {  	[dreg:$0x4] =	wrdreg $0xC0  }
0xb0: {  	_ =	task [dreg:s12], $0x5FFFF  }
0xb1: {  	[dreg:$0x1] =	wrdreg $0xFFFFFFFF  }
0xb2: {  	[dreg:$0x0] =	wrdreg $0x60  }
0xb3: {  	[dreg:$0x2] =	wrdreg s2  }
0xb4: {  	[dreg:$0x3] =	wrdreg s19  }
0xb5: {  	[dreg:$0x4] =	wrdreg s4  }
0xb6: {  	[dreg:$0x5] =	wrdreg s5  }
0xb7: {  	[dreg:$0x6] =	wrdreg s6  }
0xb8: {  	[dreg:$0x7] =	wrdreg s7  }
0xb9: {  	[dreg:$0x8] =	wrdreg $0x9  }
0xba: {  	_ =	task.clear_ibuf [dreg:s12], $0x9FFFF;
	_ =	strace $0x90000046  }
0xbb: {  	s29 =	simm.s32 $0x9;
	_ =	strace $0x80000048  }
0xbc: {  	_ =	swait.ge [sflag:s29], $0x1  }
0xbd: {  	[sflag:s29] =	ssyncadd.s32 $0xFFFFFFFF  }
0xbe: {  	_ =	strace $0x90000048  }
0xbf: {  	_ =	sfence  }
0xc0: {  	s30 =	sld [smem:$0x0];
	_ =	sdelay $0x2  }
0xc1: {  	s31 =	sshll.u32 s1, $0xD;
	s1 =	sshrl.u32 s1, $0x2  }
0xc2: {  	s3 =	sand.u32 $0x4000, s31;
	s1 =	sadd.s32 s1, s30  }
0xc3: {  	s0 =	sor.u32 s3, s0;
	s1 =	sshll.u32 s1, $0x11  }
0xc4: {  	s0 =	sor.u32 s1, s0  }
0xc5: {  	s0 =	sadd.s32 $0x8F2B, s0  }
0xc6: {  	[sflag:s0] =	ssyncadd.remote.s32 $0x1  }
0xc7: {  	_ =	sfence.sel $0xFFFF  }
0xc8: {  	[dreg:$0x0] =	wrdreg $0xFFFFFFFF;
	(pc) =	sbr.abs _section_cstart, $3  }
0xc9: {  	[dreg:$0x1] =	wrdreg $0xFFFFFFFF  }
0xca: {  	_ =	task.clear_ibuf [dreg:s12], $0x2FFFF;
	_ =	strace $0x9FFFFFFF  }
0xcb: {  	(tm) =	ssettm $0x7FFFFFFF  }
tec
execute0_lowered:
.L_overlay_start_1:
0x0: {  	(tag) =	ssettag $0x1  }
0x1: {  	s0 =	rddreg [dreg:$0x0]  }
0x2: {  	s1 =	rddreg [dreg:$0x1]  }
0x3: {  	s2 =	rddreg [dreg:$0x2]  }
0x4: {  	s4 =	rddreg [dreg:$0x5];
	s3 =	srdreg.scid  }
0x5: {  	s5 =	simm.s32 $0x0;
	s7 =	stileid.u32;
	s28 =	simm.s32 $0x2  }
0x6: {  	s30 =	simm.s32 $0x3;
	s31 =	simm.s32 $0x4;
	s3 =	sand.u32 $0x1, s3  }
0x7: {  	[smem:$0x7FF] =	sst s5;
	s7 =	sshll.u32 s7, $0x1;
	s6 =	ssub.s32 $0x2, s3  }
0x8: {  	_ =	strace $0x80000047;
	s3 =	sor.u32 s3, s7;
	s8 =	sshrl.u32 s6, $0x1  }
0x9: {  	s7 =	sshll.u32 s3, $0x7;
	s20 =	sshll.u32 s3, $0xB;
	s23 =	sshll.u32 s3, $0xD  }
0xa: {  	p0 =	sne.s32 s3, $0x0;
	s6 =	ssub.s32 s6, s8;
	s2 =	sadd.s32 s2, s20  }
0xb: {  	s9 =	sadd.s32 s0, s20;
	s21 =	sor.u32 $0x1, s7;
	[dreg:$0x7] =	wrdreg s2  }
0xc: {  	s25 =	sadd.s32 s23, s4;
	s22 =	sadd.s32 $0x200, s9;
	[dreg:$0x8] =	wrdreg s9  }
0xd: {  	s14 =	sadd.s32 s1, s20;
	s24 =	sadd.s32 $0x400, s9;
	[dreg:$0x9] =	wrdreg s22  }
0xe: {  	s8 =	simm.s32 $0x4000;
	s26 =	sadd.s32 $0x600, s9;
	[dreg:$0xb] =	wrdreg s24  }
0xf: {  	s0 =	sshll.u32 s21, $0x6;
	s29 =	smax.u32 s6, $0x1;
	[dreg:$0xd] =	wrdreg s26  }
0x10: {  	s1 =	simm.s32 $0x0;
	s0 =	sadd.s32 s4, s0;
	[dreg:$0xe] =	wrdreg s29  }
0x11: {  	s13 =	smov.u32 s21;
	[dreg:$0xa] =	wrdreg s0;
	s0 =	sadd.s32 $0x840, s25  }
0x12: {  	s16 =	sadd.s32 $0xFFFFFE00, s14;
	s25 =	simm.s32 $0x1;
	[dreg:$0xc] =	wrdreg s0  }
.LBB2_1:
0x13: {  	[dreg:$0xf] =	wrdreg s1  }
0x14: {  	s0 =	rddreg [dreg:$0x3];
	s19 =	simm.s32 $0x14200  }
0x15: {  	[tilespmem:s19], [sflag:$0x5] =	stream.linear.gather [hbm4b:s0+s5], $0x100, $0x38;
	[tilespmem:$0x14380] =	vst v63  }
0x16: {  	s20 =	rddreg [dreg:$0x4];
	s21 =	simm.s32 $0x14300  }
0x17: {  	[tilespmem:s21], [sflag:$0x5] =	stream.linear.gather [hbm4b:s20+s5], $0x80, $0x38;
	[tilespmem:$0x14380] =	vst v63  }
0x18: {  	s22 =	rddreg [dreg:$0x7]  }
0x19: {  	[tilespmem:s5], [sflag:$0x5] =	stream.linear.gather [hbm4b:s22+s5], $0x4000, $0x38;
	[tilespmem:$0x14380] =	vst v63  }
0x1a: {  	s23 =	rddreg [dreg:$0x8];
	s24 =	simm.s32 $0x1000;
	s2 =	simm.s32 $0x80000  }
0x1b: {  	[tilespmem:s8], [sflag:$0x1] =	stream.strided.gather [hbm4b:s23+s24], $0x4000, s2, s24, $0x38;
	[tilespmem:$0x14380] =	vst v63  }
0x1c: {  	s26 =	rddreg [dreg:$0x9];
	s3 =	simm.s32 $0x8000;
	s29 =	simm.s32 $0x5  }
0x1d: {  	[tilespmem:s3], [sflag:$0x2] =	stream.strided.gather [hbm4b:s26+s24], $0x4000, s2, s24, $0x38;
	[tilespmem:$0x14380] =	vst v63  }
0x1e: {  	_ =	swait.ge [sflag:s29], $0x100  }
0x1f: {  	[sflag:s29] =	ssyncset.done $0x0  }
0x20: {  	[sflag:s29] =	ssyncadd.s32 $0xFFFFFF00  }
0x21: {  	_ =	swait.ge [sflag:s29], $0x80  }
0x22: {  	[sflag:s29] =	ssyncset.done $0x0  }
0x23: {  	[sflag:s29] =	ssyncadd.s32 $0xFFFFFF80  }
0x24: {  	_ =	swait.ge [sflag:s29], $0x4000  }
0x25: {  	[sflag:s29] =	ssyncset.done $0x0  }
0x26: {  	[sflag:s29] =	ssyncadd.s32 $0xFFFFC000  }
0x27: {  	v8 =	vld [tilespmem:$0x14200]  }
0x28: {  	v9 =	vld [tilespmem:$0x14210]  }
0x29: {  	v10 =	vld [tilespmem:$0x14220]  }
0x2a: {  	v11 =	vld [tilespmem:$0x14230]  }
0x2b: {  	v12 =	vld [tilespmem:$0x14240]  }
0x2c: {  	v13 =	vld [tilespmem:$0x14250]  }
0x2d: {  	v14 =	vld [tilespmem:$0x14260]  }
0x2e: {  	v15 =	vld [tilespmem:$0x14270]  }
0x2f: {  	v0 =	vld [tilespmem:$0x14280]  }
0x30: {  	v1 =	vld [tilespmem:$0x14290]  }
0x31: {  	v2 =	vld [tilespmem:$0x142A0]  }
.Ltmp0:
0x32: {  	v3 =	vld [tilespmem:$0x142B0];
	(pc) =	sbr.rel @p0 .LBB2_3-.Ltmp0, $4  }
0x33: {  	v4 =	vld [tilespmem:$0x142C0]  }
0x34: {  	v5 =	vld [tilespmem:$0x142D0]  }
0x35: {  	v6 =	vld [tilespmem:$0x142E0]  }
0x36: {  	v7 =	vld [tilespmem:$0x142F0]  }
0x37: {  	v16 =	vld [tilespmem:$0x14300]  }
0x38: {  	v17 =	vld [tilespmem:$0x14310]  }
0x39: {  	v18 =	vld [tilespmem:$0x14320]  }
0x3a: {  	v19 =	vld [tilespmem:$0x14330]  }
0x3b: {  	v20 =	vld [tilespmem:$0x14340]  }
0x3c: {  	[tilespmem:$0x14000] =	vst v16;
	v16 =	vld [tilespmem:$0x14350]  }
0x3d: {  	[tilespmem:$0x14010] =	vst v17;
	v17 =	vld [tilespmem:$0x14360]  }
0x3e: {  	v49 =	vld [tilespmem:$0x14370];
	[tilespmem:$0x14020] =	vst v18  }
0x3f: {  	v50 =	vld [tilespmem:$0x14300];
	[tilespmem:$0x14030] =	vst v19  }
0x40: {  	v51 =	vld [tilespmem:$0x14310];
	[tilespmem:$0x14040] =	vst v20  }
0x41: {  	[tilespmem:$0x14050] =	vst v16;
	v16 =	vld [tilespmem:$0x14320]  }
0x42: {  	[tilespmem:$0x14060] =	vst v17;
	v17 =	vld [tilespmem:$0x14330]  }
0x43: {  	v52 =	vld [tilespmem:$0x14340];
	[tilespmem:$0x14070] =	vst v49  }
0x44: {  	v53 =	vld [tilespmem:$0x14350];
	[tilespmem:$0x14080] =	vst v50  }
0x45: {  	v54 =	vld [tilespmem:$0x14360];
	[tilespmem:$0x14090] =	vst v51  }
0x46: {  	[tilespmem:$0x140A0] =	vst v16;
	v16 =	vld [tilespmem:$0x14370]  }
0x47: {  	[tilespmem:$0x140B0] =	vst v17;
	v17 =	vld [tilespmem:$0x14300]  }
0x48: {  	v55 =	vld [tilespmem:$0x14310];
	[tilespmem:$0x140C0] =	vst v52  }
0x49: {  	v56 =	vld [tilespmem:$0x14320];
	[tilespmem:$0x140D0] =	vst v53  }
0x4a: {  	v57 =	vld [tilespmem:$0x14330];
	[tilespmem:$0x140E0] =	vst v54  }
0x4b: {  	[tilespmem:$0x140F0] =	vst v16;
	v16 =	vld [tilespmem:$0x14340]  }
0x4c: {  	[tilespmem:$0x14100] =	vst v17;
	v17 =	vld [tilespmem:$0x14350]  }
0x4d: {  	v58 =	vld [tilespmem:$0x14360];
	[tilespmem:$0x14110] =	vst v55  }
0x4e: {  	v59 =	vld [tilespmem:$0x14370];
	[tilespmem:$0x14120] =	vst v56  }
0x4f: {  	v60 =	vld [tilespmem:$0x14300];
	[tilespmem:$0x14130] =	vst v57  }
0x50: {  	[tilespmem:$0x14140] =	vst v16;
	v16 =	vld [tilespmem:$0x14310]  }
0x51: {  	[tilespmem:$0x14150] =	vst v17;
	v17 =	vld [tilespmem:$0x14320]  }
0x52: {  	v61 =	vld [tilespmem:$0x14330];
	[tilespmem:$0x14160] =	vst v58  }
0x53: {  	v62 =	vld [tilespmem:$0x14340];
	[tilespmem:$0x14170] =	vst v59  }
0x54: {  	v63 =	vld [tilespmem:$0x14350];
	[tilespmem:$0x14180] =	vst v60  }
0x55: {  	[tilespmem:$0x14190] =	vst v16;
	v16 =	vld [tilespmem:$0x14360]  }
0x56: {  	[tilespmem:$0x141A0] =	vst v17;
	v17 =	vld [tilespmem:$0x14370]  }
0x57: {  	[tilespmem:$0x141B0] =	vst v61  }
0x58: {  	[tilespmem:$0x141C0] =	vst v62  }
0x59: {  	[tilespmem:$0x141D0] =	vst v63  }
0x5a: {  	[tilespmem:$0x141E0] =	vst v16  }
0x5b: {  	s0 =	simm.s32 $0x14000;
	s29 =	simm.s32 $0x5;
	[tilespmem:$0x141F0] =	vst v17  }
0x5c: {  	[hbm4b:s4+s5] =	stream.linear.scatter [tilespmem:s0], [sflag:$0x5], $0x200, $0x38;
	[tilespmem:$0x14380] =	vst v63  }
0x5d: {  	_ =	swait.ge [sflag:s29], $0x200  }
0x5e: {  	[sflag:s29] =	ssyncset.done $0x0  }
0x5f: {  	[sflag:s29] =	ssyncadd.s32 $0xFFFFFE00  }
.LBB2_3:
0x60: {  	_ =	swait.ge [sflag:s25], $0x4000  }
0x61: {  	[sflag:s25] =	ssyncset.done $0x0  }
0x62: {  	s2 =	simm.s32 $0x0;
	[sflag:s25] =	ssyncadd.s32 $0xFFFFC000  }
0x63: {  	v17 =	vld [tilespmem:s2+$0x0]  }
0x64: {  	v8 =	vsub.f32 v8, v0  }
0x65: {  	v18 =	vld [tilespmem:s2+$0x4000]  }
0x66: {  	v16 =	vadd.f32 v8, v0;
	_ =	sdelay $0x1  }
0x67: {  	v17 =	vadd.f32 v17, v16;
	_ =	sdelay $0x1  }
0x68: {  	v18 =	vadd.f32 v17, v18  }
0x69: {  	s1 =	simm.s32 $0xC100  }
0x6a: {  	[tilespmem:s1+$0xFFFFFF00] =	vst v18  }
0x6b: {  	v18 =	vld [tilespmem:s2+$0x5000];
	_ =	sdelay $0x4  }
0x6c: {  	v18 =	vadd.f32 v18, v17;
	_ =	sdelay $0x1  }
0x6d: {  	[tilespmem:s1+$0xFFFFFF80] =	vst v18  }
0x6e: {  	v18 =	vld [tilespmem:s2+$0x6000];
	_ =	sdelay $0x4  }
0x6f: {  	v18 =	vadd.f32 v18, v17;
	_ =	sdelay $0x1  }
0x70: {  	[tilespmem:s1+$0x0] =	vst v18  }
0x71: {  	v18 =	vld [tilespmem:s2+$0x7000];
	_ =	sdelay $0x4  }
0x72: {  	v17 =	vadd.f32 v18, v17;
	_ =	sdelay $0x1  }
0x73: {  	[tilespmem:s1+$0x80] =	vst v17  }
0x74: {  	v18 =	vld [tilespmem:s2+$0x10]  }
0x75: {  	v9 =	vsub.f32 v9, v1  }
0x76: {  	v19 =	vld [tilespmem:s2+$0x4010]  }
0x77: {  	v17 =	vadd.f32 v9, v1;
	_ =	sdelay $0x1  }
0x78: {  	s6 =	simm.s32 $0x80;
	v18 =	vadd.f32 v18, v17  }
0x79: {  	v20 =	vld [tilespmem:s6+$0x0]  }
0x7a: {  	v19 =	vadd.f32 v18, v19  }
0x7b: {  	v21 =	vld [tilespmem:s6+$0x4000]  }
0x7c: {  	[tilespmem:s1+$0xFFFFFF10] =	vst v19  }
0x7d: {  	v19 =	vld [tilespmem:s2+$0x5010]  }
0x7e: {  	v20 =	vadd.f32 v20, v16;
	_ =	sdelay $0x1  }
0x7f: {  	v21 =	vadd.f32 v20, v21  }
0x80: {  	s3 =	simm.s32 $0xC300  }
0x81: {  	[tilespmem:s3+$0xFFFFFF00] =	vst v21;
	v19 =	vadd.f32 v19, v18  }
0x82: {  	v21 =	vld [tilespmem:s6+$0x5000]  }
0x83: {  	[tilespmem:s1+$0xFFFFFF90] =	vst v19  }
0x84: {  	v19 =	vld [tilespmem:s2+$0x6010];
	_ =	sdelay $0x2  }
0x85: {  	v21 =	vadd.f32 v21, v20;
	_ =	sdelay $0x1  }
0x86: {  	[tilespmem:s3+$0xFFFFFF80] =	vst v21;
	v19 =	vadd.f32 v19, v18  }
0x87: {  	v21 =	vld [tilespmem:s6+$0x6000]  }
0x88: {  	[tilespmem:s1+$0x10] =	vst v19  }
0x89: {  	v19 =	vld [tilespmem:s2+$0x7010];
	_ =	sdelay $0x2  }
0x8a: {  	v21 =	vadd.f32 v21, v20;
	_ =	sdelay $0x1  }
0x8b: {  	[tilespmem:s3+$0x0] =	vst v21;
	v18 =	vadd.f32 v19, v18  }
0x8c: {  	v21 =	vld [tilespmem:s6+$0x7000]  }
0x8d: {  	[tilespmem:s1+$0x90] =	vst v18  }
0x8e: {  	v18 =	vld [tilespmem:s2+$0x20]  }
0x8f: {  	v10 =	vsub.f32 v10, v2  }
0x90: {  	v22 =	vld [tilespmem:s2+$0x4020]  }
0x91: {  	v20 =	vadd.f32 v21, v20;
	v19 =	vadd.f32 v10, v2;
	_ =	sdelay $0x1  }
0x92: {  	[tilespmem:s3+$0x80] =	vst v20;
	v18 =	vadd.f32 v18, v19  }
0x93: {  	v20 =	vld [tilespmem:s6+$0x10]  }
0x94: {  	v21 =	vadd.f32 v18, v22  }
0x95: {  	v22 =	vld [tilespmem:s6+$0x4010]  }
0x96: {  	[tilespmem:s1+$0xFFFFFF20] =	vst v21  }
0x97: {  	v21 =	vld [tilespmem:s2+$0x5020]  }
0x98: {  	s10 =	simm.s32 $0x100;
	v20 =	vadd.f32 v20, v17  }
0x99: {  	v23 =	vld [tilespmem:s10+$0x0]  }
0x9a: {  	v22 =	vadd.f32 v20, v22  }
0x9b: {  	v24 =	vld [tilespmem:s10+$0x4000]  }
0x9c: {  	[tilespmem:s3+$0xFFFFFF10] =	vst v22;
	v21 =	vadd.f32 v21, v18  }
0x9d: {  	v22 =	vld [tilespmem:s6+$0x5010]  }
0x9e: {  	v23 =	vadd.f32 v23, v16;
	[tilespmem:s1+$0xFFFFFFA0] =	vst v21  }
0x9f: {  	v21 =	vld [tilespmem:s2+$0x6020]  }
0xa0: {  	v24 =	vadd.f32 v23, v24  }
0xa1: {  	s9 =	simm.s32 $0xC500  }
0xa2: {  	[tilespmem:s9+$0xFFFFFF00] =	vst v24;
	v22 =	vadd.f32 v22, v20  }
0xa3: {  	v24 =	vld [tilespmem:s10+$0x5000]  }
0xa4: {  	[tilespmem:s3+$0xFFFFFF90] =	vst v22;
	v21 =	vadd.f32 v21, v18  }
0xa5: {  	v22 =	vld [tilespmem:s6+$0x6010]  }
0xa6: {  	[tilespmem:s1+$0x20] =	vst v21  }
0xa7: {  	v21 =	vld [tilespmem:s2+$0x7020]  }
0xa8: {  	v24 =	vadd.f32 v24, v23;
	_ =	sdelay $0x1  }
0xa9: {  	[tilespmem:s9+$0xFFFFFF80] =	vst v24;
	v22 =	vadd.f32 v22, v20  }
0xaa: {  	v24 =	vld [tilespmem:s10+$0x6000]  }
0xab: {  	[tilespmem:s3+$0x10] =	vst v22;
	v18 =	vadd.f32 v21, v18  }
0xac: {  	v22 =	vld [tilespmem:s6+$0x7010]  }
0xad: {  	[tilespmem:s1+$0xA0] =	vst v18  }
0xae: {  	v18 =	vld [tilespmem:s2+$0x30]  }
0xaf: {  	v11 =	vsub.f32 v11, v3;
	v24 =	vadd.f32 v24, v23  }
0xb0: {  	v25 =	vld [tilespmem:s2+$0x4030]  }
0xb1: {  	[tilespmem:s9+$0x0] =	vst v24;
	v21 =	vadd.f32 v11, v3;
	v20 =	vadd.f32 v22, v20  }
0xb2: {  	v22 =	vld [tilespmem:s10+$0x7000]  }
0xb3: {  	[tilespmem:s3+$0x90] =	vst v20;
	v18 =	vadd.f32 v18, v21  }
0xb4: {  	v20 =	vld [tilespmem:s6+$0x20]  }
0xb5: {  	v24 =	vadd.f32 v18, v25  }
0xb6: {  	v25 =	vld [tilespmem:s6+$0x4020]  }
0xb7: {  	v22 =	vadd.f32 v22, v23;
	[tilespmem:s1+$0xFFFFFF30] =	vst v24  }
0xb8: {  	v23 =	vld [tilespmem:s2+$0x5030]  }
0xb9: {  	[tilespmem:s9+$0x80] =	vst v22;
	v20 =	vadd.f32 v20, v19  }
0xba: {  	v22 =	vld [tilespmem:s10+$0x10]  }
0xbb: {  	v24 =	vadd.f32 v20, v25  }
0xbc: {  	v25 =	vld [tilespmem:s10+$0x4010]  }
0xbd: {  	[tilespmem:s3+$0xFFFFFF20] =	vst v24;
	v23 =	vadd.f32 v23, v18  }
0xbe: {  	s11 =	simm.s32 $0x180;
	v24 =	vld [tilespmem:s6+$0x5020]  }
0xbf: {  	v26 =	vld [tilespmem:s11+$0x0];
	v27 =	vadd.f32 v22, v17;
	[tilespmem:s1+$0xFFFFFFB0] =	vst v23  }
0xc0: {  	v22 =	vld [tilespmem:s2+$0x6030]  }
0xc1: {  	v23 =	vadd.f32 v27, v25;
	v25 =	vld [tilespmem:s11+$0x4000];
	_ =	sdelay $0x1  }
0xc2: {  	[tilespmem:s9+$0xFFFFFF10] =	vst v23;
	v23 =	vadd.f32 v24, v20  }
0xc3: {  	v26 =	vadd.f32 v26, v16;
	v24 =	vld [tilespmem:s10+$0x5010]  }
0xc4: {  	[tilespmem:s3+$0xFFFFFFA0] =	vst v23;
	v22 =	vadd.f32 v22, v18  }
0xc5: {  	v25 =	vadd.f32 v26, v25;
	v23 =	vld [tilespmem:s6+$0x6020]  }
0xc6: {  	s7 =	simm.s32 $0xC700;
	[tilespmem:s1+$0x30] =	vst v22  }
0xc7: {  	[tilespmem:s7+$0xFFFFFF00] =	vst v25;
	v22 =	vld [tilespmem:s2+$0x7030]  }
0xc8: {  	v24 =	vadd.f32 v24, v27;
	v25 =	vld [tilespmem:s11+$0x5000];
	_ =	sdelay $0x1  }
0xc9: {  	[tilespmem:s9+$0xFFFFFF90] =	vst v24;
	v23 =	vadd.f32 v23, v20  }
0xca: {  	v24 =	vld [tilespmem:s10+$0x6010]  }
0xcb: {  	[tilespmem:s3+$0x20] =	vst v23;
	v18 =	vadd.f32 v22, v18  }
0xcc: {  	v23 =	vld [tilespmem:s6+$0x7020];
	v22 =	vadd.f32 v25, v26  }
0xcd: {  	[tilespmem:s1+$0xB0] =	vst v18  }
0xce: {  	[tilespmem:s7+$0xFFFFFF80] =	vst v22;
	v18 =	vld [tilespmem:s2+$0x40]  }
0xcf: {  	v12 =	vsub.f32 v12, v4;
	v24 =	vadd.f32 v24, v27;
	v25 =	vld [tilespmem:s11+$0x6000]  }
0xd0: {  	v28 =	vld [tilespmem:s2+$0x4040]  }
0xd1: {  	v22 =	vadd.f32 v12, v4;
	[tilespmem:s9+$0x10] =	vst v24;
	v20 =	vadd.f32 v23, v20  }
0xd2: {  	v23 =	vld [tilespmem:s10+$0x7010]  }
0xd3: {  	[tilespmem:s3+$0xA0] =	vst v20;
	v18 =	vadd.f32 v18, v22  }
0xd4: {  	v20 =	vld [tilespmem:s6+$0x30];
	v24 =	vadd.f32 v25, v26  }
0xd5: {  	v25 =	vadd.f32 v18, v28  }
0xd6: {  	v28 =	vld [tilespmem:s6+$0x4030];
	[tilespmem:s7+$0x0] =	vst v24  }
0xd7: {  	v23 =	vadd.f32 v23, v27;
	v24 =	vld [tilespmem:s11+$0x7000];
	[tilespmem:s1+$0xFFFFFF40] =	vst v25  }
0xd8: {  	v25 =	vld [tilespmem:s2+$0x5040]  }
0xd9: {  	[tilespmem:s9+$0x90] =	vst v23;
	v20 =	vadd.f32 v20, v21  }
0xda: {  	v23 =	vld [tilespmem:s10+$0x20]  }
0xdb: {  	v27 =	vadd.f32 v20, v28  }
0xdc: {  	v28 =	vld [tilespmem:s10+$0x4020];
	v24 =	vadd.f32 v24, v26  }
0xdd: {  	[tilespmem:s3+$0xFFFFFF30] =	vst v27;
	v25 =	vadd.f32 v25, v18  }
0xde: {  	v26 =	vld [tilespmem:s6+$0x5030];
	[tilespmem:s7+$0x80] =	vst v24  }
0xdf: {  	v24 =	vadd.f32 v23, v19;
	v23 =	vld [tilespmem:s11+$0x10];
	[tilespmem:s1+$0xFFFFFFC0] =	vst v25  }
0xe0: {  	v25 =	vld [tilespmem:s2+$0x6040]  }
0xe1: {  	v27 =	vadd.f32 v24, v28;
	v28 =	vld [tilespmem:s11+$0x4010];
	_ =	sdelay $0x1  }
0xe2: {  	[tilespmem:s9+$0xFFFFFF20] =	vst v27;
	v26 =	vadd.f32 v26, v20  }
0xe3: {  	s0 =	simm.s32 $0x200;
	v27 =	vld [tilespmem:s10+$0x5020];
	v29 =	vadd.f32 v23, v17  }
0xe4: {  	v23 =	vld [tilespmem:s0+$0x0];
	[tilespmem:s3+$0xFFFFFFB0] =	vst v26;
	v25 =	vadd.f32 v25, v18  }
0xe5: {  	v26 =	vld [tilespmem:s6+$0x6030];
	v28 =	vadd.f32 v29, v28  }
0xe6: {  	v30 =	vld [tilespmem:s0+$0x4000];
	[tilespmem:s1+$0x40] =	vst v25  }
0xe7: {  	[tilespmem:s7+$0xFFFFFF10] =	vst v28;
	v25 =	vld [tilespmem:s2+$0x7040]  }
0xe8: {  	v27 =	vadd.f32 v27, v24;
	v28 =	vld [tilespmem:s11+$0x5010]  }
0xe9: {  	v31 =	vadd.f32 v23, v16  }
0xea: {  	[tilespmem:s9+$0xFFFFFFA0] =	vst v27;
	v23 =	vadd.f32 v26, v20  }
0xeb: {  	v26 =	vld [tilespmem:s10+$0x6020];
	v27 =	vadd.f32 v31, v30  }
0xec: {  	s12 =	simm.s32 $0xC900;
	[tilespmem:s3+$0x30] =	vst v23;
	v18 =	vadd.f32 v25, v18  }
0xed: {  	[tilespmem:s12+$0xFFFFFF00] =	vst v27;
	v25 =	vld [tilespmem:s6+$0x7030];
	v23 =	vadd.f32 v28, v29  }
0xee: {  	v27 =	vld [tilespmem:s0+$0x5000];
	[tilespmem:s1+$0xC0] =	vst v18  }
0xef: {  	[tilespmem:s7+$0xFFFFFF90] =	vst v23;
	v18 =	vld [tilespmem:s2+$0x50]  }
0xf0: {  	v13 =	vsub.f32 v13, v5;
	v26 =	vadd.f32 v26, v24;
	v28 =	vld [tilespmem:s11+$0x6010]  }
0xf1: {  	v30 =	vld [tilespmem:s2+$0x4050]  }
0xf2: {  	v23 =	vadd.f32 v13, v5;
	[tilespmem:s9+$0x20] =	vst v26;
	v20 =	vadd.f32 v25, v20  }
0xf3: {  	v25 =	vld [tilespmem:s10+$0x7020];
	v26 =	vadd.f32 v27, v31  }
0xf4: {  	[tilespmem:s3+$0xB0] =	vst v20;
	v18 =	vadd.f32 v18, v23  }
0xf5: {  	[tilespmem:s12+$0xFFFFFF80] =	vst v26;
	v20 =	vld [tilespmem:s6+$0x40];
	v26 =	vadd.f32 v28, v29  }
0xf6: {  	v27 =	vld [tilespmem:s0+$0x6000];
	v28 =	vadd.f32 v18, v30  }
0xf7: {  	[tilespmem:s7+$0x10] =	vst v26;
	v26 =	vld [tilespmem:s6+$0x4040]  }
0xf8: {  	v24 =	vadd.f32 v25, v24;
	v25 =	vld [tilespmem:s11+$0x7010];
	[tilespmem:s1+$0xFFFFFF50] =	vst v28  }
0xf9: {  	v28 =	vld [tilespmem:s2+$0x5050]  }
0xfa: {  	[tilespmem:s9+$0xA0] =	vst v24;
	v24 =	vadd.f32 v20, v22  }
0xfb: {  	v20 =	vld [tilespmem:s10+$0x30];
	v27 =	vadd.f32 v27, v31  }
0xfc: {  	v26 =	vadd.f32 v24, v26  }
0xfd: {  	v30 =	vld [tilespmem:s10+$0x4030];
	[tilespmem:s12+$0x0] =	vst v27;
	v25 =	vadd.f32 v25, v29  }
0xfe: {  	v27 =	vld [tilespmem:s0+$0x7000];
	[tilespmem:s3+$0xFFFFFF40] =	vst v26;
	v26 =	vadd.f32 v28, v18  }
0xff: {  	[tilespmem:s7+$0x90] =	vst v25;
	v25 =	vld [tilespmem:s6+$0x5040]  }
0x100: {  	v28 =	vadd.f32 v20, v21;
	v20 =	vld [tilespmem:s11+$0x20];
	[tilespmem:s1+$0xFFFFFFD0] =	vst v26  }
0x101: {  	v26 =	vld [tilespmem:s2+$0x6050]  }
0x102: {  	v29 =	vadd.f32 v28, v30;
	v30 =	vld [tilespmem:s11+$0x4020]  }
0x103: {  	v27 =	vadd.f32 v27, v31  }
0x104: {  	[tilespmem:s9+$0xFFFFFF30] =	vst v29;
	v25 =	vadd.f32 v25, v24  }
0x105: {  	v29 =	vld [tilespmem:s10+$0x5030];
	[tilespmem:s12+$0x80] =	vst v27;
	v27 =	vadd.f32 v20, v19  }
0x106: {  	v20 =	vld [tilespmem:s0+$0x10];
	[tilespmem:s3+$0xFFFFFFC0] =	vst v25;
	v25 =	vadd.f32 v26, v18  }
0x107: {  	v26 =	vadd.f32 v27, v30;
	v30 =	vld [tilespmem:s6+$0x6040]  }
0x108: {  	v31 =	vld [tilespmem:s0+$0x4010];
	[tilespmem:s1+$0x50] =	vst v25  }
0x109: {  	[tilespmem:s7+$0xFFFFFF20] =	vst v26;
	v25 =	vld [tilespmem:s2+$0x7050]  }
0x10a: {  	v26 =	vadd.f32 v29, v28;
	v29 =	vld [tilespmem:s11+$0x5020]  }
0x10b: {  	s15 =	simm.s32 $0x280;
	v32 =	vadd.f32 v20, v17  }
0x10c: {  	v20 =	vld [tilespmem:s15+$0x0];
	[tilespmem:s9+$0xFFFFFFB0] =	vst v26;
	v26 =	vadd.f32 v30, v24  }
0x10d: {  	v30 =	vld [tilespmem:s10+$0x6030];
	v31 =	vadd.f32 v32, v31  }
0x10e: {  	v33 =	vld [tilespmem:s15+$0x4000];
	[tilespmem:s3+$0x40] =	vst v26;
	v18 =	vadd.f32 v25, v18  }
0x10f: {  	[tilespmem:s12+$0xFFFFFF10] =	vst v31;
	v25 =	vadd.f32 v29, v27;
	v26 =	vld [tilespmem:s6+$0x7040]  }
0x110: {  	v29 =	vld [tilespmem:s0+$0x5010];
	[tilespmem:s1+$0xD0] =	vst v18  }
0x111: {  	v18 =	vadd.f32 v20, v16;
	[tilespmem:s7+$0xFFFFFFA0] =	vst v25;
	v25 =	vld [tilespmem:s2+$0x60]  }
0x112: {  	v14 =	vsub.f32 v14, v6;
	v30 =	vadd.f32 v30, v28;
	v31 =	vld [tilespmem:s11+$0x6020]  }
0x113: {  	v34 =	vld [tilespmem:s2+$0x4060];
	v33 =	vadd.f32 v18, v33  }
0x114: {  	s19 =	simm.s32 $0xCB00;
	v20 =	vadd.f32 v14, v6;
	[tilespmem:s9+$0x30] =	vst v30;
	v24 =	vadd.f32 v26, v24  }
0x115: {  	v26 =	vld [tilespmem:s10+$0x7030];
	v29 =	vadd.f32 v29, v32;
	[tilespmem:s19+$0xFFFFFF00] =	vst v33  }
0x116: {  	v30 =	vld [tilespmem:s15+$0x5000];
	[tilespmem:s3+$0xC0] =	vst v24;
	v24 =	vadd.f32 v25, v20  }
0x117: {  	[tilespmem:s12+$0xFFFFFF90] =	vst v29;
	v25 =	vadd.f32 v31, v27;
	v29 =	vld [tilespmem:s6+$0x50]  }
0x118: {  	v31 =	vld [tilespmem:s0+$0x6010];
	v56 =	vadd.f32 v24, v34  }
0x119: {  	v57 =	vld [tilespmem:s6+$0x4050];
	[tilespmem:s7+$0x20] =	vst v25  }
0x11a: {  	v25 =	vadd.f32 v26, v28;
	v26 =	vld [tilespmem:s11+$0x7020];
	[tilespmem:s1+$0xFFFFFF60] =	vst v56  }
0x11b: {  	v28 =	vadd.f32 v30, v18;
	v30 =	vld [tilespmem:s2+$0x5060]  }
0x11c: {  	[tilespmem:s9+$0xB0] =	vst v25;
	v25 =	vadd.f32 v29, v23  }
0x11d: {  	v29 =	vld [tilespmem:s10+$0x40];
	[tilespmem:s19+$0xFFFFFF80] =	vst v28;
	v28 =	vadd.f32 v31, v32  }
0x11e: {  	v31 =	vld [tilespmem:s15+$0x6000];
	v58 =	vadd.f32 v25, v57  }
0x11f: {  	[tilespmem:s12+$0x10] =	vst v28;
	v26 =	vadd.f32 v26, v27;
	v27 =	vld [tilespmem:s10+$0x4040]  }
0x120: {  	v28 =	vld [tilespmem:s0+$0x7010];
	[tilespmem:s3+$0xFFFFFF50] =	vst v58;
	v30 =	vadd.f32 v30, v24  }
0x121: {  	[tilespmem:s7+$0xA0] =	vst v26;
	v33 =	vld [tilespmem:s6+$0x5050]  }
0x122: {  	v26 =	vadd.f32 v29, v22;
	v59 =	vld [tilespmem:s11+$0x30];
	[tilespmem:s1+$0xFFFFFFE0] =	vst v30  }
0x123: {  	v29 =	vadd.f32 v31, v18;
	v30 =	vld [tilespmem:s2+$0x6060]  }
0x124: {  	v31 =	vld [tilespmem:s11+$0x4030];
	v27 =	vadd.f32 v26, v27  }
0x125: {  	[tilespmem:s19+$0x0] =	vst v29;
	v28 =	vadd.f32 v28, v32  }
0x126: {  	v29 =	vld [tilespmem:s15+$0x7000];
	[tilespmem:s9+$0xFFFFFF40] =	vst v27;
	v60 =	vadd.f32 v33, v25  }
0x127: {  	[tilespmem:s12+$0x90] =	vst v28;
	v27 =	vadd.f32 v59, v21;
	v28 =	vld [tilespmem:s10+$0x5040]  }
0x128: {  	v61 =	vld [tilespmem:s0+$0x20];
	[tilespmem:s3+$0xFFFFFFD0] =	vst v60;
	v30 =	vadd.f32 v30, v24  }
0x129: {  	v31 =	vadd.f32 v27, v31;
	v32 =	vld [tilespmem:s6+$0x6050]  }
0x12a: {  	v62 =	vld [tilespmem:s0+$0x4020];
	[tilespmem:s1+$0x60] =	vst v30  }
0x12b: {  	v18 =	vadd.f32 v29, v18;
	[tilespmem:s7+$0xFFFFFF30] =	vst v31;
	v31 =	vld [tilespmem:s2+$0x7060]  }
0x12c: {  	s18 =	simm.s32 $0x300;
	v35 =	vld [tilespmem:s11+$0x5030];
	v30 =	vadd.f32 v28, v26  }
0x12d: {  	v28 =	vld [tilespmem:s18+$0x0];
	[tilespmem:s19+$0x80] =	vst v18;
	v29 =	vadd.f32 v61, v19  }
0x12e: {  	v36 =	vld [tilespmem:s15+$0x10];
	[tilespmem:s9+$0xFFFFFFC0] =	vst v30;
	v18 =	vadd.f32 v32, v25  }
0x12f: {  	v63 =	vadd.f32 v29, v62;
	v37 =	vld [tilespmem:s10+$0x6040]  }
0x130: {  	v30 =	vld [tilespmem:s15+$0x4010];
	[tilespmem:s3+$0x50] =	vst v18;
	v18 =	vadd.f32 v31, v24  }
0x131: {  	[tilespmem:s12+$0xFFFFFF20] =	vst v63;
	v24 =	vadd.f32 v35, v27;
	v34 =	vld [tilespmem:s6+$0x7050]  }
0x132: {  	v15 =	vsub.f32 v15, v7;
	v33 =	vld [tilespmem:s0+$0x5020];
	[tilespmem:s1+$0xE0] =	vst v18  }
0x133: {  	[tilespmem:s7+$0xFFFFFFB0] =	vst v24;
	v31 =	vadd.f32 v36, v17;
	v24 =	vld [tilespmem:s2+$0x70]  }
0x134: {  	s20 =	simm.s32 $0xE00;
	s17 =	simm.s32 $0xCB00;
	v18 =	vadd.f32 v15, v7;
	v32 =	vld [tilespmem:s11+$0x6030];
	v35 =	vadd.f32 v37, v26  }
.LBB2_4:
0x135: {  	p1 =	sne.s32 s20, $0x3E00;
	v30 =	vadd.f32 v31, v30;
	v36 =	vld [tilespmem:s2+$0x4070]  }
0x136: {  	v37 =	vld [tilespmem:s18+$0x4000];
	[tilespmem:s9+$0x40] =	vst v35;
	v25 =	vadd.f32 v34, v25  }
0x137: {  	[tilespmem:s19+$0xFFFFFF10] =	vst v30;
	v30 =	vadd.f32 v33, v29;
	v33 =	vld [tilespmem:s10+$0x7040]  }
0x138: {  	v34 =	vld [tilespmem:s15+$0x5010];
	[tilespmem:s3+$0xD0] =	vst v25;
	v24 =	vadd.f32 v24, v18  }
0x139: {  	v28 =	vadd.f32 v28, v16;
	[tilespmem:s12+$0xFFFFFFA0] =	vst v30;
	v25 =	vadd.f32 v32, v27;
	v30 =	vld [tilespmem:s6+$0x60]  }
0x13a: {  	v32 =	vld [tilespmem:s0+$0x6020];
	v35 =	vadd.f32 v24, v36  }
0x13b: {  	v36 =	vadd.f32 v28, v37;
	[tilespmem:s7+$0x30] =	vst v25;
	v25 =	vld [tilespmem:s6+$0x4060]  }
0x13c: {  	s19 =	sadd.s32 $0x200, s19;
	v37 =	vld [tilespmem:s11+$0x7030];
	v26 =	vadd.f32 v33, v26;
	[tilespmem:s1+$0xFFFFFF70] =	vst v35  }
0x13d: {  	[tilespmem:s19+$0xFFFFFF00] =	vst v36;
	v33 =	vadd.f32 v34, v31;
	v34 =	vld [tilespmem:s2+$0x5070]  }
0x13e: {  	v35 =	vld [tilespmem:s18+$0x5000];
	[tilespmem:s9+$0xC0] =	vst v26;
	v36 =	vadd.f32 v30, v20  }
0x13f: {  	[tilespmem:s17+$0xFFFFFF90] =	vst v33;
	v26 =	vadd.f32 v32, v29;
	v30 =	vld [tilespmem:s10+$0x50]  }
0x140: {  	v32 =	vld [tilespmem:s15+$0x6010];
	v25 =	vadd.f32 v36, v25  }
0x141: {  	[tilespmem:s12+$0x20] =	vst v26;
	v26 =	vadd.f32 v37, v27;
	v27 =	vld [tilespmem:s10+$0x4050]  }
0x142: {  	v33 =	vld [tilespmem:s0+$0x7020];
	[tilespmem:s3+$0xFFFFFF60] =	vst v25;
	v34 =	vadd.f32 v34, v24  }
0x143: {  	v35 =	vadd.f32 v35, v28;
	[tilespmem:s7+$0xB0] =	vst v26;
	v26 =	vld [tilespmem:s6+$0x5060]  }
0x144: {  	v37 =	vld [tilespmem:s11+$0x40];
	v25 =	vadd.f32 v30, v23;
	[tilespmem:s1+$0xFFFFFFF0] =	vst v34  }
0x145: {  	[tilespmem:s19+$0xFFFFFF80] =	vst v35;
	v30 =	vadd.f32 v32, v31;
	v32 =	vld [tilespmem:s2+$0x6070]  }
0x146: {  	v34 =	vld [tilespmem:s18+$0x6000];
	v27 =	vadd.f32 v25, v27  }
0x147: {  	[tilespmem:s17+$0x10] =	vst v30;
	v29 =	vadd.f32 v33, v29;
	v30 =	vld [tilespmem:s11+$0x4040]  }
0x148: {  	v33 =	vld [tilespmem:s15+$0x7010];
	[tilespmem:s9+$0xFFFFFF50] =	vst v27;
	v27 =	vadd.f32 v26, v36  }
0x149: {  	[tilespmem:s12+$0xA0] =	vst v29;
	v29 =	vld [tilespmem:s10+$0x5050]  }
0x14a: {  	v26 =	vadd.f32 v37, v22;
	v35 =	vld [tilespmem:s0+$0x30];
	[tilespmem:s3+$0xFFFFFFE0] =	vst v27;
	v27 =	vadd.f32 v32, v24  }
0x14b: {  	v32 =	vadd.f32 v34, v28;
	v34 =	vld [tilespmem:s6+$0x6060]  }
0x14c: {  	v37 =	vld [tilespmem:s0+$0x4030];
	v30 =	vadd.f32 v26, v30;
	[tilespmem:s1+$0x70] =	vst v27  }
0x14d: {  	[tilespmem:s19+$0x0] =	vst v32;
	v27 =	vadd.f32 v33, v31;
	v31 =	vld [tilespmem:s2+$0x7070];
	s2 =	smov.u32 s6;
	s6 =	smov.u32 s10;
	s10 =	smov.u32 s11  }
0x14e: {  	s11 =	smov.u32 s0;
	s0 =	smov.u32 s15;
	s15 =	smov.u32 s18;
	v32 =	vld [tilespmem:s18+$0x7000];
	[tilespmem:s7+$0xFFFFFF40] =	vst v30;
	v29 =	vadd.f32 v29, v25  }
0x14f: {  	[tilespmem:s17+$0x90] =	vst v27;
	v27 =	vadd.f32 v35, v21;
	v30 =	vld [tilespmem:s10+$0x5040]  }
0x150: {  	v33 =	vld [tilespmem:s0+$0x20];
	[tilespmem:s9+$0xFFFFFFD0] =	vst v29;
	v29 =	vadd.f32 v34, v36  }
0x151: {  	v34 =	vadd.f32 v27, v37;
	v35 =	vld [tilespmem:s6+$0x6050]  }
0x152: {  	v37 =	vld [tilespmem:s0+$0x4020];
	[tilespmem:s3+$0x60] =	vst v29;
	v24 =	vadd.f32 v31, v24  }
0x153: {  	v29 =	vadd.f32 v32, v28;
	[tilespmem:s12+$0xFFFFFF30] =	vst v34;
	v31 =	vld [tilespmem:s2+$0x7060]  }
0x154: {  	s18 =	sshra.s32 s20, $0x2;
	v32 =	vld [tilespmem:s11+$0x5030];
	v30 =	vadd.f32 v30, v26;
	[tilespmem:s1+$0xF0] =	vst v24;
	s1 =	smov.u32 s3;
	s3 =	smov.u32 s9  }
0x155: {  	s9 =	smov.u32 s7;
	s7 =	smov.u32 s12;
	s12 =	smov.u32 s17;
	v28 =	vld [tilespmem:s18+$0x0];
	[tilespmem:s19+$0x80] =	vst v29;
	v29 =	vadd.f32 v33, v19  }
0x156: {  	s17 =	smov.u32 s19;
	v24 =	vld [tilespmem:s15+$0x10];
	[tilespmem:s9+$0xFFFFFFC0] =	vst v30;
	v33 =	vadd.f32 v35, v25  }
0x157: {  	v34 =	vadd.f32 v29, v37;
	v35 =	vld [tilespmem:s10+$0x6040]  }
.Ltmp1:
0x158: {  	v30 =	vld [tilespmem:s15+$0x4010];
	[tilespmem:s3+$0x50] =	vst v33;
	v31 =	vadd.f32 v31, v36;
	(pc) =	sbr.rel @p1 .LBB2_4-.Ltmp1, $4  }
0x159: {  	[tilespmem:s12+$0xFFFFFF20] =	vst v34;
	v32 =	vadd.f32 v32, v27;
	v34 =	vld [tilespmem:s6+$0x7050]  }
0x15a: {  	v33 =	vld [tilespmem:s0+$0x5020];
	[tilespmem:s1+$0xE0] =	vst v31  }
0x15b: {  	v31 =	vadd.f32 v24, v17;
	[tilespmem:s7+$0xFFFFFFB0] =	vst v32;
	v24 =	vld [tilespmem:s2+$0x70]  }
0x15c: {  	s20 =	sadd.s32 $0x200, s20;
	v32 =	vld [tilespmem:s11+$0x6030];
	v35 =	vadd.f32 v35, v26  }
0x15d: {  	v36 =	vld [tilespmem:s18+$0x4000];
	_ =	sdelay $0x1  }
0x15e: {  	v30 =	vadd.f32 v31, v30  }
0x15f: {  	v41 =	vadd.f32 v28, v16;
	[tilespmem:s9+$0x40] =	vst v35;
	v34 =	vadd.f32 v34, v25  }
0x160: {  	v25 =	vld [tilespmem:s2+$0x4070];
	[tilespmem:s19+$0xFFFFFF10] =	vst v30;
	v33 =	vadd.f32 v33, v29  }
0x161: {  	v30 =	vld [tilespmem:s10+$0x7040];
	[tilespmem:s3+$0xD0] =	vst v34;
	v43 =	vadd.f32 v41, v36  }
0x162: {  	s21 =	sadd.s32 $0x200, s19;
	v42 =	vld [tilespmem:s15+$0x5010];
	[tilespmem:s12+$0xFFFFFFA0] =	vst v33  }
0x163: {  	v28 =	vld [tilespmem:s6+$0x60];
	[tilespmem:s21+$0xFFFFFF00] =	vst v43  }
0x164: {  	v33 =	vld [tilespmem:s18+$0x5000];
	_ =	sdelay $0x4  }
0x165: {  	v33 =	vadd.f32 v33, v41;
	_ =	sdelay $0x1  }
0x166: {  	[tilespmem:s21+$0xFFFFFF80] =	vst v33  }
0x167: {  	v33 =	vld [tilespmem:s18+$0x6000];
	_ =	sdelay $0x4  }
0x168: {  	v33 =	vadd.f32 v33, v41;
	_ =	sdelay $0x1  }
0x169: {  	[tilespmem:s21+$0x0] =	vst v33  }
0x16a: {  	v33 =	vld [tilespmem:s18+$0x7000];
	_ =	sdelay $0x4  }
0x16b: {  	v33 =	vadd.f32 v33, v41;
	_ =	sdelay $0x1  }
0x16c: {  	[tilespmem:s21+$0x80] =	vst v33  }
0x16d: {  	v33 =	vld [tilespmem:s18+$0x10];
	_ =	sdelay $0x1  }
0x16e: {  	v44 =	vld [tilespmem:s18+$0x4010];
	_ =	sdelay $0x2  }
0x16f: {  	v33 =	vadd.f32 v33, v17;
	_ =	sdelay $0x1  }
0x170: {  	v35 =	vadd.f32 v33, v44;
	_ =	sdelay $0x1  }
0x171: {  	[tilespmem:s21+$0xFFFFFF10] =	vst v35  }
0x172: {  	v35 =	vld [tilespmem:s18+$0x5010];
	_ =	sdelay $0x3  }
0x173: {  	v34 =	vadd.f32 v42, v31  }
0x174: {  	v35 =	vadd.f32 v35, v33  }
0x175: {  	[tilespmem:s17+$0xFFFFFF90] =	vst v34  }
0x176: {  	v34 =	vld [tilespmem:s15+$0x6010];
	[tilespmem:s21+$0xFFFFFF90] =	vst v35  }
0x177: {  	v35 =	vld [tilespmem:s18+$0x6010];
	_ =	sdelay $0x3  }
0x178: {  	v34 =	vadd.f32 v34, v31  }
0x179: {  	v35 =	vadd.f32 v35, v33  }
0x17a: {  	[tilespmem:s17+$0x10] =	vst v34  }
0x17b: {  	v34 =	vld [tilespmem:s15+$0x7010];
	[tilespmem:s21+$0x10] =	vst v35  }
0x17c: {  	v35 =	vld [tilespmem:s18+$0x7010];
	_ =	sdelay $0x3  }
0x17d: {  	v31 =	vadd.f32 v34, v31  }
0x17e: {  	v33 =	vadd.f32 v35, v33  }
0x17f: {  	[tilespmem:s17+$0x90] =	vst v31  }
0x180: {  	v31 =	vld [tilespmem:s15+$0x20];
	[tilespmem:s21+$0x90] =	vst v33  }
0x181: {  	v33 =	vld [tilespmem:s18+$0x20]  }
0x182: {  	v45 =	vld [tilespmem:s15+$0x4020]  }
0x183: {  	v46 =	vld [tilespmem:s18+$0x4020];
	_ =	sdelay $0x1  }
0x184: {  	v31 =	vadd.f32 v31, v19  }
0x185: {  	v33 =	vadd.f32 v33, v19  }
0x186: {  	v34 =	vadd.f32 v31, v45  }
0x187: {  	v35 =	vadd.f32 v33, v46  }
0x188: {  	[tilespmem:s17+$0xFFFFFF20] =	vst v34  }
0x189: {  	v34 =	vld [tilespmem:s15+$0x5020];
	[tilespmem:s21+$0xFFFFFF20] =	vst v35  }
0x18a: {  	v35 =	vld [tilespmem:s18+$0x5020];
	_ =	sdelay $0x3  }
0x18b: {  	v34 =	vadd.f32 v34, v31  }
0x18c: {  	v47 =	vld [tilespmem:s0+$0x6020];
	v35 =	vadd.f32 v35, v33  }
0x18d: {  	[tilespmem:s17+$0xFFFFFFA0] =	vst v34  }
0x18e: {  	v34 =	vld [tilespmem:s15+$0x6020];
	[tilespmem:s21+$0xFFFFFFA0] =	vst v35  }
0x18f: {  	v35 =	vld [tilespmem:s18+$0x6020];
	_ =	sdelay $0x1  }
0x190: {  	v36 =	vadd.f32 v47, v29;
	_ =	sdelay $0x1  }
0x191: {  	[tilespmem:s12+$0x20] =	vst v36;
	v34 =	vadd.f32 v34, v31  }
0x192: {  	v36 =	vld [tilespmem:s0+$0x7020];
	v35 =	vadd.f32 v35, v33  }
0x193: {  	[tilespmem:s17+$0x20] =	vst v34  }
0x194: {  	v34 =	vld [tilespmem:s15+$0x7020];
	[tilespmem:s21+$0x20] =	vst v35  }
0x195: {  	v35 =	vld [tilespmem:s18+$0x7020];
	_ =	sdelay $0x1  }
0x196: {  	v29 =	vadd.f32 v36, v29;
	_ =	sdelay $0x1  }
0x197: {  	[tilespmem:s12+$0xA0] =	vst v29;
	v29 =	vadd.f32 v34, v31  }
0x198: {  	v31 =	vld [tilespmem:s0+$0x30];
	v33 =	vadd.f32 v35, v33  }
0x199: {  	v48 =	vld [tilespmem:s0+$0x4030];
	[tilespmem:s17+$0xA0] =	vst v29  }
0x19a: {  	v29 =	vld [tilespmem:s15+$0x30];
	[tilespmem:s21+$0xA0] =	vst v33  }
0x19b: {  	v33 =	vld [tilespmem:s18+$0x30]  }
0x19c: {  	v49 =	vld [tilespmem:s15+$0x4030]  }
0x19d: {  	v31 =	vadd.f32 v31, v21;
	v50 =	vld [tilespmem:s18+$0x4030];
	_ =	sdelay $0x1  }
0x19e: {  	v34 =	vadd.f32 v31, v48;
	v29 =	vadd.f32 v29, v21  }
0x19f: {  	v33 =	vadd.f32 v33, v21  }
0x1a0: {  	[tilespmem:s12+$0xFFFFFF30] =	vst v34;
	v51 =	vadd.f32 v29, v49  }
0x1a1: {  	v52 =	vld [tilespmem:s0+$0x5030];
	v36 =	vadd.f32 v33, v50  }
0x1a2: {  	[tilespmem:s17+$0xFFFFFF30] =	vst v51  }
0x1a3: {  	v34 =	vld [tilespmem:s15+$0x5030];
	[tilespmem:s21+$0xFFFFFF30] =	vst v36  }
0x1a4: {  	v36 =	vld [tilespmem:s18+$0x5030];
	_ =	sdelay $0x1  }
0x1a5: {  	v35 =	vadd.f32 v52, v31;
	_ =	sdelay $0x1  }
0x1a6: {  	v34 =	vadd.f32 v34, v29;
	[tilespmem:s12+$0xFFFFFFB0] =	vst v35  }
0x1a7: {  	v35 =	vld [tilespmem:s0+$0x6030];
	v36 =	vadd.f32 v36, v33  }
0x1a8: {  	[tilespmem:s17+$0xFFFFFFB0] =	vst v34  }
0x1a9: {  	v34 =	vld [tilespmem:s15+$0x6030];
	[tilespmem:s21+$0xFFFFFFB0] =	vst v36  }
0x1aa: {  	v32 =	vadd.f32 v32, v27;
	v36 =	vld [tilespmem:s18+$0x6030];
	_ =	sdelay $0x1  }
0x1ab: {  	[tilespmem:s7+$0x30] =	vst v32;
	v53 =	vadd.f32 v35, v31  }
0x1ac: {  	v54 =	vld [tilespmem:s11+$0x7030]  }
0x1ad: {  	v55 =	vadd.f32 v34, v29;
	[tilespmem:s12+$0x30] =	vst v53  }
0x1ae: {  	v56 =	vld [tilespmem:s0+$0x7030];
	v36 =	vadd.f32 v36, v33  }
0x1af: {  	[tilespmem:s17+$0x30] =	vst v55  }
0x1b0: {  	v32 =	vld [tilespmem:s15+$0x7030];
	[tilespmem:s21+$0x30] =	vst v36  }
0x1b1: {  	v27 =	vadd.f32 v54, v27;
	v57 =	vld [tilespmem:s18+$0x7030];
	_ =	sdelay $0x1  }
0x1b2: {  	[tilespmem:s7+$0xB0] =	vst v27;
	v27 =	vadd.f32 v56, v31  }
0x1b3: {  	v31 =	vld [tilespmem:s11+$0x40]  }
0x1b4: {  	v58 =	vld [tilespmem:s11+$0x4040];
	[tilespmem:s12+$0xB0] =	vst v27;
	v27 =	vadd.f32 v32, v29  }
0x1b5: {  	v29 =	vld [tilespmem:s0+$0x40];
	v59 =	vadd.f32 v57, v33  }
0x1b6: {  	v60 =	vld [tilespmem:s0+$0x4040];
	[tilespmem:s17+$0xB0] =	vst v27  }
0x1b7: {  	v27 =	vld [tilespmem:s15+$0x40];
	[tilespmem:s21+$0xB0] =	vst v59  }
0x1b8: {  	v31 =	vadd.f32 v31, v22;
	v32 =	vld [tilespmem:s18+$0x40]  }
0x1b9: {  	v61 =	vld [tilespmem:s15+$0x4040]  }
0x1ba: {  	v34 =	vadd.f32 v31, v58;
	v29 =	vadd.f32 v29, v22;
	v36 =	vld [tilespmem:s18+$0x4040];
	_ =	sdelay $0x1  }
0x1bb: {  	[tilespmem:s7+$0xFFFFFF40] =	vst v34;
	v27 =	vadd.f32 v27, v22;
	v33 =	vadd.f32 v29, v60  }
0x1bc: {  	v34 =	vld [tilespmem:s11+$0x5040];
	v32 =	vadd.f32 v32, v22  }
0x1bd: {  	v62 =	vadd.f32 v27, v61;
	[tilespmem:s12+$0xFFFFFF40] =	vst v33  }
0x1be: {  	v63 =	vld [tilespmem:s0+$0x5040];
	v36 =	vadd.f32 v32, v36  }
0x1bf: {  	[tilespmem:s17+$0xFFFFFF40] =	vst v62  }
0x1c0: {  	v33 =	vld [tilespmem:s15+$0x5040];
	[tilespmem:s21+$0xFFFFFF40] =	vst v36  }
0x1c1: {  	v34 =	vadd.f32 v34, v31;
	v36 =	vld [tilespmem:s18+$0x5040];
	_ =	sdelay $0x1  }
0x1c2: {  	[tilespmem:s7+$0xFFFFFFC0] =	vst v34;
	v40 =	vadd.f32 v63, v29  }
0x1c3: {  	v41 =	vld [tilespmem:s11+$0x6040]  }
0x1c4: {  	v33 =	vadd.f32 v33, v27;
	[tilespmem:s12+$0xFFFFFFC0] =	vst v40  }
0x1c5: {  	v34 =	vld [tilespmem:s0+$0x6040];
	v36 =	vadd.f32 v36, v32  }
0x1c6: {  	[tilespmem:s17+$0xFFFFFFC0] =	vst v33  }
0x1c7: {  	v33 =	vld [tilespmem:s15+$0x6040];
	[tilespmem:s21+$0xFFFFFFC0] =	vst v36  }
0x1c8: {  	v35 =	vadd.f32 v41, v31;
	v36 =	vld [tilespmem:s18+$0x6040];
	_ =	sdelay $0x1  }
0x1c9: {  	[tilespmem:s7+$0x40] =	vst v35;
	v34 =	vadd.f32 v34, v29  }
0x1ca: {  	v35 =	vld [tilespmem:s11+$0x7040]  }
0x1cb: {  	v33 =	vadd.f32 v33, v27;
	[tilespmem:s12+$0x40] =	vst v34  }
0x1cc: {  	v34 =	vld [tilespmem:s0+$0x7040];
	v36 =	vadd.f32 v36, v32  }
0x1cd: {  	v26 =	vadd.f32 v30, v26;
	[tilespmem:s17+$0x40] =	vst v33  }
0x1ce: {  	v30 =	vld [tilespmem:s15+$0x7040];
	[tilespmem:s21+$0x40] =	vst v36  }
0x1cf: {  	[tilespmem:s9+$0xC0] =	vst v26;
	v26 =	vadd.f32 v35, v31;
	v31 =	vld [tilespmem:s18+$0x7040]  }
0x1d0: {  	v42 =	vld [tilespmem:s10+$0x50]  }
0x1d1: {  	v43 =	vld [tilespmem:s10+$0x4050];
	[tilespmem:s7+$0xC0] =	vst v26;
	v26 =	vadd.f32 v34, v29  }
0x1d2: {  	v29 =	vld [tilespmem:s11+$0x50]  }
0x1d3: {  	v44 =	vld [tilespmem:s11+$0x4050];
	[tilespmem:s12+$0xC0] =	vst v26;
	v26 =	vadd.f32 v30, v27  }
0x1d4: {  	v27 =	vld [tilespmem:s0+$0x50];
	v30 =	vadd.f32 v31, v32  }
0x1d5: {  	v45 =	vld [tilespmem:s0+$0x4050];
	[tilespmem:s17+$0xC0] =	vst v26;
	v31 =	vadd.f32 v42, v23  }
0x1d6: {  	v26 =	vld [tilespmem:s15+$0x50];
	[tilespmem:s21+$0xC0] =	vst v30  }
0x1d7: {  	v29 =	vadd.f32 v29, v23;
	v30 =	vadd.f32 v31, v43;
	v46 =	vld [tilespmem:s18+$0x50]  }
0x1d8: {  	v47 =	vld [tilespmem:s15+$0x4050]  }
0x1d9: {  	v27 =	vadd.f32 v27, v23;
	v48 =	vld [tilespmem:s18+$0x4050];
	[tilespmem:s9+$0xFFFFFF50] =	vst v30;
	v30 =	vadd.f32 v29, v44  }
0x1da: {  	v49 =	vld [tilespmem:s10+$0x5050]  }
0x1db: {  	v26 =	vadd.f32 v26, v23;
	[tilespmem:s7+$0xFFFFFF50] =	vst v30;
	v30 =	vadd.f32 v27, v45  }
0x1dc: {  	v50 =	vld [tilespmem:s11+$0x5050];
	v33 =	vadd.f32 v46, v23  }
0x1dd: {  	[tilespmem:s12+$0xFFFFFF50] =	vst v30;
	v30 =	vadd.f32 v26, v47  }
0x1de: {  	v51 =	vld [tilespmem:s0+$0x5050];
	v34 =	vadd.f32 v33, v48  }
0x1df: {  	v36 =	vadd.f32 v49, v31;
	[tilespmem:s17+$0xFFFFFF50] =	vst v30  }
0x1e0: {  	v30 =	vld [tilespmem:s15+$0x5050];
	[tilespmem:s21+$0xFFFFFF50] =	vst v34  }
0x1e1: {  	[tilespmem:s9+$0xFFFFFFD0] =	vst v36;
	v32 =	vadd.f32 v50, v29;
	v34 =	vld [tilespmem:s18+$0x5050]  }
0x1e2: {  	v36 =	vld [tilespmem:s10+$0x6050]  }
0x1e3: {  	[tilespmem:s7+$0xFFFFFFD0] =	vst v32;
	v52 =	vadd.f32 v51, v27  }
0x1e4: {  	v53 =	vld [tilespmem:s11+$0x6050]  }
0x1e5: {  	[tilespmem:s12+$0xFFFFFFD0] =	vst v52;
	v30 =	vadd.f32 v30, v26  }
0x1e6: {  	v32 =	vld [tilespmem:s0+$0x6050];
	v34 =	vadd.f32 v34, v33  }
0x1e7: {  	v37 =	vld [tilespmem:s6+$0x4060];
	v36 =	vadd.f32 v36, v31;
	[tilespmem:s17+$0xFFFFFFD0] =	vst v30  }
0x1e8: {  	v30 =	vld [tilespmem:s15+$0x6050];
	[tilespmem:s21+$0xFFFFFFD0] =	vst v34  }
0x1e9: {  	[tilespmem:s9+$0x50] =	vst v36;
	v54 =	vadd.f32 v53, v29;
	v55 =	vld [tilespmem:s18+$0x6050]  }
0x1ea: {  	v28 =	vadd.f32 v28, v20;
	v36 =	vld [tilespmem:s10+$0x7050]  }
0x1eb: {  	[tilespmem:s7+$0x50] =	vst v54;
	v32 =	vadd.f32 v32, v27  }
0x1ec: {  	v56 =	vadd.f32 v28, v37;
	v57 =	vld [tilespmem:s11+$0x7050]  }
0x1ed: {  	[tilespmem:s12+$0x50] =	vst v32;
	v30 =	vadd.f32 v30, v26  }
0x1ee: {  	[tilespmem:s3+$0xFFFFFF60] =	vst v56;
	v32 =	vld [tilespmem:s0+$0x7050];
	v58 =	vadd.f32 v55, v33  }
0x1ef: {  	v59 =	vld [tilespmem:s6+$0x5060];
	v31 =	vadd.f32 v36, v31;
	[tilespmem:s17+$0x50] =	vst v30  }
0x1f0: {  	v30 =	vld [tilespmem:s15+$0x7050];
	[tilespmem:s21+$0x50] =	vst v58  }
0x1f1: {  	[tilespmem:s9+$0xD0] =	vst v31;
	v29 =	vadd.f32 v57, v29;
	v31 =	vld [tilespmem:s18+$0x7050]  }
0x1f2: {  	v60 =	vld [tilespmem:s10+$0x60]  }
0x1f3: {  	v61 =	vld [tilespmem:s10+$0x4060];
	[tilespmem:s7+$0xD0] =	vst v29;
	v27 =	vadd.f32 v32, v27  }
0x1f4: {  	v29 =	vld [tilespmem:s11+$0x60]  }
0x1f5: {  	v62 =	vld [tilespmem:s11+$0x4060];
	[tilespmem:s12+$0xD0] =	vst v27;
	v26 =	vadd.f32 v30, v26  }
0x1f6: {  	v27 =	vld [tilespmem:s0+$0x60];
	v30 =	vadd.f32 v31, v33  }
0x1f7: {  	v63 =	vld [tilespmem:s0+$0x4060];
	v31 =	vadd.f32 v60, v20;
	[tilespmem:s17+$0xD0] =	vst v26  }
0x1f8: {  	v26 =	vld [tilespmem:s15+$0x60];
	[tilespmem:s21+$0xD0] =	vst v30  }
0x1f9: {  	v30 =	vadd.f32 v31, v61;
	v29 =	vadd.f32 v29, v20;
	v40 =	vld [tilespmem:s18+$0x60]  }
0x1fa: {  	v41 =	vld [tilespmem:s15+$0x4060]  }
0x1fb: {  	v42 =	vld [tilespmem:s18+$0x4060];
	[tilespmem:s9+$0xFFFFFF60] =	vst v30;
	v30 =	vadd.f32 v29, v62;
	v27 =	vadd.f32 v27, v20  }
0x1fc: {  	v35 =	vadd.f32 v59, v28;
	v43 =	vld [tilespmem:s10+$0x5060]  }
0x1fd: {  	[tilespmem:s7+$0xFFFFFF60] =	vst v30;
	v30 =	vadd.f32 v27, v63;
	v26 =	vadd.f32 v26, v20  }
0x1fe: {  	[tilespmem:s3+$0xFFFFFFE0] =	vst v35;
	v44 =	vld [tilespmem:s11+$0x5060];
	v34 =	vadd.f32 v40, v20  }
0x1ff: {  	v35 =	vld [tilespmem:s6+$0x6060];
	[tilespmem:s12+$0xFFFFFF60] =	vst v30;
	v30 =	vadd.f32 v26, v41  }
0x200: {  	v45 =	vld [tilespmem:s0+$0x5060];
	v32 =	vadd.f32 v34, v42  }
0x201: {  	v37 =	vadd.f32 v43, v31;
	[tilespmem:s17+$0xFFFFFF60] =	vst v30  }
0x202: {  	v30 =	vld [tilespmem:s15+$0x5060];
	[tilespmem:s21+$0xFFFFFF60] =	vst v32  }
0x203: {  	[tilespmem:s9+$0xFFFFFFE0] =	vst v37;
	v46 =	vadd.f32 v44, v29;
	v47 =	vld [tilespmem:s18+$0x5060]  }
0x204: {  	v35 =	vadd.f32 v35, v28;
	v37 =	vld [tilespmem:s10+$0x6060]  }
0x205: {  	[tilespmem:s7+$0xFFFFFFE0] =	vst v46;
	v48 =	vadd.f32 v45, v27  }
0x206: {  	[tilespmem:s3+$0x60] =	vst v35;
	v49 =	vld [tilespmem:s11+$0x6060]  }
0x207: {  	v50 =	vld [tilespmem:s6+$0x7060];
	[tilespmem:s12+$0xFFFFFFE0] =	vst v48;
	v30 =	vadd.f32 v30, v26  }
0x208: {  	v32 =	vld [tilespmem:s0+$0x6060];
	v33 =	vadd.f32 v47, v34  }
0x209: {  	v37 =	vadd.f32 v37, v31;
	[tilespmem:s17+$0xFFFFFFE0] =	vst v30  }
0x20a: {  	v30 =	vld [tilespmem:s15+$0x6060];
	[tilespmem:s21+$0xFFFFFFE0] =	vst v33  }
0x20b: {  	[tilespmem:s9+$0x60] =	vst v37;
	v51 =	vadd.f32 v49, v29;
	v52 =	vld [tilespmem:s18+$0x6060]  }
0x20c: {  	v28 =	vadd.f32 v50, v28;
	v53 =	vld [tilespmem:s10+$0x7060]  }
0x20d: {  	[tilespmem:s7+$0x60] =	vst v51;
	v32 =	vadd.f32 v32, v27  }
0x20e: {  	[tilespmem:s3+$0xE0] =	vst v28;
	v28 =	vld [tilespmem:s11+$0x7060]  }
0x20f: {  	v54 =	vld [tilespmem:s6+$0x70];
	[tilespmem:s12+$0x60] =	vst v32;
	v30 =	vadd.f32 v30, v26  }
0x210: {  	v32 =	vld [tilespmem:s0+$0x7060];
	v35 =	vadd.f32 v52, v34  }
0x211: {  	v55 =	vld [tilespmem:s6+$0x4070];
	v31 =	vadd.f32 v53, v31;
	[tilespmem:s17+$0x60] =	vst v30  }
0x212: {  	v30 =	vld [tilespmem:s15+$0x7060];
	[tilespmem:s21+$0x60] =	vst v35  }
0x213: {  	[tilespmem:s9+$0xE0] =	vst v31;
	v28 =	vadd.f32 v28, v29;
	v29 =	vld [tilespmem:s18+$0x7060]  }
0x214: {  	v31 =	vld [tilespmem:s10+$0x70]  }
0x215: {  	v56 =	vld [tilespmem:s10+$0x4070];
	[tilespmem:s7+$0xE0] =	vst v28;
	v27 =	vadd.f32 v32, v27  }
0x216: {  	v28 =	vld [tilespmem:s11+$0x70]  }
0x217: {  	v57 =	vld [tilespmem:s11+$0x4070];
	[tilespmem:s12+$0xE0] =	vst v27;
	v26 =	vadd.f32 v30, v26  }
0x218: {  	v27 =	vld [tilespmem:s0+$0x70];
	v29 =	vadd.f32 v29, v34  }
0x219: {  	v30 =	vld [tilespmem:s0+$0x4070];
	[tilespmem:s17+$0xE0] =	vst v26  }
0x21a: {  	v24 =	vadd.f32 v24, v18;
	v26 =	vld [tilespmem:s15+$0x70];
	[tilespmem:s21+$0xE0] =	vst v29  }
0x21b: {  	v29 =	vadd.f32 v54, v18;
	v58 =	vld [tilespmem:s18+$0x70]  }
0x21c: {  	v25 =	vadd.f32 v24, v25;
	v31 =	vadd.f32 v31, v18;
	v59 =	vld [tilespmem:s15+$0x4070]  }
0x21d: {  	v28 =	vadd.f32 v28, v18;
	v61 =	vld [tilespmem:s18+$0x4070];
	v60 =	vadd.f32 v29, v55  }
0x21e: {  	[tilespmem:s1+$0xFFFFFF70] =	vst v25;
	v25 =	vadd.f32 v31, v56;
	v27 =	vadd.f32 v27, v18  }
0x21f: {  	v62 =	vld [tilespmem:s2+$0x5070];
	v32 =	vadd.f32 v28, v57;
	[tilespmem:s3+$0xFFFFFF70] =	vst v60;
	v26 =	vadd.f32 v26, v18  }
0x220: {  	[tilespmem:s9+$0xFFFFFF70] =	vst v25;
	v25 =	vadd.f32 v27, v30;
	v36 =	vld [tilespmem:s6+$0x5070];
	v30 =	vadd.f32 v58, v18  }
0x221: {  	v63 =	vld [tilespmem:s10+$0x5070];
	[tilespmem:s7+$0xFFFFFF70] =	vst v32;
	v40 =	vadd.f32 v26, v59  }
0x222: {  	v41 =	vld [tilespmem:s11+$0x5070];
	[tilespmem:s12+$0xFFFFFF70] =	vst v25;
	v25 =	vadd.f32 v30, v61  }
0x223: {  	v42 =	vld [tilespmem:s0+$0x5070];
	[tilespmem:s17+$0xFFFFFF70] =	vst v40  }
0x224: {  	v43 =	vadd.f32 v62, v24;
	v44 =	vld [tilespmem:s15+$0x5070];
	[tilespmem:s21+$0xFFFFFF70] =	vst v25  }
0x225: {  	v25 =	vadd.f32 v36, v29;
	v45 =	vld [tilespmem:s18+$0x5070]  }
0x226: {  	[tilespmem:s1+$0xFFFFFFF0] =	vst v43;
	v46 =	vadd.f32 v63, v31  }
0x227: {  	v47 =	vld [tilespmem:s2+$0x6070];
	[tilespmem:s3+$0xFFFFFFF0] =	vst v25;
	v25 =	vadd.f32 v41, v28  }
0x228: {  	[tilespmem:s9+$0xFFFFFFF0] =	vst v46;
	v49 =	vadd.f32 v42, v27;
	v48 =	vld [tilespmem:s6+$0x6070]  }
0x229: {  	v50 =	vld [tilespmem:s10+$0x6070];
	[tilespmem:s7+$0xFFFFFFF0] =	vst v25;
	v25 =	vadd.f32 v44, v26  }
0x22a: {  	[tilespmem:s12+$0xFFFFFFF0] =	vst v49;
	v51 =	vld [tilespmem:s11+$0x6070];
	v52 =	vadd.f32 v45, v30  }
0x22b: {  	v53 =	vld [tilespmem:s0+$0x6070];
	[tilespmem:s17+$0xFFFFFFF0] =	vst v25  }
0x22c: {  	v25 =	vadd.f32 v47, v24;
	v54 =	vld [tilespmem:s15+$0x6070];
	[tilespmem:s21+$0xFFFFFFF0] =	vst v52  }
0x22d: {  	v55 =	vadd.f32 v48, v29;
	v56 =	vld [tilespmem:s18+$0x6070]  }
0x22e: {  	[tilespmem:s1+$0x70] =	vst v25;
	v25 =	vadd.f32 v50, v31  }
0x22f: {  	v57 =	vld [tilespmem:s2+$0x7070];
	[tilespmem:s3+$0x70] =	vst v55;
	v58 =	vadd.f32 v51, v28  }
0x230: {  	[tilespmem:s9+$0x70] =	vst v25;
	v25 =	vadd.f32 v53, v27;
	v59 =	vld [tilespmem:s6+$0x7070]  }
0x231: {  	v60 =	vld [tilespmem:s10+$0x7070];
	[tilespmem:s7+$0x70] =	vst v58;
	v61 =	vadd.f32 v54, v26  }
0x232: {  	[tilespmem:s12+$0x70] =	vst v25;
	v62 =	vld [tilespmem:s11+$0x7070];
	v25 =	vadd.f32 v56, v30  }
0x233: {  	v63 =	vld [tilespmem:s0+$0x7070];
	[tilespmem:s17+$0x70] =	vst v61  }
0x234: {  	v24 =	vadd.f32 v57, v24;
	v32 =	vld [tilespmem:s15+$0x7070];
	[tilespmem:s21+$0x70] =	vst v25  }
0x235: {  	v25 =	vadd.f32 v59, v29;
	v29 =	vld [tilespmem:s18+$0x7070]  }
0x236: {  	[tilespmem:s1+$0xF0] =	vst v24;
	v24 =	vadd.f32 v60, v31  }
0x237: {  	[tilespmem:s3+$0xF0] =	vst v25;
	v25 =	vadd.f32 v62, v28  }
0x238: {  	[tilespmem:s9+$0xF0] =	vst v24;
	v24 =	vadd.f32 v63, v27  }
0x239: {  	[tilespmem:s7+$0xF0] =	vst v25;
	v25 =	vadd.f32 v32, v26  }
0x23a: {  	[tilespmem:s12+$0xF0] =	vst v24;
	v24 =	vadd.f32 v29, v30  }
0x23b: {  	[tilespmem:s17+$0xF0] =	vst v25  }
0x23c: {  	[tilespmem:s21+$0xF0] =	vst v24  }
0x23d: {  	s22 =	simm.s32 $0x0;
	s23 =	simm.s32 $0xC000;
	s1 =	rddreg [dreg:$0xa]  }
0x23e: {  	[hbm4b:s1+s22] =	stream.linear.scatter [tilespmem:s23], [sflag:$0x3], $0x4000, $0x38;
	[tilespmem:$0x14380] =	vst v63  }
0x23f: {  	s26 =	simm.s32 $0x1000;
	s29 =	simm.s32 $0x80000;
	s24 =	rddreg [dreg:$0xb]  }
0x240: {  	[tilespmem:s8], [sflag:$0x1] =	stream.strided.gather [hbm4b:s24+s26], $0x4000, s29, s26, $0x38;
	[tilespmem:$0x14380] =	vst v63  }
0x241: {  	_ =	swait.ge [sflag:s28], $0x4000  }
0x242: {  	[sflag:s28] =	ssyncset.done $0x0  }
0x243: {  	s2 =	simm.s32 $0x0;
	[sflag:s28] =	ssyncadd.s32 $0xFFFFC000  }
0x244: {  	v24 =	vld [tilespmem:s2+$0x1000];
	_ =	sdelay $0x1  }
0x245: {  	v25 =	vld [tilespmem:s2+$0x8000];
	_ =	sdelay $0x2  }
0x246: {  	v24 =	vadd.f32 v24, v16;
	_ =	sdelay $0x1  }
0x247: {  	v25 =	vadd.f32 v24, v25  }
0x248: {  	s1 =	simm.s32 $0x10100  }
0x249: {  	[tilespmem:s1+$0xFFFFFF00] =	vst v25  }
0x24a: {  	v25 =	vld [tilespmem:s2+$0x9000];
	_ =	sdelay $0x4  }
0x24b: {  	v25 =	vadd.f32 v25, v24;
	_ =	sdelay $0x1  }
0x24c: {  	[tilespmem:s1+$0xFFFFFF80] =	vst v25  }
0x24d: {  	v25 =	vld [tilespmem:s2+$0xA000];
	_ =	sdelay $0x4  }
0x24e: {  	v25 =	vadd.f32 v25, v24;
	_ =	sdelay $0x1  }
0x24f: {  	[tilespmem:s1+$0x0] =	vst v25  }
0x250: {  	v25 =	vld [tilespmem:s2+$0xB000];
	_ =	sdelay $0x4  }
0x251: {  	v24 =	vadd.f32 v25, v24;
	_ =	sdelay $0x1  }
0x252: {  	[tilespmem:s1+$0x80] =	vst v24  }
0x253: {  	v24 =	vld [tilespmem:s2+$0x1010];
	_ =	sdelay $0x1  }
0x254: {  	v25 =	vld [tilespmem:s2+$0x8010];
	_ =	sdelay $0x2  }
0x255: {  	s6 =	simm.s32 $0x80;
	v24 =	vadd.f32 v24, v17  }
0x256: {  	v26 =	vld [tilespmem:s6+$0x1000]  }
0x257: {  	v25 =	vadd.f32 v24, v25  }
0x258: {  	v27 =	vld [tilespmem:s6+$0x8000]  }
0x259: {  	[tilespmem:s1+$0xFFFFFF10] =	vst v25  }
0x25a: {  	v25 =	vld [tilespmem:s2+$0x9010]  }
0x25b: {  	v26 =	vadd.f32 v26, v16;
	_ =	sdelay $0x1  }
0x25c: {  	v27 =	vadd.f32 v26, v27  }
0x25d: {  	s3 =	simm.s32 $0x10300  }
0x25e: {  	[tilespmem:s3+$0xFFFFFF00] =	vst v27;
	v25 =	vadd.f32 v25, v24  }
0x25f: {  	v27 =	vld [tilespmem:s6+$0x9000]  }
0x260: {  	[tilespmem:s1+$0xFFFFFF90] =	vst v25  }
0x261: {  	v25 =	vld [tilespmem:s2+$0xA010];
	_ =	sdelay $0x2  }
0x262: {  	v27 =	vadd.f32 v27, v26;
	_ =	sdelay $0x1  }
0x263: {  	[tilespmem:s3+$0xFFFFFF80] =	vst v27;
	v25 =	vadd.f32 v25, v24  }
0x264: {  	v27 =	vld [tilespmem:s6+$0xA000]  }
0x265: {  	[tilespmem:s1+$0x10] =	vst v25  }
0x266: {  	v25 =	vld [tilespmem:s2+$0xB010];
	_ =	sdelay $0x2  }
0x267: {  	v27 =	vadd.f32 v27, v26;
	_ =	sdelay $0x1  }
0x268: {  	[tilespmem:s3+$0x0] =	vst v27;
	v24 =	vadd.f32 v25, v24  }
0x269: {  	v25 =	vld [tilespmem:s6+$0xB000]  }
0x26a: {  	[tilespmem:s1+$0x90] =	vst v24  }
0x26b: {  	v24 =	vld [tilespmem:s2+$0x1020];
	_ =	sdelay $0x1  }
0x26c: {  	v27 =	vld [tilespmem:s2+$0x8020]  }
0x26d: {  	v25 =	vadd.f32 v25, v26;
	_ =	sdelay $0x1  }
0x26e: {  	[tilespmem:s3+$0x80] =	vst v25;
	v24 =	vadd.f32 v24, v19  }
0x26f: {  	v25 =	vld [tilespmem:s6+$0x1010]  }
0x270: {  	v26 =	vadd.f32 v24, v27  }
0x271: {  	v27 =	vld [tilespmem:s6+$0x8010]  }
0x272: {  	[tilespmem:s1+$0xFFFFFF20] =	vst v26  }
0x273: {  	v26 =	vld [tilespmem:s2+$0x9020]  }
0x274: {  	s10 =	simm.s32 $0x100;
	v25 =	vadd.f32 v25, v17  }
0x275: {  	v28 =	vld [tilespmem:s10+$0x1000]  }
0x276: {  	v27 =	vadd.f32 v25, v27  }
0x277: {  	v29 =	vld [tilespmem:s10+$0x8000]  }
0x278: {  	[tilespmem:s3+$0xFFFFFF10] =	vst v27;
	v26 =	vadd.f32 v26, v24  }
0x279: {  	v27 =	vld [tilespmem:s6+$0x9010]  }
0x27a: {  	v28 =	vadd.f32 v28, v16;
	[tilespmem:s1+$0xFFFFFFA0] =	vst v26  }
0x27b: {  	v26 =	vld [tilespmem:s2+$0xA020]  }
0x27c: {  	v29 =	vadd.f32 v28, v29  }
0x27d: {  	s9 =	simm.s32 $0x10500  }
0x27e: {  	[tilespmem:s9+$0xFFFFFF00] =	vst v29;
	v27 =	vadd.f32 v27, v25  }
0x27f: {  	v29 =	vld [tilespmem:s10+$0x9000]  }
0x280: {  	[tilespmem:s3+$0xFFFFFF90] =	vst v27;
	v26 =	vadd.f32 v26, v24  }
0x281: {  	v27 =	vld [tilespmem:s6+$0xA010]  }
0x282: {  	[tilespmem:s1+$0x20] =	vst v26  }
0x283: {  	v26 =	vld [tilespmem:s2+$0xB020]  }
0x284: {  	v29 =	vadd.f32 v29, v28;
	_ =	sdelay $0x1  }
0x285: {  	[tilespmem:s9+$0xFFFFFF80] =	vst v29;
	v27 =	vadd.f32 v27, v25  }
0x286: {  	v29 =	vld [tilespmem:s10+$0xA000]  }
0x287: {  	[tilespmem:s3+$0x10] =	vst v27;
	v24 =	vadd.f32 v26, v24  }
0x288: {  	v26 =	vld [tilespmem:s6+$0xB010]  }
0x289: {  	[tilespmem:s1+$0xA0] =	vst v24  }
0x28a: {  	v24 =	vld [tilespmem:s2+$0x1030]  }
0x28b: {  	v27 =	vadd.f32 v29, v28  }
0x28c: {  	v29 =	vld [tilespmem:s2+$0x8030]  }
0x28d: {  	[tilespmem:s9+$0x0] =	vst v27;
	v25 =	vadd.f32 v26, v25  }
0x28e: {  	v26 =	vld [tilespmem:s10+$0xB000]  }
0x28f: {  	[tilespmem:s3+$0x90] =	vst v25;
	v24 =	vadd.f32 v24, v21  }
0x290: {  	v25 =	vld [tilespmem:s6+$0x1020]  }
0x291: {  	v27 =	vadd.f32 v24, v29  }
0x292: {  	v29 =	vld [tilespmem:s6+$0x8020]  }
0x293: {  	v26 =	vadd.f32 v26, v28;
	[tilespmem:s1+$0xFFFFFF30] =	vst v27  }
0x294: {  	v27 =	vld [tilespmem:s2+$0x9030]  }
0x295: {  	[tilespmem:s9+$0x80] =	vst v26;
	v25 =	vadd.f32 v25, v19  }
0x296: {  	v26 =	vld [tilespmem:s10+$0x1010]  }
0x297: {  	v28 =	vadd.f32 v25, v29  }
0x298: {  	v29 =	vld [tilespmem:s10+$0x8010]  }
0x299: {  	[tilespmem:s3+$0xFFFFFF20] =	vst v28;
	v27 =	vadd.f32 v27, v24  }
0x29a: {  	s11 =	simm.s32 $0x180;
	v28 =	vld [tilespmem:s6+$0x9020]  }
0x29b: {  	v30 =	vld [tilespmem:s11+$0x1000];
	v26 =	vadd.f32 v26, v17;
	[tilespmem:s1+$0xFFFFFFB0] =	vst v27  }
0x29c: {  	v27 =	vld [tilespmem:s2+$0xA030]  }
0x29d: {  	v31 =	vld [tilespmem:s11+$0x8000];
	v29 =	vadd.f32 v26, v29;
	_ =	sdelay $0x1  }
0x29e: {  	[tilespmem:s9+$0xFFFFFF10] =	vst v29;
	v28 =	vadd.f32 v28, v25  }
0x29f: {  	v30 =	vadd.f32 v30, v16;
	v29 =	vld [tilespmem:s10+$0x9010]  }
0x2a0: {  	[tilespmem:s3+$0xFFFFFFA0] =	vst v28;
	v27 =	vadd.f32 v27, v24  }
0x2a1: {  	v31 =	vadd.f32 v30, v31;
	v28 =	vld [tilespmem:s6+$0xA020]  }
0x2a2: {  	s7 =	simm.s32 $0x10700;
	[tilespmem:s1+$0x30] =	vst v27  }
0x2a3: {  	[tilespmem:s7+$0xFFFFFF00] =	vst v31;
	v27 =	vld [tilespmem:s2+$0xB030]  }
0x2a4: {  	v31 =	vld [tilespmem:s11+$0x9000];
	v29 =	vadd.f32 v29, v26;
	_ =	sdelay $0x1  }
0x2a5: {  	[tilespmem:s9+$0xFFFFFF90] =	vst v29;
	v28 =	vadd.f32 v28, v25  }
0x2a6: {  	v29 =	vld [tilespmem:s10+$0xA010]  }
0x2a7: {  	[tilespmem:s3+$0x20] =	vst v28;
	v24 =	vadd.f32 v27, v24  }
0x2a8: {  	v28 =	vadd.f32 v31, v30;
	v27 =	vld [tilespmem:s6+$0xB020]  }
0x2a9: {  	[tilespmem:s1+$0xB0] =	vst v24  }
0x2aa: {  	[tilespmem:s7+$0xFFFFFF80] =	vst v28;
	v24 =	vld [tilespmem:s2+$0x1040]  }
0x2ab: {  	v28 =	vadd.f32 v29, v26;
	v29 =	vld [tilespmem:s11+$0xA000]  }
0x2ac: {  	v31 =	vld [tilespmem:s2+$0x8040]  }
0x2ad: {  	[tilespmem:s9+$0x10] =	vst v28;
	v25 =	vadd.f32 v27, v25  }
0x2ae: {  	v27 =	vld [tilespmem:s10+$0xB010]  }
0x2af: {  	[tilespmem:s3+$0xA0] =	vst v25;
	v24 =	vadd.f32 v24, v22  }
0x2b0: {  	v28 =	vadd.f32 v29, v30;
	v25 =	vld [tilespmem:s6+$0x1030]  }
0x2b1: {  	v29 =	vadd.f32 v24, v31  }
0x2b2: {  	[tilespmem:s7+$0x0] =	vst v28;
	v31 =	vld [tilespmem:s6+$0x8030]  }
0x2b3: {  	v26 =	vadd.f32 v27, v26;
	v27 =	vld [tilespmem:s11+$0xB000];
	[tilespmem:s1+$0xFFFFFF40] =	vst v29  }
0x2b4: {  	v28 =	vld [tilespmem:s2+$0x9040]  }
0x2b5: {  	[tilespmem:s9+$0x90] =	vst v26;
	v25 =	vadd.f32 v25, v21  }
0x2b6: {  	v26 =	vld [tilespmem:s10+$0x1020]  }
0x2b7: {  	v29 =	vadd.f32 v25, v31  }
0x2b8: {  	v31 =	vld [tilespmem:s10+$0x8020];
	v27 =	vadd.f32 v27, v30  }
0x2b9: {  	[tilespmem:s3+$0xFFFFFF30] =	vst v29;
	v28 =	vadd.f32 v28, v24  }
0x2ba: {  	[tilespmem:s7+$0x80] =	vst v27;
	v29 =	vld [tilespmem:s6+$0x9030]  }
0x2bb: {  	v26 =	vadd.f32 v26, v19;
	v27 =	vld [tilespmem:s11+$0x1010];
	[tilespmem:s1+$0xFFFFFFC0] =	vst v28  }
0x2bc: {  	v28 =	vld [tilespmem:s2+$0xA040]  }
0x2bd: {  	v30 =	vadd.f32 v26, v31;
	v31 =	vld [tilespmem:s11+$0x8010];
	_ =	sdelay $0x1  }
0x2be: {  	[tilespmem:s9+$0xFFFFFF20] =	vst v30;
	v29 =	vadd.f32 v29, v25  }
0x2bf: {  	s0 =	simm.s32 $0x200;
	v30 =	vld [tilespmem:s10+$0x9020];
	v27 =	vadd.f32 v27, v17  }
0x2c0: {  	v38 =	vld [tilespmem:s0+$0x1000];
	[tilespmem:s3+$0xFFFFFFB0] =	vst v29;
	v28 =	vadd.f32 v28, v24  }
0x2c1: {  	v31 =	vadd.f32 v27, v31;
	v29 =	vld [tilespmem:s6+$0xA030]  }
0x2c2: {  	v39 =	vld [tilespmem:s0+$0x8000];
	[tilespmem:s1+$0x40] =	vst v28  }
0x2c3: {  	[tilespmem:s7+$0xFFFFFF10] =	vst v31;
	v28 =	vld [tilespmem:s2+$0xB040]  }
0x2c4: {  	v30 =	vadd.f32 v30, v26;
	v31 =	vld [tilespmem:s11+$0x9010]  }
0x2c5: {  	v32 =	vadd.f32 v38, v16  }
0x2c6: {  	[tilespmem:s9+$0xFFFFFFA0] =	vst v30;
	v29 =	vadd.f32 v29, v25  }
0x2c7: {  	v33 =	vadd.f32 v32, v39;
	v30 =	vld [tilespmem:s10+$0xA020]  }
0x2c8: {  	s12 =	simm.s32 $0x10900;
	[tilespmem:s3+$0x30] =	vst v29;
	v24 =	vadd.f32 v28, v24  }
0x2c9: {  	[tilespmem:s12+$0xFFFFFF00] =	vst v33;
	v29 =	vadd.f32 v31, v27;
	v28 =	vld [tilespmem:s6+$0xB030]  }
0x2ca: {  	v31 =	vld [tilespmem:s0+$0x9000];
	[tilespmem:s1+$0xC0] =	vst v24  }
0x2cb: {  	[tilespmem:s7+$0xFFFFFF90] =	vst v29;
	v24 =	vld [tilespmem:s2+$0x1050]  }
0x2cc: {  	v29 =	vadd.f32 v30, v26;
	v30 =	vld [tilespmem:s11+$0xA010]  }
0x2cd: {  	v40 =	vld [tilespmem:s2+$0x8050]  }
0x2ce: {  	[tilespmem:s9+$0x20] =	vst v29;
	v25 =	vadd.f32 v28, v25  }
0x2cf: {  	v29 =	vadd.f32 v31, v32;
	v28 =	vld [tilespmem:s10+$0xB020]  }
0x2d0: {  	[tilespmem:s3+$0xB0] =	vst v25;
	v24 =	vadd.f32 v24, v23  }
0x2d1: {  	[tilespmem:s12+$0xFFFFFF80] =	vst v29;
	v29 =	vadd.f32 v30, v27;
	v25 =	vld [tilespmem:s6+$0x1040]  }
0x2d2: {  	v30 =	vld [tilespmem:s0+$0xA000];
	v31 =	vadd.f32 v24, v40  }
0x2d3: {  	[tilespmem:s7+$0x10] =	vst v29;
	v29 =	vld [tilespmem:s6+$0x8040]  }
0x2d4: {  	v26 =	vadd.f32 v28, v26;
	v28 =	vld [tilespmem:s11+$0xB010];
	[tilespmem:s1+$0xFFFFFF50] =	vst v31  }
0x2d5: {  	v31 =	vld [tilespmem:s2+$0x9050]  }
0x2d6: {  	[tilespmem:s9+$0xA0] =	vst v26;
	v25 =	vadd.f32 v25, v22  }
0x2d7: {  	v30 =	vadd.f32 v30, v32;
	v26 =	vld [tilespmem:s10+$0x1030]  }
0x2d8: {  	v29 =	vadd.f32 v25, v29  }
0x2d9: {  	v41 =	vld [tilespmem:s10+$0x8030];
	[tilespmem:s12+$0x0] =	vst v30;
	v27 =	vadd.f32 v28, v27  }
0x2da: {  	v28 =	vld [tilespmem:s0+$0xB000];
	[tilespmem:s3+$0xFFFFFF40] =	vst v29;
	v29 =	vadd.f32 v31, v24  }
0x2db: {  	[tilespmem:s7+$0x90] =	vst v27;
	v27 =	vld [tilespmem:s6+$0x9040]  }
0x2dc: {  	v26 =	vadd.f32 v26, v21;
	v30 =	vld [tilespmem:s11+$0x1020];
	[tilespmem:s1+$0xFFFFFFD0] =	vst v29  }
0x2dd: {  	v29 =	vld [tilespmem:s2+$0xA050]  }
0x2de: {  	v42 =	vld [tilespmem:s11+$0x8020];
	v31 =	vadd.f32 v26, v41  }
0x2df: {  	v28 =	vadd.f32 v28, v32  }
0x2e0: {  	[tilespmem:s9+$0xFFFFFF30] =	vst v31;
	v27 =	vadd.f32 v27, v25  }
0x2e1: {  	[tilespmem:s12+$0x80] =	vst v28;
	v31 =	vld [tilespmem:s10+$0x9030];
	v28 =	vadd.f32 v30, v19  }
0x2e2: {  	v30 =	vld [tilespmem:s0+$0x1010];
	[tilespmem:s3+$0xFFFFFFC0] =	vst v27;
	v27 =	vadd.f32 v29, v24  }
0x2e3: {  	v29 =	vadd.f32 v28, v42;
	v43 =	vld [tilespmem:s6+$0xA040]  }
0x2e4: {  	v44 =	vld [tilespmem:s0+$0x8010];
	[tilespmem:s1+$0x50] =	vst v27  }
0x2e5: {  	[tilespmem:s7+$0xFFFFFF20] =	vst v29;
	v27 =	vld [tilespmem:s2+$0xB050]  }
0x2e6: {  	v29 =	vadd.f32 v31, v26;
	v31 =	vld [tilespmem:s11+$0x9020]  }
0x2e7: {  	s15 =	simm.s32 $0x280;
	v30 =	vadd.f32 v30, v17  }
0x2e8: {  	v45 =	vld [tilespmem:s15+$0x1000];
	[tilespmem:s9+$0xFFFFFFB0] =	vst v29;
	v29 =	vadd.f32 v43, v25  }
0x2e9: {  	v33 =	vadd.f32 v30, v44;
	v46 =	vld [tilespmem:s10+$0xA030]  }
0x2ea: {  	v47 =	vld [tilespmem:s15+$0x8000];
	[tilespmem:s3+$0x40] =	vst v29;
	v24 =	vadd.f32 v27, v24  }
0x2eb: {  	[tilespmem:s12+$0xFFFFFF10] =	vst v33;
	v27 =	vadd.f32 v31, v28;
	v29 =	vld [tilespmem:s6+$0xB040]  }
0x2ec: {  	v31 =	vld [tilespmem:s0+$0x9010];
	[tilespmem:s1+$0xD0] =	vst v24  }
0x2ed: {  	v48 =	vadd.f32 v45, v16;
	[tilespmem:s7+$0xFFFFFFA0] =	vst v27;
	v24 =	vld [tilespmem:s2+$0x1060]  }
0x2ee: {  	v27 =	vadd.f32 v46, v26;
	v49 =	vld [tilespmem:s11+$0xA020]  }
0x2ef: {  	v34 =	vadd.f32 v48, v47;
	v50 =	vld [tilespmem:s2+$0x8060]  }
0x2f0: {  	s20 =	simm.s32 $0x10B00;
	[tilespmem:s9+$0x30] =	vst v27;
	v25 =	vadd.f32 v29, v25  }
0x2f1: {  	[tilespmem:s20+$0xFFFFFF00] =	vst v34;
	v27 =	vld [tilespmem:s10+$0xB030];
	v29 =	vadd.f32 v31, v30  }
0x2f2: {  	v31 =	vld [tilespmem:s15+$0x9000];
	[tilespmem:s3+$0xC0] =	vst v25;
	v25 =	vadd.f32 v24, v20  }
0x2f3: {  	[tilespmem:s12+$0xFFFFFF90] =	vst v29;
	v24 =	vadd.f32 v49, v28;
	v29 =	vld [tilespmem:s6+$0x1050]  }
0x2f4: {  	v51 =	vld [tilespmem:s0+$0xA010];
	v52 =	vadd.f32 v25, v50  }
0x2f5: {  	v53 =	vld [tilespmem:s6+$0x8050];
	[tilespmem:s7+$0x20] =	vst v24  }
0x2f6: {  	v24 =	vadd.f32 v27, v26;
	v26 =	vld [tilespmem:s11+$0xB020];
	[tilespmem:s1+$0xFFFFFF60] =	vst v52  }
0x2f7: {  	v27 =	vadd.f32 v31, v48;
	v31 =	vld [tilespmem:s2+$0x9060]  }
0x2f8: {  	[tilespmem:s9+$0xB0] =	vst v24;
	v24 =	vadd.f32 v29, v23  }
0x2f9: {  	[tilespmem:s20+$0xFFFFFF80] =	vst v27;
	v29 =	vld [tilespmem:s10+$0x1040];
	v27 =	vadd.f32 v51, v30  }
0x2fa: {  	v54 =	vld [tilespmem:s15+$0xA000];
	v55 =	vadd.f32 v24, v53  }
0x2fb: {  	[tilespmem:s12+$0x10] =	vst v27;
	v27 =	vld [tilespmem:s10+$0x8040];
	v26 =	vadd.f32 v26, v28  }
0x2fc: {  	v28 =	vld [tilespmem:s0+$0xB010];
	[tilespmem:s3+$0xFFFFFF50] =	vst v55;
	v31 =	vadd.f32 v31, v25  }
0x2fd: {  	[tilespmem:s7+$0xA0] =	vst v26;
	v34 =	vld [tilespmem:s6+$0x9050]  }
0x2fe: {  	v26 =	vadd.f32 v29, v22;
	v56 =	vld [tilespmem:s11+$0x1030];
	[tilespmem:s1+$0xFFFFFFE0] =	vst v31  }
0x2ff: {  	v29 =	vadd.f32 v54, v48;
	v31 =	vld [tilespmem:s2+$0xA060]  }
0x300: {  	v57 =	vld [tilespmem:s11+$0x8030];
	v27 =	vadd.f32 v26, v27  }
0x301: {  	[tilespmem:s20+$0x0] =	vst v29;
	v28 =	vadd.f32 v28, v30  }
0x302: {  	v29 =	vld [tilespmem:s15+$0xB000];
	[tilespmem:s9+$0xFFFFFF40] =	vst v27;
	v30 =	vadd.f32 v34, v24  }
0x303: {  	[tilespmem:s12+$0x90] =	vst v28;
	v28 =	vld [tilespmem:s10+$0x9040];
	v27 =	vadd.f32 v56, v21  }
0x304: {  	v58 =	vld [tilespmem:s0+$0x1020];
	[tilespmem:s3+$0xFFFFFFD0] =	vst v30;
	v30 =	vadd.f32 v31, v25  }
0x305: {  	v31 =	vadd.f32 v27, v57;
	v59 =	vld [tilespmem:s6+$0xA050]  }
0x306: {  	v60 =	vld [tilespmem:s0+$0x8020];
	[tilespmem:s1+$0x60] =	vst v30  }
0x307: {  	v29 =	vadd.f32 v29, v48;
	[tilespmem:s7+$0xFFFFFF30] =	vst v31;
	v30 =	vld [tilespmem:s2+$0xB060]  }
0x308: {  	s18 =	simm.s32 $0x300;
	v28 =	vadd.f32 v28, v26;
	v31 =	vld [tilespmem:s11+$0x9030]  }
0x309: {  	v34 =	vld [tilespmem:s18+$0x1000];
	[tilespmem:s20+$0x80] =	vst v29;
	v29 =	vadd.f32 v58, v19  }
0x30a: {  	v61 =	vld [tilespmem:s15+$0x1010];
	[tilespmem:s9+$0xFFFFFFC0] =	vst v28;
	v28 =	vadd.f32 v59, v24  }
0x30b: {  	v62 =	vadd.f32 v29, v60;
	v63 =	vld [tilespmem:s10+$0xA040]  }
0x30c: {  	v35 =	vld [tilespmem:s15+$0x8010];
	[tilespmem:s3+$0x50] =	vst v28;
	v25 =	vadd.f32 v30, v25  }
0x30d: {  	[tilespmem:s12+$0xFFFFFF20] =	vst v62;
	v30 =	vadd.f32 v31, v27;
	v28 =	vld [tilespmem:s6+$0xB050]  }
0x30e: {  	v33 =	vld [tilespmem:s0+$0x9020];
	[tilespmem:s1+$0xE0] =	vst v25  }
0x30f: {  	v31 =	vadd.f32 v61, v17;
	[tilespmem:s7+$0xFFFFFFB0] =	vst v30;
	v25 =	vld [tilespmem:s2+$0x1070]  }
0x310: {  	s19 =	simm.s32 $0xE00;
	s17 =	simm.s32 $0x10B00;
	v30 =	vadd.f32 v63, v26;
	v32 =	vld [tilespmem:s11+$0xA030]  }
.LBB2_6:
0x311: {  	p1 =	sne.s32 s19, $0x3E00;
	v35 =	vadd.f32 v31, v35;
	v36 =	vld [tilespmem:s2+$0x8070]  }
0x312: {  	v37 =	vld [tilespmem:s18+$0x8000];
	[tilespmem:s9+$0x40] =	vst v30;
	v24 =	vadd.f32 v28, v24  }
0x313: {  	[tilespmem:s20+$0xFFFFFF10] =	vst v35;
	v28 =	vadd.f32 v33, v29;
	v30 =	vld [tilespmem:s10+$0xB040]  }
0x314: {  	v33 =	vld [tilespmem:s15+$0x9010];
	[tilespmem:s3+$0xD0] =	vst v24;
	v25 =	vadd.f32 v25, v18  }
0x315: {  	v34 =	vadd.f32 v34, v16;
	[tilespmem:s12+$0xFFFFFFA0] =	vst v28;
	v24 =	vadd.f32 v32, v27;
	v28 =	vld [tilespmem:s6+$0x1060]  }
0x316: {  	v32 =	vld [tilespmem:s0+$0xA020];
	v35 =	vadd.f32 v25, v36  }
0x317: {  	v36 =	vadd.f32 v34, v37;
	[tilespmem:s7+$0x30] =	vst v24;
	v24 =	vld [tilespmem:s6+$0x8060]  }
0x318: {  	s20 =	sadd.s32 $0x200, s20;
	v37 =	vld [tilespmem:s11+$0xB030];
	v26 =	vadd.f32 v30, v26;
	[tilespmem:s1+$0xFFFFFF70] =	vst v35  }
0x319: {  	[tilespmem:s20+$0xFFFFFF00] =	vst v36;
	v30 =	vadd.f32 v33, v31;
	v33 =	vld [tilespmem:s2+$0x9070]  }
0x31a: {  	v35 =	vld [tilespmem:s18+$0x9000];
	[tilespmem:s9+$0xC0] =	vst v26;
	v28 =	vadd.f32 v28, v20  }
0x31b: {  	[tilespmem:s17+$0xFFFFFF90] =	vst v30;
	v26 =	vadd.f32 v32, v29;
	v30 =	vld [tilespmem:s10+$0x1050]  }
0x31c: {  	v32 =	vld [tilespmem:s15+$0xA010];
	v24 =	vadd.f32 v28, v24  }
0x31d: {  	[tilespmem:s12+$0x20] =	vst v26;
	v26 =	vadd.f32 v37, v27;
	v27 =	vld [tilespmem:s10+$0x8050]  }
0x31e: {  	v36 =	vld [tilespmem:s0+$0xB020];
	[tilespmem:s3+$0xFFFFFF60] =	vst v24;
	v33 =	vadd.f32 v33, v25  }
0x31f: {  	v35 =	vadd.f32 v35, v34;
	[tilespmem:s7+$0xB0] =	vst v26;
	v26 =	vld [tilespmem:s6+$0x9060]  }
0x320: {  	v37 =	vld [tilespmem:s11+$0x1040];
	v24 =	vadd.f32 v30, v23;
	[tilespmem:s1+$0xFFFFFFF0] =	vst v33  }
0x321: {  	[tilespmem:s20+$0xFFFFFF80] =	vst v35;
	v30 =	vadd.f32 v32, v31;
	v32 =	vld [tilespmem:s2+$0xA070]  }
0x322: {  	v33 =	vld [tilespmem:s18+$0xA000];
	v27 =	vadd.f32 v24, v27  }
0x323: {  	[tilespmem:s17+$0x10] =	vst v30;
	v29 =	vadd.f32 v36, v29;
	v30 =	vld [tilespmem:s11+$0x8040]  }
0x324: {  	v35 =	vld [tilespmem:s15+$0xB010];
	[tilespmem:s9+$0xFFFFFF50] =	vst v27;
	v27 =	vadd.f32 v26, v28  }
0x325: {  	[tilespmem:s12+$0xA0] =	vst v29;
	v29 =	vld [tilespmem:s10+$0x9050]  }
0x326: {  	v26 =	vadd.f32 v37, v22;
	v36 =	vld [tilespmem:s0+$0x1030];
	[tilespmem:s3+$0xFFFFFFE0] =	vst v27;
	v27 =	vadd.f32 v32, v25  }
0x327: {  	v32 =	vadd.f32 v33, v34;
	v33 =	vld [tilespmem:s6+$0xA060]  }
0x328: {  	v37 =	vld [tilespmem:s0+$0x8030];
	v30 =	vadd.f32 v26, v30;
	[tilespmem:s1+$0x70] =	vst v27  }
0x329: {  	[tilespmem:s20+$0x0] =	vst v32;
	v27 =	vadd.f32 v35, v31;
	v31 =	vld [tilespmem:s2+$0xB070];
	s2 =	smov.u32 s6;
	s6 =	smov.u32 s10;
	s10 =	smov.u32 s11  }
0x32a: {  	s11 =	smov.u32 s0;
	s0 =	smov.u32 s15;
	s15 =	smov.u32 s18;
	v32 =	vld [tilespmem:s18+$0xB000];
	[tilespmem:s7+$0xFFFFFF40] =	vst v30;
	v29 =	vadd.f32 v29, v24  }
0x32b: {  	[tilespmem:s17+$0x90] =	vst v27;
	v27 =	vadd.f32 v36, v21;
	v30 =	vld [tilespmem:s10+$0x9040]  }
0x32c: {  	v35 =	vld [tilespmem:s0+$0x1020];
	[tilespmem:s9+$0xFFFFFFD0] =	vst v29;
	v29 =	vadd.f32 v33, v28  }
0x32d: {  	v33 =	vadd.f32 v27, v37;
	v36 =	vld [tilespmem:s6+$0xA050]  }
0x32e: {  	v37 =	vld [tilespmem:s0+$0x8020];
	[tilespmem:s3+$0x60] =	vst v29;
	v25 =	vadd.f32 v31, v25  }
0x32f: {  	v29 =	vadd.f32 v32, v34;
	[tilespmem:s12+$0xFFFFFF30] =	vst v33;
	v31 =	vld [tilespmem:s2+$0xB060]  }
0x330: {  	s18 =	sshra.s32 s19, $0x2;
	v32 =	vld [tilespmem:s11+$0x9030];
	v30 =	vadd.f32 v30, v26;
	[tilespmem:s1+$0xF0] =	vst v25;
	s1 =	smov.u32 s3;
	s3 =	smov.u32 s9  }
0x331: {  	s9 =	smov.u32 s7;
	s7 =	smov.u32 s12;
	s12 =	smov.u32 s17;
	v34 =	vld [tilespmem:s18+$0x1000];
	[tilespmem:s20+$0x80] =	vst v29;
	v29 =	vadd.f32 v35, v19  }
0x332: {  	s17 =	smov.u32 s20;
	v25 =	vld [tilespmem:s15+$0x1010];
	[tilespmem:s9+$0xFFFFFFC0] =	vst v30;
	v30 =	vadd.f32 v36, v24  }
0x333: {  	v33 =	vadd.f32 v29, v37;
	v36 =	vld [tilespmem:s10+$0xA040]  }
.Ltmp2:
0x334: {  	v35 =	vld [tilespmem:s15+$0x8010];
	[tilespmem:s3+$0x50] =	vst v30;
	v30 =	vadd.f32 v31, v28;
	(pc) =	sbr.rel @p1 .LBB2_6-.Ltmp2, $4  }
0x335: {  	[tilespmem:s12+$0xFFFFFF20] =	vst v33;
	v32 =	vadd.f32 v32, v27;
	v28 =	vld [tilespmem:s6+$0xB050]  }
0x336: {  	v33 =	vld [tilespmem:s0+$0x9020];
	[tilespmem:s1+$0xE0] =	vst v30  }
0x337: {  	v31 =	vadd.f32 v25, v17;
	[tilespmem:s7+$0xFFFFFFB0] =	vst v32;
	v25 =	vld [tilespmem:s2+$0x1070]  }
0x338: {  	s19 =	sadd.s32 $0x200, s19;
	v32 =	vld [tilespmem:s11+$0xA030];
	v30 =	vadd.f32 v36, v26  }
0x339: {  	v36 =	vld [tilespmem:s18+$0x8000];
	_ =	sdelay $0x2  }
0x33a: {  	v16 =	vadd.f32 v34, v16;
	_ =	sdelay $0x1  }
0x33b: {  	v34 =	vadd.f32 v16, v36  }
0x33c: {  	s19 =	sadd.s32 $0x200, s20  }
0x33d: {  	[tilespmem:s19+$0xFFFFFF00] =	vst v34  }
0x33e: {  	v34 =	vld [tilespmem:s18+$0x9000];
	_ =	sdelay $0x4  }
0x33f: {  	v34 =	vadd.f32 v34, v16;
	_ =	sdelay $0x1  }
0x340: {  	[tilespmem:s19+$0xFFFFFF80] =	vst v34  }
0x341: {  	v34 =	vld [tilespmem:s18+$0xA000];
	_ =	sdelay $0x4  }
0x342: {  	v34 =	vadd.f32 v34, v16;
	_ =	sdelay $0x1  }
0x343: {  	[tilespmem:s19+$0x0] =	vst v34  }
0x344: {  	v34 =	vld [tilespmem:s18+$0xB000];
	_ =	sdelay $0x4  }
0x345: {  	v16 =	vadd.f32 v34, v16;
	_ =	sdelay $0x1  }
0x346: {  	[tilespmem:s19+$0x80] =	vst v16  }
0x347: {  	v16 =	vld [tilespmem:s18+$0x1010];
	_ =	sdelay $0x1  }
0x348: {  	v60 =	vld [tilespmem:s18+$0x8010];
	_ =	sdelay $0x2  }
0x349: {  	v16 =	vadd.f32 v16, v17  }
0x34a: {  	v17 =	vadd.f32 v31, v35  }
0x34b: {  	v34 =	vadd.f32 v16, v60  }
0x34c: {  	[tilespmem:s20+$0xFFFFFF10] =	vst v17  }
0x34d: {  	v17 =	vld [tilespmem:s15+$0x9010];
	[tilespmem:s19+$0xFFFFFF10] =	vst v34  }
0x34e: {  	v34 =	vld [tilespmem:s18+$0x9010];
	_ =	sdelay $0x3  }
0x34f: {  	v17 =	vadd.f32 v17, v31  }
0x350: {  	v34 =	vadd.f32 v34, v16  }
0x351: {  	[tilespmem:s17+$0xFFFFFF90] =	vst v17  }
0x352: {  	v17 =	vld [tilespmem:s15+$0xA010];
	[tilespmem:s19+$0xFFFFFF90] =	vst v34  }
0x353: {  	v34 =	vld [tilespmem:s18+$0xA010];
	_ =	sdelay $0x3  }
0x354: {  	v17 =	vadd.f32 v17, v31  }
0x355: {  	v34 =	vadd.f32 v34, v16  }
0x356: {  	[tilespmem:s17+$0x10] =	vst v17  }
0x357: {  	v17 =	vld [tilespmem:s15+$0xB010];
	[tilespmem:s19+$0x10] =	vst v34  }
0x358: {  	v34 =	vld [tilespmem:s18+$0xB010];
	_ =	sdelay $0x3  }
0x359: {  	v17 =	vadd.f32 v17, v31  }
0x35a: {  	v16 =	vadd.f32 v34, v16  }
0x35b: {  	[tilespmem:s17+$0x90] =	vst v17  }
0x35c: {  	v17 =	vld [tilespmem:s15+$0x1020];
	[tilespmem:s19+$0x90] =	vst v16  }
0x35d: {  	v16 =	vld [tilespmem:s18+$0x1020]  }
0x35e: {  	v61 =	vld [tilespmem:s15+$0x8020]  }
0x35f: {  	v62 =	vld [tilespmem:s18+$0x8020];
	_ =	sdelay $0x1  }
0x360: {  	v17 =	vadd.f32 v17, v19  }
0x361: {  	v16 =	vadd.f32 v16, v19  }
0x362: {  	v63 =	vadd.f32 v17, v61  }
0x363: {  	v34 =	vadd.f32 v16, v62  }
0x364: {  	[tilespmem:s17+$0xFFFFFF20] =	vst v63  }
0x365: {  	v19 =	vld [tilespmem:s15+$0x9020];
	[tilespmem:s19+$0xFFFFFF20] =	vst v34  }
0x366: {  	v31 =	vld [tilespmem:s18+$0x9020]  }
0x367: {  	v33 =	vadd.f32 v33, v29;
	_ =	sdelay $0x1  }
0x368: {  	[tilespmem:s12+$0xFFFFFFA0] =	vst v33  }
0x369: {  	v33 =	vld [tilespmem:s0+$0xA020];
	v19 =	vadd.f32 v19, v17  }
0x36a: {  	v31 =	vadd.f32 v31, v16  }
0x36b: {  	[tilespmem:s17+$0xFFFFFFA0] =	vst v19  }
0x36c: {  	v19 =	vld [tilespmem:s15+$0xA020];
	[tilespmem:s19+$0xFFFFFFA0] =	vst v31  }
0x36d: {  	v31 =	vld [tilespmem:s18+$0xA020]  }
0x36e: {  	v33 =	vadd.f32 v33, v29;
	_ =	sdelay $0x1  }
0x36f: {  	[tilespmem:s12+$0x20] =	vst v33  }
0x370: {  	v33 =	vld [tilespmem:s0+$0xB020];
	v19 =	vadd.f32 v19, v17  }
0x371: {  	v31 =	vadd.f32 v31, v16  }
0x372: {  	[tilespmem:s17+$0x20] =	vst v19  }
0x373: {  	v19 =	vld [tilespmem:s15+$0xB020];
	[tilespmem:s19+$0x20] =	vst v31  }
0x374: {  	v31 =	vld [tilespmem:s18+$0xB020]  }
0x375: {  	v35 =	vadd.f32 v33, v29;
	_ =	sdelay $0x1  }
0x376: {  	[tilespmem:s12+$0xA0] =	vst v35  }
0x377: {  	v36 =	vld [tilespmem:s0+$0x1030];
	v17 =	vadd.f32 v19, v17  }
0x378: {  	v16 =	vadd.f32 v31, v16  }
0x379: {  	v29 =	vld [tilespmem:s0+$0x8030];
	[tilespmem:s17+$0xA0] =	vst v17  }
0x37a: {  	v17 =	vld [tilespmem:s15+$0x1030];
	[tilespmem:s19+$0xA0] =	vst v16  }
0x37b: {  	v16 =	vld [tilespmem:s18+$0x1030]  }
0x37c: {  	v19 =	vadd.f32 v36, v21;
	v37 =	vld [tilespmem:s15+$0x8030]  }
0x37d: {  	v38 =	vld [tilespmem:s18+$0x8030]  }
0x37e: {  	v29 =	vadd.f32 v19, v29  }
0x37f: {  	v17 =	vadd.f32 v17, v21  }
0x380: {  	[tilespmem:s12+$0xFFFFFF30] =	vst v29;
	v16 =	vadd.f32 v16, v21  }
0x381: {  	v29 =	vld [tilespmem:s0+$0x9030];
	v39 =	vadd.f32 v17, v37  }
0x382: {  	v40 =	vadd.f32 v16, v38  }
0x383: {  	[tilespmem:s17+$0xFFFFFF30] =	vst v39  }
0x384: {  	v21 =	vld [tilespmem:s15+$0x9030];
	[tilespmem:s19+$0xFFFFFF30] =	vst v40  }
0x385: {  	v31 =	vld [tilespmem:s18+$0x9030]  }
0x386: {  	v29 =	vadd.f32 v29, v19;
	_ =	sdelay $0x1  }
0x387: {  	[tilespmem:s12+$0xFFFFFFB0] =	vst v29  }
0x388: {  	v29 =	vld [tilespmem:s0+$0xA030];
	v21 =	vadd.f32 v21, v17  }
0x389: {  	v31 =	vadd.f32 v31, v16  }
0x38a: {  	[tilespmem:s17+$0xFFFFFFB0] =	vst v21  }
0x38b: {  	v21 =	vld [tilespmem:s15+$0xA030];
	[tilespmem:s19+$0xFFFFFFB0] =	vst v31  }
0x38c: {  	v41 =	vadd.f32 v32, v27;
	v42 =	vld [tilespmem:s18+$0xA030]  }
0x38d: {  	v29 =	vadd.f32 v29, v19  }
0x38e: {  	[tilespmem:s7+$0x30] =	vst v41  }
0x38f: {  	[tilespmem:s12+$0x30] =	vst v29;
	v31 =	vld [tilespmem:s11+$0xB030]  }
0x390: {  	v29 =	vld [tilespmem:s0+$0xB030];
	v21 =	vadd.f32 v21, v17  }
0x391: {  	v32 =	vadd.f32 v42, v16  }
0x392: {  	[tilespmem:s17+$0x30] =	vst v21  }
0x393: {  	v21 =	vld [tilespmem:s15+$0xB030];
	[tilespmem:s19+$0x30] =	vst v32  }
0x394: {  	v43 =	vadd.f32 v31, v27;
	v44 =	vld [tilespmem:s18+$0xB030]  }
0x395: {  	[tilespmem:s9+$0x40] =	vst v30;
	v19 =	vadd.f32 v29, v19  }
0x396: {  	v54 =	vld [tilespmem:s10+$0xB040];
	[tilespmem:s7+$0xB0] =	vst v43  }
0x397: {  	[tilespmem:s12+$0xB0] =	vst v19;
	v27 =	vld [tilespmem:s11+$0x1040]  }
0x398: {  	v19 =	vld [tilespmem:s0+$0x1040];
	v17 =	vadd.f32 v21, v17  }
0x399: {  	v45 =	vld [tilespmem:s11+$0x8040];
	v16 =	vadd.f32 v44, v16  }
0x39a: {  	v46 =	vld [tilespmem:s0+$0x8040];
	[tilespmem:s17+$0xB0] =	vst v17  }
0x39b: {  	v17 =	vld [tilespmem:s15+$0x1040];
	[tilespmem:s19+$0xB0] =	vst v16  }
0x39c: {  	v16 =	vadd.f32 v27, v22;
	v47 =	vld [tilespmem:s18+$0x1040]  }
0x39d: {  	v48 =	vld [tilespmem:s15+$0x8040]  }
0x39e: {  	v19 =	vadd.f32 v19, v22;
	v32 =	vld [tilespmem:s18+$0x8040];
	v29 =	vadd.f32 v16, v45;
	_ =	sdelay $0x1  }
0x39f: {  	v21 =	vadd.f32 v19, v46;
	[tilespmem:s7+$0xFFFFFF40] =	vst v29;
	v17 =	vadd.f32 v17, v22  }
0x3a0: {  	v26 =	vadd.f32 v54, v26;
	v29 =	vld [tilespmem:s11+$0x9040];
	v49 =	vadd.f32 v47, v22  }
0x3a1: {  	[tilespmem:s12+$0xFFFFFF40] =	vst v21;
	v50 =	vadd.f32 v17, v48  }
0x3a2: {  	[tilespmem:s9+$0xC0] =	vst v26;
	v51 =	vld [tilespmem:s0+$0x9040];
	v52 =	vadd.f32 v49, v32  }
0x3a3: {  	v56 =	vld [tilespmem:s10+$0x1050];
	[tilespmem:s17+$0xFFFFFF40] =	vst v50  }
0x3a4: {  	v21 =	vld [tilespmem:s15+$0x9040];
	[tilespmem:s19+$0xFFFFFF40] =	vst v52  }
0x3a5: {  	v29 =	vadd.f32 v29, v16;
	v31 =	vld [tilespmem:s18+$0x9040];
	_ =	sdelay $0x1  }
0x3a6: {  	v57 =	vld [tilespmem:s10+$0x8050];
	v27 =	vadd.f32 v51, v19;
	[tilespmem:s7+$0xFFFFFFC0] =	vst v29  }
0x3a7: {  	v29 =	vld [tilespmem:s11+$0xA040]  }
0x3a8: {  	[tilespmem:s12+$0xFFFFFFC0] =	vst v27;
	v21 =	vadd.f32 v21, v17  }
0x3a9: {  	v61 =	vadd.f32 v56, v23;
	v27 =	vld [tilespmem:s0+$0xA040];
	v31 =	vadd.f32 v31, v49  }
0x3aa: {  	[tilespmem:s17+$0xFFFFFFC0] =	vst v21  }
0x3ab: {  	v63 =	vadd.f32 v61, v57;
	v21 =	vld [tilespmem:s15+$0xA040];
	[tilespmem:s19+$0xFFFFFFC0] =	vst v31  }
0x3ac: {  	v29 =	vadd.f32 v29, v16;
	v53 =	vld [tilespmem:s18+$0xA040]  }
0x3ad: {  	[tilespmem:s9+$0xFFFFFF50] =	vst v63  }
0x3ae: {  	v37 =	vld [tilespmem:s10+$0x9050];
	v27 =	vadd.f32 v27, v19;
	[tilespmem:s7+$0x40] =	vst v29  }
0x3af: {  	v29 =	vld [tilespmem:s11+$0xB040]  }
0x3b0: {  	[tilespmem:s12+$0x40] =	vst v27;
	v21 =	vadd.f32 v21, v17  }
0x3b1: {  	v27 =	vld [tilespmem:s0+$0xB040];
	v30 =	vadd.f32 v53, v49  }
0x3b2: {  	[tilespmem:s17+$0x40] =	vst v21  }
0x3b3: {  	v43 =	vadd.f32 v37, v61;
	v21 =	vld [tilespmem:s15+$0xB040];
	[tilespmem:s19+$0x40] =	vst v30  }
0x3b4: {  	v16 =	vadd.f32 v29, v16;
	v55 =	vld [tilespmem:s18+$0xB040]  }
0x3b5: {  	[tilespmem:s9+$0xFFFFFFD0] =	vst v43  }
0x3b6: {  	v44 =	vld [tilespmem:s10+$0xA050];
	[tilespmem:s7+$0xC0] =	vst v16;
	v16 =	vadd.f32 v27, v19  }
0x3b7: {  	v58 =	vld [tilespmem:s11+$0x1050]  }
0x3b8: {  	v59 =	vld [tilespmem:s11+$0x8050];
	[tilespmem:s12+$0xC0] =	vst v16;
	v16 =	vadd.f32 v21, v17  }
0x3b9: {  	v17 =	vld [tilespmem:s0+$0x1050];
	v60 =	vadd.f32 v55, v49  }
0x3ba: {  	v62 =	vld [tilespmem:s0+$0x8050];
	[tilespmem:s17+$0xC0] =	vst v16  }
0x3bb: {  	v16 =	vld [tilespmem:s15+$0x1050];
	[tilespmem:s19+$0xC0] =	vst v60  }
0x3bc: {  	v19 =	vadd.f32 v58, v23;
	v33 =	vld [tilespmem:s18+$0x1050]  }
0x3bd: {  	v34 =	vld [tilespmem:s15+$0x8050]  }
0x3be: {  	v36 =	vld [tilespmem:s18+$0x8050];
	v35 =	vadd.f32 v19, v59;
	v17 =	vadd.f32 v17, v23  }
0x3bf: {  	v24 =	vadd.f32 v28, v24  }
0x3c0: {  	[tilespmem:s7+$0xFFFFFF50] =	vst v35;
	v38 =	vadd.f32 v17, v62;
	v16 =	vadd.f32 v16, v23  }
0x3c1: {  	v28 =	vadd.f32 v44, v61;
	v39 =	vld [tilespmem:s11+$0x9050];
	v40 =	vadd.f32 v33, v23  }
0x3c2: {  	[tilespmem:s12+$0xFFFFFF50] =	vst v38;
	v41 =	vadd.f32 v16, v34  }
0x3c3: {  	[tilespmem:s9+$0x50] =	vst v28;
	v42 =	vld [tilespmem:s0+$0x9050];
	v27 =	vadd.f32 v40, v36  }
0x3c4: {  	v49 =	vld [tilespmem:s10+$0xB050];
	[tilespmem:s17+$0xFFFFFF50] =	vst v41  }
0x3c5: {  	v21 =	vld [tilespmem:s15+$0x9050];
	[tilespmem:s19+$0xFFFFFF50] =	vst v27  }
0x3c6: {  	v26 =	vadd.f32 v39, v19;
	v27 =	vld [tilespmem:s18+$0x9050];
	_ =	sdelay $0x1  }
0x3c7: {  	[tilespmem:s7+$0xFFFFFFD0] =	vst v26;
	v45 =	vadd.f32 v42, v17  }
0x3c8: {  	v22 =	vadd.f32 v49, v61;
	v46 =	vld [tilespmem:s11+$0xA050]  }
0x3c9: {  	[tilespmem:s12+$0xFFFFFFD0] =	vst v45;
	v21 =	vadd.f32 v21, v16  }
0x3ca: {  	[tilespmem:s9+$0xD0] =	vst v22;
	v26 =	vld [tilespmem:s0+$0xA050];
	v27 =	vadd.f32 v27, v40  }
0x3cb: {  	v56 =	vld [tilespmem:s10+$0x1060];
	[tilespmem:s17+$0xFFFFFFD0] =	vst v21  }
0x3cc: {  	v21 =	vld [tilespmem:s15+$0xA050];
	[tilespmem:s19+$0xFFFFFFD0] =	vst v27  }
0x3cd: {  	[tilespmem:s3+$0xD0] =	vst v24;
	v24 =	vadd.f32 v46, v19;
	v27 =	vld [tilespmem:s18+$0xA050];
	_ =	sdelay $0x1  }
0x3ce: {  	v57 =	vld [tilespmem:s10+$0x8060];
	[tilespmem:s7+$0x50] =	vst v24;
	v50 =	vadd.f32 v26, v17  }
0x3cf: {  	v52 =	vld [tilespmem:s11+$0xB050]  }
0x3d0: {  	[tilespmem:s12+$0x50] =	vst v50;
	v21 =	vadd.f32 v21, v16  }
0x3d1: {  	v60 =	vadd.f32 v56, v20;
	v24 =	vld [tilespmem:s0+$0xB050];
	v53 =	vadd.f32 v27, v40  }
0x3d2: {  	v47 =	vld [tilespmem:s6+$0x1060];
	[tilespmem:s17+$0x50] =	vst v21  }
0x3d3: {  	v62 =	vadd.f32 v60, v57;
	v21 =	vld [tilespmem:s15+$0xB050];
	[tilespmem:s19+$0x50] =	vst v53  }
0x3d4: {  	v19 =	vadd.f32 v52, v19;
	v55 =	vld [tilespmem:s18+$0xB050]  }
0x3d5: {  	v48 =	vld [tilespmem:s6+$0x8060];
	[tilespmem:s9+$0xFFFFFF60] =	vst v62  }
0x3d6: {  	v36 =	vld [tilespmem:s10+$0x9060];
	[tilespmem:s7+$0xD0] =	vst v19;
	v17 =	vadd.f32 v24, v17  }
0x3d7: {  	v19 =	vld [tilespmem:s11+$0x1060]  }
0x3d8: {  	v58 =	vld [tilespmem:s11+$0x8060];
	[tilespmem:s12+$0xD0] =	vst v17;
	v16 =	vadd.f32 v21, v16  }
0x3d9: {  	v17 =	vld [tilespmem:s0+$0x1060];
	v59 =	vadd.f32 v55, v40  }
0x3da: {  	v28 =	vadd.f32 v47, v20;
	v61 =	vld [tilespmem:s0+$0x8060];
	[tilespmem:s17+$0xD0] =	vst v16  }
0x3db: {  	v16 =	vld [tilespmem:s15+$0x1060];
	[tilespmem:s19+$0xD0] =	vst v59  }
0x3dc: {  	v51 =	vadd.f32 v28, v48;
	v19 =	vadd.f32 v19, v20;
	v63 =	vld [tilespmem:s18+$0x1060]  }
0x3dd: {  	v33 =	vld [tilespmem:s15+$0x8060]  }
0x3de: {  	[tilespmem:s3+$0xFFFFFF60] =	vst v51;
	v35 =	vld [tilespmem:s18+$0x8060];
	v34 =	vadd.f32 v19, v58;
	v17 =	vadd.f32 v17, v20  }
0x3df: {  	v54 =	vld [tilespmem:s6+$0x9060];
	v43 =	vadd.f32 v36, v60  }
0x3e0: {  	[tilespmem:s7+$0xFFFFFF60] =	vst v34;
	v37 =	vadd.f32 v17, v61;
	v16 =	vadd.f32 v16, v20  }
0x3e1: {  	[tilespmem:s9+$0xFFFFFFE0] =	vst v43;
	v38 =	vld [tilespmem:s11+$0x9060];
	v39 =	vadd.f32 v63, v20  }
0x3e2: {  	v29 =	vld [tilespmem:s10+$0xA060];
	[tilespmem:s12+$0xFFFFFF60] =	vst v37;
	v41 =	vadd.f32 v16, v33  }
0x3e3: {  	v42 =	vld [tilespmem:s0+$0x9060];
	v24 =	vadd.f32 v39, v35  }
0x3e4: {  	v27 =	vadd.f32 v54, v28;
	[tilespmem:s17+$0xFFFFFF60] =	vst v41  }
0x3e5: {  	v21 =	vld [tilespmem:s15+$0x9060];
	[tilespmem:s19+$0xFFFFFF60] =	vst v24  }
0x3e6: {  	[tilespmem:s3+$0xFFFFFFE0] =	vst v27;
	v23 =	vadd.f32 v38, v19;
	v24 =	vld [tilespmem:s18+$0x9060]  }
0x3e7: {  	v29 =	vadd.f32 v29, v60;
	v40 =	vld [tilespmem:s6+$0xA060]  }
0x3e8: {  	[tilespmem:s7+$0xFFFFFFE0] =	vst v23;
	v44 =	vadd.f32 v42, v17  }
0x3e9: {  	[tilespmem:s9+$0x60] =	vst v29;
	v45 =	vld [tilespmem:s11+$0xA060]  }
0x3ea: {  	v49 =	vld [tilespmem:s10+$0xB060];
	[tilespmem:s12+$0xFFFFFFE0] =	vst v44;
	v21 =	vadd.f32 v21, v16  }
0x3eb: {  	v23 =	vld [tilespmem:s0+$0xA060];
	v24 =	vadd.f32 v24, v39  }
0x3ec: {  	v26 =	vadd.f32 v40, v28;
	[tilespmem:s17+$0xFFFFFFE0] =	vst v21  }
0x3ed: {  	v21 =	vld [tilespmem:s15+$0xA060];
	[tilespmem:s19+$0xFFFFFFE0] =	vst v24  }
0x3ee: {  	[tilespmem:s3+$0x60] =	vst v26;
	v47 =	vadd.f32 v45, v19;
	v48 =	vld [tilespmem:s18+$0xA060]  }
0x3ef: {  	v22 =	vadd.f32 v49, v60;
	v46 =	vld [tilespmem:s6+$0xB060]  }
0x3f0: {  	v50 =	vld [tilespmem:s2+$0x8070];
	[tilespmem:s7+$0x60] =	vst v47;
	v23 =	vadd.f32 v23, v17  }
0x3f1: {  	[tilespmem:s9+$0xE0] =	vst v22;
	v24 =	vld [tilespmem:s11+$0xB060]  }
0x3f2: {  	v53 =	vld [tilespmem:s10+$0x1070];
	[tilespmem:s12+$0x60] =	vst v23;
	v21 =	vadd.f32 v21, v16  }
0x3f3: {  	v23 =	vld [tilespmem:s0+$0xB060];
	v26 =	vadd.f32 v48, v39  }
0x3f4: {  	v54 =	vld [tilespmem:s10+$0x8070];
	v27 =	vadd.f32 v46, v28;
	[tilespmem:s17+$0x60] =	vst v21  }
0x3f5: {  	v21 =	vld [tilespmem:s15+$0xB060];
	[tilespmem:s19+$0x60] =	vst v26  }
0x3f6: {  	[tilespmem:s3+$0xE0] =	vst v27;
	v19 =	vadd.f32 v24, v19;
	v52 =	vld [tilespmem:s18+$0xB060]  }
0x3f7: {  	v27 =	vld [tilespmem:s6+$0x1070]  }
0x3f8: {  	v51 =	vld [tilespmem:s6+$0x8070];
	[tilespmem:s7+$0xE0] =	vst v19;
	v17 =	vadd.f32 v23, v17  }
0x3f9: {  	v19 =	vld [tilespmem:s11+$0x1070]  }
0x3fa: {  	v55 =	vld [tilespmem:s11+$0x8070];
	[tilespmem:s12+$0xE0] =	vst v17;
	v16 =	vadd.f32 v21, v16  }
0x3fb: {  	v17 =	vld [tilespmem:s0+$0x1070];
	v20 =	vadd.f32 v52, v39  }
0x3fc: {  	v56 =	vld [tilespmem:s0+$0x8070];
	[tilespmem:s17+$0xE0] =	vst v16  }
0x3fd: {  	v16 =	vadd.f32 v25, v18;
	v57 =	vld [tilespmem:s15+$0x1070];
	[tilespmem:s19+$0xE0] =	vst v20  }
0x3fe: {  	v20 =	vadd.f32 v27, v18;
	v58 =	vld [tilespmem:s18+$0x1070]  }
0x3ff: {  	v24 =	vadd.f32 v53, v18;
	v60 =	vld [tilespmem:s15+$0x8070];
	v59 =	vadd.f32 v16, v50  }
0x400: {  	v19 =	vadd.f32 v19, v18;
	v62 =	vld [tilespmem:s18+$0x8070];
	v61 =	vadd.f32 v20, v51  }
0x401: {  	v26 =	vadd.f32 v24, v54;
	[tilespmem:s1+$0xFFFFFF70] =	vst v59;
	v17 =	vadd.f32 v17, v18  }
0x402: {  	v23 =	vadd.f32 v19, v55;
	v27 =	vld [tilespmem:s2+$0x9070];
	[tilespmem:s3+$0xFFFFFF70] =	vst v61;
	v22 =	vadd.f32 v57, v18  }
0x403: {  	[tilespmem:s9+$0xFFFFFF70] =	vst v26;
	v21 =	vadd.f32 v17, v56;
	v29 =	vld [tilespmem:s6+$0x9070];
	v18 =	vadd.f32 v58, v18  }
0x404: {  	v63 =	vld [tilespmem:s10+$0x9070];
	[tilespmem:s7+$0xFFFFFF70] =	vst v23;
	v32 =	vadd.f32 v22, v60  }
0x405: {  	v33 =	vld [tilespmem:s11+$0x9070];
	[tilespmem:s12+$0xFFFFFF70] =	vst v21;
	v34 =	vadd.f32 v18, v62  }
0x406: {  	v35 =	vld [tilespmem:s0+$0x9070];
	[tilespmem:s17+$0xFFFFFF70] =	vst v32  }
0x407: {  	v36 =	vadd.f32 v27, v16;
	v37 =	vld [tilespmem:s15+$0x9070];
	[tilespmem:s19+$0xFFFFFF70] =	vst v34  }
0x408: {  	v38 =	vadd.f32 v29, v20;
	v39 =	vld [tilespmem:s18+$0x9070]  }
0x409: {  	v40 =	vadd.f32 v63, v24;
	[tilespmem:s1+$0xFFFFFFF0] =	vst v36  }
0x40a: {  	v42 =	vadd.f32 v33, v19;
	v41 =	vld [tilespmem:s2+$0xA070];
	[tilespmem:s3+$0xFFFFFFF0] =	vst v38  }
0x40b: {  	[tilespmem:s9+$0xFFFFFFF0] =	vst v40;
	v44 =	vadd.f32 v35, v17;
	v43 =	vld [tilespmem:s6+$0xA070]  }
0x40c: {  	v45 =	vld [tilespmem:s10+$0xA070];
	[tilespmem:s7+$0xFFFFFFF0] =	vst v42;
	v46 =	vadd.f32 v37, v22  }
0x40d: {  	v47 =	vld [tilespmem:s11+$0xA070];
	[tilespmem:s12+$0xFFFFFFF0] =	vst v44;
	v48 =	vadd.f32 v39, v18  }
0x40e: {  	v49 =	vld [tilespmem:s0+$0xA070];
	[tilespmem:s17+$0xFFFFFFF0] =	vst v46  }
0x40f: {  	v50 =	vadd.f32 v41, v16;
	v51 =	vld [tilespmem:s15+$0xA070];
	[tilespmem:s19+$0xFFFFFFF0] =	vst v48  }
0x410: {  	v52 =	vadd.f32 v43, v20;
	v53 =	vld [tilespmem:s18+$0xA070]  }
0x411: {  	v54 =	vadd.f32 v45, v24;
	[tilespmem:s1+$0x70] =	vst v50  }
0x412: {  	v56 =	vadd.f32 v47, v19;
	v55 =	vld [tilespmem:s2+$0xB070];
	[tilespmem:s3+$0x70] =	vst v52  }
0x413: {  	[tilespmem:s9+$0x70] =	vst v54;
	v58 =	vadd.f32 v49, v17;
	v57 =	vld [tilespmem:s6+$0xB070]  }
0x414: {  	v59 =	vld [tilespmem:s10+$0xB070];
	[tilespmem:s7+$0x70] =	vst v56;
	v60 =	vadd.f32 v51, v22  }
0x415: {  	v61 =	vld [tilespmem:s11+$0xB070];
	[tilespmem:s12+$0x70] =	vst v58;
	v62 =	vadd.f32 v53, v18  }
0x416: {  	v63 =	vld [tilespmem:s0+$0xB070];
	[tilespmem:s17+$0x70] =	vst v60  }
0x417: {  	v16 =	vadd.f32 v55, v16;
	v23 =	vld [tilespmem:s15+$0xB070];
	[tilespmem:s19+$0x70] =	vst v62  }
0x418: {  	v20 =	vadd.f32 v57, v20;
	v21 =	vld [tilespmem:s18+$0xB070]  }
0x419: {  	[tilespmem:s1+$0xF0] =	vst v16;
	v16 =	vadd.f32 v59, v24  }
0x41a: {  	v19 =	vadd.f32 v61, v19;
	[tilespmem:s3+$0xF0] =	vst v20  }
0x41b: {  	[tilespmem:s9+$0xF0] =	vst v16;
	v16 =	vadd.f32 v63, v17  }
0x41c: {  	[tilespmem:s7+$0xF0] =	vst v19;
	v17 =	vadd.f32 v23, v22  }
0x41d: {  	[tilespmem:s12+$0xF0] =	vst v16;
	v16 =	vadd.f32 v21, v18  }
0x41e: {  	[tilespmem:s17+$0xF0] =	vst v17  }
0x41f: {  	s29 =	simm.s32 $0x10000;
	s24 =	simm.s32 $0x2;
	[tilespmem:s19+$0xF0] =	vst v16  }
0x420: {  	s1 =	simm.s32 $0x3;
	s3 =	simm.s32 $0x0;
	s26 =	rddreg [dreg:$0xc]  }
0x421: {  	[hbm4b:s26+s3] =	stream.linear.scatter [tilespmem:s29], [sflag:$0x4], $0x4000, $0x38;
	[tilespmem:$0x14380] =	vst v63  }
.LBB2_8:
0x422: {  	s18 =	sshll.u32 s3, $0xA;
	p1 =	seq.s32 s3, $0x0  }
0x423: {  	s17 =	simm.s32 $0x0;
	s2 =	rddreg [dreg:$0xd];
	s15 =	simm.s32 $0x1000  }
0x424: {  	s6 =	simm.s32 $0x80000;
	s0 =	sadd.s32 s16, s18;
	s17 =	simm.s32 @!p1 $0xFFFFC  }
0x425: {  	s7 =	simm.s32 $0x8000;
	s0 =	smov.u32 @p1 s2;
	s19 =	sadd.s32 s24, s17  }
0x426: {  	[tilespmem:s7], [sflag:$0x2] =	stream.strided.gather [hbm4b:s0+s15], $0x4000, s6, s15, $0x38;
	[tilespmem:$0x14380] =	vst v63  }
0x427: {  	s0 =	sshll.u32 s19, $0xE  }
0x428: {  	s0 =	sshra.s32 s0, $0x2  }
0x429: {  	_ =	swait.ge [sflag:s25], $0x4000;
	s0 =	sor.u32 $0x40, s0  }
0x42a: {  	[sflag:s25] =	ssyncset.done $0x0;
	v24 =	vmov s0  }
0x42b: {  	[sflag:s25] =	ssyncadd.s32 $0xFFFFC000  }
0x42c: {  	_ =	swait.ge [sflag:s30], $0x4000  }
0x42d: {  	[sflag:s30] =	ssyncset.done $0x0  }
0x42e: {  	s2 =	simm.f32 $1.000000000e+00;
	s6 =	simm.s32 $0x0;
	[sflag:s30] =	ssyncadd.s32 $0xFFFFC000  }
0x42f: {  	s2 =	simm.s32 @!p1 $0x0;
	v16 =	vld.idx.msk [tilespmem:v24+s6+$0xFFFFFFC0 ss:$0x1], $0xffff  }
0x430: {  	v17 =	vmul.f32 s2, v8  }
0x431: {  	v18 =	vld [tilespmem:s6+$0x4000]  }
0x432: {  	v17 =	vadd.f32 v17, v0;
	_ =	sdelay $0x1  }
0x433: {  	v16 =	vadd.f32 v16, v17;
	_ =	sdelay $0x1  }
0x434: {  	v18 =	vadd.f32 v16, v18  }
0x435: {  	s21 =	simm.s32 $0xC100  }
0x436: {  	[tilespmem:s21+$0xFFFFFF00] =	vst v18  }
0x437: {  	v18 =	vld [tilespmem:s6+$0x5000];
	_ =	sdelay $0x4  }
0x438: {  	v18 =	vadd.f32 v18, v16;
	_ =	sdelay $0x1  }
0x439: {  	[tilespmem:s21+$0xFFFFFF80] =	vst v18  }
0x43a: {  	v18 =	vld [tilespmem:s6+$0x6000];
	_ =	sdelay $0x4  }
0x43b: {  	v18 =	vadd.f32 v18, v16;
	_ =	sdelay $0x1  }
0x43c: {  	[tilespmem:s21+$0x0] =	vst v18  }
0x43d: {  	v18 =	vld [tilespmem:s6+$0x7000];
	_ =	sdelay $0x4  }
0x43e: {  	v16 =	vadd.f32 v18, v16;
	_ =	sdelay $0x1  }
0x43f: {  	[tilespmem:s21+$0x80] =	vst v16  }
0x440: {  	v16 =	vld.idx.msk [tilespmem:v24+s6+$0xFFFFFFD0 ss:$0x1], $0xffff  }
0x441: {  	v18 =	vmul.f32 s2, v9  }
0x442: {  	v19 =	vld [tilespmem:s6+$0x4010]  }
0x443: {  	v18 =	vadd.f32 v18, v1  }
0x444: {  	s10 =	simm.s32 $0x80  }
0x445: {  	v20 =	vld.idx.msk [tilespmem:v24+s10+$0xFFFFFFC0 ss:$0x1], $0xffff;
	v16 =	vadd.f32 v16, v18;
	_ =	sdelay $0x1  }
0x446: {  	v21 =	vld [tilespmem:s10+$0x4000];
	v19 =	vadd.f32 v16, v19;
	_ =	sdelay $0x1  }
0x447: {  	[tilespmem:s21+$0xFFFFFF10] =	vst v19  }
0x448: {  	v19 =	vadd.f32 v20, v17;
	v20 =	vld [tilespmem:s6+$0x5010];
	_ =	sdelay $0x1  }
0x449: {  	v21 =	vadd.f32 v19, v21  }
0x44a: {  	s9 =	simm.s32 $0xC300  }
0x44b: {  	[tilespmem:s9+$0xFFFFFF00] =	vst v21  }
0x44c: {  	v21 =	vld [tilespmem:s10+$0x5000];
	v20 =	vadd.f32 v20, v16;
	_ =	sdelay $0x1  }
0x44d: {  	[tilespmem:s21+$0xFFFFFF90] =	vst v20  }
0x44e: {  	v20 =	vld [tilespmem:s6+$0x6010];
	_ =	sdelay $0x1  }
0x44f: {  	v21 =	vadd.f32 v21, v19;
	_ =	sdelay $0x1  }
0x450: {  	[tilespmem:s9+$0xFFFFFF80] =	vst v21  }
0x451: {  	v21 =	vld [tilespmem:s10+$0x6000];
	v20 =	vadd.f32 v20, v16;
	_ =	sdelay $0x1  }
0x452: {  	[tilespmem:s21+$0x10] =	vst v20  }
0x453: {  	v20 =	vld [tilespmem:s6+$0x7010];
	_ =	sdelay $0x1  }
0x454: {  	v21 =	vadd.f32 v21, v19;
	_ =	sdelay $0x1  }
0x455: {  	[tilespmem:s9+$0x0] =	vst v21  }
0x456: {  	v21 =	vld [tilespmem:s10+$0x7000];
	v16 =	vadd.f32 v20, v16;
	_ =	sdelay $0x1  }
0x457: {  	[tilespmem:s21+$0x90] =	vst v16  }
0x458: {  	v16 =	vld.idx.msk [tilespmem:v24+s6+$0xFFFFFFE0 ss:$0x1], $0xffff  }
0x459: {  	v20 =	vmul.f32 s2, v10  }
0x45a: {  	v19 =	vadd.f32 v21, v19;
	v21 =	vld [tilespmem:s6+$0x4020]  }
0x45b: {  	v20 =	vadd.f32 v20, v2  }
0x45c: {  	[tilespmem:s9+$0x80] =	vst v19  }
0x45d: {  	v19 =	vld.idx.msk [tilespmem:v24+s10+$0xFFFFFFD0 ss:$0x1], $0xffff;
	v16 =	vadd.f32 v16, v20;
	_ =	sdelay $0x1  }
0x45e: {  	v22 =	vld [tilespmem:s10+$0x4010];
	v21 =	vadd.f32 v16, v21  }
0x45f: {  	s12 =	simm.s32 $0x100  }
0x460: {  	v23 =	vld.idx.msk [tilespmem:v24+s12+$0xFFFFFFC0 ss:$0x1], $0xffff;
	[tilespmem:s21+$0xFFFFFF20] =	vst v21  }
0x461: {  	v19 =	vadd.f32 v19, v18;
	v21 =	vld [tilespmem:s6+$0x5020]  }
0x462: {  	v25 =	vld [tilespmem:s12+$0x4000]  }
0x463: {  	v22 =	vadd.f32 v19, v22;
	_ =	sdelay $0x1  }
0x464: {  	[tilespmem:s9+$0xFFFFFF10] =	vst v22;
	v22 =	vadd.f32 v23, v17  }
0x465: {  	v23 =	vld [tilespmem:s10+$0x5010];
	v21 =	vadd.f32 v21, v16  }
0x466: {  	v25 =	vadd.f32 v22, v25  }
0x467: {  	s11 =	simm.s32 $0xC500;
	[tilespmem:s21+$0xFFFFFFA0] =	vst v21  }
0x468: {  	[tilespmem:s11+$0xFFFFFF00] =	vst v25;
	v21 =	vld [tilespmem:s6+$0x6020]  }
0x469: {  	v25 =	vld [tilespmem:s12+$0x5000]  }
0x46a: {  	v23 =	vadd.f32 v23, v19;
	_ =	sdelay $0x1  }
0x46b: {  	[tilespmem:s9+$0xFFFFFF90] =	vst v23  }
0x46c: {  	v23 =	vld [tilespmem:s10+$0x6010];
	v21 =	vadd.f32 v21, v16  }
0x46d: {  	v25 =	vadd.f32 v25, v22  }
0x46e: {  	[tilespmem:s21+$0x20] =	vst v21  }
0x46f: {  	[tilespmem:s11+$0xFFFFFF80] =	vst v25;
	v21 =	vld [tilespmem:s6+$0x7020]  }
0x470: {  	v25 =	vld [tilespmem:s12+$0x6000]  }
0x471: {  	v23 =	vadd.f32 v23, v19;
	_ =	sdelay $0x1  }
0x472: {  	[tilespmem:s9+$0x10] =	vst v23  }
0x473: {  	v23 =	vld [tilespmem:s10+$0x7010];
	v16 =	vadd.f32 v21, v16  }
0x474: {  	v21 =	vadd.f32 v25, v22  }
0x475: {  	[tilespmem:s21+$0xA0] =	vst v16  }
0x476: {  	[tilespmem:s11+$0x0] =	vst v21;
	v16 =	vld.idx.msk [tilespmem:v24+s6+$0xFFFFFFF0 ss:$0x1], $0xffff  }
0x477: {  	v21 =	vmul.f32 s2, v11;
	v25 =	vld [tilespmem:s12+$0x7000]  }
0x478: {  	v26 =	vld [tilespmem:s6+$0x4030];
	v19 =	vadd.f32 v23, v19  }
0x479: {  	v23 =	vadd.f32 v21, v3  }
0x47a: {  	[tilespmem:s9+$0x90] =	vst v19  }
0x47b: {  	v19 =	vld.idx.msk [tilespmem:v24+s10+$0xFFFFFFE0 ss:$0x1], $0xffff;
	v16 =	vadd.f32 v16, v23  }
0x47c: {  	v21 =	vadd.f32 v25, v22  }
0x47d: {  	v22 =	vld [tilespmem:s10+$0x4020];
	v25 =	vadd.f32 v16, v26  }
0x47e: {  	[tilespmem:s11+$0x80] =	vst v21  }
0x47f: {  	v21 =	vld.idx.msk [tilespmem:v24+s12+$0xFFFFFFD0 ss:$0x1], $0xffff;
	[tilespmem:s21+$0xFFFFFF30] =	vst v25  }
0x480: {  	v19 =	vadd.f32 v19, v20;
	v25 =	vld [tilespmem:s6+$0x5030]  }
0x481: {  	v26 =	vld [tilespmem:s12+$0x4010]  }
0x482: {  	v22 =	vadd.f32 v19, v22  }
0x483: {  	s7 =	simm.s32 $0x180  }
0x484: {  	v27 =	vld.idx.msk [tilespmem:v24+s7+$0xFFFFFFC0 ss:$0x1], $0xffff;
	[tilespmem:s9+$0xFFFFFF20] =	vst v22;
	v21 =	vadd.f32 v21, v18  }
0x485: {  	v22 =	vld [tilespmem:s10+$0x5020];
	v25 =	vadd.f32 v25, v16  }
0x486: {  	v28 =	vld [tilespmem:s7+$0x4000];
	v26 =	vadd.f32 v21, v26  }
0x487: {  	[tilespmem:s21+$0xFFFFFFB0] =	vst v25  }
0x488: {  	[tilespmem:s11+$0xFFFFFF10] =	vst v26;
	v25 =	vld [tilespmem:s6+$0x6030]  }
0x489: {  	v26 =	vadd.f32 v27, v17;
	v27 =	vld [tilespmem:s12+$0x5010]  }
0x48a: {  	v22 =	vadd.f32 v22, v19  }
0x48b: {  	v28 =	vadd.f32 v26, v28  }
0x48c: {  	s15 =	simm.s32 $0xC700;
	[tilespmem:s9+$0xFFFFFFA0] =	vst v22  }
0x48d: {  	[tilespmem:s15+$0xFFFFFF00] =	vst v28;
	v22 =	vld [tilespmem:s10+$0x6020];
	v25 =	vadd.f32 v25, v16  }
0x48e: {  	v28 =	vld [tilespmem:s7+$0x5000];
	v27 =	vadd.f32 v27, v21  }
0x48f: {  	[tilespmem:s21+$0x30] =	vst v25  }
0x490: {  	[tilespmem:s11+$0xFFFFFF90] =	vst v27;
	v25 =	vld [tilespmem:s6+$0x7030]  }
0x491: {  	v27 =	vld [tilespmem:s12+$0x6010]  }
0x492: {  	v22 =	vadd.f32 v22, v19  }
0x493: {  	v28 =	vadd.f32 v28, v26  }
0x494: {  	[tilespmem:s9+$0x20] =	vst v22  }
0x495: {  	[tilespmem:s15+$0xFFFFFF80] =	vst v28;
	v22 =	vld [tilespmem:s10+$0x7020];
	v16 =	vadd.f32 v25, v16  }
0x496: {  	v25 =	vld [tilespmem:s7+$0x6000];
	v27 =	vadd.f32 v27, v21  }
0x497: {  	[tilespmem:s21+$0xB0] =	vst v16  }
0x498: {  	[tilespmem:s11+$0x10] =	vst v27;
	v16 =	vld.idx.msk [tilespmem:v24+s6+$0x0 ss:$0x1], $0xffff  }
0x499: {  	v27 =	vmul.f32 s2, v12;
	v28 =	vld [tilespmem:s12+$0x7010]  }
0x49a: {  	v29 =	vld [tilespmem:s6+$0x4040];
	v19 =	vadd.f32 v22, v19  }
0x49b: {  	v22 =	vadd.f32 v27, v4;
	v25 =	vadd.f32 v25, v26  }
0x49c: {  	[tilespmem:s9+$0xA0] =	vst v19  }
0x49d: {  	v19 =	vld.idx.msk [tilespmem:v24+s10+$0xFFFFFFF0 ss:$0x1], $0xffff;
	[tilespmem:s15+$0x0] =	vst v25;
	v16 =	vadd.f32 v16, v22  }
0x49e: {  	v25 =	vld [tilespmem:s7+$0x7000];
	v21 =	vadd.f32 v28, v21  }
0x49f: {  	v27 =	vld [tilespmem:s10+$0x4030];
	v28 =	vadd.f32 v16, v29  }
0x4a0: {  	[tilespmem:s11+$0x90] =	vst v21  }
0x4a1: {  	v21 =	vld.idx.msk [tilespmem:v24+s12+$0xFFFFFFE0 ss:$0x1], $0xffff;
	[tilespmem:s21+$0xFFFFFF40] =	vst v28  }
0x4a2: {  	v19 =	vadd.f32 v19, v23;
	v28 =	vld [tilespmem:s6+$0x5040]  }
0x4a3: {  	v25 =	vadd.f32 v25, v26;
	v26 =	vld [tilespmem:s12+$0x4020]  }
0x4a4: {  	v27 =	vadd.f32 v19, v27  }
0x4a5: {  	[tilespmem:s15+$0x80] =	vst v25  }
0x4a6: {  	[tilespmem:s9+$0xFFFFFF30] =	vst v27;
	v27 =	vadd.f32 v21, v20  }
0x4a7: {  	v25 =	vld.idx.msk [tilespmem:v24+s7+$0xFFFFFFD0 ss:$0x1], $0xffff;
	v28 =	vadd.f32 v28, v16  }
0x4a8: {  	v21 =	vld [tilespmem:s10+$0x5030];
	v26 =	vadd.f32 v27, v26  }
0x4a9: {  	v29 =	vld [tilespmem:s7+$0x4010];
	[tilespmem:s21+$0xFFFFFFC0] =	vst v28  }
0x4aa: {  	[tilespmem:s11+$0xFFFFFF20] =	vst v26;
	v28 =	vld [tilespmem:s6+$0x6040]  }
0x4ab: {  	s0 =	simm.s32 $0x200;
	v26 =	vld [tilespmem:s12+$0x5020]  }
0x4ac: {  	v30 =	vld.idx.msk [tilespmem:v24+s0+$0xFFFFFFC0 ss:$0x1], $0xffff;
	v25 =	vadd.f32 v25, v18  }
0x4ad: {  	v21 =	vadd.f32 v21, v19  }
0x4ae: {  	v31 =	vld [tilespmem:s0+$0x4000];
	v29 =	vadd.f32 v25, v29  }
0x4af: {  	[tilespmem:s9+$0xFFFFFFB0] =	vst v21;
	v28 =	vadd.f32 v28, v16  }
0x4b0: {  	v21 =	vld [tilespmem:s10+$0x6030];
	[tilespmem:s15+$0xFFFFFF10] =	vst v29;
	v26 =	vadd.f32 v26, v27  }
0x4b1: {  	v30 =	vadd.f32 v30, v17;
	v29 =	vld [tilespmem:s7+$0x5010];
	[tilespmem:s21+$0x40] =	vst v28  }
0x4b2: {  	[tilespmem:s11+$0xFFFFFFA0] =	vst v26;
	v28 =	vld [tilespmem:s6+$0x7040]  }
0x4b3: {  	v26 =	vadd.f32 v30, v31;
	v31 =	vld [tilespmem:s12+$0x6020];
	_ =	sdelay $0x1  }
0x4b4: {  	s23 =	simm.s32 $0xC900;
	v21 =	vadd.f32 v21, v19  }
0x4b5: {  	[tilespmem:s23+$0xFFFFFF00] =	vst v26;
	v26 =	vadd.f32 v29, v25  }
0x4b6: {  	v29 =	vld [tilespmem:s0+$0x5000];
	[tilespmem:s9+$0x30] =	vst v21;
	v16 =	vadd.f32 v28, v16  }
0x4b7: {  	v21 =	vld [tilespmem:s10+$0x7030];
	[tilespmem:s15+$0xFFFFFF90] =	vst v26;
	v28 =	vadd.f32 v31, v27  }
0x4b8: {  	v26 =	vld [tilespmem:s7+$0x6010];
	[tilespmem:s21+$0xC0] =	vst v16  }
0x4b9: {  	[tilespmem:s11+$0x20] =	vst v28;
	v16 =	vld.idx.msk [tilespmem:v24+s6+$0x10 ss:$0x1], $0xffff  }
0x4ba: {  	v28 =	vmul.f32 s2, v13;
	v31 =	vld [tilespmem:s12+$0x7020]  }
0x4bb: {  	v29 =	vadd.f32 v29, v30;
	v32 =	vld [tilespmem:s6+$0x4050]  }
0x4bc: {  	v19 =	vadd.f32 v21, v19;
	v21 =	vadd.f32 v28, v5  }
0x4bd: {  	[tilespmem:s23+$0xFFFFFF80] =	vst v29;
	v26 =	vadd.f32 v26, v25  }
0x4be: {  	v28 =	vld [tilespmem:s0+$0x6000];
	[tilespmem:s9+$0xB0] =	vst v19;
	v16 =	vadd.f32 v16, v21  }
0x4bf: {  	v19 =	vld.idx.msk [tilespmem:v24+s10+$0x0 ss:$0x1], $0xffff;
	[tilespmem:s15+$0x10] =	vst v26;
	v27 =	vadd.f32 v31, v27  }
0x4c0: {  	v26 =	vld [tilespmem:s7+$0x7010];
	v31 =	vadd.f32 v16, v32  }
0x4c1: {  	v29 =	vld [tilespmem:s10+$0x4040];
	[tilespmem:s11+$0xA0] =	vst v27  }
0x4c2: {  	v27 =	vld.idx.msk [tilespmem:v24+s12+$0xFFFFFFF0 ss:$0x1], $0xffff;
	[tilespmem:s21+$0xFFFFFF50] =	vst v31  }
0x4c3: {  	v28 =	vadd.f32 v28, v30;
	v31 =	vld [tilespmem:s6+$0x5050]  }
0x4c4: {  	v19 =	vadd.f32 v19, v22  }
0x4c5: {  	[tilespmem:s23+$0x0] =	vst v28;
	v25 =	vadd.f32 v26, v25;
	v26 =	vld [tilespmem:s12+$0x4030]  }
0x4c6: {  	v28 =	vadd.f32 v19, v29;
	v29 =	vld [tilespmem:s0+$0x7000]  }
0x4c7: {  	[tilespmem:s15+$0x90] =	vst v25  }
0x4c8: {  	v25 =	vld.idx.msk [tilespmem:v24+s7+$0xFFFFFFE0 ss:$0x1], $0xffff;
	[tilespmem:s9+$0xFFFFFF40] =	vst v28;
	v27 =	vadd.f32 v27, v23;
	v31 =	vadd.f32 v31, v16  }
0x4c9: {  	v28 =	vld [tilespmem:s10+$0x5040]  }
0x4ca: {  	v50 =	vld [tilespmem:s7+$0x4020];
	v26 =	vadd.f32 v27, v26;
	[tilespmem:s21+$0xFFFFFFD0] =	vst v31  }
0x4cb: {  	v29 =	vadd.f32 v29, v30;
	v30 =	vld [tilespmem:s6+$0x6050]  }
0x4cc: {  	[tilespmem:s11+$0xFFFFFF30] =	vst v26  }
0x4cd: {  	[tilespmem:s23+$0x80] =	vst v29;
	v29 =	vadd.f32 v25, v20;
	v25 =	vld [tilespmem:s12+$0x5030]  }
0x4ce: {  	s22 =	simm.s32 $0x280;
	v26 =	vadd.f32 v28, v19;
	v28 =	vld.idx.msk [tilespmem:v24+s0+$0xFFFFFFD0 ss:$0x1], $0xffff  }
0x4cf: {  	v33 =	vld.idx.msk [tilespmem:v24+s22+$0xFFFFFFC0 ss:$0x1], $0xffff;
	v32 =	vadd.f32 v29, v50  }
0x4d0: {  	v31 =	vld [tilespmem:s0+$0x4010];
	[tilespmem:s9+$0xFFFFFFC0] =	vst v26;
	v30 =	vadd.f32 v30, v16  }
0x4d1: {  	v26 =	vld [tilespmem:s10+$0x6040];
	[tilespmem:s15+$0xFFFFFF20] =	vst v32  }
0x4d2: {  	v32 =	vld [tilespmem:s7+$0x5020];
	v25 =	vadd.f32 v25, v27;
	[tilespmem:s21+$0x50] =	vst v30  }
0x4d3: {  	v28 =	vadd.f32 v28, v18;
	v30 =	vld [tilespmem:s6+$0x7050]  }
0x4d4: {  	v34 =	vld [tilespmem:s22+$0x4000];
	[tilespmem:s11+$0xFFFFFFB0] =	vst v25  }
0x4d5: {  	v25 =	vadd.f32 v28, v31;
	v31 =	vld [tilespmem:s12+$0x6030]  }
0x4d6: {  	v26 =	vadd.f32 v26, v19  }
0x4d7: {  	v33 =	vadd.f32 v33, v17;
	[tilespmem:s23+$0xFFFFFF10] =	vst v25;
	v25 =	vadd.f32 v32, v29  }
0x4d8: {  	v51 =	vld [tilespmem:s0+$0x5010];
	[tilespmem:s9+$0x40] =	vst v26;
	v16 =	vadd.f32 v30, v16  }
0x4d9: {  	v26 =	vld [tilespmem:s10+$0x7040];
	[tilespmem:s15+$0xFFFFFFA0] =	vst v25;
	v30 =	vadd.f32 v33, v34  }
0x4da: {  	s26 =	simm.s32 $0xCB00;
	v25 =	vld [tilespmem:s7+$0x6020];
	v31 =	vadd.f32 v31, v27;
	[tilespmem:s21+$0xD0] =	vst v16  }
0x4db: {  	[tilespmem:s26+$0xFFFFFF00] =	vst v30;
	v16 =	vld.idx.msk [tilespmem:v24+s6+$0x20 ss:$0x1], $0xffff  }
0x4dc: {  	[tilespmem:s11+$0x30] =	vst v31;
	v30 =	vld [tilespmem:s22+$0x5000]  }
0x4dd: {  	v31 =	vmul.f32 s2, v14;
	v32 =	vadd.f32 v51, v28;
	v52 =	vld [tilespmem:s12+$0x7030]  }
0x4de: {  	v35 =	vld [tilespmem:s6+$0x4060];
	v26 =	vadd.f32 v26, v19  }
0x4df: {  	v19 =	vadd.f32 v31, v6;
	[tilespmem:s23+$0xFFFFFF90] =	vst v32;
	v25 =	vadd.f32 v25, v29  }
0x4e0: {  	v31 =	vld [tilespmem:s0+$0x6010];
	[tilespmem:s9+$0xC0] =	vst v26  }
0x4e1: {  	v53 =	vld.idx.msk [tilespmem:v24+s10+$0x10 ss:$0x1], $0xffff;
	[tilespmem:s15+$0x20] =	vst v25;
	v30 =	vadd.f32 v30, v33;
	v26 =	vadd.f32 v16, v19  }
0x4e2: {  	v16 =	vld [tilespmem:s7+$0x7020];
	v25 =	vadd.f32 v52, v27  }
0x4e3: {  	v27 =	vld [tilespmem:s10+$0x4050];
	[tilespmem:s26+$0xFFFFFF80] =	vst v30;
	v30 =	vadd.f32 v26, v35  }
0x4e4: {  	[tilespmem:s11+$0xB0] =	vst v25;
	v54 =	vld [tilespmem:s22+$0x6000]  }
0x4e5: {  	v55 =	vld.idx.msk [tilespmem:v24+s12+$0x0 ss:$0x1], $0xffff;
	[tilespmem:s21+$0xFFFFFF60] =	vst v30;
	v30 =	vadd.f32 v31, v28  }
0x4e6: {  	v25 =	vadd.f32 v53, v21;
	v31 =	vld [tilespmem:s6+$0x5060]  }
0x4e7: {  	v16 =	vadd.f32 v16, v29;
	v29 =	vld [tilespmem:s12+$0x4040];
	[tilespmem:s23+$0x10] =	vst v30  }
0x4e8: {  	v27 =	vadd.f32 v25, v27;
	v30 =	vld [tilespmem:s0+$0x7010]  }
0x4e9: {  	[tilespmem:s15+$0xA0] =	vst v16;
	v56 =	vadd.f32 v54, v33  }
0x4ea: {  	v16 =	vld.idx.msk [tilespmem:v24+s7+$0xFFFFFFF0 ss:$0x1], $0xffff;
	[tilespmem:s9+$0xFFFFFF50] =	vst v27;
	v27 =	vadd.f32 v55, v22  }
0x4eb: {  	v57 =	vld [tilespmem:s10+$0x5050];
	[tilespmem:s26+$0x0] =	vst v56;
	v31 =	vadd.f32 v31, v26  }
0x4ec: {  	v29 =	vadd.f32 v27, v29;
	v58 =	vld [tilespmem:s22+$0x7000]  }
0x4ed: {  	v59 =	vld [tilespmem:s7+$0x4030];
	[tilespmem:s21+$0xFFFFFFE0] =	vst v31;
	v28 =	vadd.f32 v30, v28  }
0x4ee: {  	[tilespmem:s11+$0xFFFFFF40] =	vst v29;
	v30 =	vld [tilespmem:s6+$0x6060]  }
0x4ef: {  	[tilespmem:s23+$0x90] =	vst v28;
	v28 =	vadd.f32 v16, v23;
	v16 =	vld [tilespmem:s12+$0x5040]  }
0x4f0: {  	v29 =	vadd.f32 v57, v25;
	v31 =	vld.idx.msk [tilespmem:v24+s0+$0xFFFFFFE0 ss:$0x1], $0xffff  }
0x4f1: {  	v60 =	vadd.f32 v58, v33  }
0x4f2: {  	v36 =	vld [tilespmem:s0+$0x4020];
	v61 =	vadd.f32 v28, v59;
	[tilespmem:s9+$0xFFFFFFD0] =	vst v29  }
0x4f3: {  	v37 =	vld [tilespmem:s10+$0x6050];
	[tilespmem:s26+$0x80] =	vst v60;
	v30 =	vadd.f32 v30, v26  }
0x4f4: {  	[tilespmem:s15+$0xFFFFFF30] =	vst v61;
	v29 =	vld.idx.msk [tilespmem:v24+s22+$0xFFFFFFD0 ss:$0x1], $0xffff  }
0x4f5: {  	v32 =	vld [tilespmem:s7+$0x5030];
	v63 =	vadd.f32 v16, v27;
	[tilespmem:s21+$0x60] =	vst v30;
	v30 =	vadd.f32 v31, v20  }
0x4f6: {  	s20 =	sshll.u32 s3, $0x1;
	v62 =	vmul.f32 s2, v15;
	v33 =	vld [tilespmem:s6+$0x7060]  }
0x4f7: {  	s29 =	sadd.s32 $0x2, s20;
	v34 =	vld [tilespmem:s22+$0x4010];
	[tilespmem:s11+$0xFFFFFFC0] =	vst v63;
	v35 =	vadd.f32 v30, v36  }
0x4f8: {  	s19 =	simm.s32 $0x300;
	s2 =	sadd.s32 $0x3, s20;
	s20 =	simm.s32 $0xE00;
	v16 =	vadd.f32 v62, v7;
	v31 =	vld [tilespmem:s12+$0x6040];
	v36 =	vadd.f32 v37, v25  }
.LBB2_9:
0x4f9: {  	p2 =	sne.s32 s20, $0x3E00;
	v37 =	vld.idx.msk [tilespmem:v24+s19+$0xFFFFFFC0 ss:$0x1], $0xffff;
	[tilespmem:s23+$0xFFFFFF20] =	vst v35;
	s8 =	smov.u32 s9;
	s9 =	smov.u32 s11  }
0x4fa: {  	v29 =	vadd.f32 v29, v18;
	s11 =	smov.u32 s15;
	s15 =	smov.u32 s23;
	s23 =	smov.u32 s26;
	v35 =	vld [tilespmem:s0+$0x5020];
	v32 =	vadd.f32 v32, v28;
	[tilespmem:s8+$0x50] =	vst v36  }
0x4fb: {  	v36 =	vld [tilespmem:s10+$0x7050];
	v26 =	vadd.f32 v33, v26  }
0x4fc: {  	v33 =	vld [tilespmem:s19+$0x4000];
	v34 =	vadd.f32 v29, v34;
	[tilespmem:s11+$0xFFFFFFB0] =	vst v32  }
0x4fd: {  	v32 =	vld [tilespmem:s7+$0x6030];
	v31 =	vadd.f32 v31, v27;
	[tilespmem:s21+$0xE0] =	vst v26  }
0x4fe: {  	[tilespmem:s26+$0xFFFFFF10] =	vst v34;
	v26 =	vld.idx.msk [tilespmem:v24+s6+$0x30 ss:$0x1], $0xffff  }
0x4ff: {  	v34 =	vadd.f32 v37, v17;
	v37 =	vld [tilespmem:s22+$0x5010];
	v35 =	vadd.f32 v35, v30;
	[tilespmem:s9+$0x40] =	vst v31  }
0x500: {  	v31 =	vld [tilespmem:s12+$0x7040];
	v25 =	vadd.f32 v36, v25  }
0x501: {  	v33 =	vadd.f32 v34, v33;
	[tilespmem:s15+$0xFFFFFFA0] =	vst v35;
	v35 =	vld [tilespmem:s6+$0x4070]  }
0x502: {  	s26 =	sadd.s32 $0x200, s26;
	v36 =	vld [tilespmem:s0+$0x6020];
	v32 =	vadd.f32 v32, v28;
	[tilespmem:s8+$0xD0] =	vst v25  }
0x503: {  	[tilespmem:s26+$0xFFFFFF00] =	vst v33;
	v25 =	vld.idx.msk [tilespmem:v24+s10+$0x20 ss:$0x1], $0xffff  }
0x504: {  	v38 =	vadd.f32 v26, v16;
	v33 =	vld [tilespmem:s19+$0x5000];
	v37 =	vadd.f32 v37, v29;
	[tilespmem:s11+$0x30] =	vst v32  }
0x505: {  	v32 =	vld [tilespmem:s7+$0x7030];
	v26 =	vadd.f32 v31, v27  }
0x506: {  	[tilespmem:s23+$0xFFFFFF90] =	vst v37;
	v27 =	vld [tilespmem:s10+$0x4060];
	v31 =	vadd.f32 v38, v35  }
0x507: {  	v35 =	vld [tilespmem:s22+$0x6010];
	v36 =	vadd.f32 v36, v30;
	[tilespmem:s9+$0xC0] =	vst v26  }
0x508: {  	v37 =	vld.idx.msk [tilespmem:v24+s12+$0x10 ss:$0x1], $0xffff;
	[tilespmem:s21+$0xFFFFFF70] =	vst v31  }
0x509: {  	v26 =	vadd.f32 v25, v19;
	v31 =	vadd.f32 v33, v34;
	[tilespmem:s15+$0x20] =	vst v36;
	v33 =	vld [tilespmem:s6+$0x5070]  }
0x50a: {  	v36 =	vld [tilespmem:s0+$0x7020];
	v25 =	vadd.f32 v32, v28  }
0x50b: {  	[tilespmem:s26+$0xFFFFFF80] =	vst v31;
	v28 =	vld [tilespmem:s12+$0x4050];
	v27 =	vadd.f32 v26, v27  }
0x50c: {  	v31 =	vld [tilespmem:s19+$0x6000];
	v32 =	vadd.f32 v35, v29;
	[tilespmem:s11+$0xB0] =	vst v25  }
0x50d: {  	v35 =	vld.idx.msk [tilespmem:v24+s7+$0x0 ss:$0x1], $0xffff;
	[tilespmem:s8+$0xFFFFFF60] =	vst v27  }
0x50e: {  	v25 =	vadd.f32 v37, v21;
	[tilespmem:s23+$0x10] =	vst v32;
	v32 =	vld [tilespmem:s10+$0x5060];
	v27 =	vadd.f32 v33, v38  }
0x50f: {  	v33 =	vld [tilespmem:s22+$0x7010];
	v30 =	vadd.f32 v36, v30  }
0x510: {  	v36 =	vld [tilespmem:s7+$0x4040];
	v28 =	vadd.f32 v25, v28;
	[tilespmem:s21+$0xFFFFFFF0] =	vst v27  }
0x511: {  	v27 =	vadd.f32 v31, v34;
	[tilespmem:s15+$0xA0] =	vst v30;
	v30 =	vld [tilespmem:s6+$0x6070]  }
0x512: {  	v31 =	vld.idx.msk [tilespmem:v24+s0+$0xFFFFFFF0 ss:$0x1], $0xffff;
	[tilespmem:s9+$0xFFFFFF50] =	vst v28  }
0x513: {  	[tilespmem:s26+$0x0] =	vst v27;
	v27 =	vadd.f32 v35, v22;
	v35 =	vld [tilespmem:s12+$0x5050];
	v28 =	vadd.f32 v32, v26  }
0x514: {  	v32 =	vld [tilespmem:s19+$0x7000];
	v29 =	vadd.f32 v33, v29  }
0x515: {  	v33 =	vld [tilespmem:s0+$0x4030];
	v36 =	vadd.f32 v27, v36;
	[tilespmem:s8+$0xFFFFFFE0] =	vst v28  }
0x516: {  	[tilespmem:s23+$0x90] =	vst v29;
	v29 =	vld [tilespmem:s10+$0x6060];
	v30 =	vadd.f32 v30, v38  }
0x517: {  	v37 =	vld.idx.msk [tilespmem:v24+s22+$0xFFFFFFE0 ss:$0x1], $0xffff;
	[tilespmem:s11+$0xFFFFFF40] =	vst v36  }
0x518: {  	v28 =	vadd.f32 v31, v23;
	v31 =	vld [tilespmem:s7+$0x5040];
	v35 =	vadd.f32 v35, v25;
	[tilespmem:s21+$0x70] =	vst v30  }
0x519: {  	v30 =	vadd.f32 v32, v34;
	v34 =	vld [tilespmem:s6+$0x7070];
	s6 =	smov.u32 s10;
	s10 =	smov.u32 s12;
	s12 =	smov.u32 s7  }
0x51a: {  	s7 =	smov.u32 s0;
	s0 =	smov.u32 s22;
	v36 =	vld [tilespmem:s22+$0x4020];
	v32 =	vadd.f32 v28, v33;
	[tilespmem:s9+$0xFFFFFFD0] =	vst v35;
	s22 =	smov.u32 s19  }
0x51b: {  	[tilespmem:s26+$0x80] =	vst v30;
	v39 =	vld [tilespmem:s10+$0x6050];
	v33 =	vadd.f32 v29, v26  }
.Ltmp3:
0x51c: {  	v29 =	vld.idx.msk [tilespmem:v24+s22+$0xFFFFFFD0 ss:$0x1], $0xffff;
	[tilespmem:s15+$0xFFFFFF30] =	vst v32;
	(pc) =	sbr.rel @p2 .LBB2_9-.Ltmp3, $4  }
0x51d: {  	v30 =	vadd.f32 v37, v20;
	v32 =	vld [tilespmem:s7+$0x5030];
	v31 =	vadd.f32 v31, v27;
	[tilespmem:s8+$0x60] =	vst v33  }
0x51e: {  	v33 =	vld [tilespmem:s6+$0x7060];
	v37 =	vadd.f32 v34, v38  }
0x51f: {  	v34 =	vld [tilespmem:s22+$0x4010];
	v35 =	vadd.f32 v30, v36;
	[tilespmem:s11+$0xFFFFFFC0] =	vst v31  }
0x520: {  	s19 =	sshra.s32 s20, $0x2;
	s20 =	sadd.s32 $0x200, s20;
	v31 =	vld [tilespmem:s12+$0x6040];
	v36 =	vadd.f32 v39, v25;
	[tilespmem:s21+$0xF0] =	vst v37;
	s21 =	smov.u32 s8  }
0x521: {  	_ =	sdelay $0x3  }
0x522: {  	v37 =	vld.idx.msk [tilespmem:v24+s19+$0xFFFFFFC0 ss:$0x1], $0xffff;
	_ =	sdelay $0x1  }
0x523: {  	v38 =	vld [tilespmem:s19+$0x4000];
	_ =	sdelay $0x1  }
0x524: {  	[tilespmem:s23+$0xFFFFFF20] =	vst v35;
	v46 =	vadd.f32 v29, v18;
	v29 =	vadd.f32 v32, v28  }
0x525: {  	[tilespmem:s9+$0x50] =	vst v36;
	v26 =	vadd.f32 v33, v26;
	v49 =	vadd.f32 v37, v17  }
0x526: {  	v47 =	vld [tilespmem:s0+$0x5020];
	v48 =	vadd.f32 v46, v34;
	[tilespmem:s15+$0xFFFFFFB0] =	vst v29  }
0x527: {  	v29 =	vld [tilespmem:s10+$0x7050];
	[tilespmem:s21+$0xE0] =	vst v26;
	v51 =	vadd.f32 v49, v38  }
0x528: {  	s20 =	sadd.s32 $0x200, s26;
	v50 =	vld [tilespmem:s7+$0x6030];
	[tilespmem:s26+$0xFFFFFF10] =	vst v48  }
0x529: {  	v26 =	vld.idx.msk [tilespmem:v24+s6+$0x30 ss:$0x1], $0xffff;
	[tilespmem:s20+$0xFFFFFF00] =	vst v51  }
0x52a: {  	v33 =	vld [tilespmem:s19+$0x5000];
	_ =	sdelay $0x4  }
0x52b: {  	v33 =	vadd.f32 v33, v49;
	_ =	sdelay $0x1  }
0x52c: {  	[tilespmem:s20+$0xFFFFFF80] =	vst v33  }
0x52d: {  	v33 =	vld [tilespmem:s19+$0x6000];
	_ =	sdelay $0x4  }
0x52e: {  	v33 =	vadd.f32 v33, v49;
	_ =	sdelay $0x1  }
0x52f: {  	[tilespmem:s20+$0x0] =	vst v33  }
0x530: {  	v33 =	vld [tilespmem:s19+$0x7000];
	_ =	sdelay $0x4  }
0x531: {  	v33 =	vadd.f32 v33, v49;
	_ =	sdelay $0x1  }
0x532: {  	[tilespmem:s20+$0x80] =	vst v33  }
0x533: {  	v33 =	vld.idx.msk [tilespmem:v24+s19+$0xFFFFFFD0 ss:$0x1], $0xffff;
	_ =	sdelay $0x1  }
0x534: {  	v52 =	vld [tilespmem:s19+$0x4010];
	_ =	sdelay $0x2  }
0x535: {  	v33 =	vadd.f32 v33, v18;
	_ =	sdelay $0x1  }
0x536: {  	v34 =	vadd.f32 v33, v52;
	_ =	sdelay $0x1  }
0x537: {  	v53 =	vld [tilespmem:s22+$0x5010];
	[tilespmem:s20+$0xFFFFFF10] =	vst v34  }
0x538: {  	v34 =	vld [tilespmem:s19+$0x5010];
	_ =	sdelay $0x3  }
0x539: {  	v37 =	vadd.f32 v53, v46  }
0x53a: {  	v34 =	vadd.f32 v34, v33  }
0x53b: {  	[tilespmem:s26+$0xFFFFFF90] =	vst v37  }
0x53c: {  	v37 =	vld [tilespmem:s22+$0x6010];
	[tilespmem:s20+$0xFFFFFF90] =	vst v34  }
0x53d: {  	v34 =	vld [tilespmem:s19+$0x6010];
	_ =	sdelay $0x3  }
0x53e: {  	v37 =	vadd.f32 v37, v46  }
0x53f: {  	v34 =	vadd.f32 v34, v33  }
0x540: {  	[tilespmem:s26+$0x10] =	vst v37  }
0x541: {  	v37 =	vld [tilespmem:s22+$0x7010];
	[tilespmem:s20+$0x10] =	vst v34  }
0x542: {  	v34 =	vld [tilespmem:s19+$0x7010];
	_ =	sdelay $0x3  }
0x543: {  	v35 =	vadd.f32 v37, v46  }
0x544: {  	v33 =	vadd.f32 v34, v33  }
0x545: {  	[tilespmem:s26+$0x90] =	vst v35  }
0x546: {  	v54 =	vld.idx.msk [tilespmem:v24+s22+$0xFFFFFFE0 ss:$0x1], $0xffff;
	[tilespmem:s20+$0x90] =	vst v33  }
0x547: {  	v33 =	vld.idx.msk [tilespmem:v24+s19+$0xFFFFFFE0 ss:$0x1], $0xffff  }
0x548: {  	v35 =	vld [tilespmem:s22+$0x4020]  }
0x549: {  	v55 =	vld [tilespmem:s19+$0x4020];
	_ =	sdelay $0x1  }
0x54a: {  	v34 =	vadd.f32 v54, v20  }
0x54b: {  	v33 =	vadd.f32 v33, v20  }
0x54c: {  	v35 =	vadd.f32 v34, v35  }
0x54d: {  	v37 =	vadd.f32 v33, v55  }
0x54e: {  	[tilespmem:s26+$0xFFFFFF20] =	vst v35  }
0x54f: {  	v35 =	vld [tilespmem:s22+$0x5020];
	[tilespmem:s20+$0xFFFFFF20] =	vst v37  }
0x550: {  	v37 =	vld [tilespmem:s19+$0x5020];
	_ =	sdelay $0x1  }
0x551: {  	v32 =	vadd.f32 v47, v30;
	_ =	sdelay $0x1  }
0x552: {  	[tilespmem:s23+$0xFFFFFFA0] =	vst v32;
	v56 =	vadd.f32 v35, v34  }
0x553: {  	v57 =	vld [tilespmem:s0+$0x6020];
	v37 =	vadd.f32 v37, v33  }
0x554: {  	[tilespmem:s26+$0xFFFFFFA0] =	vst v56  }
0x555: {  	v32 =	vld [tilespmem:s22+$0x6020];
	[tilespmem:s20+$0xFFFFFFA0] =	vst v37  }
0x556: {  	v37 =	vld [tilespmem:s19+$0x6020];
	_ =	sdelay $0x1  }
0x557: {  	v35 =	vadd.f32 v57, v30;
	_ =	sdelay $0x1  }
0x558: {  	[tilespmem:s23+$0x20] =	vst v35;
	v32 =	vadd.f32 v32, v34  }
0x559: {  	v35 =	vld [tilespmem:s0+$0x7020];
	v37 =	vadd.f32 v37, v33  }
0x55a: {  	[tilespmem:s26+$0x20] =	vst v32  }
0x55b: {  	v32 =	vld [tilespmem:s22+$0x7020];
	[tilespmem:s20+$0x20] =	vst v37  }
0x55c: {  	v37 =	vld [tilespmem:s19+$0x7020];
	_ =	sdelay $0x1  }
0x55d: {  	v30 =	vadd.f32 v35, v30;
	_ =	sdelay $0x1  }
0x55e: {  	[tilespmem:s23+$0xA0] =	vst v30;
	v30 =	vadd.f32 v32, v34  }
0x55f: {  	v58 =	vld.idx.msk [tilespmem:v24+s0+$0xFFFFFFF0 ss:$0x1], $0xffff;
	v33 =	vadd.f32 v37, v33  }
0x560: {  	v59 =	vld [tilespmem:s0+$0x4030];
	[tilespmem:s26+$0xA0] =	vst v30  }
0x561: {  	v30 =	vld.idx.msk [tilespmem:v24+s22+$0xFFFFFFF0 ss:$0x1], $0xffff;
	[tilespmem:s20+$0xA0] =	vst v33  }
0x562: {  	v33 =	vld.idx.msk [tilespmem:v24+s19+$0xFFFFFFF0 ss:$0x1], $0xffff  }
0x563: {  	v60 =	vld [tilespmem:s22+$0x4030]  }
0x564: {  	v32 =	vadd.f32 v58, v23;
	v61 =	vld [tilespmem:s19+$0x4030];
	_ =	sdelay $0x1  }
0x565: {  	v34 =	vadd.f32 v32, v59;
	v30 =	vadd.f32 v30, v23  }
0x566: {  	v33 =	vadd.f32 v33, v23  }
0x567: {  	[tilespmem:s23+$0xFFFFFF30] =	vst v34;
	v62 =	vadd.f32 v30, v60  }
0x568: {  	v63 =	vld [tilespmem:s0+$0x5030];
	v37 =	vadd.f32 v33, v61  }
0x569: {  	[tilespmem:s26+$0xFFFFFF30] =	vst v62  }
0x56a: {  	v34 =	vld [tilespmem:s22+$0x5030];
	[tilespmem:s20+$0xFFFFFF30] =	vst v37  }
0x56b: {  	v37 =	vld [tilespmem:s19+$0x5030];
	_ =	sdelay $0x1  }
0x56c: {  	v35 =	vadd.f32 v63, v32;
	_ =	sdelay $0x1  }
0x56d: {  	[tilespmem:s23+$0xFFFFFFB0] =	vst v35;
	v34 =	vadd.f32 v34, v30  }
0x56e: {  	v35 =	vld [tilespmem:s0+$0x6030];
	v37 =	vadd.f32 v37, v33  }
0x56f: {  	[tilespmem:s26+$0xFFFFFFB0] =	vst v34  }
0x570: {  	v34 =	vld [tilespmem:s22+$0x6030];
	[tilespmem:s20+$0xFFFFFFB0] =	vst v37  }
0x571: {  	v36 =	vadd.f32 v50, v28;
	v37 =	vld [tilespmem:s19+$0x6030];
	_ =	sdelay $0x1  }
0x572: {  	[tilespmem:s15+$0x30] =	vst v36;
	v35 =	vadd.f32 v35, v32  }
0x573: {  	v36 =	vld [tilespmem:s7+$0x7030]  }
0x574: {  	[tilespmem:s23+$0x30] =	vst v35;
	v34 =	vadd.f32 v34, v30  }
0x575: {  	v35 =	vld [tilespmem:s0+$0x7030];
	v37 =	vadd.f32 v37, v33  }
0x576: {  	[tilespmem:s26+$0x30] =	vst v34  }
0x577: {  	v34 =	vld [tilespmem:s22+$0x7030];
	[tilespmem:s20+$0x30] =	vst v37  }
0x578: {  	v28 =	vadd.f32 v36, v28;
	v40 =	vld [tilespmem:s19+$0x7030];
	_ =	sdelay $0x1  }
0x579: {  	[tilespmem:s15+$0xB0] =	vst v28;
	v28 =	vadd.f32 v35, v32  }
0x57a: {  	v41 =	vld.idx.msk [tilespmem:v24+s7+$0x0 ss:$0x1], $0xffff  }
0x57b: {  	v42 =	vld [tilespmem:s7+$0x4040];
	[tilespmem:s23+$0xB0] =	vst v28;
	v28 =	vadd.f32 v34, v30  }
0x57c: {  	v30 =	vld.idx.msk [tilespmem:v24+s0+$0x0 ss:$0x1], $0xffff;
	v33 =	vadd.f32 v40, v33  }
0x57d: {  	v43 =	vld [tilespmem:s0+$0x4040];
	[tilespmem:s26+$0xB0] =	vst v28  }
0x57e: {  	v28 =	vld.idx.msk [tilespmem:v24+s22+$0x0 ss:$0x1], $0xffff;
	[tilespmem:s20+$0xB0] =	vst v33  }
0x57f: {  	v32 =	vadd.f32 v41, v22;
	v33 =	vld.idx.msk [tilespmem:v24+s19+$0x0 ss:$0x1], $0xffff  }
0x580: {  	v44 =	vld [tilespmem:s22+$0x4040]  }
0x581: {  	v35 =	vadd.f32 v32, v42;
	v30 =	vadd.f32 v30, v22;
	v37 =	vld [tilespmem:s19+$0x4040];
	_ =	sdelay $0x1  }
0x582: {  	[tilespmem:s15+$0xFFFFFF40] =	vst v35;
	v34 =	vadd.f32 v30, v43;
	v28 =	vadd.f32 v28, v22  }
0x583: {  	v35 =	vld [tilespmem:s7+$0x5040];
	v33 =	vadd.f32 v33, v22  }
0x584: {  	[tilespmem:s23+$0xFFFFFF40] =	vst v34;
	v45 =	vadd.f32 v28, v44  }
0x585: {  	v46 =	vld [tilespmem:s0+$0x5040];
	v37 =	vadd.f32 v33, v37  }
0x586: {  	[tilespmem:s26+$0xFFFFFF40] =	vst v45  }
0x587: {  	v34 =	vld [tilespmem:s22+$0x5040];
	[tilespmem:s20+$0xFFFFFF40] =	vst v37  }
0x588: {  	v35 =	vadd.f32 v35, v32;
	v37 =	vld [tilespmem:s19+$0x5040];
	_ =	sdelay $0x1  }
0x589: {  	[tilespmem:s15+$0xFFFFFFC0] =	vst v35;
	v47 =	vadd.f32 v46, v30  }
0x58a: {  	v48 =	vld [tilespmem:s7+$0x6040]  }
0x58b: {  	[tilespmem:s23+$0xFFFFFFC0] =	vst v47;
	v34 =	vadd.f32 v34, v28  }
0x58c: {  	v35 =	vld [tilespmem:s0+$0x6040];
	v37 =	vadd.f32 v37, v33  }
0x58d: {  	v31 =	vadd.f32 v31, v27;
	[tilespmem:s26+$0xFFFFFFC0] =	vst v34  }
0x58e: {  	v34 =	vld [tilespmem:s22+$0x6040];
	[tilespmem:s20+$0xFFFFFFC0] =	vst v37  }
0x58f: {  	[tilespmem:s11+$0x40] =	vst v31;
	v31 =	vadd.f32 v48, v32;
	v49 =	vld [tilespmem:s19+$0x6040]  }
0x590: {  	v50 =	vld [tilespmem:s12+$0x7040]  }
0x591: {  	[tilespmem:s15+$0x40] =	vst v31;
	v31 =	vadd.f32 v35, v30  }
0x592: {  	v51 =	vld [tilespmem:s7+$0x7040]  }
0x593: {  	[tilespmem:s23+$0x40] =	vst v31;
	v31 =	vadd.f32 v34, v28  }
0x594: {  	v52 =	vld [tilespmem:s0+$0x7040];
	v36 =	vadd.f32 v49, v33  }
0x595: {  	v27 =	vadd.f32 v50, v27;
	[tilespmem:s26+$0x40] =	vst v31  }
0x596: {  	v31 =	vld [tilespmem:s22+$0x7040];
	[tilespmem:s20+$0x40] =	vst v36  }
0x597: {  	[tilespmem:s11+$0xC0] =	vst v27;
	v27 =	vadd.f32 v51, v32;
	v53 =	vld [tilespmem:s19+$0x7040]  }
0x598: {  	v54 =	vld.idx.msk [tilespmem:v24+s12+$0x10 ss:$0x1], $0xffff  }
0x599: {  	v55 =	vld [tilespmem:s12+$0x4050];
	[tilespmem:s15+$0xC0] =	vst v27;
	v27 =	vadd.f32 v52, v30  }
0x59a: {  	v30 =	vld.idx.msk [tilespmem:v24+s7+$0x10 ss:$0x1], $0xffff  }
0x59b: {  	v56 =	vld [tilespmem:s7+$0x4050];
	[tilespmem:s23+$0xC0] =	vst v27;
	v27 =	vadd.f32 v31, v28  }
0x59c: {  	v28 =	vld.idx.msk [tilespmem:v24+s0+$0x10 ss:$0x1], $0xffff;
	v31 =	vadd.f32 v53, v33  }
0x59d: {  	v57 =	vadd.f32 v54, v21;
	v58 =	vld [tilespmem:s0+$0x4050];
	[tilespmem:s26+$0xC0] =	vst v27  }
0x59e: {  	v27 =	vld.idx.msk [tilespmem:v24+s22+$0x10 ss:$0x1], $0xffff;
	[tilespmem:s20+$0xC0] =	vst v31  }
0x59f: {  	v30 =	vadd.f32 v30, v21;
	v31 =	vadd.f32 v57, v55;
	v59 =	vld.idx.msk [tilespmem:v24+s19+$0x10 ss:$0x1], $0xffff  }
0x5a0: {  	v60 =	vld [tilespmem:s22+$0x4050]  }
0x5a1: {  	v28 =	vadd.f32 v28, v21;
	v61 =	vld [tilespmem:s19+$0x4050];
	[tilespmem:s11+$0xFFFFFF50] =	vst v31;
	v31 =	vadd.f32 v30, v56  }
0x5a2: {  	v62 =	vld [tilespmem:s12+$0x5050]  }
0x5a3: {  	v27 =	vadd.f32 v27, v21;
	[tilespmem:s15+$0xFFFFFF50] =	vst v31;
	v31 =	vadd.f32 v28, v58  }
0x5a4: {  	v63 =	vld [tilespmem:s7+$0x5050];
	v35 =	vadd.f32 v59, v21  }
0x5a5: {  	[tilespmem:s23+$0xFFFFFF50] =	vst v31;
	v31 =	vadd.f32 v27, v60  }
0x5a6: {  	v40 =	vld [tilespmem:s0+$0x5050];
	v34 =	vadd.f32 v35, v61  }
0x5a7: {  	v37 =	vadd.f32 v62, v57;
	[tilespmem:s26+$0xFFFFFF50] =	vst v31  }
0x5a8: {  	v31 =	vld [tilespmem:s22+$0x5050];
	[tilespmem:s20+$0xFFFFFF50] =	vst v34  }
0x5a9: {  	[tilespmem:s11+$0xFFFFFFD0] =	vst v37;
	v33 =	vadd.f32 v63, v30;
	v34 =	vld [tilespmem:s19+$0x5050]  }
0x5aa: {  	v25 =	vadd.f32 v29, v25;
	v29 =	vld [tilespmem:s12+$0x6050]  }
0x5ab: {  	[tilespmem:s15+$0xFFFFFFD0] =	vst v33;
	v41 =	vadd.f32 v40, v28  }
0x5ac: {  	[tilespmem:s9+$0xD0] =	vst v25;
	v25 =	vld [tilespmem:s7+$0x6050]  }
0x5ad: {  	v42 =	vld.idx.msk [tilespmem:v24+s10+$0x20 ss:$0x1], $0xffff;
	[tilespmem:s23+$0xFFFFFFD0] =	vst v41;
	v31 =	vadd.f32 v31, v27  }
0x5ae: {  	v33 =	vld [tilespmem:s0+$0x6050];
	v34 =	vadd.f32 v34, v35  }
0x5af: {  	v43 =	vld [tilespmem:s10+$0x4060];
	v29 =	vadd.f32 v29, v57;
	[tilespmem:s26+$0xFFFFFFD0] =	vst v31  }
0x5b0: {  	v31 =	vld [tilespmem:s22+$0x6050];
	[tilespmem:s20+$0xFFFFFFD0] =	vst v34  }
0x5b1: {  	[tilespmem:s11+$0x50] =	vst v29;
	v25 =	vadd.f32 v25, v30;
	v29 =	vld [tilespmem:s19+$0x6050]  }
0x5b2: {  	v44 =	vadd.f32 v42, v19;
	v45 =	vld [tilespmem:s12+$0x7050]  }
0x5b3: {  	[tilespmem:s15+$0x50] =	vst v25;
	v25 =	vadd.f32 v33, v28  }
0x5b4: {  	v46 =	vadd.f32 v44, v43;
	v47 =	vld [tilespmem:s7+$0x7050]  }
0x5b5: {  	[tilespmem:s23+$0x50] =	vst v25;
	v25 =	vadd.f32 v31, v27  }
0x5b6: {  	[tilespmem:s9+$0xFFFFFF60] =	vst v46;
	v31 =	vld [tilespmem:s0+$0x7050];
	v29 =	vadd.f32 v29, v35  }
0x5b7: {  	v33 =	vld [tilespmem:s10+$0x5060];
	v32 =	vadd.f32 v45, v57;
	[tilespmem:s26+$0x50] =	vst v25  }
0x5b8: {  	v25 =	vld [tilespmem:s22+$0x7050];
	[tilespmem:s20+$0x50] =	vst v29  }
0x5b9: {  	[tilespmem:s11+$0xD0] =	vst v32;
	v29 =	vadd.f32 v47, v30;
	v30 =	vld [tilespmem:s19+$0x7050]  }
0x5ba: {  	v32 =	vld.idx.msk [tilespmem:v24+s12+$0x20 ss:$0x1], $0xffff  }
0x5bb: {  	v48 =	vld [tilespmem:s12+$0x4060];
	[tilespmem:s15+$0xD0] =	vst v29;
	v28 =	vadd.f32 v31, v28  }
0x5bc: {  	v29 =	vld.idx.msk [tilespmem:v24+s7+$0x20 ss:$0x1], $0xffff  }
0x5bd: {  	v31 =	vld [tilespmem:s7+$0x4060];
	[tilespmem:s23+$0xD0] =	vst v28;
	v25 =	vadd.f32 v25, v27  }
0x5be: {  	v27 =	vld.idx.msk [tilespmem:v24+s0+$0x20 ss:$0x1], $0xffff;
	v28 =	vadd.f32 v30, v35  }
0x5bf: {  	v49 =	vld [tilespmem:s0+$0x4060];
	v30 =	vadd.f32 v32, v19;
	[tilespmem:s26+$0xD0] =	vst v25  }
0x5c0: {  	v25 =	vld.idx.msk [tilespmem:v24+s22+$0x20 ss:$0x1], $0xffff;
	[tilespmem:s20+$0xD0] =	vst v28  }
0x5c1: {  	v28 =	vadd.f32 v30, v48;
	v29 =	vadd.f32 v29, v19;
	v50 =	vld.idx.msk [tilespmem:v24+s19+$0x20 ss:$0x1], $0xffff  }
0x5c2: {  	v51 =	vld [tilespmem:s22+$0x4060]  }
0x5c3: {  	[tilespmem:s11+$0xFFFFFF60] =	vst v28;
	v28 =	vadd.f32 v29, v31;
	v27 =	vadd.f32 v27, v19;
	v31 =	vld [tilespmem:s19+$0x4060]  }
0x5c4: {  	v33 =	vadd.f32 v33, v44;
	v52 =	vld [tilespmem:s12+$0x5060]  }
0x5c5: {  	[tilespmem:s15+$0xFFFFFF60] =	vst v28;
	v28 =	vadd.f32 v27, v49;
	v25 =	vadd.f32 v25, v19  }
0x5c6: {  	[tilespmem:s9+$0xFFFFFFE0] =	vst v33;
	v53 =	vld [tilespmem:s7+$0x5060];
	v54 =	vadd.f32 v50, v19  }
0x5c7: {  	v55 =	vld [tilespmem:s10+$0x6060];
	[tilespmem:s23+$0xFFFFFF60] =	vst v28;
	v28 =	vadd.f32 v25, v51  }
0x5c8: {  	v56 =	vld [tilespmem:s0+$0x5060];
	v31 =	vadd.f32 v54, v31  }
0x5c9: {  	v37 =	vadd.f32 v52, v30;
	[tilespmem:s26+$0xFFFFFF60] =	vst v28  }
0x5ca: {  	v28 =	vld [tilespmem:s22+$0x5060];
	[tilespmem:s20+$0xFFFFFF60] =	vst v31  }
0x5cb: {  	[tilespmem:s11+$0xFFFFFFE0] =	vst v37;
	v31 =	vadd.f32 v53, v29;
	v57 =	vld [tilespmem:s19+$0x5060]  }
0x5cc: {  	v35 =	vadd.f32 v55, v44;
	v37 =	vld [tilespmem:s12+$0x6060]  }
0x5cd: {  	[tilespmem:s15+$0xFFFFFFE0] =	vst v31;
	v31 =	vadd.f32 v56, v27  }
0x5ce: {  	[tilespmem:s9+$0x60] =	vst v35;
	v58 =	vld [tilespmem:s7+$0x6060]  }
0x5cf: {  	v59 =	vld [tilespmem:s10+$0x7060];
	[tilespmem:s23+$0xFFFFFFE0] =	vst v31;
	v28 =	vadd.f32 v28, v25  }
0x5d0: {  	v31 =	vld [tilespmem:s0+$0x6060];
	v32 =	vadd.f32 v57, v54  }
0x5d1: {  	v37 =	vadd.f32 v37, v30;
	[tilespmem:s26+$0xFFFFFFE0] =	vst v28  }
0x5d2: {  	v28 =	vld [tilespmem:s22+$0x6060];
	[tilespmem:s20+$0xFFFFFFE0] =	vst v32  }
0x5d3: {  	[tilespmem:s11+$0x60] =	vst v37;
	v60 =	vadd.f32 v58, v29;
	v61 =	vld [tilespmem:s19+$0x6060]  }
0x5d4: {  	v34 =	vadd.f32 v59, v44;
	v62 =	vld [tilespmem:s12+$0x7060]  }
0x5d5: {  	v63 =	vld [tilespmem:s6+$0x4070];
	[tilespmem:s15+$0x60] =	vst v60;
	v31 =	vadd.f32 v31, v27  }
0x5d6: {  	[tilespmem:s9+$0xE0] =	vst v34;
	v32 =	vld [tilespmem:s7+$0x7060]  }
0x5d7: {  	v34 =	vld.idx.msk [tilespmem:v24+s10+$0x30 ss:$0x1], $0xffff;
	[tilespmem:s23+$0x60] =	vst v31;
	v28 =	vadd.f32 v28, v25  }
0x5d8: {  	v31 =	vld [tilespmem:s0+$0x7060];
	v35 =	vadd.f32 v61, v54  }
0x5d9: {  	v40 =	vld [tilespmem:s10+$0x4070];
	v30 =	vadd.f32 v62, v30;
	[tilespmem:s26+$0x60] =	vst v28  }
0x5da: {  	v28 =	vld [tilespmem:s22+$0x7060];
	[tilespmem:s20+$0x60] =	vst v35  }
0x5db: {  	[tilespmem:s11+$0xE0] =	vst v30;
	v29 =	vadd.f32 v32, v29;
	v30 =	vld [tilespmem:s19+$0x7060]  }
0x5dc: {  	v41 =	vld.idx.msk [tilespmem:v24+s12+$0x30 ss:$0x1], $0xffff  }
0x5dd: {  	v42 =	vld [tilespmem:s12+$0x4070];
	[tilespmem:s15+$0xE0] =	vst v29;
	v27 =	vadd.f32 v31, v27  }
0x5de: {  	v29 =	vld.idx.msk [tilespmem:v24+s7+$0x30 ss:$0x1], $0xffff  }
0x5df: {  	v31 =	vld [tilespmem:s7+$0x4070];
	[tilespmem:s23+$0xE0] =	vst v27;
	v25 =	vadd.f32 v28, v25  }
0x5e0: {  	v27 =	vld.idx.msk [tilespmem:v24+s0+$0x30 ss:$0x1], $0xffff;
	v28 =	vadd.f32 v30, v54  }
0x5e1: {  	v30 =	vld [tilespmem:s0+$0x4070];
	[tilespmem:s26+$0xE0] =	vst v25  }
0x5e2: {  	v25 =	vadd.f32 v26, v16;
	v26 =	vld.idx.msk [tilespmem:v24+s22+$0x30 ss:$0x1], $0xffff;
	[tilespmem:s20+$0xE0] =	vst v28  }
0x5e3: {  	v28 =	vadd.f32 v34, v16;
	v24 =	vld.idx.msk [tilespmem:v24+s19+$0x30 ss:$0x1], $0xffff  }
0x5e4: {  	v32 =	vadd.f32 v41, v16;
	v44 =	vld [tilespmem:s22+$0x4070];
	v43 =	vadd.f32 v25, v63  }
0x5e5: {  	v29 =	vadd.f32 v29, v16;
	v45 =	vld [tilespmem:s19+$0x4070];
	v36 =	vadd.f32 v28, v40  }
0x5e6: {  	v46 =	vadd.f32 v32, v42;
	[tilespmem:s21+$0xFFFFFF70] =	vst v43;
	v27 =	vadd.f32 v27, v16  }
0x5e7: {  	v31 =	vadd.f32 v29, v31;
	v47 =	vld [tilespmem:s6+$0x5070];
	[tilespmem:s9+$0xFFFFFF70] =	vst v36;
	v26 =	vadd.f32 v26, v16  }
0x5e8: {  	[tilespmem:s11+$0xFFFFFF70] =	vst v46;
	v30 =	vadd.f32 v27, v30;
	v36 =	vld [tilespmem:s10+$0x5070];
	v24 =	vadd.f32 v24, v16  }
0x5e9: {  	v33 =	vld [tilespmem:s12+$0x5070];
	[tilespmem:s15+$0xFFFFFF70] =	vst v31;
	v31 =	vadd.f32 v26, v44  }
0x5ea: {  	v48 =	vld [tilespmem:s7+$0x5070];
	[tilespmem:s23+$0xFFFFFF70] =	vst v30;
	v30 =	vadd.f32 v24, v45  }
0x5eb: {  	v49 =	vld [tilespmem:s0+$0x5070];
	[tilespmem:s26+$0xFFFFFF70] =	vst v31  }
0x5ec: {  	v31 =	vadd.f32 v47, v25;
	v50 =	vld [tilespmem:s22+$0x5070];
	[tilespmem:s20+$0xFFFFFF70] =	vst v30  }
0x5ed: {  	v30 =	vadd.f32 v36, v28;
	v51 =	vld [tilespmem:s19+$0x5070]  }
0x5ee: {  	[tilespmem:s21+$0xFFFFFFF0] =	vst v31;
	v31 =	vadd.f32 v33, v32  }
0x5ef: {  	v52 =	vld [tilespmem:s6+$0x6070];
	[tilespmem:s9+$0xFFFFFFF0] =	vst v30;
	v30 =	vadd.f32 v48, v29  }
0x5f0: {  	[tilespmem:s11+$0xFFFFFFF0] =	vst v31;
	v31 =	vadd.f32 v49, v27;
	v53 =	vld [tilespmem:s10+$0x6070]  }
0x5f1: {  	v54 =	vld [tilespmem:s12+$0x6070];
	[tilespmem:s15+$0xFFFFFFF0] =	vst v30;
	v30 =	vadd.f32 v50, v26  }
0x5f2: {  	[tilespmem:s23+$0xFFFFFFF0] =	vst v31;
	v55 =	vld [tilespmem:s7+$0x6070];
	v31 =	vadd.f32 v51, v24  }
0x5f3: {  	v56 =	vld [tilespmem:s0+$0x6070];
	[tilespmem:s26+$0xFFFFFFF0] =	vst v30  }
0x5f4: {  	v30 =	vadd.f32 v52, v25;
	v57 =	vld [tilespmem:s22+$0x6070];
	[tilespmem:s20+$0xFFFFFFF0] =	vst v31  }
0x5f5: {  	v31 =	vadd.f32 v53, v28;
	v58 =	vld [tilespmem:s19+$0x6070]  }
0x5f6: {  	[tilespmem:s21+$0x70] =	vst v30;
	v30 =	vadd.f32 v54, v32  }
0x5f7: {  	v59 =	vld [tilespmem:s6+$0x7070];
	[tilespmem:s9+$0x70] =	vst v31;
	v31 =	vadd.f32 v55, v29  }
0x5f8: {  	[tilespmem:s11+$0x70] =	vst v30;
	v30 =	vadd.f32 v56, v27;
	v60 =	vld [tilespmem:s10+$0x7070]  }
0x5f9: {  	v61 =	vld [tilespmem:s12+$0x7070];
	[tilespmem:s15+$0x70] =	vst v31;
	v31 =	vadd.f32 v57, v26  }
0x5fa: {  	[tilespmem:s23+$0x70] =	vst v30;
	v62 =	vld [tilespmem:s7+$0x7070];
	v30 =	vadd.f32 v58, v24  }
0x5fb: {  	v63 =	vld [tilespmem:s0+$0x7070];
	[tilespmem:s26+$0x70] =	vst v31  }
0x5fc: {  	v25 =	vadd.f32 v59, v25;
	v31 =	vld [tilespmem:s22+$0x7070];
	[tilespmem:s20+$0x70] =	vst v30  }
0x5fd: {  	v28 =	vadd.f32 v60, v28;
	v30 =	vld [tilespmem:s19+$0x7070]  }
0x5fe: {  	s0 =	simm.s32 $0x0;
	[tilespmem:s21+$0xF0] =	vst v25;
	v25 =	vadd.f32 v61, v32  }
0x5ff: {  	s0 =	simm.s32 @!p1 $0xF80;
	[tilespmem:s9+$0xF0] =	vst v28;
	v28 =	vadd.f32 v62, v29  }
0x600: {  	s0 =	sadd.s32 s13, s0;
	[tilespmem:s11+$0xF0] =	vst v25;
	v25 =	vadd.f32 v63, v27  }
0x601: {  	s22 =	sshll.u32 s29, $0xB;
	s21 =	sshll.u32 s0, $0x6;
	[tilespmem:s15+$0xF0] =	vst v28;
	v26 =	vadd.f32 v31, v26  }
0x602: {  	p1 =	seq.s32 s3, $0x2;
	s0 =	sadd.s32 s21, s22;
	[tilespmem:s23+$0xF0] =	vst v25;
	v24 =	vadd.f32 v30, v24  }
0x603: {  	s6 =	simm.s32 @!p1 $0x1000;
	s0 =	sand.u32 $0x1FFFF040, s0;
	[tilespmem:s26+$0xF0] =	vst v26  }
0x604: {  	s7 =	simm.s32 @!p1 $0x80000;
	s0 =	sadd.s32 s4, s0;
	s26 =	simm.s32 $0xC000;
	[tilespmem:s20+$0xF0] =	vst v24  }
0x605: {  	[hbm4b:s0+s5] =	stream.linear.scatter [tilespmem:s26], [sflag:$0x3], $0x4000, $0x38;
	[tilespmem:$0x14380] =	vst v63  }
0x606: {  	s8 =	simm.s32 @!p1 $0x4000;
	s29 =	sadd.s32 s1, s17;
	s0 =	sadd.s32 @!p1 s18, s14  }
0x607: {  	[tilespmem:s8], [sflag:$0x1] =	stream.strided.gather @!p1 [hbm4b:s0+s6], $0x4000, s7, s6, $0x38;
	[tilespmem:$0x14380] =	vst v63  }
0x608: {  	s0 =	sshll.u32 s29, $0xE  }
0x609: {  	s0 =	sshra.s32 s0, $0x2  }
0x60a: {  	_ =	swait.ge [sflag:s28], $0x4000;
	s0 =	sor.u32 $0x40, s0  }
0x60b: {  	[sflag:s28] =	ssyncset.done $0x0;
	v24 =	vmov s0  }
0x60c: {  	[sflag:s28] =	ssyncadd.s32 $0xFFFFC000  }
0x60d: {  	_ =	swait.ge [sflag:s31], $0x4000  }
0x60e: {  	[sflag:s31] =	ssyncset.done $0x0  }
0x60f: {  	s9 =	simm.s32 $0x0;
	[sflag:s31] =	ssyncadd.s32 $0xFFFFC000  }
0x610: {  	v25 =	vld.idx.msk [tilespmem:v24+s9+$0xFFFFFFC0 ss:$0x1], $0xffff;
	_ =	sdelay $0x1  }
0x611: {  	v26 =	vld [tilespmem:s9+$0x8000];
	_ =	sdelay $0x2  }
0x612: {  	v25 =	vadd.f32 v25, v17;
	_ =	sdelay $0x1  }
0x613: {  	v26 =	vadd.f32 v25, v26  }
0x614: {  	s6 =	simm.s32 $0x10100  }
0x615: {  	[tilespmem:s6+$0xFFFFFF00] =	vst v26  }
0x616: {  	v26 =	vld [tilespmem:s9+$0x9000];
	_ =	sdelay $0x4  }
0x617: {  	v26 =	vadd.f32 v26, v25;
	_ =	sdelay $0x1  }
0x618: {  	[tilespmem:s6+$0xFFFFFF80] =	vst v26  }
0x619: {  	v26 =	vld [tilespmem:s9+$0xA000];
	_ =	sdelay $0x4  }
0x61a: {  	v26 =	vadd.f32 v26, v25;
	_ =	sdelay $0x1  }
0x61b: {  	[tilespmem:s6+$0x0] =	vst v26  }
0x61c: {  	v26 =	vld [tilespmem:s9+$0xB000];
	_ =	sdelay $0x4  }
0x61d: {  	v25 =	vadd.f32 v26, v25;
	_ =	sdelay $0x1  }
0x61e: {  	[tilespmem:s6+$0x80] =	vst v25  }
0x61f: {  	v25 =	vld.idx.msk [tilespmem:v24+s9+$0xFFFFFFD0 ss:$0x1], $0xffff;
	_ =	sdelay $0x1  }
0x620: {  	v26 =	vld [tilespmem:s9+$0x8010];
	_ =	sdelay $0x1  }
0x621: {  	s17 =	simm.s32 $0x80  }
0x622: {  	v27 =	vld.idx.msk [tilespmem:v24+s17+$0xFFFFFFC0 ss:$0x1], $0xffff;
	v25 =	vadd.f32 v25, v18;
	_ =	sdelay $0x1  }
0x623: {  	v28 =	vld [tilespmem:s17+$0x8000];
	v26 =	vadd.f32 v25, v26;
	_ =	sdelay $0x1  }
0x624: {  	[tilespmem:s6+$0xFFFFFF10] =	vst v26  }
0x625: {  	v26 =	vadd.f32 v27, v17;
	v27 =	vld [tilespmem:s9+$0x9010];
	_ =	sdelay $0x1  }
0x626: {  	v28 =	vadd.f32 v26, v28  }
0x627: {  	s10 =	simm.s32 $0x10300  }
0x628: {  	[tilespmem:s10+$0xFFFFFF00] =	vst v28  }
0x629: {  	v28 =	vld [tilespmem:s17+$0x9000];
	v27 =	vadd.f32 v27, v25;
	_ =	sdelay $0x1  }
0x62a: {  	[tilespmem:s6+$0xFFFFFF90] =	vst v27  }
0x62b: {  	v27 =	vld [tilespmem:s9+$0xA010];
	_ =	sdelay $0x1  }
0x62c: {  	v28 =	vadd.f32 v28, v26;
	_ =	sdelay $0x1  }
0x62d: {  	[tilespmem:s10+$0xFFFFFF80] =	vst v28  }
0x62e: {  	v28 =	vld [tilespmem:s17+$0xA000];
	v27 =	vadd.f32 v27, v25;
	_ =	sdelay $0x1  }
0x62f: {  	[tilespmem:s6+$0x10] =	vst v27  }
0x630: {  	v27 =	vld [tilespmem:s9+$0xB010];
	_ =	sdelay $0x1  }
0x631: {  	v28 =	vadd.f32 v28, v26;
	_ =	sdelay $0x1  }
0x632: {  	[tilespmem:s10+$0x0] =	vst v28  }
0x633: {  	v28 =	vld [tilespmem:s17+$0xB000];
	v25 =	vadd.f32 v27, v25;
	_ =	sdelay $0x1  }
0x634: {  	[tilespmem:s6+$0x90] =	vst v25  }
0x635: {  	v25 =	vld.idx.msk [tilespmem:v24+s9+$0xFFFFFFE0 ss:$0x1], $0xffff;
	_ =	sdelay $0x1  }
0x636: {  	v27 =	vld [tilespmem:s9+$0x8020];
	v26 =	vadd.f32 v28, v26;
	_ =	sdelay $0x1  }
0x637: {  	[tilespmem:s10+$0x80] =	vst v26  }
0x638: {  	v26 =	vld.idx.msk [tilespmem:v24+s17+$0xFFFFFFD0 ss:$0x1], $0xffff;
	v25 =	vadd.f32 v25, v20;
	_ =	sdelay $0x1  }
0x639: {  	v28 =	vld [tilespmem:s17+$0x8010];
	v27 =	vadd.f32 v25, v27  }
0x63a: {  	s11 =	simm.s32 $0x100  }
0x63b: {  	v29 =	vld.idx.msk [tilespmem:v24+s11+$0xFFFFFFC0 ss:$0x1], $0xffff;
	[tilespmem:s6+$0xFFFFFF20] =	vst v27  }
0x63c: {  	v26 =	vadd.f32 v26, v18;
	v27 =	vld [tilespmem:s9+$0x9020]  }
0x63d: {  	v30 =	vld [tilespmem:s11+$0x8000]  }
0x63e: {  	v28 =	vadd.f32 v26, v28;
	_ =	sdelay $0x1  }
0x63f: {  	[tilespmem:s10+$0xFFFFFF10] =	vst v28;
	v28 =	vadd.f32 v29, v17  }
0x640: {  	v29 =	vld [tilespmem:s17+$0x9010];
	v27 =	vadd.f32 v27, v25  }
0x641: {  	v30 =	vadd.f32 v28, v30  }
0x642: {  	s12 =	simm.s32 $0x10500;
	[tilespmem:s6+$0xFFFFFFA0] =	vst v27  }
0x643: {  	[tilespmem:s12+$0xFFFFFF00] =	vst v30;
	v27 =	vld [tilespmem:s9+$0xA020]  }
0x644: {  	v30 =	vld [tilespmem:s11+$0x9000]  }
0x645: {  	v29 =	vadd.f32 v29, v26;
	_ =	sdelay $0x1  }
0x646: {  	[tilespmem:s10+$0xFFFFFF90] =	vst v29  }
0x647: {  	v29 =	vld [tilespmem:s17+$0xA010];
	v27 =	vadd.f32 v27, v25  }
0x648: {  	v30 =	vadd.f32 v30, v28  }
0x649: {  	[tilespmem:s6+$0x20] =	vst v27  }
0x64a: {  	[tilespmem:s12+$0xFFFFFF80] =	vst v30;
	v27 =	vld [tilespmem:s9+$0xB020]  }
0x64b: {  	v30 =	vld [tilespmem:s11+$0xA000]  }
0x64c: {  	v29 =	vadd.f32 v29, v26;
	_ =	sdelay $0x1  }
0x64d: {  	[tilespmem:s10+$0x10] =	vst v29  }
0x64e: {  	v29 =	vld [tilespmem:s17+$0xB010];
	v25 =	vadd.f32 v27, v25  }
0x64f: {  	v27 =	vadd.f32 v30, v28  }
0x650: {  	[tilespmem:s6+$0xA0] =	vst v25  }
0x651: {  	[tilespmem:s12+$0x0] =	vst v27;
	v25 =	vld.idx.msk [tilespmem:v24+s9+$0xFFFFFFF0 ss:$0x1], $0xffff  }
0x652: {  	v27 =	vld [tilespmem:s11+$0xB000]  }
0x653: {  	v26 =	vadd.f32 v29, v26;
	v29 =	vld [tilespmem:s9+$0x8030];
	_ =	sdelay $0x1  }
0x654: {  	[tilespmem:s10+$0x90] =	vst v26  }
0x655: {  	v26 =	vld.idx.msk [tilespmem:v24+s17+$0xFFFFFFE0 ss:$0x1], $0xffff;
	v25 =	vadd.f32 v25, v23  }
0x656: {  	v27 =	vadd.f32 v27, v28  }
0x657: {  	v28 =	vld [tilespmem:s17+$0x8020];
	v29 =	vadd.f32 v25, v29  }
0x658: {  	[tilespmem:s12+$0x80] =	vst v27  }
0x659: {  	v27 =	vld.idx.msk [tilespmem:v24+s11+$0xFFFFFFD0 ss:$0x1], $0xffff;
	[tilespmem:s6+$0xFFFFFF30] =	vst v29  }
0x65a: {  	v26 =	vadd.f32 v26, v20;
	v29 =	vld [tilespmem:s9+$0x9030]  }
0x65b: {  	v30 =	vld [tilespmem:s11+$0x8010]  }
0x65c: {  	v28 =	vadd.f32 v26, v28  }
0x65d: {  	s15 =	simm.s32 $0x180  }
0x65e: {  	v31 =	vld.idx.msk [tilespmem:v24+s15+$0xFFFFFFC0 ss:$0x1], $0xffff;
	[tilespmem:s10+$0xFFFFFF20] =	vst v28;
	v27 =	vadd.f32 v27, v18  }
0x65f: {  	v28 =	vld [tilespmem:s17+$0x9020];
	v29 =	vadd.f32 v29, v25  }
0x660: {  	v36 =	vld [tilespmem:s15+$0x8000];
	v30 =	vadd.f32 v27, v30  }
0x661: {  	[tilespmem:s6+$0xFFFFFFB0] =	vst v29  }
0x662: {  	[tilespmem:s12+$0xFFFFFF10] =	vst v30;
	v29 =	vld [tilespmem:s9+$0xA030]  }
0x663: {  	v30 =	vadd.f32 v31, v17;
	v31 =	vld [tilespmem:s11+$0x9010]  }
0x664: {  	v28 =	vadd.f32 v28, v26  }
0x665: {  	v32 =	vadd.f32 v30, v36  }
0x666: {  	s7 =	simm.s32 $0x10700;
	[tilespmem:s10+$0xFFFFFFA0] =	vst v28  }
0x667: {  	[tilespmem:s7+$0xFFFFFF00] =	vst v32;
	v28 =	vld [tilespmem:s17+$0xA020];
	v29 =	vadd.f32 v29, v25  }
0x668: {  	v32 =	vld [tilespmem:s15+$0x9000];
	v31 =	vadd.f32 v31, v27  }
0x669: {  	[tilespmem:s6+$0x30] =	vst v29  }
0x66a: {  	[tilespmem:s12+$0xFFFFFF90] =	vst v31;
	v29 =	vld [tilespmem:s9+$0xB030]  }
0x66b: {  	v31 =	vld [tilespmem:s11+$0xA010]  }
0x66c: {  	v28 =	vadd.f32 v28, v26  }
0x66d: {  	v32 =	vadd.f32 v32, v30  }
0x66e: {  	[tilespmem:s10+$0x20] =	vst v28  }
0x66f: {  	[tilespmem:s7+$0xFFFFFF80] =	vst v32;
	v28 =	vld [tilespmem:s17+$0xB020];
	v25 =	vadd.f32 v29, v25  }
0x670: {  	v29 =	vld [tilespmem:s15+$0xA000];
	v31 =	vadd.f32 v31, v27  }
0x671: {  	[tilespmem:s6+$0xB0] =	vst v25  }
0x672: {  	[tilespmem:s12+$0x10] =	vst v31;
	v25 =	vld.idx.msk [tilespmem:v24+s9+$0x0 ss:$0x1], $0xffff  }
0x673: {  	v31 =	vld [tilespmem:s11+$0xB010]  }
0x674: {  	v26 =	vadd.f32 v28, v26;
	v28 =	vld [tilespmem:s9+$0x8040]  }
0x675: {  	v29 =	vadd.f32 v29, v30  }
0x676: {  	[tilespmem:s10+$0xA0] =	vst v26  }
0x677: {  	v26 =	vld.idx.msk [tilespmem:v24+s17+$0xFFFFFFF0 ss:$0x1], $0xffff;
	[tilespmem:s7+$0x0] =	vst v29;
	v25 =	vadd.f32 v25, v22  }
0x678: {  	v29 =	vld [tilespmem:s15+$0xB000];
	v27 =	vadd.f32 v31, v27  }
0x679: {  	v31 =	vld [tilespmem:s17+$0x8030];
	v28 =	vadd.f32 v25, v28  }
0x67a: {  	[tilespmem:s12+$0x90] =	vst v27  }
0x67b: {  	v27 =	vld.idx.msk [tilespmem:v24+s11+$0xFFFFFFE0 ss:$0x1], $0xffff;
	[tilespmem:s6+$0xFFFFFF40] =	vst v28  }
0x67c: {  	v26 =	vadd.f32 v26, v23;
	v28 =	vld [tilespmem:s9+$0x9040]  }
0x67d: {  	v29 =	vadd.f32 v29, v30;
	v30 =	vld [tilespmem:s11+$0x8020]  }
0x67e: {  	v31 =	vadd.f32 v26, v31  }
0x67f: {  	[tilespmem:s7+$0x80] =	vst v29  }
0x680: {  	v29 =	vld.idx.msk [tilespmem:v24+s15+$0xFFFFFFD0 ss:$0x1], $0xffff;
	[tilespmem:s10+$0xFFFFFF30] =	vst v31;
	v27 =	vadd.f32 v27, v20  }
0x681: {  	v31 =	vld [tilespmem:s17+$0x9030];
	v28 =	vadd.f32 v28, v25  }
0x682: {  	v32 =	vld [tilespmem:s15+$0x8010];
	v30 =	vadd.f32 v27, v30  }
0x683: {  	[tilespmem:s6+$0xFFFFFFC0] =	vst v28  }
0x684: {  	[tilespmem:s12+$0xFFFFFF20] =	vst v30;
	v28 =	vld [tilespmem:s9+$0xA040]  }
0x685: {  	s0 =	simm.s32 $0x200;
	v29 =	vadd.f32 v29, v18;
	v30 =	vld [tilespmem:s11+$0x9020]  }
0x686: {  	v37 =	vld.idx.msk [tilespmem:v24+s0+$0xFFFFFFC0 ss:$0x1], $0xffff;
	v31 =	vadd.f32 v31, v26  }
0x687: {  	v32 =	vadd.f32 v29, v32  }
0x688: {  	v38 =	vld [tilespmem:s0+$0x8000];
	[tilespmem:s10+$0xFFFFFFB0] =	vst v31  }
0x689: {  	v31 =	vld [tilespmem:s17+$0xA030];
	[tilespmem:s7+$0xFFFFFF10] =	vst v32;
	v28 =	vadd.f32 v28, v25  }
0x68a: {  	v32 =	vld [tilespmem:s15+$0x9010];
	v30 =	vadd.f32 v30, v27  }
0x68b: {  	v33 =	vadd.f32 v37, v17;
	[tilespmem:s6+$0x40] =	vst v28  }
0x68c: {  	[tilespmem:s12+$0xFFFFFFA0] =	vst v30;
	v28 =	vld [tilespmem:s9+$0xB040]  }
0x68d: {  	v30 =	vadd.f32 v33, v38;
	v39 =	vld [tilespmem:s11+$0xA020]  }
0x68e: {  	s18 =	simm.s32 $0x10900;
	v31 =	vadd.f32 v31, v26  }
0x68f: {  	[tilespmem:s18+$0xFFFFFF00] =	vst v30;
	v30 =	vadd.f32 v32, v29  }
0x690: {  	v40 =	vld [tilespmem:s0+$0x9000];
	[tilespmem:s10+$0x30] =	vst v31  }
0x691: {  	v31 =	vld [tilespmem:s17+$0xB030];
	[tilespmem:s7+$0xFFFFFF90] =	vst v30;
	v25 =	vadd.f32 v28, v25  }
0x692: {  	v28 =	vld [tilespmem:s15+$0xA010];
	v30 =	vadd.f32 v39, v27  }
0x693: {  	[tilespmem:s6+$0xC0] =	vst v25  }
0x694: {  	[tilespmem:s12+$0x20] =	vst v30;
	v25 =	vld.idx.msk [tilespmem:v24+s9+$0x10 ss:$0x1], $0xffff  }
0x695: {  	v30 =	vadd.f32 v40, v33;
	v41 =	vld [tilespmem:s11+$0xB020]  }
0x696: {  	v26 =	vadd.f32 v31, v26;
	v31 =	vld [tilespmem:s9+$0x8050]  }
0x697: {  	[tilespmem:s18+$0xFFFFFF80] =	vst v30;
	v28 =	vadd.f32 v28, v29  }
0x698: {  	v30 =	vld [tilespmem:s0+$0xA000];
	[tilespmem:s10+$0xB0] =	vst v26  }
0x699: {  	v26 =	vld.idx.msk [tilespmem:v24+s17+$0x0 ss:$0x1], $0xffff;
	[tilespmem:s7+$0x10] =	vst v28;
	v25 =	vadd.f32 v25, v21  }
0x69a: {  	v28 =	vld [tilespmem:s15+$0xB010];
	v27 =	vadd.f32 v41, v27  }
0x69b: {  	v42 =	vld [tilespmem:s17+$0x8040];
	v31 =	vadd.f32 v25, v31  }
0x69c: {  	[tilespmem:s12+$0xA0] =	vst v27  }
0x69d: {  	v30 =	vadd.f32 v30, v33;
	v27 =	vld.idx.msk [tilespmem:v24+s11+$0xFFFFFFF0 ss:$0x1], $0xffff;
	[tilespmem:s6+$0xFFFFFF50] =	vst v31  }
0x69e: {  	v26 =	vadd.f32 v26, v22;
	v31 =	vld [tilespmem:s9+$0x9050]  }
0x69f: {  	[tilespmem:s18+$0x0] =	vst v30;
	v28 =	vadd.f32 v28, v29;
	v29 =	vld [tilespmem:s11+$0x8030]  }
0x6a0: {  	v43 =	vld [tilespmem:s0+$0xB000];
	v30 =	vadd.f32 v26, v42  }
0x6a1: {  	[tilespmem:s7+$0x90] =	vst v28  }
0x6a2: {  	v28 =	vld.idx.msk [tilespmem:v24+s15+$0xFFFFFFE0 ss:$0x1], $0xffff;
	[tilespmem:s10+$0xFFFFFF40] =	vst v30;
	v27 =	vadd.f32 v27, v23  }
0x6a3: {  	v30 =	vld [tilespmem:s17+$0x9040];
	v31 =	vadd.f32 v31, v25  }
0x6a4: {  	v44 =	vld [tilespmem:s15+$0x8020];
	v29 =	vadd.f32 v27, v29  }
0x6a5: {  	[tilespmem:s6+$0xFFFFFFD0] =	vst v31;
	v31 =	vadd.f32 v43, v33  }
0x6a6: {  	[tilespmem:s12+$0xFFFFFF30] =	vst v29;
	v45 =	vld [tilespmem:s9+$0xA050]  }
0x6a7: {  	v28 =	vadd.f32 v28, v20;
	v29 =	vld [tilespmem:s11+$0x9030];
	[tilespmem:s18+$0x80] =	vst v31  }
0x6a8: {  	s22 =	simm.s32 $0x280;
	v30 =	vadd.f32 v30, v26;
	v31 =	vld.idx.msk [tilespmem:v24+s0+$0xFFFFFFD0 ss:$0x1], $0xffff  }
0x6a9: {  	v47 =	vld.idx.msk [tilespmem:v24+s22+$0xFFFFFFC0 ss:$0x1], $0xffff;
	v34 =	vadd.f32 v28, v44  }
0x6aa: {  	v46 =	vld [tilespmem:s0+$0x8010];
	[tilespmem:s10+$0xFFFFFFC0] =	vst v30  }
0x6ab: {  	v30 =	vld [tilespmem:s17+$0xA040];
	[tilespmem:s7+$0xFFFFFF20] =	vst v34;
	v32 =	vadd.f32 v45, v25  }
0x6ac: {  	v34 =	vld [tilespmem:s15+$0x9020];
	v29 =	vadd.f32 v29, v27  }
0x6ad: {  	v48 =	vld [tilespmem:s22+$0x8000];
	[tilespmem:s6+$0x50] =	vst v32;
	v31 =	vadd.f32 v31, v18  }
0x6ae: {  	[tilespmem:s12+$0xFFFFFFB0] =	vst v29;
	v32 =	vld [tilespmem:s9+$0xB050]  }
0x6af: {  	v49 =	vld [tilespmem:s11+$0xA030];
	v29 =	vadd.f32 v31, v46  }
0x6b0: {  	v35 =	vadd.f32 v47, v17;
	v30 =	vadd.f32 v30, v26  }
0x6b1: {  	[tilespmem:s18+$0xFFFFFF10] =	vst v29;
	v29 =	vadd.f32 v34, v28  }
0x6b2: {  	v51 =	vadd.f32 v35, v48;
	[tilespmem:s10+$0x40] =	vst v30;
	v50 =	vld [tilespmem:s0+$0x9010]  }
0x6b3: {  	s23 =	simm.s32 $0x10B00;
	v30 =	vld [tilespmem:s17+$0xB040];
	v25 =	vadd.f32 v32, v25;
	[tilespmem:s7+$0xFFFFFFA0] =	vst v29  }
0x6b4: {  	[tilespmem:s23+$0xFFFFFF00] =	vst v51;
	v33 =	vadd.f32 v49, v27;
	v29 =	vld [tilespmem:s15+$0xA020]  }
0x6b5: {  	v32 =	vld [tilespmem:s22+$0x9000];
	[tilespmem:s6+$0xD0] =	vst v25  }
0x6b6: {  	[tilespmem:s12+$0x30] =	vst v33;
	v25 =	vld.idx.msk [tilespmem:v24+s9+$0x20 ss:$0x1], $0xffff  }
0x6b7: {  	v53 =	vld [tilespmem:s11+$0xB030];
	v52 =	vadd.f32 v50, v31  }
0x6b8: {  	v26 =	vadd.f32 v30, v26;
	v30 =	vld [tilespmem:s9+$0x8060]  }
0x6b9: {  	[tilespmem:s18+$0xFFFFFF90] =	vst v52;
	v29 =	vadd.f32 v29, v28  }
0x6ba: {  	[tilespmem:s10+$0xC0] =	vst v26;
	v33 =	vld [tilespmem:s0+$0xA010]  }
0x6bb: {  	v32 =	vadd.f32 v32, v35;
	v26 =	vld.idx.msk [tilespmem:v24+s17+$0x10 ss:$0x1], $0xffff;
	[tilespmem:s7+$0x20] =	vst v29;
	v25 =	vadd.f32 v25, v19  }
0x6bc: {  	v27 =	vadd.f32 v53, v27;
	v29 =	vld [tilespmem:s15+$0xB020]  }
0x6bd: {  	[tilespmem:s23+$0xFFFFFF80] =	vst v32;
	v54 =	vld [tilespmem:s17+$0x8050];
	v30 =	vadd.f32 v25, v30  }
0x6be: {  	v55 =	vld [tilespmem:s22+$0xA000];
	[tilespmem:s12+$0xB0] =	vst v27  }
0x6bf: {  	v27 =	vld.idx.msk [tilespmem:v24+s11+$0x0 ss:$0x1], $0xffff;
	[tilespmem:s6+$0xFFFFFF60] =	vst v30;
	v30 =	vadd.f32 v33, v31  }
0x6c0: {  	v26 =	vadd.f32 v26, v21;
	v56 =	vld [tilespmem:s9+$0x9060]  }
0x6c1: {  	v28 =	vadd.f32 v29, v28;
	[tilespmem:s18+$0x10] =	vst v30;
	v29 =	vld [tilespmem:s11+$0x8040]  }
0x6c2: {  	v30 =	vadd.f32 v26, v54;
	v57 =	vld [tilespmem:s0+$0xB010]  }
0x6c3: {  	v34 =	vadd.f32 v55, v35;
	[tilespmem:s7+$0xA0] =	vst v28  }
0x6c4: {  	[tilespmem:s10+$0xFFFFFF50] =	vst v30;
	v28 =	vadd.f32 v27, v22;
	v58 =	vld.idx.msk [tilespmem:v24+s15+$0xFFFFFFF0 ss:$0x1], $0xffff  }
0x6c5: {  	[tilespmem:s23+$0x0] =	vst v34;
	v27 =	vld [tilespmem:s17+$0x9050];
	v30 =	vadd.f32 v56, v25  }
0x6c6: {  	v59 =	vld [tilespmem:s22+$0xB000];
	v29 =	vadd.f32 v28, v29  }
0x6c7: {  	v60 =	vld [tilespmem:s15+$0x8030];
	[tilespmem:s6+$0xFFFFFFE0] =	vst v30;
	v30 =	vadd.f32 v57, v31  }
0x6c8: {  	v31 =	vld [tilespmem:s9+$0xA060];
	[tilespmem:s12+$0xFFFFFF40] =	vst v29  }
0x6c9: {  	[tilespmem:s18+$0x90] =	vst v30;
	v30 =	vld [tilespmem:s11+$0x9040]  }
0x6ca: {  	v29 =	vadd.f32 v58, v23;
	v27 =	vadd.f32 v27, v26;
	v61 =	vld.idx.msk [tilespmem:v24+s0+$0xFFFFFFE0 ss:$0x1], $0xffff  }
0x6cb: {  	v33 =	vadd.f32 v59, v35  }
0x6cc: {  	v62 =	vld [tilespmem:s0+$0x8020];
	v34 =	vadd.f32 v29, v60;
	[tilespmem:s10+$0xFFFFFFD0] =	vst v27  }
0x6cd: {  	[tilespmem:s23+$0x80] =	vst v33;
	v63 =	vld [tilespmem:s17+$0xA050];
	v27 =	vadd.f32 v31, v25  }
0x6ce: {  	v35 =	vld.idx.msk [tilespmem:v24+s22+$0xFFFFFFD0 ss:$0x1], $0xffff;
	[tilespmem:s7+$0xFFFFFF30] =	vst v34  }
0x6cf: {  	v33 =	vld [tilespmem:s15+$0x9030];
	v30 =	vadd.f32 v30, v28;
	[tilespmem:s6+$0x60] =	vst v27;
	v31 =	vadd.f32 v61, v20  }
0x6d0: {  	v27 =	vld [tilespmem:s9+$0xB060]  }
0x6d1: {  	v36 =	vld [tilespmem:s22+$0x8010];
	[tilespmem:s12+$0xFFFFFFC0] =	vst v30;
	v34 =	vadd.f32 v31, v62  }
0x6d2: {  	s19 =	simm.s32 $0x300;
	s20 =	simm.s32 $0xE00;
	v32 =	vld [tilespmem:s11+$0xA040];
	v30 =	vadd.f32 v63, v26  }
.LBB2_11:
0x6d3: {  	p1 =	sne.s32 s20, $0x3E00;
	v37 =	vld.idx.msk [tilespmem:v24+s19+$0xFFFFFFC0 ss:$0x1], $0xffff;
	[tilespmem:s18+$0xFFFFFF20] =	vst v34;
	s8 =	smov.u32 s10;
	s10 =	smov.u32 s12  }
0x6d4: {  	v34 =	vadd.f32 v35, v18;
	s12 =	smov.u32 s7;
	s7 =	smov.u32 s18;
	s18 =	smov.u32 s23;
	v35 =	vld [tilespmem:s0+$0x9020];
	v33 =	vadd.f32 v33, v29;
	[tilespmem:s8+$0x50] =	vst v30  }
0x6d5: {  	v30 =	vld [tilespmem:s17+$0xB050];
	v25 =	vadd.f32 v27, v25  }
0x6d6: {  	v27 =	vld [tilespmem:s19+$0x8000];
	v36 =	vadd.f32 v34, v36;
	[tilespmem:s12+$0xFFFFFFB0] =	vst v33  }
0x6d7: {  	v33 =	vld [tilespmem:s15+$0xA030];
	v32 =	vadd.f32 v32, v28;
	[tilespmem:s6+$0xE0] =	vst v25  }
0x6d8: {  	[tilespmem:s23+$0xFFFFFF10] =	vst v36;
	v25 =	vld.idx.msk [tilespmem:v24+s9+$0x30 ss:$0x1], $0xffff  }
0x6d9: {  	v36 =	vadd.f32 v37, v17;
	v37 =	vld [tilespmem:s22+$0x9010];
	v35 =	vadd.f32 v35, v31;
	[tilespmem:s10+$0x40] =	vst v32  }
0x6da: {  	v32 =	vld [tilespmem:s11+$0xB040];
	v26 =	vadd.f32 v30, v26  }
0x6db: {  	v27 =	vadd.f32 v36, v27;
	[tilespmem:s7+$0xFFFFFFA0] =	vst v35;
	v30 =	vld [tilespmem:s9+$0x8070]  }
0x6dc: {  	s23 =	sadd.s32 $0x200, s23;
	v35 =	vld [tilespmem:s0+$0xA020];
	v33 =	vadd.f32 v33, v29;
	[tilespmem:s8+$0xD0] =	vst v26  }
0x6dd: {  	[tilespmem:s23+$0xFFFFFF00] =	vst v27;
	v26 =	vld.idx.msk [tilespmem:v24+s17+$0x20 ss:$0x1], $0xffff  }
0x6de: {  	v38 =	vadd.f32 v25, v16;
	v27 =	vld [tilespmem:s19+$0x9000];
	v37 =	vadd.f32 v37, v34;
	[tilespmem:s12+$0x30] =	vst v33  }
0x6df: {  	v33 =	vld [tilespmem:s15+$0xB030];
	v25 =	vadd.f32 v32, v28  }
0x6e0: {  	[tilespmem:s18+$0xFFFFFF90] =	vst v37;
	v28 =	vld [tilespmem:s17+$0x8060];
	v30 =	vadd.f32 v38, v30  }
0x6e1: {  	v32 =	vld [tilespmem:s22+$0xA010];
	v35 =	vadd.f32 v35, v31;
	[tilespmem:s10+$0xC0] =	vst v25  }
0x6e2: {  	v37 =	vld.idx.msk [tilespmem:v24+s11+$0x10 ss:$0x1], $0xffff;
	[tilespmem:s6+$0xFFFFFF70] =	vst v30  }
0x6e3: {  	v25 =	vadd.f32 v26, v19;
	v27 =	vadd.f32 v27, v36;
	[tilespmem:s7+$0x20] =	vst v35;
	v30 =	vld [tilespmem:s9+$0x9070]  }
0x6e4: {  	v35 =	vld [tilespmem:s0+$0xB020];
	v26 =	vadd.f32 v33, v29  }
0x6e5: {  	[tilespmem:s23+$0xFFFFFF80] =	vst v27;
	v27 =	vld [tilespmem:s11+$0x8050];
	v28 =	vadd.f32 v25, v28  }
0x6e6: {  	v29 =	vld [tilespmem:s19+$0xA000];
	v32 =	vadd.f32 v32, v34;
	[tilespmem:s12+$0xB0] =	vst v26  }
0x6e7: {  	v33 =	vld.idx.msk [tilespmem:v24+s15+$0x0 ss:$0x1], $0xffff;
	[tilespmem:s8+$0xFFFFFF60] =	vst v28  }
0x6e8: {  	v26 =	vadd.f32 v37, v21;
	[tilespmem:s18+$0x10] =	vst v32;
	v32 =	vld [tilespmem:s17+$0x9060];
	v28 =	vadd.f32 v30, v38  }
0x6e9: {  	v30 =	vld [tilespmem:s22+$0xB010];
	v31 =	vadd.f32 v35, v31  }
0x6ea: {  	v35 =	vld [tilespmem:s15+$0x8040];
	v27 =	vadd.f32 v26, v27;
	[tilespmem:s6+$0xFFFFFFF0] =	vst v28  }
0x6eb: {  	v28 =	vadd.f32 v29, v36;
	[tilespmem:s7+$0xA0] =	vst v31;
	v29 =	vld [tilespmem:s9+$0xA070]  }
0x6ec: {  	v31 =	vld.idx.msk [tilespmem:v24+s0+$0xFFFFFFF0 ss:$0x1], $0xffff;
	[tilespmem:s10+$0xFFFFFF50] =	vst v27  }
0x6ed: {  	[tilespmem:s23+$0x0] =	vst v28;
	v28 =	vadd.f32 v33, v22;
	v27 =	vld [tilespmem:s11+$0x9050];
	v32 =	vadd.f32 v32, v25  }
0x6ee: {  	v33 =	vld [tilespmem:s19+$0xB000];
	v30 =	vadd.f32 v30, v34  }
0x6ef: {  	v34 =	vld [tilespmem:s0+$0x8030];
	v35 =	vadd.f32 v28, v35;
	[tilespmem:s8+$0xFFFFFFE0] =	vst v32  }
0x6f0: {  	[tilespmem:s18+$0x90] =	vst v30;
	v30 =	vld [tilespmem:s17+$0xA060];
	v32 =	vadd.f32 v29, v38  }
0x6f1: {  	v37 =	vld.idx.msk [tilespmem:v24+s22+$0xFFFFFFE0 ss:$0x1], $0xffff;
	[tilespmem:s12+$0xFFFFFF40] =	vst v35  }
0x6f2: {  	v29 =	vadd.f32 v31, v23;
	v39 =	vld [tilespmem:s15+$0x9040];
	v27 =	vadd.f32 v27, v26;
	[tilespmem:s6+$0x70] =	vst v32  }
0x6f3: {  	v31 =	vadd.f32 v33, v36;
	v32 =	vld [tilespmem:s9+$0xB070];
	s9 =	smov.u32 s17;
	s17 =	smov.u32 s11;
	s11 =	smov.u32 s15  }
0x6f4: {  	s15 =	smov.u32 s0;
	s0 =	smov.u32 s22;
	v40 =	vld [tilespmem:s22+$0x8020];
	v33 =	vadd.f32 v29, v34;
	[tilespmem:s10+$0xFFFFFFD0] =	vst v27;
	s22 =	smov.u32 s19  }
0x6f5: {  	[tilespmem:s23+$0x80] =	vst v31;
	v41 =	vld [tilespmem:s17+$0xA050];
	v27 =	vadd.f32 v30, v25  }
.Ltmp4:
0x6f6: {  	v35 =	vld.idx.msk [tilespmem:v24+s22+$0xFFFFFFD0 ss:$0x1], $0xffff;
	[tilespmem:s7+$0xFFFFFF30] =	vst v33;
	(pc) =	sbr.rel @p1 .LBB2_11-.Ltmp4, $4  }
0x6f7: {  	v31 =	vadd.f32 v37, v20;
	v33 =	vld [tilespmem:s15+$0x9030];
	v30 =	vadd.f32 v39, v28;
	[tilespmem:s8+$0x60] =	vst v27  }
0x6f8: {  	v27 =	vld [tilespmem:s9+$0xB060];
	v37 =	vadd.f32 v32, v38  }
0x6f9: {  	v36 =	vld [tilespmem:s22+$0x8010];
	v34 =	vadd.f32 v31, v40;
	[tilespmem:s12+$0xFFFFFFC0] =	vst v30  }
0x6fa: {  	s19 =	sshra.s32 s20, $0x2;
	s20 =	sadd.s32 $0x200, s20;
	v32 =	vld [tilespmem:s11+$0xA040];
	v30 =	vadd.f32 v41, v26;
	[tilespmem:s6+$0xF0] =	vst v37;
	s6 =	smov.u32 s8  }
0x6fb: {  	_ =	sdelay $0x3  }
0x6fc: {  	v37 =	vld.idx.msk [tilespmem:v24+s19+$0xFFFFFFC0 ss:$0x1], $0xffff;
	_ =	sdelay $0x1  }
0x6fd: {  	v38 =	vld [tilespmem:s19+$0x8000];
	_ =	sdelay $0x2  }
0x6fe: {  	v17 =	vadd.f32 v37, v17;
	_ =	sdelay $0x1  }
0x6ff: {  	v37 =	vadd.f32 v17, v38  }
0x700: {  	s26 =	sadd.s32 $0x200, s23  }
0x701: {  	[tilespmem:s26+$0xFFFFFF00] =	vst v37  }
0x702: {  	v37 =	vld [tilespmem:s19+$0x9000];
	_ =	sdelay $0x4  }
0x703: {  	v37 =	vadd.f32 v37, v17;
	_ =	sdelay $0x1  }
0x704: {  	[tilespmem:s26+$0xFFFFFF80] =	vst v37  }
0x705: {  	v37 =	vld [tilespmem:s19+$0xA000];
	_ =	sdelay $0x4  }
0x706: {  	v37 =	vadd.f32 v37, v17;
	_ =	sdelay $0x1  }
0x707: {  	[tilespmem:s26+$0x0] =	vst v37  }
0x708: {  	v37 =	vld [tilespmem:s19+$0xB000];
	_ =	sdelay $0x4  }
0x709: {  	v17 =	vadd.f32 v37, v17;
	_ =	sdelay $0x1  }
0x70a: {  	[tilespmem:s26+$0x80] =	vst v17  }
0x70b: {  	v17 =	vld.idx.msk [tilespmem:v24+s19+$0xFFFFFFD0 ss:$0x1], $0xffff;
	_ =	sdelay $0x1  }
0x70c: {  	v52 =	vld [tilespmem:s19+$0x8010];
	_ =	sdelay $0x1  }
0x70d: {  	v35 =	vadd.f32 v35, v18  }
0x70e: {  	v17 =	vadd.f32 v17, v18  }
0x70f: {  	v53 =	vadd.f32 v35, v36  }
0x710: {  	v54 =	vadd.f32 v17, v52  }
0x711: {  	[tilespmem:s23+$0xFFFFFF10] =	vst v53  }
0x712: {  	v18 =	vld [tilespmem:s22+$0x9010];
	[tilespmem:s26+$0xFFFFFF10] =	vst v54  }
0x713: {  	v36 =	vld [tilespmem:s19+$0x9010];
	_ =	sdelay $0x3  }
0x714: {  	v18 =	vadd.f32 v18, v35  }
0x715: {  	v36 =	vadd.f32 v36, v17  }
0x716: {  	[tilespmem:s23+$0xFFFFFF90] =	vst v18  }
0x717: {  	v18 =	vld [tilespmem:s22+$0xA010];
	[tilespmem:s26+$0xFFFFFF90] =	vst v36  }
0x718: {  	v36 =	vld [tilespmem:s19+$0xA010];
	_ =	sdelay $0x3  }
0x719: {  	v18 =	vadd.f32 v18, v35  }
0x71a: {  	v36 =	vadd.f32 v36, v17  }
0x71b: {  	[tilespmem:s23+$0x10] =	vst v18  }
0x71c: {  	v18 =	vld [tilespmem:s22+$0xB010];
	[tilespmem:s26+$0x10] =	vst v36  }
0x71d: {  	v36 =	vld [tilespmem:s19+$0xB010];
	_ =	sdelay $0x3  }
0x71e: {  	v18 =	vadd.f32 v18, v35  }
0x71f: {  	v17 =	vadd.f32 v36, v17  }
0x720: {  	[tilespmem:s23+$0x90] =	vst v18  }
0x721: {  	v18 =	vld.idx.msk [tilespmem:v24+s22+$0xFFFFFFE0 ss:$0x1], $0xffff;
	[tilespmem:s26+$0x90] =	vst v17  }
0x722: {  	v17 =	vld.idx.msk [tilespmem:v24+s19+$0xFFFFFFE0 ss:$0x1], $0xffff  }
0x723: {  	v55 =	vld [tilespmem:s22+$0x8020]  }
0x724: {  	v56 =	vld [tilespmem:s19+$0x8020];
	_ =	sdelay $0x1  }
0x725: {  	v18 =	vadd.f32 v18, v20  }
0x726: {  	v17 =	vadd.f32 v17, v20  }
0x727: {  	[tilespmem:s18+$0xFFFFFF20] =	vst v34;
	v57 =	vadd.f32 v18, v55  }
0x728: {  	v34 =	vld [tilespmem:s0+$0x9020];
	v58 =	vadd.f32 v17, v56  }
0x729: {  	[tilespmem:s23+$0xFFFFFF20] =	vst v57  }
0x72a: {  	v20 =	vld [tilespmem:s22+$0x9020];
	[tilespmem:s26+$0xFFFFFF20] =	vst v58  }
0x72b: {  	v35 =	vld [tilespmem:s19+$0x9020];
	_ =	sdelay $0x1  }
0x72c: {  	v34 =	vadd.f32 v34, v31;
	_ =	sdelay $0x1  }
0x72d: {  	[tilespmem:s18+$0xFFFFFFA0] =	vst v34;
	v20 =	vadd.f32 v20, v18  }
0x72e: {  	v34 =	vld [tilespmem:s0+$0xA020];
	v35 =	vadd.f32 v35, v17  }
0x72f: {  	[tilespmem:s23+$0xFFFFFFA0] =	vst v20  }
0x730: {  	v20 =	vld [tilespmem:s22+$0xA020];
	[tilespmem:s26+$0xFFFFFFA0] =	vst v35  }
0x731: {  	v35 =	vld [tilespmem:s19+$0xA020];
	_ =	sdelay $0x1  }
0x732: {  	v34 =	vadd.f32 v34, v31;
	_ =	sdelay $0x1  }
0x733: {  	[tilespmem:s18+$0x20] =	vst v34;
	v20 =	vadd.f32 v20, v18  }
0x734: {  	v34 =	vld [tilespmem:s0+$0xB020];
	v35 =	vadd.f32 v35, v17  }
0x735: {  	[tilespmem:s23+$0x20] =	vst v20  }
0x736: {  	v20 =	vld [tilespmem:s22+$0xB020];
	[tilespmem:s26+$0x20] =	vst v35  }
0x737: {  	v35 =	vld [tilespmem:s19+$0xB020];
	_ =	sdelay $0x1  }
0x738: {  	v59 =	vadd.f32 v34, v31;
	_ =	sdelay $0x1  }
0x739: {  	[tilespmem:s18+$0xA0] =	vst v59;
	v18 =	vadd.f32 v20, v18  }
0x73a: {  	v60 =	vld.idx.msk [tilespmem:v24+s0+$0xFFFFFFF0 ss:$0x1], $0xffff;
	v17 =	vadd.f32 v35, v17  }
0x73b: {  	v31 =	vld [tilespmem:s0+$0x8030];
	[tilespmem:s23+$0xA0] =	vst v18  }
0x73c: {  	v18 =	vld.idx.msk [tilespmem:v24+s22+$0xFFFFFFF0 ss:$0x1], $0xffff;
	[tilespmem:s26+$0xA0] =	vst v17  }
0x73d: {  	v17 =	vld.idx.msk [tilespmem:v24+s19+$0xFFFFFFF0 ss:$0x1], $0xffff  }
0x73e: {  	v61 =	vld [tilespmem:s22+$0x8030]  }
0x73f: {  	v20 =	vadd.f32 v60, v23;
	v62 =	vld [tilespmem:s19+$0x8030];
	_ =	sdelay $0x1  }
0x740: {  	v31 =	vadd.f32 v20, v31;
	v18 =	vadd.f32 v18, v23  }
0x741: {  	v17 =	vadd.f32 v17, v23  }
0x742: {  	[tilespmem:s18+$0xFFFFFF30] =	vst v31;
	v63 =	vadd.f32 v18, v61  }
0x743: {  	v31 =	vld [tilespmem:s0+$0x9030];
	v36 =	vadd.f32 v17, v62  }
0x744: {  	[tilespmem:s23+$0xFFFFFF30] =	vst v63  }
0x745: {  	v23 =	vld [tilespmem:s22+$0x9030];
	[tilespmem:s26+$0xFFFFFF30] =	vst v36  }
0x746: {  	v33 =	vadd.f32 v33, v29;
	v34 =	vld [tilespmem:s19+$0x9030];
	_ =	sdelay $0x1  }
0x747: {  	[tilespmem:s7+$0xFFFFFFB0] =	vst v33;
	v31 =	vadd.f32 v31, v20  }
0x748: {  	v33 =	vld [tilespmem:s15+$0xA030]  }
0x749: {  	[tilespmem:s18+$0xFFFFFFB0] =	vst v31;
	v23 =	vadd.f32 v23, v18  }
0x74a: {  	v31 =	vld [tilespmem:s0+$0xA030];
	v34 =	vadd.f32 v34, v17  }
0x74b: {  	[tilespmem:s23+$0xFFFFFFB0] =	vst v23  }
0x74c: {  	v23 =	vld [tilespmem:s22+$0xA030];
	[tilespmem:s26+$0xFFFFFFB0] =	vst v34  }
0x74d: {  	v33 =	vadd.f32 v33, v29;
	v34 =	vld [tilespmem:s19+$0xA030];
	_ =	sdelay $0x1  }
0x74e: {  	[tilespmem:s7+$0x30] =	vst v33;
	v31 =	vadd.f32 v31, v20  }
0x74f: {  	v33 =	vld [tilespmem:s15+$0xB030]  }
0x750: {  	[tilespmem:s18+$0x30] =	vst v31;
	v23 =	vadd.f32 v23, v18  }
0x751: {  	v31 =	vld [tilespmem:s0+$0xB030];
	v34 =	vadd.f32 v34, v17  }
0x752: {  	[tilespmem:s23+$0x30] =	vst v23  }
0x753: {  	v32 =	vadd.f32 v32, v28;
	v23 =	vld [tilespmem:s22+$0xB030];
	[tilespmem:s26+$0x30] =	vst v34  }
0x754: {  	v37 =	vadd.f32 v33, v29;
	v38 =	vld [tilespmem:s19+$0xB030]  }
0x755: {  	[tilespmem:s12+$0x40] =	vst v32  }
0x756: {  	v48 =	vld [tilespmem:s11+$0xB040];
	[tilespmem:s7+$0xB0] =	vst v37;
	v20 =	vadd.f32 v31, v20  }
0x757: {  	v29 =	vld.idx.msk [tilespmem:v24+s15+$0x0 ss:$0x1], $0xffff  }
0x758: {  	v39 =	vld [tilespmem:s15+$0x8040];
	[tilespmem:s18+$0xB0] =	vst v20;
	v18 =	vadd.f32 v23, v18  }
0x759: {  	v20 =	vld.idx.msk [tilespmem:v24+s0+$0x0 ss:$0x1], $0xffff;
	v17 =	vadd.f32 v38, v17  }
0x75a: {  	v40 =	vld [tilespmem:s0+$0x8040];
	[tilespmem:s23+$0xB0] =	vst v18  }
0x75b: {  	v18 =	vld.idx.msk [tilespmem:v24+s22+$0x0 ss:$0x1], $0xffff;
	[tilespmem:s26+$0xB0] =	vst v17  }
0x75c: {  	v17 =	vadd.f32 v29, v22;
	v41 =	vld.idx.msk [tilespmem:v24+s19+$0x0 ss:$0x1], $0xffff  }
0x75d: {  	v42 =	vld [tilespmem:s22+$0x8040]  }
0x75e: {  	v20 =	vadd.f32 v20, v22;
	v34 =	vld [tilespmem:s19+$0x8040];
	v31 =	vadd.f32 v17, v39;
	_ =	sdelay $0x1  }
0x75f: {  	v23 =	vadd.f32 v20, v40;
	v18 =	vadd.f32 v18, v22;
	[tilespmem:s7+$0xFFFFFF40] =	vst v31  }
0x760: {  	v49 =	vadd.f32 v48, v28;
	v31 =	vld [tilespmem:s15+$0x9040];
	v43 =	vadd.f32 v41, v22  }
0x761: {  	[tilespmem:s18+$0xFFFFFF40] =	vst v23;
	v44 =	vadd.f32 v18, v42  }
0x762: {  	[tilespmem:s12+$0xC0] =	vst v49;
	v45 =	vld [tilespmem:s0+$0x9040];
	v46 =	vadd.f32 v43, v34  }
0x763: {  	v51 =	vld.idx.msk [tilespmem:v24+s11+$0x10 ss:$0x1], $0xffff;
	[tilespmem:s23+$0xFFFFFF40] =	vst v44  }
0x764: {  	v23 =	vld [tilespmem:s22+$0x9040];
	[tilespmem:s26+$0xFFFFFF40] =	vst v46  }
0x765: {  	v31 =	vadd.f32 v31, v17;
	v33 =	vld [tilespmem:s19+$0x9040];
	_ =	sdelay $0x1  }
0x766: {  	v52 =	vld [tilespmem:s11+$0x8050];
	v29 =	vadd.f32 v45, v20;
	[tilespmem:s7+$0xFFFFFFC0] =	vst v31  }
0x767: {  	v31 =	vld [tilespmem:s15+$0xA040]  }
0x768: {  	[tilespmem:s18+$0xFFFFFFC0] =	vst v29;
	v23 =	vadd.f32 v23, v18  }
0x769: {  	v56 =	vadd.f32 v51, v21;
	v29 =	vld [tilespmem:s0+$0xA040];
	v33 =	vadd.f32 v33, v43  }
0x76a: {  	[tilespmem:s23+$0xFFFFFFC0] =	vst v23  }
0x76b: {  	v58 =	vadd.f32 v56, v52;
	v23 =	vld [tilespmem:s22+$0xA040];
	[tilespmem:s26+$0xFFFFFFC0] =	vst v33  }
0x76c: {  	v31 =	vadd.f32 v31, v17;
	v47 =	vld [tilespmem:s19+$0xA040]  }
0x76d: {  	[tilespmem:s12+$0xFFFFFF50] =	vst v58  }
0x76e: {  	v63 =	vld [tilespmem:s11+$0x9050];
	v29 =	vadd.f32 v29, v20;
	[tilespmem:s7+$0x40] =	vst v31  }
0x76f: {  	v31 =	vld [tilespmem:s15+$0xB040]  }
0x770: {  	[tilespmem:s18+$0x40] =	vst v29;
	v23 =	vadd.f32 v23, v18  }
0x771: {  	v29 =	vld [tilespmem:s0+$0xB040];
	v32 =	vadd.f32 v47, v43  }
0x772: {  	[tilespmem:s23+$0x40] =	vst v23  }
0x773: {  	v40 =	vadd.f32 v63, v56;
	v23 =	vld [tilespmem:s22+$0xB040];
	[tilespmem:s26+$0x40] =	vst v32  }
0x774: {  	[tilespmem:s10+$0x50] =	vst v30;
	v17 =	vadd.f32 v31, v17;
	v50 =	vld [tilespmem:s19+$0xB040]  }
0x775: {  	v30 =	vld [tilespmem:s17+$0xB050];
	[tilespmem:s12+$0xFFFFFFD0] =	vst v40  }
0x776: {  	v41 =	vld [tilespmem:s11+$0xA050];
	[tilespmem:s7+$0xC0] =	vst v17;
	v17 =	vadd.f32 v29, v20  }
0x777: {  	v53 =	vld.idx.msk [tilespmem:v24+s15+$0x10 ss:$0x1], $0xffff  }
0x778: {  	v54 =	vld [tilespmem:s15+$0x8050];
	[tilespmem:s18+$0xC0] =	vst v17;
	v17 =	vadd.f32 v23, v18  }
0x779: {  	v55 =	vld.idx.msk [tilespmem:v24+s0+$0x10 ss:$0x1], $0xffff;
	v22 =	vadd.f32 v50, v43  }
0x77a: {  	v57 =	vld [tilespmem:s0+$0x8050];
	[tilespmem:s23+$0xC0] =	vst v17  }
0x77b: {  	v17 =	vld.idx.msk [tilespmem:v24+s22+$0x10 ss:$0x1], $0xffff;
	[tilespmem:s26+$0xC0] =	vst v22  }
0x77c: {  	v20 =	vadd.f32 v53, v21;
	v59 =	vld.idx.msk [tilespmem:v24+s19+$0x10 ss:$0x1], $0xffff  }
0x77d: {  	v60 =	vld [tilespmem:s22+$0x8050]  }
0x77e: {  	v62 =	vld [tilespmem:s19+$0x8050];
	v61 =	vadd.f32 v20, v54;
	v18 =	vadd.f32 v55, v21  }
0x77f: {  	v26 =	vadd.f32 v30, v26  }
0x780: {  	[tilespmem:s7+$0xFFFFFF50] =	vst v61;
	v35 =	vadd.f32 v18, v57;
	v17 =	vadd.f32 v17, v21  }
0x781: {  	v30 =	vadd.f32 v41, v56;
	v36 =	vld [tilespmem:s15+$0x9050];
	v37 =	vadd.f32 v59, v21  }
0x782: {  	[tilespmem:s18+$0xFFFFFF50] =	vst v35;
	v38 =	vadd.f32 v17, v60  }
0x783: {  	[tilespmem:s12+$0x50] =	vst v30;
	v39 =	vld [tilespmem:s0+$0x9050];
	v29 =	vadd.f32 v37, v62  }
0x784: {  	v46 =	vld [tilespmem:s11+$0xB050];
	[tilespmem:s23+$0xFFFFFF50] =	vst v38  }
0x785: {  	v22 =	vld [tilespmem:s22+$0x9050];
	[tilespmem:s26+$0xFFFFFF50] =	vst v29  }
0x786: {  	v28 =	vadd.f32 v36, v20;
	v29 =	vld [tilespmem:s19+$0x9050];
	_ =	sdelay $0x1  }
0x787: {  	[tilespmem:s7+$0xFFFFFFD0] =	vst v28;
	v42 =	vadd.f32 v39, v18  }
0x788: {  	v23 =	vadd.f32 v46, v56;
	v43 =	vld [tilespmem:s15+$0xA050]  }
0x789: {  	[tilespmem:s18+$0xFFFFFFD0] =	vst v42;
	v22 =	vadd.f32 v22, v17  }
0x78a: {  	[tilespmem:s12+$0xD0] =	vst v23;
	v28 =	vld [tilespmem:s0+$0xA050];
	v29 =	vadd.f32 v29, v37  }
0x78b: {  	v53 =	vld.idx.msk [tilespmem:v24+s11+$0x20 ss:$0x1], $0xffff;
	[tilespmem:s23+$0xFFFFFFD0] =	vst v22  }
0x78c: {  	v22 =	vld [tilespmem:s22+$0xA050];
	[tilespmem:s26+$0xFFFFFFD0] =	vst v29  }
0x78d: {  	[tilespmem:s10+$0xD0] =	vst v26;
	v26 =	vadd.f32 v43, v20;
	v29 =	vld [tilespmem:s19+$0xA050];
	_ =	sdelay $0x1  }
0x78e: {  	v54 =	vld [tilespmem:s11+$0x8060];
	[tilespmem:s7+$0x50] =	vst v26;
	v47 =	vadd.f32 v28, v18  }
0x78f: {  	v49 =	vld [tilespmem:s15+$0xB050]  }
0x790: {  	[tilespmem:s18+$0x50] =	vst v47;
	v22 =	vadd.f32 v22, v17  }
0x791: {  	v56 =	vadd.f32 v53, v19;
	v26 =	vld [tilespmem:s0+$0xB050];
	v50 =	vadd.f32 v29, v37  }
0x792: {  	v45 =	vld [tilespmem:s17+$0x8060];
	[tilespmem:s23+$0x50] =	vst v22  }
0x793: {  	v58 =	vadd.f32 v56, v54;
	v22 =	vld [tilespmem:s22+$0xB050];
	[tilespmem:s26+$0x50] =	vst v50  }
0x794: {  	v20 =	vadd.f32 v49, v20;
	v52 =	vld [tilespmem:s19+$0xB050]  }
0x795: {  	v44 =	vld.idx.msk [tilespmem:v24+s17+$0x20 ss:$0x1], $0xffff;
	[tilespmem:s12+$0xFFFFFF60] =	vst v58  }
0x796: {  	v63 =	vld [tilespmem:s11+$0x9060];
	[tilespmem:s7+$0xD0] =	vst v20;
	v18 =	vadd.f32 v26, v18  }
0x797: {  	v20 =	vld.idx.msk [tilespmem:v24+s15+$0x20 ss:$0x1], $0xffff  }
0x798: {  	v55 =	vld [tilespmem:s15+$0x8060];
	[tilespmem:s18+$0xD0] =	vst v18;
	v17 =	vadd.f32 v22, v17  }
0x799: {  	v18 =	vld.idx.msk [tilespmem:v24+s0+$0x20 ss:$0x1], $0xffff;
	v21 =	vadd.f32 v52, v37  }
0x79a: {  	v30 =	vadd.f32 v44, v19;
	v57 =	vld [tilespmem:s0+$0x8060];
	[tilespmem:s23+$0xD0] =	vst v17  }
0x79b: {  	v17 =	vld.idx.msk [tilespmem:v24+s22+$0x20 ss:$0x1], $0xffff;
	[tilespmem:s26+$0xD0] =	vst v21  }
0x79c: {  	v48 =	vadd.f32 v30, v45;
	v20 =	vadd.f32 v20, v19;
	v59 =	vld.idx.msk [tilespmem:v24+s19+$0x20 ss:$0x1], $0xffff  }
0x79d: {  	v60 =	vld [tilespmem:s22+$0x8060]  }
0x79e: {  	[tilespmem:s10+$0xFFFFFF60] =	vst v48;
	v62 =	vld [tilespmem:s19+$0x8060];
	v61 =	vadd.f32 v20, v55;
	v18 =	vadd.f32 v18, v19  }
0x79f: {  	v51 =	vld [tilespmem:s17+$0x9060];
	v39 =	vadd.f32 v63, v56  }
0x7a0: {  	[tilespmem:s7+$0xFFFFFF60] =	vst v61;
	v33 =	vadd.f32 v18, v57;
	v17 =	vadd.f32 v17, v19  }
0x7a1: {  	[tilespmem:s12+$0xFFFFFFE0] =	vst v39;
	v34 =	vld [tilespmem:s15+$0x9060];
	v35 =	vadd.f32 v59, v19  }
0x7a2: {  	v31 =	vld [tilespmem:s11+$0xA060];
	[tilespmem:s18+$0xFFFFFF60] =	vst v33;
	v37 =	vadd.f32 v17, v60  }
0x7a3: {  	v38 =	vld [tilespmem:s0+$0x9060];
	v26 =	vadd.f32 v35, v62  }
0x7a4: {  	v29 =	vadd.f32 v51, v30;
	[tilespmem:s23+$0xFFFFFF60] =	vst v37  }
0x7a5: {  	v21 =	vld [tilespmem:s22+$0x9060];
	[tilespmem:s26+$0xFFFFFF60] =	vst v26  }
0x7a6: {  	[tilespmem:s10+$0xFFFFFFE0] =	vst v29;
	v23 =	vadd.f32 v34, v20;
	v26 =	vld [tilespmem:s19+$0x9060]  }
0x7a7: {  	v44 =	vadd.f32 v31, v56;
	v36 =	vld [tilespmem:s17+$0xA060]  }
0x7a8: {  	[tilespmem:s7+$0xFFFFFFE0] =	vst v23;
	v40 =	vadd.f32 v38, v18  }
0x7a9: {  	v25 =	vadd.f32 v27, v25;
	[tilespmem:s12+$0x60] =	vst v44;
	v41 =	vld [tilespmem:s15+$0xA060]  }
0x7aa: {  	v29 =	vld [tilespmem:s11+$0xB060];
	[tilespmem:s18+$0xFFFFFFE0] =	vst v40;
	v21 =	vadd.f32 v21, v17  }
0x7ab: {  	[tilespmem:s6+$0xE0] =	vst v25;
	v23 =	vld [tilespmem:s0+$0xA060];
	v42 =	vadd.f32 v26, v35  }
0x7ac: {  	v43 =	vld.idx.msk [tilespmem:v24+s9+$0x30 ss:$0x1], $0xffff;
	v28 =	vadd.f32 v36, v30;
	[tilespmem:s23+$0xFFFFFFE0] =	vst v21  }
0x7ad: {  	v21 =	vld [tilespmem:s22+$0xA060];
	[tilespmem:s26+$0xFFFFFFE0] =	vst v42  }
0x7ae: {  	[tilespmem:s10+$0x60] =	vst v28;
	v45 =	vadd.f32 v41, v20;
	v46 =	vld [tilespmem:s19+$0xA060]  }
0x7af: {  	v22 =	vadd.f32 v29, v56;
	v28 =	vld [tilespmem:s17+$0xB060]  }
0x7b0: {  	v47 =	vld [tilespmem:s9+$0x8070];
	[tilespmem:s7+$0x60] =	vst v45;
	v23 =	vadd.f32 v23, v18  }
0x7b1: {  	[tilespmem:s12+$0xE0] =	vst v22;
	v25 =	vld [tilespmem:s15+$0xB060]  }
0x7b2: {  	v50 =	vld.idx.msk [tilespmem:v24+s11+$0x30 ss:$0x1], $0xffff;
	[tilespmem:s18+$0x60] =	vst v23;
	v21 =	vadd.f32 v21, v17  }
0x7b3: {  	v23 =	vld [tilespmem:s0+$0xB060];
	v27 =	vadd.f32 v46, v35  }
0x7b4: {  	v51 =	vld [tilespmem:s11+$0x8070];
	v28 =	vadd.f32 v28, v30;
	[tilespmem:s23+$0x60] =	vst v21  }
0x7b5: {  	v21 =	vld [tilespmem:s22+$0xB060];
	[tilespmem:s26+$0x60] =	vst v27  }
0x7b6: {  	[tilespmem:s10+$0xE0] =	vst v28;
	v20 =	vadd.f32 v25, v20;
	v49 =	vld [tilespmem:s19+$0xB060]  }
0x7b7: {  	v28 =	vld.idx.msk [tilespmem:v24+s17+$0x30 ss:$0x1], $0xffff  }
0x7b8: {  	v48 =	vld [tilespmem:s17+$0x8070];
	[tilespmem:s7+$0xE0] =	vst v20;
	v18 =	vadd.f32 v23, v18  }
0x7b9: {  	v20 =	vld.idx.msk [tilespmem:v24+s15+$0x30 ss:$0x1], $0xffff  }
0x7ba: {  	v52 =	vld [tilespmem:s15+$0x8070];
	[tilespmem:s18+$0xE0] =	vst v18;
	v17 =	vadd.f32 v21, v17  }
0x7bb: {  	v18 =	vld.idx.msk [tilespmem:v24+s0+$0x30 ss:$0x1], $0xffff;
	v19 =	vadd.f32 v49, v35  }
0x7bc: {  	v53 =	vld [tilespmem:s0+$0x8070];
	[tilespmem:s23+$0xE0] =	vst v17  }
0x7bd: {  	v17 =	vadd.f32 v43, v16;
	v54 =	vld.idx.msk [tilespmem:v24+s22+$0x30 ss:$0x1], $0xffff;
	[tilespmem:s26+$0xE0] =	vst v19  }
0x7be: {  	v19 =	vadd.f32 v28, v16;
	v55 =	vld.idx.msk [tilespmem:v24+s19+$0x30 ss:$0x1], $0xffff  }
0x7bf: {  	v25 =	vadd.f32 v50, v16;
	v56 =	vld [tilespmem:s22+$0x8070];
	v26 =	vadd.f32 v17, v47  }
0x7c0: {  	v20 =	vadd.f32 v20, v16;
	v58 =	vld [tilespmem:s19+$0x8070];
	v57 =	vadd.f32 v19, v48  }
0x7c1: {  	v59 =	vadd.f32 v25, v51;
	[tilespmem:s6+$0xFFFFFF70] =	vst v26;
	v18 =	vadd.f32 v18, v16  }
0x7c2: {  	v23 =	vadd.f32 v20, v52;
	v60 =	vld [tilespmem:s9+$0x9070];
	[tilespmem:s10+$0xFFFFFF70] =	vst v57;
	v22 =	vadd.f32 v54, v16  }
0x7c3: {  	[tilespmem:s12+$0xFFFFFF70] =	vst v59;
	v21 =	vadd.f32 v18, v53;
	v29 =	vld [tilespmem:s17+$0x9070];
	v16 =	vadd.f32 v55, v16  }
0x7c4: {  	v61 =	vld [tilespmem:s11+$0x9070];
	[tilespmem:s7+$0xFFFFFF70] =	vst v23;
	v62 =	vadd.f32 v22, v56  }
0x7c5: {  	v63 =	vld [tilespmem:s15+$0x9070];
	[tilespmem:s18+$0xFFFFFF70] =	vst v21;
	v32 =	vadd.f32 v16, v58  }
0x7c6: {  	v33 =	vld [tilespmem:s0+$0x9070];
	[tilespmem:s23+$0xFFFFFF70] =	vst v62  }
0x7c7: {  	v34 =	vadd.f32 v60, v17;
	v35 =	vld [tilespmem:s22+$0x9070];
	[tilespmem:s26+$0xFFFFFF70] =	vst v32  }
0x7c8: {  	v36 =	vadd.f32 v29, v19;
	v37 =	vld [tilespmem:s19+$0x9070]  }
0x7c9: {  	v38 =	vadd.f32 v61, v25;
	[tilespmem:s6+$0xFFFFFFF0] =	vst v34  }
0x7ca: {  	v40 =	vadd.f32 v63, v20;
	v39 =	vld [tilespmem:s9+$0xA070];
	[tilespmem:s10+$0xFFFFFFF0] =	vst v36  }
0x7cb: {  	[tilespmem:s12+$0xFFFFFFF0] =	vst v38;
	v42 =	vadd.f32 v33, v18;
	v41 =	vld [tilespmem:s17+$0xA070]  }
0x7cc: {  	v43 =	vld [tilespmem:s11+$0xA070];
	[tilespmem:s7+$0xFFFFFFF0] =	vst v40;
	v44 =	vadd.f32 v35, v22  }
0x7cd: {  	v45 =	vld [tilespmem:s15+$0xA070];
	[tilespmem:s18+$0xFFFFFFF0] =	vst v42;
	v46 =	vadd.f32 v37, v16  }
0x7ce: {  	v47 =	vld [tilespmem:s0+$0xA070];
	[tilespmem:s23+$0xFFFFFFF0] =	vst v44  }
0x7cf: {  	v48 =	vadd.f32 v39, v17;
	v49 =	vld [tilespmem:s22+$0xA070];
	[tilespmem:s26+$0xFFFFFFF0] =	vst v46  }
0x7d0: {  	v50 =	vadd.f32 v41, v19;
	v51 =	vld [tilespmem:s19+$0xA070]  }
0x7d1: {  	v52 =	vadd.f32 v43, v25;
	[tilespmem:s6+$0x70] =	vst v48  }
0x7d2: {  	v54 =	vadd.f32 v45, v20;
	v53 =	vld [tilespmem:s9+$0xB070];
	[tilespmem:s10+$0x70] =	vst v50  }
0x7d3: {  	[tilespmem:s12+$0x70] =	vst v52;
	v56 =	vadd.f32 v47, v18;
	v55 =	vld [tilespmem:s17+$0xB070]  }
0x7d4: {  	v57 =	vld [tilespmem:s11+$0xB070];
	[tilespmem:s7+$0x70] =	vst v54;
	v58 =	vadd.f32 v49, v22  }
0x7d5: {  	v59 =	vld [tilespmem:s15+$0xB070];
	[tilespmem:s18+$0x70] =	vst v56;
	v60 =	vadd.f32 v51, v16  }
0x7d6: {  	v61 =	vld [tilespmem:s0+$0xB070];
	[tilespmem:s23+$0x70] =	vst v58  }
0x7d7: {  	v17 =	vadd.f32 v53, v17;
	v23 =	vld [tilespmem:s22+$0xB070];
	[tilespmem:s26+$0x70] =	vst v60  }
0x7d8: {  	v19 =	vadd.f32 v55, v19;
	v21 =	vld [tilespmem:s19+$0xB070]  }
0x7d9: {  	[tilespmem:s6+$0xF0] =	vst v17;
	v17 =	vadd.f32 v57, v25  }
0x7da: {  	s3 =	sadd.s32 $0x1, s3;
	v62 =	vadd.f32 v59, v20;
	[tilespmem:s10+$0xF0] =	vst v19  }
0x7db: {  	p1 =	sne.s32 s3, $0x3;
	[tilespmem:s12+$0xF0] =	vst v17;
	v17 =	vadd.f32 v61, v18  }
.Ltmp5:
0x7dc: {  	s22 =	sshll.u32 s2, $0xB;
	[tilespmem:s7+$0xF0] =	vst v62;
	v63 =	vadd.f32 v23, v22;
	(pc) =	sbr.rel @p1 .LBB2_8-.Ltmp5, $4  }
0x7dd: {  	s0 =	sadd.s32 s21, s22;
	[tilespmem:s18+$0xF0] =	vst v17;
	v16 =	vadd.f32 v21, v16  }
0x7de: {  	s29 =	simm.s32 $0x10000;
	s0 =	sand.u32 $0x1FFFF840, s0;
	[tilespmem:s23+$0xF0] =	vst v63  }
0x7df: {  	s24 =	sadd.s32 $0x2, s24;
	s1 =	sadd.s32 $0x2, s1;
	s0 =	sadd.s32 s4, s0;
	[tilespmem:s26+$0xF0] =	vst v16  }
0x7e0: {  	[hbm4b:s0+s5] =	stream.linear.scatter [tilespmem:s29], [sflag:$0x4], $0x4000, $0x38;
	[tilespmem:$0x14380] =	vst v63  }
0x7e1: {  	_ =	swait.ge [sflag:s30], $0x4000  }
0x7e2: {  	[sflag:s30] =	ssyncset.done $0x0  }
0x7e3: {  	[sflag:s30] =	ssyncadd.s32 $0xFFFFC000  }
0x7e4: {  	_ =	swait.ge [sflag:s31], $0x4000  }
0x7e5: {  	s1 =	rddreg [dreg:$0xf]  }
0x7e6: {  	s0 =	rddreg [dreg:$0xe];
	s1 =	sadd.s32 $0x1, s1  }
0x7e7: {  	p1 =	sne.s32 s1, s0  }
.Ltmp6:
0x7e8: {  	_ = 	snop;
	(pc) =	sbr.rel @p1 .LBB2_1-.Ltmp6, $3  }
0x7e9: {  	_ =	sdelay $0x1  }
0x7ea: {  	[sflag:s31] =	ssyncset.done $0x0  }
0x7eb: {  	s8 =	simm.s32 $0x4000;
	[sflag:s31] =	ssyncadd.s32 $0xFFFFC000  }
0x7ec: {  	_ =	sfence.sel $0x180000  }
0x7ed: {  	[bflag:$0x0] =	sbarrier.arrive $0xFFFF  }
0x7ee: {  	_ =	strace $0x90000047  }
0x7ef: {  	s0 =	stileid.u32;
	[bflag:$0x2] =	sbarrier.arrive $0xFFFF  }
0x7f0: {  	p0 =	sne.s32 s0, $0x0;
	s0 =	rddreg [dreg:$0x6]  }
0x7f1: {  	s0 =	sadd.s32 @!p0 $0x100000, s0  }
0x7f2: {  	[sflag:s0] =	ssyncadd.tile.s32 @!p0 $0x1;
	_ =	shalt  }
.Lfunc_end2:
_tile_overlayer_lowered:
.L_overlay_start_2:
0x7f3: {  	(tag) =	ssettag $0x2  }
0x7f4: {  	s0 =	rddreg [dreg:$0x0];
	s2 =	stileid.u32  }
0x7f5: {  	s1 =	rddreg [dreg:$0x1];
	p0 =	sne.s32 s2, $0x0  }
0x7f6: {  	s3 =	rddreg [dreg:$0x2];
	[bflag:$0x3] =	sbarrier.arrive $0xFFFF;
	s2 =	simm.s32 @!p0 $0x1C06  }
0x7f7: {  	[timem:s3], [sflag:s2] =	dma.local @!p0 [hbm:s0], s1  }
0x7f8: {  	s0 =	simm.s32 @!p0 $0x6  }
0x7f9: {  	_ =	swait.ge @!p0 [sflag:s0], s1  }
0x7fa: {  	s1 =	ssub.s32 @!p0 $0x0, s1;
	[sflag:s0] =	ssyncset.done @!p0 $0x0  }
0x7fb: {  	[sflag:s0] =	ssyncadd.s32 @!p0 s1  }
0x7fc: {  	[bflag:$0x3] =	sbarrier.arrive $0xFFFF  }
0x7fd: {  	_ =	shalt  }

</sc_bundles>
